<compile_context>
chip_gen: v7x
topology: tpu7x:2x2x1
jax: 0.10.2.dev20260603
libtpu: 0.0.44.dev20260713+nightly
codegen_flags: <defaults>
</compile_context>

<pallas_src>
import functools

import jax
import jax.numpy as jnp
from jax import lax
from jax.experimental import layout as jax_layout
from jax.experimental import pallas as pl
from jax.experimental.pallas import tpu as pltpu
from jax.experimental.pallas import tpu_sc as plsc

B, L, H = 4096, 20, 8
VOCAB, EMBED = 1000, 64
NC, NS = 2, 16
NW = NC * NS
BPW = B // NW
NPAIR = EMBED // 2
TABLE_WORDS = VOCAB * NPAIR


def _sc_kernel(table_hbm, idx_hbm, out_hbm, table_v,
               idx_v0, idx_v1, out_v0, out_v1,
               sem_i0, sem_i1, sem_o0, sem_o1):
  wid = lax.axis_index("s") * NC + lax.axis_index("c")
  pltpu.sync_copy(table_hbm, table_v)
  b0 = wid * BPW
  idx_bufs = (idx_v0, idx_v1)
  out_bufs = (out_v0, out_v1)
  sem_i = (sem_i0, sem_i1)
  sem_o = (sem_o0, sem_o1)

  def compute(idx_v, out_v):
    def grp_body(g, carry2):
      hv = [idx_v[h, pl.ds(g * 16, 16)] * NPAIR for h in range(H)]
      for j in range(16):
        rows0 = []
        rows1 = []
        for h in range(H):
          base = hv[h][j]
          rows0.append(
              plsc.bitcast(table_v[pl.ds(base, 16)], jnp.bfloat16))
          rows1.append(
              plsc.bitcast(table_v[pl.ds(base + 16, 16)], jnp.bfloat16))
        acc0 = ((rows0[0] + rows0[1]) + (rows0[2] + rows0[3])) + (
            (rows0[4] + rows0[5]) + (rows0[6] + rows0[7]))
        acc1 = ((rows1[0] + rows1[1]) + (rows1[2] + rows1[3])) + (
            (rows1[4] + rows1[5]) + (rows1[6] + rows1[7]))
        lo0, hi0 = plsc.unpack(acc0, format=plsc.PackFormat.INTERLEAVED)
        lo1, hi1 = plsc.unpack(acc1, format=plsc.PackFormat.INTERLEAVED)
        bag = g * 16 + j
        out_v[bag, pl.ds(0, 16)] = lo0
        out_v[bag, pl.ds(16, 16)] = lo1
        out_v[bag, pl.ds(32, 16)] = hi0
        out_v[bag, pl.ds(48, 16)] = hi1
      return carry2

    lax.fori_loop(0, BPW // 16, grp_body, 0, unroll=False)

  pltpu.async_copy(idx_hbm.at[0, :, pl.ds(b0, BPW)], idx_v0, sem_i0)
  pltpu.async_copy(idx_hbm.at[1, :, pl.ds(b0, BPW)], idx_v1, sem_i1)

  def pair_body(g, carry):
    for s in range(2):
      l = 2 * g + s
      pltpu.make_async_copy(
          idx_hbm.at[l, :, pl.ds(b0, BPW)], idx_bufs[s], sem_i[s]).wait()

      @pl.when(g > 0)
      def _():
        pltpu.make_async_copy(
            out_bufs[s], out_hbm.at[l - 2, pl.ds(b0, BPW), :],
            sem_o[s]).wait()

      compute(idx_bufs[s], out_bufs[s])

      @pl.when(g < L // 2 - 1)
      def _():
        pltpu.async_copy(
            idx_hbm.at[l + 2, :, pl.ds(b0, BPW)], idx_bufs[s], sem_i[s])

      pltpu.async_copy(
          out_bufs[s], out_hbm.at[l, pl.ds(b0, BPW), :], sem_o[s])
    return carry

  lax.fori_loop(0, L // 2, pair_body, 0, unroll=False)
  for s in range(2):
    pltpu.make_async_copy(
        out_bufs[s], out_hbm.at[L - 2 + s, pl.ds(b0, BPW), :],
        sem_o[s]).wait()


def _kernel_impl(content_input, W, b):
  idx_t = jnp.transpose(content_input.astype(jnp.int32), (1, 2, 0))
  wp = (W + b[:, None] * (1.0 / H)).astype(jnp.bfloat16)
  packed = lax.bitcast_convert_type(
      jnp.stack([wp[:NPAIR], wp[NPAIR:]], axis=-1), jnp.int32)
  table = packed.T.reshape(-1)
  run = pl.kernel(
      _sc_kernel,
      out_type=jax.ShapeDtypeStruct((L, B, EMBED), jnp.float32),
      mesh=plsc.VectorSubcoreMesh(
          core_axis_name="c", subcore_axis_name="s", num_cores=NC,
          num_subcores=NS),
      scratch_types=[
          pltpu.VMEM((TABLE_WORDS,), jnp.int32),
          pltpu.VMEM((H, BPW), jnp.int32),
          pltpu.VMEM((H, BPW), jnp.int32),
          pltpu.VMEM((BPW, EMBED), jnp.float32),
          pltpu.VMEM((BPW, EMBED), jnp.float32),
          pltpu.SemaphoreType.DMA,
          pltpu.SemaphoreType.DMA,
          pltpu.SemaphoreType.DMA,
          pltpu.SemaphoreType.DMA,
      ],
      compiler_params=pltpu.CompilerParams(needs_layout_passes=False),
  )
  return jnp.transpose(run(table, idx_t), (1, 0, 2))


@functools.lru_cache(maxsize=None)
def _jitted(dev):
  fmt = jax_layout.Format(
      jax_layout.Layout(major_to_minor=(1, 0, 2), tiling=((1,),)),
      jax.sharding.SingleDeviceSharding(dev))
  return jax.jit(_kernel_impl, out_shardings=fmt)


def kernel(content_input, W, b):
  if isinstance(content_input, jax.core.Tracer):
    return _kernel_impl(content_input, W, b)
  dev = next(iter(content_input.devices()))
  return _jitted(dev)(content_input, W, b)

# --- scband reference (transcript-rebuilt; emitter-appended) ---
"""Pipeline reference for scband-user-linear-upscaler-70411693850629 (READ-ONLY COPY).

The authoritative reference and input builder live on the scoring server;
editing this copy changes nothing except your own understanding.
"""

import jax, jax.numpy as jnp
import numpy as np

B, L, H = 4096, 20, 8
VOCAB, EMBED = 1000, 64

def setup_inputs(seed: int = 0) -> dict:
    key = jax.random.key(seed)
    k1, k2, k3 = jax.random.split(key, 3)
    content_input = jax.random.randint(k1, (B, L, H), 0, VOCAB, dtype=jnp.int64)
    # nn.Linear(vocab_size, embed_size): weight [embed, vocab], bias [embed]
    W = jax.random.normal(k2, (EMBED, VOCAB), dtype=jnp.float32) * 0.02
    b = jax.random.normal(k3, (EMBED,), dtype=jnp.float32) * 0.02
    return {"content_input": content_input, "W": W, "b": b}

def reference(content_input, W, b):
    Bn, Ln, Hn = content_input.shape
    V = W.shape[1]
    # multi_hot[b, l, v] = count of v among content_input[b, l, :]
    # == one_hot(content_input, V).sum(axis=2)  (faithful, via scatter-add)
    b_idx = jnp.broadcast_to(jnp.arange(Bn)[:, None, None], (Bn, Ln, Hn))
    l_idx = jnp.broadcast_to(jnp.arange(Ln)[None, :, None], (Bn, Ln, Hn))
    multi_hot = jnp.zeros((Bn, Ln, V), dtype=jnp.float32).at[b_idx, l_idx, content_input].add(1.0)
    # nn.Linear: x @ W.T + b
    return multi_hot @ W.T + b

if __name__ == "__main__":
    import jax
    _d = setup_inputs()
    print(jax.jit(kernel)(*tuple(_d.values())))

</pallas_src>

<mosaic_0001>
#map = affine_map<(d0, d1) -> (0)>
#map1 = affine_map<(d0, d1) -> (0, 0, 0)>
module attributes {stable_mosaic.version = 14 : i64} {
  func.func @_sc_kernel(%arg0: i32, %arg1: i32, %arg2: memref<32000xi32, #tpu.memory_space<hbm>>, %arg3: memref<20x8x4096xi32, #tpu.memory_space<hbm>>, %arg4: memref<20x4096x64xf32, #tpu.memory_space<hbm>>, %arg5: memref<32000xi32, #tpu.memory_space<vmem>>, %arg6: memref<8x128xi32, #tpu.memory_space<vmem>>, %arg7: memref<8x128xi32, #tpu.memory_space<vmem>>, %arg8: memref<128x64xf32, #tpu.memory_space<vmem>>, %arg9: memref<128x64xf32, #tpu.memory_space<vmem>>, %arg10: memref<!tpu.dma_semaphore, #tpu.memory_space<semaphore_mem>>, %arg11: memref<!tpu.dma_semaphore, #tpu.memory_space<semaphore_mem>>, %arg12: memref<!tpu.dma_semaphore, #tpu.memory_space<semaphore_mem>>, %arg13: memref<!tpu.dma_semaphore, #tpu.memory_space<semaphore_mem>>) attributes {dimension_semantics = [#tpu.dimension_semantics<core_parallel>, #tpu.dimension_semantics<subcore_parallel>], iteration_bounds = array<i64: 2, 16>, scalar_prefetch = 0 : i64, scratch_operands = 9 : i64, tpu.core_type = #tpu.core_type<sc_vector_subcore>, window_params = [{transform_indices = #map}, {transform_indices = #map1}, {transform_indices = #map1}]} {
    %mul3A = arith.constant 2 : i32
    %mul3A_0 = arith.muli %arg1, %mul3A : i32
    %add3A = arith.addi %mul3A_0, %arg0 : i32
    "tpu.region"() ({
      %run_scoped3A = tpu.sem_alloc : memref<!tpu.dma_semaphore, #tpu.memory_space<semaphore_mem>>
      tpu.enqueue_dma source(%arg2 : memref<32000xi32, #tpu.memory_space<hbm>>) target(%arg5 : memref<32000xi32, #tpu.memory_space<vmem>>) target_semaphore(%run_scoped3A : memref<!tpu.dma_semaphore, #tpu.memory_space<semaphore_mem>>)
      tpu.wait_dma2 semaphore(%run_scoped3A : memref<!tpu.dma_semaphore, #tpu.memory_space<semaphore_mem>>) src(%arg2 : memref<32000xi32, #tpu.memory_space<hbm>>) dst(%arg5 : memref<32000xi32, #tpu.memory_space<vmem>>)
      tpu.yield
    }) : () -> ()
    %mul3A_1 = arith.constant 128 : i32
    %mul3A_2 = arith.muli %add3A, %mul3A_1 : i32
    %dma_start3A = arith.constant 0 : i32
    %dma_start3A_3 = arith.constant 0 : i32
    %dma_start3A_4 = tpu.memref_slice %arg3[%dma_start3A, %dma_start3A_3, %mul3A_2] : memref<20x8x4096xi32, #tpu.memory_space<hbm>> -> memref<1x8x128xi32, #tpu.memory_space<hbm>>
    %dma_start3A_5 = tpu.memref_squeeze %dma_start3A_4 : memref<1x8x128xi32, #tpu.memory_space<hbm>> -> memref<8x128xi32, #tpu.memory_space<hbm>>
    %dma_start3A_6 = arith.constant 0 : i32
    %dma_start3A_7 = tpu.memref_slice %arg3[%dma_start3A, %dma_start3A_6, %mul3A_2] : memref<20x8x4096xi32, #tpu.memory_space<hbm>> -> memref<1x8x128xi32, #tpu.memory_space<hbm>>
    %dma_start3A_8 = tpu.memref_squeeze %dma_start3A_7 : memref<1x8x128xi32, #tpu.memory_space<hbm>> -> memref<8x128xi32, #tpu.memory_space<hbm>>
    tpu.enqueue_dma source(%dma_start3A_8 : memref<8x128xi32, #tpu.memory_space<hbm>>) target(%arg6 : memref<8x128xi32, #tpu.memory_space<vmem>>) target_semaphore(%arg10 : memref<!tpu.dma_semaphore, #tpu.memory_space<semaphore_mem>>)
    %dma_start3A_9 = arith.constant 1 : i32
    %dma_start3A_10 = arith.constant 0 : i32
    %dma_start3A_11 = tpu.memref_slice %arg3[%dma_start3A_9, %dma_start3A_10, %mul3A_2] : memref<20x8x4096xi32, #tpu.memory_space<hbm>> -> memref<1x8x128xi32, #tpu.memory_space<hbm>>
    %dma_start3A_12 = tpu.memref_squeeze %dma_start3A_11 : memref<1x8x128xi32, #tpu.memory_space<hbm>> -> memref<8x128xi32, #tpu.memory_space<hbm>>
    %dma_start3A_13 = arith.constant 0 : i32
    %dma_start3A_14 = tpu.memref_slice %arg3[%dma_start3A_9, %dma_start3A_13, %mul3A_2] : memref<20x8x4096xi32, #tpu.memory_space<hbm>> -> memref<1x8x128xi32, #tpu.memory_space<hbm>>
    %dma_start3A_15 = tpu.memref_squeeze %dma_start3A_14 : memref<1x8x128xi32, #tpu.memory_space<hbm>> -> memref<8x128xi32, #tpu.memory_space<hbm>>
    tpu.enqueue_dma source(%dma_start3A_15 : memref<8x128xi32, #tpu.memory_space<hbm>>) target(%arg7 : memref<8x128xi32, #tpu.memory_space<vmem>>) target_semaphore(%arg11 : memref<!tpu.dma_semaphore, #tpu.memory_space<semaphore_mem>>)
    %scan3A = arith.constant 0 : i32
    %scan3A_16 = arith.constant 0 : i32
    %scan3A_17 = arith.constant 10 : i32
    %scan3A_18 = arith.addi %scan3A_16, %scan3A_17 : i32
    %scan3A_19 = arith.constant 1 : i32
    scf.for %scan3A_34 = %scan3A_16 to %scan3A_18 step %scan3A_19  : i32 {
      %mul3A_35 = arith.constant 2 : i32
      %mul3A_36 = arith.muli %mul3A_35, %scan3A_34 : i32
      %add3A_37 = arith.constant 0 : i32
      %add3A_38 = arith.addi %mul3A_36, %add3A_37 : i32
      %dma_wait3A_39 = arith.constant 0 : i32
      %dma_wait3A_40 = tpu.memref_slice %arg3[%add3A_38, %dma_wait3A_39, %mul3A_2] : memref<20x8x4096xi32, #tpu.memory_space<hbm>> -> memref<1x8x128xi32, #tpu.memory_space<hbm>>
      %dma_wait3A_41 = tpu.memref_squeeze %dma_wait3A_40 : memref<1x8x128xi32, #tpu.memory_space<hbm>> -> memref<8x128xi32, #tpu.memory_space<hbm>>
      %dma_wait3A_42 = arith.constant 0 : i32
      %dma_wait3A_43 = tpu.memref_slice %arg3[%add3A_38, %dma_wait3A_42, %mul3A_2] : memref<20x8x4096xi32, #tpu.memory_space<hbm>> -> memref<1x8x128xi32, #tpu.memory_space<hbm>>
      %dma_wait3A_44 = tpu.memref_squeeze %dma_wait3A_43 : memref<1x8x128xi32, #tpu.memory_space<hbm>> -> memref<8x128xi32, #tpu.memory_space<hbm>>
      tpu.wait_dma2 semaphore(%arg10 : memref<!tpu.dma_semaphore, #tpu.memory_space<semaphore_mem>>) src(%dma_wait3A_44 : memref<8x128xi32, #tpu.memory_space<hbm>>) dst(%arg6 : memref<8x128xi32, #tpu.memory_space<vmem>>)
      %gt3A = arith.constant 0 : i32
      %gt3A_45 = arith.cmpi sgt, %scan3A_34, %gt3A : i32
      %convert_element_type3A = arith.extui %gt3A_45 : i1 to i32
      %cond3A = arith.constant 0 : i32
      %cond3A_46 = arith.cmpi ne, %convert_element_type3A, %cond3A : i32
      scf.if %cond3A_46 {
        %sub3A = arith.constant 2 : i32
        %sub3A_95 = arith.subi %add3A_38, %sub3A : i32
        %dma_wait3A_96 = arith.constant 0 : i32
        %dma_wait3A_97 = tpu.memref_slice %arg4[%sub3A_95, %mul3A_2, %dma_wait3A_96] : memref<20x4096x64xf32, #tpu.memory_space<hbm>> -> memref<1x128x64xf32, #tpu.memory_space<hbm>>
        %dma_wait3A_98 = tpu.memref_squeeze %dma_wait3A_97 : memref<1x128x64xf32, #tpu.memory_space<hbm>> -> memref<128x64xf32, #tpu.memory_space<hbm>>
        %dma_wait3A_99 = arith.constant 0 : i32
        %dma_wait3A_100 = tpu.memref_slice %arg4[%sub3A_95, %mul3A_2, %dma_wait3A_99] : memref<20x4096x64xf32, #tpu.memory_space<hbm>> -> memref<1x128x64xf32, #tpu.memory_space<hbm>>
        %dma_wait3A_101 = tpu.memref_squeeze %dma_wait3A_100 : memref<1x128x64xf32, #tpu.memory_space<hbm>> -> memref<128x64xf32, #tpu.memory_space<hbm>>
        tpu.wait_dma2 semaphore(%arg12 : memref<!tpu.dma_semaphore, #tpu.memory_space<semaphore_mem>>) src(%arg8 : memref<128x64xf32, #tpu.memory_space<vmem>>) dst(%dma_wait3A_101 : memref<128x64xf32, #tpu.memory_space<hbm>>)
      } else {
      }
      %scan3A_47 = arith.constant 0 : i32
      %scan3A_48 = arith.constant 0 : i32
      %scan3A_49 = arith.constant 8 : i32
      %scan3A_50 = arith.addi %scan3A_48, %scan3A_49 : i32
      %scan3A_51 = arith.constant 1 : i32
      scf.for %scan3A_95 = %scan3A_48 to %scan3A_50 step %scan3A_51  : i32 {
        %mul3A_96 = arith.constant 16 : i32
        %mul3A_97 = arith.muli %scan3A_95, %mul3A_96 : i32
        %get3A = arith.constant 0 : i32
        %get3A_98 = arith.index_cast %get3A : i32 to index
        %get3A_99 = arith.index_cast %mul3A_97 : i32 to index
        %get3A_100 = tpu.vector_load %arg6[%get3A_98, %get3A_99] {strides = array<i32>} : memref<8x128xi32, #tpu.memory_space<vmem>>, vector<16xi32>,
        %mul3A_101 = arith.constant 32 : i32
        %mul3A_102 = vector.broadcast %mul3A_101 : i32 to vector<16xi32>
        %mul3A_103 = arith.muli %get3A_100, %mul3A_102 : vector<16xi32>
        %mul3A_104 = arith.constant 16 : i32
        %mul3A_105 = arith.muli %scan3A_95, %mul3A_104 : i32
        %get3A_106 = arith.constant 1 : i32
        %get3A_107 = arith.index_cast %get3A_106 : i32 to index
        %get3A_108 = arith.index_cast %mul3A_105 : i32 to index
        %get3A_109 = tpu.vector_load %arg6[%get3A_107, %get3A_108] {strides = array<i32>} : memref<8x128xi32, #tpu.memory_space<vmem>>, vector<16xi32>,
        %mul3A_110 = arith.constant 32 : i32
        %mul3A_111 = vector.broadcast %mul3A_110 : i32 to vector<16xi32>
        %mul3A_112 = arith.muli %get3A_109, %mul3A_111 : vector<16xi32>
        %mul3A_113 = arith.constant 16 : i32
        %mul3A_114 = arith.muli %scan3A_95, %mul3A_113 : i32
        %get3A_115 = arith.constant 2 : i32
        %get3A_116 = arith.index_cast %get3A_115 : i32 to index
        %get3A_117 = arith.index_cast %mul3A_114 : i32 to index
        %get3A_118 = tpu.vector_load %arg6[%get3A_116, %get3A_117] {strides = array<i32>} : memref<8x128xi32, #tpu.memory_space<vmem>>, vector<16xi32>,
        %mul3A_119 = arith.constant 32 : i32
        %mul3A_120 = vector.broadcast %mul3A_119 : i32 to vector<16xi32>
        %mul3A_121 = arith.muli %get3A_118, %mul3A_120 : vector<16xi32>
        %mul3A_122 = arith.constant 16 : i32
        %mul3A_123 = arith.muli %scan3A_95, %mul3A_122 : i32
        %get3A_124 = arith.constant 3 : i32
        %get3A_125 = arith.index_cast %get3A_124 : i32 to index
        %get3A_126 = arith.index_cast %mul3A_123 : i32 to index
        %get3A_127 = tpu.vector_load %arg6[%get3A_125, %get3A_126] {strides = array<i32>} : memref<8x128xi32, #tpu.memory_space<vmem>>, vector<16xi32>,
        %mul3A_128 = arith.constant 32 : i32
        %mul3A_129 = vector.broadcast %mul3A_128 : i32 to vector<16xi32>
        %mul3A_130 = arith.muli %get3A_127, %mul3A_129 : vector<16xi32>
        %mul3A_131 = arith.constant 16 : i32
        %mul3A_132 = arith.muli %scan3A_95, %mul3A_131 : i32
        %get3A_133 = arith.constant 4 : i32
        %get3A_134 = arith.index_cast %get3A_133 : i32 to index
        %get3A_135 = arith.index_cast %mul3A_132 : i32 to index
        %get3A_136 = tpu.vector_load %arg6[%get3A_134, %get3A_135] {strides = array<i32>} : memref<8x128xi32, #tpu.memory_space<vmem>>, vector<16xi32>,
        %mul3A_137 = arith.constant 32 : i32
        %mul3A_138 = vector.broadcast %mul3A_137 : i32 to vector<16xi32>
        %mul3A_139 = arith.muli %get3A_136, %mul3A_138 : vector<16xi32>
        %mul3A_140 = arith.constant 16 : i32
        %mul3A_141 = arith.muli %scan3A_95, %mul3A_140 : i32
        %get3A_142 = arith.constant 5 : i32
        %get3A_143 = arith.index_cast %get3A_142 : i32 to index
        %get3A_144 = arith.index_cast %mul3A_141 : i32 to index
        %get3A_145 = tpu.vector_load %arg6[%get3A_143, %get3A_144] {strides = array<i32>} : memref<8x128xi32, #tpu.memory_space<vmem>>, vector<16xi32>,
        %mul3A_146 = arith.constant 32 : i32
        %mul3A_147 = vector.broadcast %mul3A_146 : i32 to vector<16xi32>
        %mul3A_148 = arith.muli %get3A_145, %mul3A_147 : vector<16xi32>
        %mul3A_149 = arith.constant 16 : i32
        %mul3A_150 = arith.muli %scan3A_95, %mul3A_149 : i32
        %get3A_151 = arith.constant 6 : i32
        %get3A_152 = arith.index_cast %get3A_151 : i32 to index
        %get3A_153 = arith.index_cast %mul3A_150 : i32 to index
        %get3A_154 = tpu.vector_load %arg6[%get3A_152, %get3A_153] {strides = array<i32>} : memref<8x128xi32, #tpu.memory_space<vmem>>, vector<16xi32>,
        %mul3A_155 = arith.constant 32 : i32
        %mul3A_156 = vector.broadcast %mul3A_155 : i32 to vector<16xi32>
        %mul3A_157 = arith.muli %get3A_154, %mul3A_156 : vector<16xi32>
        %mul3A_158 = arith.constant 16 : i32
        %mul3A_159 = arith.muli %scan3A_95, %mul3A_158 : i32
        %get3A_160 = arith.constant 7 : i32
        %get3A_161 = arith.index_cast %get3A_160 : i32 to index
        %get3A_162 = arith.index_cast %mul3A_159 : i32 to index
        %get3A_163 = tpu.vector_load %arg6[%get3A_161, %get3A_162] {strides = array<i32>} : memref<8x128xi32, #tpu.memory_space<vmem>>, vector<16xi32>,
        %mul3A_164 = arith.constant 32 : i32
        %mul3A_165 = vector.broadcast %mul3A_164 : i32 to vector<16xi32>
        %mul3A_166 = arith.muli %get3A_163, %mul3A_165 : vector<16xi32>
        %slice3A = vector.extract_strided_slice %mul3A_103 {offsets = [0], sizes = [1], strides = [1]} : vector<16xi32> to vector<1xi32>
        %squeeze3A = vector.extract %slice3A[0] : i32 from vector<1xi32>
        %get3A_167 = arith.index_cast %squeeze3A : i32 to index
        %get3A_168 = tpu.vector_load %arg5[%get3A_167] {strides = array<i32>} : memref<32000xi32, #tpu.memory_space<vmem>>, vector<16xi32>,
        %bitcast3A = vector.bitcast %get3A_168 : vector<16xi32> to vector<32xbf16>
        %add3A_169 = arith.constant 16 : i32
        %add3A_170 = arith.addi %squeeze3A, %add3A_169 : i32
        %get3A_171 = arith.index_cast %add3A_170 : i32 to index
        %get3A_172 = tpu.vector_load %arg5[%get3A_171] {strides = array<i32>} : memref<32000xi32, #tpu.memory_space<vmem>>, vector<16xi32>,
        %bitcast3A_173 = vector.bitcast %get3A_172 : vector<16xi32> to vector<32xbf16>
        %slice3A_174 = vector.extract_strided_slice %mul3A_112 {offsets = [0], sizes = [1], strides = [1]} : vector<16xi32> to vector<1xi32>
        %squeeze3A_175 = vector.extract %slice3A_174[0] : i32 from vector<1xi32>
        %get3A_176 = arith.index_cast %squeeze3A_175 : i32 to index
        %get3A_177 = tpu.vector_load %arg5[%get3A_176] {strides = array<i32>} : memref<32000xi32, #tpu.memory_space<vmem>>, vector<16xi32>,
        %bitcast3A_178 = vector.bitcast %get3A_177 : vector<16xi32> to vector<32xbf16>
        %add3A_179 = arith.constant 16 : i32
        %add3A_180 = arith.addi %squeeze3A_175, %add3A_179 : i32
        %get3A_181 = arith.index_cast %add3A_180 : i32 to index
        %get3A_182 = tpu.vector_load %arg5[%get3A_181] {strides = array<i32>} : memref<32000xi32, #tpu.memory_space<vmem>>, vector<16xi32>,
        %bitcast3A_183 = vector.bitcast %get3A_182 : vector<16xi32> to vector<32xbf16>
        %slice3A_184 = vector.extract_strided_slice %mul3A_121 {offsets = [0], sizes = [1], strides = [1]} : vector<16xi32> to vector<1xi32>
        %squeeze3A_185 = vector.extract %slice3A_184[0] : i32 from vector<1xi32>
        %get3A_186 = arith.index_cast %squeeze3A_185 : i32 to index
        %get3A_187 = tpu.vector_load %arg5[%get3A_186] {strides = array<i32>} : memref<32000xi32, #tpu.memory_space<vmem>>, vector<16xi32>,
        %bitcast3A_188 = vector.bitcast %get3A_187 : vector<16xi32> to vector<32xbf16>
        %add3A_189 = arith.constant 16 : i32
        %add3A_190 = arith.addi %squeeze3A_185, %add3A_189 : i32
        %get3A_191 = arith.index_cast %add3A_190 : i32 to index
        %get3A_192 = tpu.vector_load %arg5[%get3A_191] {strides = array<i32>} : memref<32000xi32, #tpu.memory_space<vmem>>, vector<16xi32>,
        %bitcast3A_193 = vector.bitcast %get3A_192 : vector<16xi32> to vector<32xbf16>
        %slice3A_194 = vector.extract_strided_slice %mul3A_130 {offsets = [0], sizes = [1], strides = [1]} : vector<16xi32> to vector<1xi32>
        %squeeze3A_195 = vector.extract %slice3A_194[0] : i32 from vector<1xi32>
        %get3A_196 = arith.index_cast %squeeze3A_195 : i32 to index
        %get3A_197 = tpu.vector_load %arg5[%get3A_196] {strides = array<i32>} : memref<32000xi32, #tpu.memory_space<vmem>>, vector<16xi32>,
        %bitcast3A_198 = vector.bitcast %get3A_197 : vector<16xi32> to vector<32xbf16>
        %add3A_199 = arith.constant 16 : i32
        %add3A_200 = arith.addi %squeeze3A_195, %add3A_199 : i32
        %get3A_201 = arith.index_cast %add3A_200 : i32 to index
        %get3A_202 = tpu.vector_load %arg5[%get3A_201] {strides = array<i32>} : memref<32000xi32, #tpu.memory_space<vmem>>, vector<16xi32>,
        %bitcast3A_203 = vector.bitcast %get3A_202 : vector<16xi32> to vector<32xbf16>
        %slice3A_204 = vector.extract_strided_slice %mul3A_139 {offsets = [0], sizes = [1], strides = [1]} : vector<16xi32> to vector<1xi32>
        %squeeze3A_205 = vector.extract %slice3A_204[0] : i32 from vector<1xi32>
        %get3A_206 = arith.index_cast %squeeze3A_205 : i32 to index
        %get3A_207 = tpu.vector_load %arg5[%get3A_206] {strides = array<i32>} : memref<32000xi32, #tpu.memory_space<vmem>>, vector<16xi32>,
        %bitcast3A_208 = vector.bitcast %get3A_207 : vector<16xi32> to vector<32xbf16>
        %add3A_209 = arith.constant 16 : i32
        %add3A_210 = arith.addi %squeeze3A_205, %add3A_209 : i32
        %get3A_211 = arith.index_cast %add3A_210 : i32 to index
        %get3A_212 = tpu.vector_load %arg5[%get3A_211] {strides = array<i32>} : memref<32000xi32, #tpu.memory_space<vmem>>, vector<16xi32>,
        %bitcast3A_213 = vector.bitcast %get3A_212 : vector<16xi32> to vector<32xbf16>
        %slice3A_214 = vector.extract_strided_slice %mul3A_148 {offsets = [0], sizes = [1], strides = [1]} : vector<16xi32> to vector<1xi32>
        %squeeze3A_215 = vector.extract %slice3A_214[0] : i32 from vector<1xi32>
        %get3A_216 = arith.index_cast %squeeze3A_215 : i32 to index
        %get3A_217 = tpu.vector_load %arg5[%get3A_216] {strides = array<i32>} : memref<32000xi32, #tpu.memory_space<vmem>>, vector<16xi32>,
        %bitcast3A_218 = vector.bitcast %get3A_217 : vector<16xi32> to vector<32xbf16>
        %add3A_219 = arith.constant 16 : i32
        %add3A_220 = arith.addi %squeeze3A_215, %add3A_219 : i32
        %get3A_221 = arith.index_cast %add3A_220 : i32 to index
        %get3A_222 = tpu.vector_load %arg5[%get3A_221] {strides = array<i32>} : memref<32000xi32, #tpu.memory_space<vmem>>, vector<16xi32>,
        %bitcast3A_223 = vector.bitcast %get3A_222 : vector<16xi32> to vector<32xbf16>
        %slice3A_224 = vector.extract_strided_slice %mul3A_157 {offsets = [0], sizes = [1], strides = [1]} : vector<16xi32> to vector<1xi32>
        %squeeze3A_225 = vector.extract %slice3A_224[0] : i32 from vector<1xi32>
        %get3A_226 = arith.index_cast %squeeze3A_225 : i32 to index
        %get3A_227 = tpu.vector_load %arg5[%get3A_226] {strides = array<i32>} : memref<32000xi32, #tpu.memory_space<vmem>>, vector<16xi32>,
        %bitcast3A_228 = vector.bitcast %get3A_227 : vector<16xi32> to vector<32xbf16>
        %add3A_229 = arith.constant 16 : i32
        %add3A_230 = arith.addi %squeeze3A_225, %add3A_229 : i32
        %get3A_231 = arith.index_cast %add3A_230 : i32 to index
        %get3A_232 = tpu.vector_load %arg5[%get3A_231] {strides = array<i32>} : memref<32000xi32, #tpu.memory_space<vmem>>, vector<16xi32>,
        %bitcast3A_233 = vector.bitcast %get3A_232 : vector<16xi32> to vector<32xbf16>
        %slice3A_234 = vector.extract_strided_slice %mul3A_166 {offsets = [0], sizes = [1], strides = [1]} : vector<16xi32> to vector<1xi32>
        %squeeze3A_235 = vector.extract %slice3A_234[0] : i32 from vector<1xi32>
        %get3A_236 = arith.index_cast %squeeze3A_235 : i32 to index
        %get3A_237 = tpu.vector_load %arg5[%get3A_236] {strides = array<i32>} : memref<32000xi32, #tpu.memory_space<vmem>>, vector<16xi32>,
        %bitcast3A_238 = vector.bitcast %get3A_237 : vector<16xi32> to vector<32xbf16>
        %add3A_239 = arith.constant 16 : i32
        %add3A_240 = arith.addi %squeeze3A_235, %add3A_239 : i32
        %get3A_241 = arith.index_cast %add3A_240 : i32 to index
        %get3A_242 = tpu.vector_load %arg5[%get3A_241] {strides = array<i32>} : memref<32000xi32, #tpu.memory_space<vmem>>, vector<16xi32>,
        %bitcast3A_243 = vector.bitcast %get3A_242 : vector<16xi32> to vector<32xbf16>
        %add3A_244 = arith.addf %bitcast3A, %bitcast3A_178 : vector<32xbf16>
        %add3A_245 = arith.addf %bitcast3A_188, %bitcast3A_198 : vector<32xbf16>
        %add3A_246 = arith.addf %add3A_244, %add3A_245 : vector<32xbf16>
        %add3A_247 = arith.addf %bitcast3A_208, %bitcast3A_218 : vector<32xbf16>
        %add3A_248 = arith.addf %bitcast3A_228, %bitcast3A_238 : vector<32xbf16>
        %add3A_249 = arith.addf %add3A_247, %add3A_248 : vector<32xbf16>
        %add3A_250 = arith.addf %add3A_246, %add3A_249 : vector<32xbf16>
        %add3A_251 = arith.addf %bitcast3A_173, %bitcast3A_183 : vector<32xbf16>
        %add3A_252 = arith.addf %bitcast3A_193, %bitcast3A_203 : vector<32xbf16>
        %add3A_253 = arith.addf %add3A_251, %add3A_252 : vector<32xbf16>
        %add3A_254 = arith.addf %bitcast3A_213, %bitcast3A_223 : vector<32xbf16>
        %add3A_255 = arith.addf %bitcast3A_233, %bitcast3A_243 : vector<32xbf16>
        %add3A_256 = arith.addf %add3A_254, %add3A_255 : vector<32xbf16>
        %add3A_257 = arith.addf %add3A_253, %add3A_256 : vector<32xbf16>
        %unpack3A = tpu.unpack_subelements %add3A_250, 0 {pack_format = #tpu.pack_format<interleaved>} : vector<32xbf16> -> vector<16xf32>
        %unpack3A_258 = tpu.unpack_subelements %add3A_250, 1 {pack_format = #tpu.pack_format<interleaved>} : vector<32xbf16> -> vector<16xf32>
        %unpack3A_259 = tpu.unpack_subelements %add3A_257, 0 {pack_format = #tpu.pack_format<interleaved>} : vector<32xbf16> -> vector<16xf32>
        %unpack3A_260 = tpu.unpack_subelements %add3A_257, 1 {pack_format = #tpu.pack_format<interleaved>} : vector<32xbf16> -> vector<16xf32>
        %mul3A_261 = arith.constant 16 : i32
        %mul3A_262 = arith.muli %scan3A_95, %mul3A_261 : i32
        %add3A_263 = arith.constant 0 : i32
        %add3A_264 = arith.addi %mul3A_262, %add3A_263 : i32
        %swap3A = arith.index_cast %add3A_264 : i32 to index
        %swap3A_265 = arith.constant 0 : index
        %swap3A_266 = tpu.vector_load %arg8[%swap3A, %swap3A_265] {strides = array<i32>} : memref<128x64xf32, #tpu.memory_space<vmem>>, vector<16xf32>,
        tpu.vector_store %arg8[%swap3A, %swap3A_265], %unpack3A {strides = array<i32>} : memref<128x64xf32, #tpu.memory_space<vmem>>, vector<16xf32>,
        %swap3A_267 = arith.index_cast %add3A_264 : i32 to index
        %swap3A_268 = arith.constant 16 : index
        %swap3A_269 = tpu.vector_load %arg8[%swap3A_267, %swap3A_268] {strides = array<i32>} : memref<128x64xf32, #tpu.memory_space<vmem>>, vector<16xf32>,
        tpu.vector_store %arg8[%swap3A_267, %swap3A_268], %unpack3A_259 {strides = array<i32>} : memref<128x64xf32, #tpu.memory_space<vmem>>, vector<16xf32>,
        %swap3A_270 = arith.index_cast %add3A_264 : i32 to index
        %swap3A_271 = arith.constant 32 : index
        %swap3A_272 = tpu.vector_load %arg8[%swap3A_270, %swap3A_271] {strides = array<i32>} : memref<128x64xf32, #tpu.memory_space<vmem>>, vector<16xf32>,
        tpu.vector_store %arg8[%swap3A_270, %swap3A_271], %unpack3A_258 {strides = array<i32>} : memref<128x64xf32, #tpu.memory_space<vmem>>, vector<16xf32>,
        %swap3A_273 = arith.index_cast %add3A_264 : i32 to index
        %swap3A_274 = arith.constant 48 : index
        %swap3A_275 = tpu.vector_load %arg8[%swap3A_273, %swap3A_274] {strides = array<i32>} : memref<128x64xf32, #tpu.memory_space<vmem>>, vector<16xf32>,
        tpu.vector_store %arg8[%swap3A_273, %swap3A_274], %unpack3A_260 {strides = array<i32>} : memref<128x64xf32, #tpu.memory_space<vmem>>, vector<16xf32>,
        %slice3A_276 = vector.extract_strided_slice %mul3A_103 {offsets = [1], sizes = [1], strides = [1]} : vector<16xi32> to vector<1xi32>
        %squeeze3A_277 = vector.extract %slice3A_276[0] : i32 from vector<1xi32>
        %get3A_278 = arith.index_cast %squeeze3A_277 : i32 to index
        %get3A_279 = tpu.vector_load %arg5[%get3A_278] {strides = array<i32>} : memref<32000xi32, #tpu.memory_space<vmem>>, vector<16xi32>,
        %bitcast3A_280 = vector.bitcast %get3A_279 : vector<16xi32> to vector<32xbf16>
        %add3A_281 = arith.constant 16 : i32
        %add3A_282 = arith.addi %squeeze3A_277, %add3A_281 : i32
        %get3A_283 = arith.index_cast %add3A_282 : i32 to index
        %get3A_284 = tpu.vector_load %arg5[%get3A_283] {strides = array<i32>} : memref<32000xi32, #tpu.memory_space<vmem>>, vector<16xi32>,
        %bitcast3A_285 = vector.bitcast %get3A_284 : vector<16xi32> to vector<32xbf16>
        %slice3A_286 = vector.extract_strided_slice %mul3A_112 {offsets = [1], sizes = [1], strides = [1]} : vector<16xi32> to vector<1xi32>
        %squeeze3A_287 = vector.extract %slice3A_286[0] : i32 from vector<1xi32>
        %get3A_288 = arith.index_cast %squeeze3A_287 : i32 to index
        %get3A_289 = tpu.vector_load %arg5[%get3A_288] {strides = array<i32>} : memref<32000xi32, #tpu.memory_space<vmem>>, vector<16xi32>,
        %bitcast3A_290 = vector.bitcast %get3A_289 : vector<16xi32> to vector<32xbf16>
        %add3A_291 = arith.constant 16 : i32
        %add3A_292 = arith.addi %squeeze3A_287, %add3A_291 : i32
        %get3A_293 = arith.index_cast %add3A_292 : i32 to index
        %get3A_294 = tpu.vector_load %arg5[%get3A_293] {strides = array<i32>} : memref<32000xi32, #tpu.memory_space<vmem>>, vector<16xi32>,
        %bitcast3A_295 = vector.bitcast %get3A_294 : vector<16xi32> to vector<32xbf16>
        %slice3A_296 = vector.extract_strided_slice %mul3A_121 {offsets = [1], sizes = [1], strides = [1]} : vector<16xi32> to vector<1xi32>
        %squeeze3A_297 = vector.extract %slice3A_296[0] : i32 from vector<1xi32>
        %get3A_298 = arith.index_cast %squeeze3A_297 : i32 to index
        %get3A_299 = tpu.vector_load %arg5[%get3A_298] {strides = array<i32>} : memref<32000xi32, #tpu.memory_space<vmem>>, vector<16xi32>,
        %bitcast3A_300 = vector.bitcast %get3A_299 : vector<16xi32> to vector<32xbf16>
        %add3A_301 = arith.constant 16 : i32
        %add3A_302 = arith.addi %squeeze3A_297, %add3A_301 : i32
        %get3A_303 = arith.index_cast %add3A_302 : i32 to index
        %get3A_304 = tpu.vector_load %arg5[%get3A_303] {strides = array<i32>} : memref<32000xi32, #tpu.memory_space<vmem>>, vector<16xi32>,
        %bitcast3A_305 = vector.bitcast %get3A_304 : vector<16xi32> to vector<32xbf16>
        %slice3A_306 = vector.extract_strided_slice %mul3A_130 {offsets = [1], sizes = [1], strides = [1]} : vector<16xi32> to vector<1xi32>
        %squeeze3A_307 = vector.extract %slice3A_306[0] : i32 from vector<1xi32>
        %get3A_308 = arith.index_cast %squeeze3A_307 : i32 to index
        %get3A_309 = tpu.vector_load %arg5[%get3A_308] {strides = array<i32>} : memref<32000xi32, #tpu.memory_space<vmem>>, vector<16xi32>,
        %bitcast3A_310 = vector.bitcast %get3A_309 : vector<16xi32> to vector<32xbf16>
        %add3A_311 = arith.constant 16 : i32
        %add3A_312 = arith.addi %squeeze3A_307, %add3A_311 : i32
        %get3A_313 = arith.index_cast %add3A_312 : i32 to index
        %get3A_314 = tpu.vector_load %arg5[%get3A_313] {strides = array<i32>} : memref<32000xi32, #tpu.memory_space<vmem>>, vector<16xi32>,
        %bitcast3A_315 = vector.bitcast %get3A_314 : vector<16xi32> to vector<32xbf16>
        %slice3A_316 = vector.extract_strided_slice %mul3A_139 {offsets = [1], sizes = [1], strides = [1]} : vector<16xi32> to vector<1xi32>
        %squeeze3A_317 = vector.extract %slice3A_316[0] : i32 from vector<1xi32>
        %get3A_318 = arith.index_cast %squeeze3A_317 : i32 to index
        %get3A_319 = tpu.vector_load %arg5[%get3A_318] {strides = array<i32>} : memref<32000xi32, #tpu.memory_space<vmem>>, vector<16xi32>,
        %bitcast3A_320 = vector.bitcast %get3A_319 : vector<16xi32> to vector<32xbf16>
        %add3A_321 = arith.constant 16 : i32
        %add3A_322 = arith.addi %squeeze3A_317, %add3A_321 : i32
        %get3A_323 = arith.index_cast %add3A_322 : i32 to index
        %get3A_324 = tpu.vector_load %arg5[%get3A_323] {strides = array<i32>} : memref<32000xi32, #tpu.memory_space<vmem>>, vector<16xi32>,
        %bitcast3A_325 = vector.bitcast %get3A_324 : vector<16xi32> to vector<32xbf16>
        %slice3A_326 = vector.extract_strided_slice %mul3A_148 {offsets = [1], sizes = [1], strides = [1]} : vector<16xi32> to vector<1xi32>
        %squeeze3A_327 = vector.extract %slice3A_326[0] : i32 from vector<1xi32>
        %get3A_328 = arith.index_cast %squeeze3A_327 : i32 to index
        %get3A_329 = tpu.vector_load %arg5[%get3A_328] {strides = array<i32>} : memref<32000xi32, #tpu.memory_space<vmem>>, vector<16xi32>,
        %bitcast3A_330 = vector.bitcast %get3A_329 : vector<16xi32> to vector<32xbf16>
        %add3A_331 = arith.constant 16 : i32
        %add3A_332 = arith.addi %squeeze3A_327, %add3A_331 : i32
        %get3A_333 = arith.index_cast %add3A_332 : i32 to index
        %get3A_334 = tpu.vector_load %arg5[%get3A_333] {strides = array<i32>} : memref<32000xi32, #tpu.memory_space<vmem>>, vector<16xi32>,
        %bitcast3A_335 = vector.bitcast %get3A_334 : vector<16xi32> to vector<32xbf16>
        %slice3A_336 = vector.extract_strided_slice %mul3A_157 {offsets = [1], sizes = [1], strides = [1]} : vector<16xi32> to vector<1xi32>
        %squeeze3A_337 = vector.extract %slice3A_336[0] : i32 from vector<1xi32>
        %get3A_338 = arith.index_cast %squeeze3A_337 : i32 to index
        %get3A_339 = tpu.vector_load %arg5[%get3A_338] {strides = array<i32>} : memref<32000xi32, #tpu.memory_space<vmem>>, vector<16xi32>,
        %bitcast3A_340 = vector.bitcast %get3A_339 : vector<16xi32> to vector<32xbf16>
        %add3A_341 = arith.constant 16 : i32
        %add3A_342 = arith.addi %squeeze3A_337, %add3A_341 : i32
        %get3A_343 = arith.index_cast %add3A_342 : i32 to index
        %get3A_344 = tpu.vector_load %arg5[%get3A_343] {strides = array<i32>} : memref<32000xi32, #tpu.memory_space<vmem>>, vector<16xi32>,
        %bitcast3A_345 = vector.bitcast %get3A_344 : vector<16xi32> to vector<32xbf16>
        %slice3A_346 = vector.extract_strided_slice %mul3A_166 {offsets = [1], sizes = [1], strides = [1]} : vector<16xi32> to vector<1xi32>
        %squeeze3A_347 = vector.extract %slice3A_346[0] : i32 from vector<1xi32>
        %get3A_348 = arith.index_cast %squeeze3A_347 : i32 to index
        %get3A_349 = tpu.vector_load %arg5[%get3A_348] {strides = array<i32>} : memref<32000xi32, #tpu.memory_space<vmem>>, vector<16xi32>,
        %bitcast3A_350 = vector.bitcast %get3A_349 : vector<16xi32> to vector<32xbf16>
        %add3A_351 = arith.constant 16 : i32
        %add3A_352 = arith.addi %squeeze3A_347, %add3A_351 : i32
        %get3A_353 = arith.index_cast %add3A_352 : i32 to index
        %get3A_354 = tpu.vector_load %arg5[%get3A_353] {strides = array<i32>} : memref<32000xi32, #tpu.memory_space<vmem>>, vector<16xi32>,
        %bitcast3A_355 = vector.bitcast %get3A_354 : vector<16xi32> to vector<32xbf16>
        %add3A_356 = arith.addf %bitcast3A_280, %bitcast3A_290 : vector<32xbf16>
        %add3A_357 = arith.addf %bitcast3A_300, %bitcast3A_310 : vector<32xbf16>
        %add3A_358 = arith.addf %add3A_356, %add3A_357 : vector<32xbf16>
        %add3A_359 = arith.addf %bitcast3A_320, %bitcast3A_330 : vector<32xbf16>
        %add3A_360 = arith.addf %bitcast3A_340, %bitcast3A_350 : vector<32xbf16>
        %add3A_361 = arith.addf %add3A_359, %add3A_360 : vector<32xbf16>
        %add3A_362 = arith.addf %add3A_358, %add3A_361 : vector<32xbf16>
        %add3A_363 = arith.addf %bitcast3A_285, %bitcast3A_295 : vector<32xbf16>
        %add3A_364 = arith.addf %bitcast3A_305, %bitcast3A_315 : vector<32xbf16>
        %add3A_365 = arith.addf %add3A_363, %add3A_364 : vector<32xbf16>
        %add3A_366 = arith.addf %bitcast3A_325, %bitcast3A_335 : vector<32xbf16>
        %add3A_367 = arith.addf %bitcast3A_345, %bitcast3A_355 : vector<32xbf16>
        %add3A_368 = arith.addf %add3A_366, %add3A_367 : vector<32xbf16>
        %add3A_369 = arith.addf %add3A_365, %add3A_368 : vector<32xbf16>
        %unpack3A_370 = tpu.unpack_subelements %add3A_362, 0 {pack_format = #tpu.pack_format<interleaved>} : vector<32xbf16> -> vector<16xf32>
        %unpack3A_371 = tpu.unpack_subelements %add3A_362, 1 {pack_format = #tpu.pack_format<interleaved>} : vector<32xbf16> -> vector<16xf32>
        %unpack3A_372 = tpu.unpack_subelements %add3A_369, 0 {pack_format = #tpu.pack_format<interleaved>} : vector<32xbf16> -> vector<16xf32>
        %unpack3A_373 = tpu.unpack_subelements %add3A_369, 1 {pack_format = #tpu.pack_format<interleaved>} : vector<32xbf16> -> vector<16xf32>
        %mul3A_374 = arith.constant 16 : i32
        %mul3A_375 = arith.muli %scan3A_95, %mul3A_374 : i32
        %add3A_376 = arith.constant 1 : i32
        %add3A_377 = arith.addi %mul3A_375, %add3A_376 : i32
        %swap3A_378 = arith.index_cast %add3A_377 : i32 to index
        %swap3A_379 = arith.constant 0 : index
        %swap3A_380 = tpu.vector_load %arg8[%swap3A_378, %swap3A_379] {strides = array<i32>} : memref<128x64xf32, #tpu.memory_space<vmem>>, vector<16xf32>,
        tpu.vector_store %arg8[%swap3A_378, %swap3A_379], %unpack3A_370 {strides = array<i32>} : memref<128x64xf32, #tpu.memory_space<vmem>>, vector<16xf32>,
        %swap3A_381 = arith.index_cast %add3A_377 : i32 to index
        %swap3A_382 = arith.constant 16 : index
        %swap3A_383 = tpu.vector_load %arg8[%swap3A_381, %swap3A_382] {strides = array<i32>} : memref<128x64xf32, #tpu.memory_space<vmem>>, vector<16xf32>,
        tpu.vector_store %arg8[%swap3A_381, %swap3A_382], %unpack3A_372 {strides = array<i32>} : memref<128x64xf32, #tpu.memory_space<vmem>>, vector<16xf32>,
        %swap3A_384 = arith.index_cast %add3A_377 : i32 to index
        %swap3A_385 = arith.constant 32 : index
        %swap3A_386 = tpu.vector_load %arg8[%swap3A_384, %swap3A_385] {strides = array<i32>} : memref<128x64xf32, #tpu.memory_space<vmem>>, vector<16xf32>,
        tpu.vector_store %arg8[%swap3A_384, %swap3A_385], %unpack3A_371 {strides = array<i32>} : memref<128x64xf32, #tpu.memory_space<vmem>>, vector<16xf32>,
        %swap3A_387 = arith.index_cast %add3A_377 : i32 to index
        %swap3A_388 = arith.constant 48 : index
        %swap3A_389 = tpu.vector_load %arg8[%swap3A_387, %swap3A_388] {strides = array<i32>} : memref<128x64xf32, #tpu.memory_space<vmem>>, vector<16xf32>,
        tpu.vector_store %arg8[%swap3A_387, %swap3A_388], %unpack3A_373 {strides = array<i32>} : memref<128x64xf32, #tpu.memory_space<vmem>>, vector<16xf32>,
        %slice3A_390 = vector.extract_strided_slice %mul3A_103 {offsets = [2], sizes = [1], strides = [1]} : vector<16xi32> to vector<1xi32>
        %squeeze3A_391 = vector.extract %slice3A_390[0] : i32 from vector<1xi32>
        %get3A_392 = arith.index_cast %squeeze3A_391 : i32 to index
        %get3A_393 = tpu.vector_load %arg5[%get3A_392] {strides = array<i32>} : memref<32000xi32, #tpu.memory_space<vmem>>, vector<16xi32>,
        %bitcast3A_394 = vector.bitcast %get3A_393 : vector<16xi32> to vector<32xbf16>
        %add3A_395 = arith.constant 16 : i32
        %add3A_396 = arith.addi %squeeze3A_391, %add3A_395 : i32
        %get3A_397 = arith.index_cast %add3A_396 : i32 to index
        %get3A_398 = tpu.vector_load %arg5[%get3A_397] {strides = array<i32>} : memref<32000xi32, #tpu.memory_space<vmem>>, vector<16xi32>,
        %bitcast3A_399 = vector.bitcast %get3A_398 : vector<16xi32> to vector<32xbf16>
        %slice3A_400 = vector.extract_strided_slice %mul3A_112 {offsets = [2], sizes = [1], strides = [1]} : vector<16xi32> to vector<1xi32>
        %squeeze3A_401 = vector.extract %slice3A_400[0] : i32 from vector<1xi32>
        %get3A_402 = arith.index_cast %squeeze3A_401 : i32 to index
        %get3A_403 = tpu.vector_load %arg5[%get3A_402] {strides = array<i32>} : memref<32000xi32, #tpu.memory_space<vmem>>, vector<16xi32>,
        %bitcast3A_404 = vector.bitcast %get3A_403 : vector<16xi32> to vector<32xbf16>
        %add3A_405 = arith.constant 16 : i32
        %add3A_406 = arith.addi %squeeze3A_401, %add3A_405 : i32
        %get3A_407 = arith.index_cast %add3A_406 : i32 to index
        %get3A_408 = tpu.vector_load %arg5[%get3A_407] {strides = array<i32>} : memref<32000xi32, #tpu.memory_space<vmem>>, vector<16xi32>,
        %bitcast3A_409 = vector.bitcast %get3A_408 : vector<16xi32> to vector<32xbf16>
        %slice3A_410 = vector.extract_strided_slice %mul3A_121 {offsets = [2], sizes = [1], strides = [1]} : vector<16xi32> to vector<1xi32>
        %squeeze3A_411 = vector.extract %slice3A_410[0] : i32 from vector<1xi32>
        %get3A_412 = arith.index_cast %squeeze3A_411 : i32 to index
        %get3A_413 = tpu.vector_load %arg5[%get3A_412] {strides = array<i32>} : memref<32000xi32, #tpu.memory_space<vmem>>, vector<16xi32>,
        %bitcast3A_414 = vector.bitcast %get3A_413 : vector<16xi32> to vector<32xbf16>
        %add3A_415 = arith.constant 16 : i32
        %add3A_416 = arith.addi %squeeze3A_411, %add3A_415 : i32
        %get3A_417 = arith.index_cast %add3A_416 : i32 to index
        %get3A_418 = tpu.vector_load %arg5[%get3A_417] {strides = array<i32>} : memref<32000xi32, #tpu.memory_space<vmem>>, vector<16xi32>,
        %bitcast3A_419 = vector.bitcast %get3A_418 : vector<16xi32> to vector<32xbf16>
        %slice3A_420 = vector.extract_strided_slice %mul3A_130 {offsets = [2], sizes = [1], strides = [1]} : vector<16xi32> to vector<1xi32>
        %squeeze3A_421 = vector.extract %slice3A_420[0] : i32 from vector<1xi32>
        %get3A_422 = arith.index_cast %squeeze3A_421 : i32 to index
        %get3A_423 = tpu.vector_load %arg5[%get3A_422] {strides = array<i32>} : memref<32000xi32, #tpu.memory_space<vmem>>, vector<16xi32>,
        %bitcast3A_424 = vector.bitcast %get3A_423 : vector<16xi32> to vector<32xbf16>
        %add3A_425 = arith.constant 16 : i32
        %add3A_426 = arith.addi %squeeze3A_421, %add3A_425 : i32
        %get3A_427 = arith.index_cast %add3A_426 : i32 to index
        %get3A_428 = tpu.vector_load %arg5[%get3A_427] {strides = array<i32>} : memref<32000xi32, #tpu.memory_space<vmem>>, vector<16xi32>,
        %bitcast3A_429 = vector.bitcast %get3A_428 : vector<16xi32> to vector<32xbf16>
        %slice3A_430 = vector.extract_strided_slice %mul3A_139 {offsets = [2], sizes = [1], strides = [1]} : vector<16xi32> to vector<1xi32>
        %squeeze3A_431 = vector.extract %slice3A_430[0] : i32 from vector<1xi32>
        %get3A_432 = arith.index_cast %squeeze3A_431 : i32 to index
        %get3A_433 = tpu.vector_load %arg5[%get3A_432] {strides = array<i32>} : memref<32000xi32, #tpu.memory_space<vmem>>, vector<16xi32>,
        %bitcast3A_434 = vector.bitcast %get3A_433 : vector<16xi32> to vector<32xbf16>
        %add3A_435 = arith.constant 16 : i32
        %add3A_436 = arith.addi %squeeze3A_431, %add3A_435 : i32
        %get3A_437 = arith.index_cast %add3A_436 : i32 to index
        %get3A_438 = tpu.vector_load %arg5[%get3A_437] {strides = array<i32>} : memref<32000xi32, #tpu.memory_space<vmem>>, vector<16xi32>,
        %bitcast3A_439 = vector.bitcast %get3A_438 : vector<16xi32> to vector<32xbf16>
        %slice3A_440 = vector.extract_strided_slice %mul3A_148 {offsets = [2], sizes = [1], strides = [1]} : vector<16xi32> to vector<1xi32>
        %squeeze3A_441 = vector.extract %slice3A_440[0] : i32 from vector<1xi32>
        %get3A_442 = arith.index_cast %squeeze3A_441 : i32 to index
        %get3A_443 = tpu.vector_load %arg5[%get3A_442] {strides = array<i32>} : memref<32000xi32, #tpu.memory_space<vmem>>, vector<16xi32>,
        %bitcast3A_444 = vector.bitcast %get3A_443 : vector<16xi32> to vector<32xbf16>
        %add3A_445 = arith.constant 16 : i32
        %add3A_446 = arith.addi %squeeze3A_441, %add3A_445 : i32
        %get3A_447 = arith.index_cast %add3A_446 : i32 to index
        %get3A_448 = tpu.vector_load %arg5[%get3A_447] {strides = array<i32>} : memref<32000xi32, #tpu.memory_space<vmem>>, vector<16xi32>,
        %bitcast3A_449 = vector.bitcast %get3A_448 : vector<16xi32> to vector<32xbf16>
        %slice3A_450 = vector.extract_strided_slice %mul3A_157 {offsets = [2], sizes = [1], strides = [1]} : vector<16xi32> to vector<1xi32>
        %squeeze3A_451 = vector.extract %slice3A_450[0] : i32 from vector<1xi32>
        %get3A_452 = arith.index_cast %squeeze3A_451 : i32 to index
        %get3A_453 = tpu.vector_load %arg5[%get3A_452] {strides = array<i32>} : memref<32000xi32, #tpu.memory_space<vmem>>, vector<16xi32>,
        %bitcast3A_454 = vector.bitcast %get3A_453 : vector<16xi32> to vector<32xbf16>
        %add3A_455 = arith.constant 16 : i32
        %add3A_456 = arith.addi %squeeze3A_451, %add3A_455 : i32
        %get3A_457 = arith.index_cast %add3A_456 : i32 to index
        %get3A_458 = tpu.vector_load %arg5[%get3A_457] {strides = array<i32>} : memref<32000xi32, #tpu.memory_space<vmem>>, vector<16xi32>,
        %bitcast3A_459 = vector.bitcast %get3A_458 : vector<16xi32> to vector<32xbf16>
        %slice3A_460 = vector.extract_strided_slice %mul3A_166 {offsets = [2], sizes = [1], strides = [1]} : vector<16xi32> to vector<1xi32>
        %squeeze3A_461 = vector.extract %slice3A_460[0] : i32 from vector<1xi32>
        %get3A_462 = arith.index_cast %squeeze3A_461 : i32 to index
        %get3A_463 = tpu.vector_load %arg5[%get3A_462] {strides = array<i32>} : memref<32000xi32, #tpu.memory_space<vmem>>, vector<16xi32>,
        %bitcast3A_464 = vector.bitcast %get3A_463 : vector<16xi32> to vector<32xbf16>
        %add3A_465 = arith.constant 16 : i32
        %add3A_466 = arith.addi %squeeze3A_461, %add3A_465 : i32
        %get3A_467 = arith.index_cast %add3A_466 : i32 to index
        %get3A_468 = tpu.vector_load %arg5[%get3A_467] {strides = array<i32>} : memref<32000xi32, #tpu.memory_space<vmem>>, vector<16xi32>,
        %bitcast3A_469 = vector.bitcast %get3A_468 : vector<16xi32> to vector<32xbf16>
        %add3A_470 = arith.addf %bitcast3A_394, %bitcast3A_404 : vector<32xbf16>
        %add3A_471 = arith.addf %bitcast3A_414, %bitcast3A_424 : vector<32xbf16>
        %add3A_472 = arith.addf %add3A_470, %add3A_471 : vector<32xbf16>
        %add3A_473 = arith.addf %bitcast3A_434, %bitcast3A_444 : vector<32xbf16>
        %add3A_474 = arith.addf %bitcast3A_454, %bitcast3A_464 : vector<32xbf16>
        %add3A_475 = arith.addf %add3A_473, %add3A_474 : vector<32xbf16>
        %add3A_476 = arith.addf %add3A_472, %add3A_475 : vector<32xbf16>
        %add3A_477 = arith.addf %bitcast3A_399, %bitcast3A_409 : vector<32xbf16>
        %add3A_478 = arith.addf %bitcast3A_419, %bitcast3A_429 : vector<32xbf16>
        %add3A_479 = arith.addf %add3A_477, %add3A_478 : vector<32xbf16>
        %add3A_480 = arith.addf %bitcast3A_439, %bitcast3A_449 : vector<32xbf16>
        %add3A_481 = arith.addf %bitcast3A_459, %bitcast3A_469 : vector<32xbf16>
        %add3A_482 = arith.addf %add3A_480, %add3A_481 : vector<32xbf16>
        %add3A_483 = arith.addf %add3A_479, %add3A_482 : vector<32xbf16>
        %unpack3A_484 = tpu.unpack_subelements %add3A_476, 0 {pack_format = #tpu.pack_format<interleaved>} : vector<32xbf16> -> vector<16xf32>
        %unpack3A_485 = tpu.unpack_subelements %add3A_476, 1 {pack_format = #tpu.pack_format<interleaved>} : vector<32xbf16> -> vector<16xf32>
        %unpack3A_486 = tpu.unpack_subelements %add3A_483, 0 {pack_format = #tpu.pack_format<interleaved>} : vector<32xbf16> -> vector<16xf32>
        %unpack3A_487 = tpu.unpack_subelements %add3A_483, 1 {pack_format = #tpu.pack_format<interleaved>} : vector<32xbf16> -> vector<16xf32>
        %mul3A_488 = arith.constant 16 : i32
        %mul3A_489 = arith.muli %scan3A_95, %mul3A_488 : i32
        %add3A_490 = arith.constant 2 : i32
        %add3A_491 = arith.addi %mul3A_489, %add3A_490 : i32
        %swap3A_492 = arith.index_cast %add3A_491 : i32 to index
        %swap3A_493 = arith.constant 0 : index
        %swap3A_494 = tpu.vector_load %arg8[%swap3A_492, %swap3A_493] {strides = array<i32>} : memref<128x64xf32, #tpu.memory_space<vmem>>, vector<16xf32>,
        tpu.vector_store %arg8[%swap3A_492, %swap3A_493], %unpack3A_484 {strides = array<i32>} : memref<128x64xf32, #tpu.memory_space<vmem>>, vector<16xf32>,
        %swap3A_495 = arith.index_cast %add3A_491 : i32 to index
        %swap3A_496 = arith.constant 16 : index
        %swap3A_497 = tpu.vector_load %arg8[%swap3A_495, %swap3A_496] {strides = array<i32>} : memref<128x64xf32, #tpu.memory_space<vmem>>, vector<16xf32>,
        tpu.vector_store %arg8[%swap3A_495, %swap3A_496], %unpack3A_486 {strides = array<i32>} : memref<128x64xf32, #tpu.memory_space<vmem>>, vector<16xf32>,
        %swap3A_498 = arith.index_cast %add3A_491 : i32 to index
        %swap3A_499 = arith.constant 32 : index
        %swap3A_500 = tpu.vector_load %arg8[%swap3A_498, %swap3A_499] {strides = array<i32>} : memref<128x64xf32, #tpu.memory_space<vmem>>, vector<16xf32>,
        tpu.vector_store %arg8[%swap3A_498, %swap3A_499], %unpack3A_485 {strides = array<i32>} : memref<128x64xf32, #tpu.memory_space<vmem>>, vector<16xf32>,
        %swap3A_501 = arith.index_cast %add3A_491 : i32 to index
        %swap3A_502 = arith.constant 48 : index
        %swap3A_503 = tpu.vector_load %arg8[%swap3A_501, %swap3A_502] {strides = array<i32>} : memref<128x64xf32, #tpu.memory_space<vmem>>, vector<16xf32>,
        tpu.vector_store %arg8[%swap3A_501, %swap3A_502], %unpack3A_487 {strides = array<i32>} : memref<128x64xf32, #tpu.memory_space<vmem>>, vector<16xf32>,
        %slice3A_504 = vector.extract_strided_slice %mul3A_103 {offsets = [3], sizes = [1], strides = [1]} : vector<16xi32> to vector<1xi32>
        %squeeze3A_505 = vector.extract %slice3A_504[0] : i32 from vector<1xi32>
        %get3A_506 = arith.index_cast %squeeze3A_505 : i32 to index
        %get3A_507 = tpu.vector_load %arg5[%get3A_506] {strides = array<i32>} : memref<32000xi32, #tpu.memory_space<vmem>>, vector<16xi32>,
        %bitcast3A_508 = vector.bitcast %get3A_507 : vector<16xi32> to vector<32xbf16>
        %add3A_509 = arith.constant 16 : i32
        %add3A_510 = arith.addi %squeeze3A_505, %add3A_509 : i32
        %get3A_511 = arith.index_cast %add3A_510 : i32 to index
        %get3A_512 = tpu.vector_load %arg5[%get3A_511] {strides = array<i32>} : memref<32000xi32, #tpu.memory_space<vmem>>, vector<16xi32>,
        %bitcast3A_513 = vector.bitcast %get3A_512 : vector<16xi32> to vector<32xbf16>
        %slice3A_514 = vector.extract_strided_slice %mul3A_112 {offsets = [3], sizes = [1], strides = [1]} : vector<16xi32> to vector<1xi32>
        %squeeze3A_515 = vector.extract %slice3A_514[0] : i32 from vector<1xi32>
        %get3A_516 = arith.index_cast %squeeze3A_515 : i32 to index
        %get3A_517 = tpu.vector_load %arg5[%get3A_516] {strides = array<i32>} : memref<32000xi32, #tpu.memory_space<vmem>>, vector<16xi32>,
        %bitcast3A_518 = vector.bitcast %get3A_517 : vector<16xi32> to vector<32xbf16>
        %add3A_519 = arith.constant 16 : i32
        %add3A_520 = arith.addi %squeeze3A_515, %add3A_519 : i32
        %get3A_521 = arith.index_cast %add3A_520 : i32 to index
        %get3A_522 = tpu.vector_load %arg5[%get3A_521] {strides = array<i32>} : memref<32000xi32, #tpu.memory_space<vmem>>, vector<16xi32>,
        %bitcast3A_523 = vector.bitcast %get3A_522 : vector<16xi32> to vector<32xbf16>
        %slice3A_524 = vector.extract_strided_slice %mul3A_121 {offsets = [3], sizes = [1], strides = [1]} : vector<16xi32> to vector<1xi32>
        %squeeze3A_525 = vector.extract %slice3A_524[0] : i32 from vector<1xi32>
        %get3A_526 = arith.index_cast %squeeze3A_525 : i32 to index
        %get3A_527 = tpu.vector_load %arg5[%get3A_526] {strides = array<i32>} : memref<32000xi32, #tpu.memory_space<vmem>>, vector<16xi32>,
        %bitcast3A_528 = vector.bitcast %get3A_527 : vector<16xi32> to vector<32xbf16>
        %add3A_529 = arith.constant 16 : i32
        %add3A_530 = arith.addi %squeeze3A_525, %add3A_529 : i32
        %get3A_531 = arith.index_cast %add3A_530 : i32 to index
        %get3A_532 = tpu.vector_load %arg5[%get3A_531] {strides = array<i32>} : memref<32000xi32, #tpu.memory_space<vmem>>, vector<16xi32>,
        %bitcast3A_533 = vector.bitcast %get3A_532 : vector<16xi32> to vector<32xbf16>
        %slice3A_534 = vector.extract_strided_slice %mul3A_130 {offsets = [3], sizes = [1], strides = [1]} : vector<16xi32> to vector<1xi32>
        %squeeze3A_535 = vector.extract %slice3A_534[0] : i32 from vector<1xi32>
        %get3A_536 = arith.index_cast %squeeze3A_535 : i32 to index
        %get3A_537 = tpu.vector_load %arg5[%get3A_536] {strides = array<i32>} : memref<32000xi32, #tpu.memory_space<vmem>>, vector<16xi32>,
        %bitcast3A_538 = vector.bitcast %get3A_537 : vector<16xi32> to vector<32xbf16>
        %add3A_539 = arith.constant 16 : i32
        %add3A_540 = arith.addi %squeeze3A_535, %add3A_539 : i32
        %get3A_541 = arith.index_cast %add3A_540 : i32 to index
        %get3A_542 = tpu.vector_load %arg5[%get3A_541] {strides = array<i32>} : memref<32000xi32, #tpu.memory_space<vmem>>, vector<16xi32>,
        %bitcast3A_543 = vector.bitcast %get3A_542 : vector<16xi32> to vector<32xbf16>
        %slice3A_544 = vector.extract_strided_slice %mul3A_139 {offsets = [3], sizes = [1], strides = [1]} : vector<16xi32> to vector<1xi32>
        %squeeze3A_545 = vector.extract %slice3A_544[0] : i32 from vector<1xi32>
        %get3A_546 = arith.index_cast %squeeze3A_545 : i32 to index
        %get3A_547 = tpu.vector_load %arg5[%get3A_546] {strides = array<i32>} : memref<32000xi32, #tpu.memory_space<vmem>>, vector<16xi32>,
        %bitcast3A_548 = vector.bitcast %get3A_547 : vector<16xi32> to vector<32xbf16>
        %add3A_549 = arith.constant 16 : i32
        %add3A_550 = arith.addi %squeeze3A_545, %add3A_549 : i32
        %get3A_551 = arith.index_cast %add3A_550 : i32 to index
        %get3A_552 = tpu.vector_load %arg5[%get3A_551] {strides = array<i32>} : memref<32000xi32, #tpu.memory_space<vmem>>, vector<16xi32>,
        %bitcast3A_553 = vector.bitcast %get3A_552 : vector<16xi32> to vector<32xbf16>
        %slice3A_554 = vector.extract_strided_slice %mul3A_148 {offsets = [3], sizes = [1], strides = [1]} : vector<16xi32> to vector<1xi32>
        %squeeze3A_555 = vector.extract %slice3A_554[0] : i32 from vector<1xi32>
        %get3A_556 = arith.index_cast %squeeze3A_555 : i32 to index
        %get3A_557 = tpu.vector_load %arg5[%get3A_556] {strides = array<i32>} : memref<32000xi32, #tpu.memory_space<vmem>>, vector<16xi32>,
        %bitcast3A_558 = vector.bitcast %get3A_557 : vector<16xi32> to vector<32xbf16>
        %add3A_559 = arith.constant 16 : i32
        %add3A_560 = arith.addi %squeeze3A_555, %add3A_559 : i32
        %get3A_561 = arith.index_cast %add3A_560 : i32 to index
        %get3A_562 = tpu.vector_load %arg5[%get3A_561] {strides = array<i32>} : memref<32000xi32, #tpu.memory_space<vmem>>, vector<16xi32>,
        %bitcast3A_563 = vector.bitcast %get3A_562 : vector<16xi32> to vector<32xbf16>
        %slice3A_564 = vector.extract_strided_slice %mul3A_157 {offsets = [3], sizes = [1], strides = [1]} : vector<16xi32> to vector<1xi32>
        %squeeze3A_565 = vector.extract %slice3A_564[0] : i32 from vector<1xi32>
        %get3A_566 = arith.index_cast %squeeze3A_565 : i32 to index
        %get3A_567 = tpu.vector_load %arg5[%get3A_566] {strides = array<i32>} : memref<32000xi32, #tpu.memory_space<vmem>>, vector<16xi32>,
        %bitcast3A_568 = vector.bitcast %get3A_567 : vector<16xi32> to vector<32xbf16>
        %add3A_569 = arith.constant 16 : i32
        %add3A_570 = arith.addi %squeeze3A_565, %add3A_569 : i32
        %get3A_571 = arith.index_cast %add3A_570 : i32 to index
        %get3A_572 = tpu.vector_load %arg5[%get3A_571] {strides = array<i32>} : memref<32000xi32, #tpu.memory_space<vmem>>, vector<16xi32>,
        %bitcast3A_573 = vector.bitcast %get3A_572 : vector<16xi32> to vector<32xbf16>
        %slice3A_574 = vector.extract_strided_slice %mul3A_166 {offsets = [3], sizes = [1], strides = [1]} : vector<16xi32> to vector<1xi32>
        %squeeze3A_575 = vector.extract %slice3A_574[0] : i32 from vector<1xi32>
        %get3A_576 = arith.index_cast %squeeze3A_575 : i32 to index
        %get3A_577 = tpu.vector_load %arg5[%get3A_576] {strides = array<i32>} : memref<32000xi32, #tpu.memory_space<vmem>>, vector<16xi32>,
        %bitcast3A_578 = vector.bitcast %get3A_577 : vector<16xi32> to vector<32xbf16>
        %add3A_579 = arith.constant 16 : i32
        %add3A_580 = arith.addi %squeeze3A_575, %add3A_579 : i32
        %get3A_581 = arith.index_cast %add3A_580 : i32 to index
        %get3A_582 = tpu.vector_load %arg5[%get3A_581] {strides = array<i32>} : memref<32000xi32, #tpu.memory_space<vmem>>, vector<16xi32>,
        %bitcast3A_583 = vector.bitcast %get3A_582 : vector<16xi32> to vector<32xbf16>
        %add3A_584 = arith.addf %bitcast3A_508, %bitcast3A_518 : vector<32xbf16>
        %add3A_585 = arith.addf %bitcast3A_528, %bitcast3A_538 : vector<32xbf16>
        %add3A_586 = arith.addf %add3A_584, %add3A_585 : vector<32xbf16>
        %add3A_587 = arith.addf %bitcast3A_548, %bitcast3A_558 : vector<32xbf16>
        %add3A_588 = arith.addf %bitcast3A_568, %bitcast3A_578 : vector<32xbf16>
        %add3A_589 = arith.addf %add3A_587, %add3A_588 : vector<32xbf16>
        %add3A_590 = arith.addf %add3A_586, %add3A_589 : vector<32xbf16>
        %add3A_591 = arith.addf %bitcast3A_513, %bitcast3A_523 : vector<32xbf16>
        %add3A_592 = arith.addf %bitcast3A_533, %bitcast3A_543 : vector<32xbf16>
        %add3A_593 = arith.addf %add3A_591, %add3A_592 : vector<32xbf16>
        %add3A_594 = arith.addf %bitcast3A_553, %bitcast3A_563 : vector<32xbf16>
        %add3A_595 = arith.addf %bitcast3A_573, %bitcast3A_583 : vector<32xbf16>
        %add3A_596 = arith.addf %add3A_594, %add3A_595 : vector<32xbf16>
        %add3A_597 = arith.addf %add3A_593, %add3A_596 : vector<32xbf16>
        %unpack3A_598 = tpu.unpack_subelements %add3A_590, 0 {pack_format = #tpu.pack_format<interleaved>} : vector<32xbf16> -> vector<16xf32>
        %unpack3A_599 = tpu.unpack_subelements %add3A_590, 1 {pack_format = #tpu.pack_format<interleaved>} : vector<32xbf16> -> vector<16xf32>
        %unpack3A_600 = tpu.unpack_subelements %add3A_597, 0 {pack_format = #tpu.pack_format<interleaved>} : vector<32xbf16> -> vector<16xf32>
        %unpack3A_601 = tpu.unpack_subelements %add3A_597, 1 {pack_format = #tpu.pack_format<interleaved>} : vector<32xbf16> -> vector<16xf32>
        %mul3A_602 = arith.constant 16 : i32
        %mul3A_603 = arith.muli %scan3A_95, %mul3A_602 : i32
        %add3A_604 = arith.constant 3 : i32
        %add3A_605 = arith.addi %mul3A_603, %add3A_604 : i32
        %swap3A_606 = arith.index_cast %add3A_605 : i32 to index
        %swap3A_607 = arith.constant 0 : index
        %swap3A_608 = tpu.vector_load %arg8[%swap3A_606, %swap3A_607] {strides = array<i32>} : memref<128x64xf32, #tpu.memory_space<vmem>>, vector<16xf32>,
        tpu.vector_store %arg8[%swap3A_606, %swap3A_607], %unpack3A_598 {strides = array<i32>} : memref<128x64xf32, #tpu.memory_space<vmem>>, vector<16xf32>,
        %swap3A_609 = arith.index_cast %add3A_605 : i32 to index
        %swap3A_610 = arith.constant 16 : index
        %swap3A_611 = tpu.vector_load %arg8[%swap3A_609, %swap3A_610] {strides = array<i32>} : memref<128x64xf32, #tpu.memory_space<vmem>>, vector<16xf32>,
        tpu.vector_store %arg8[%swap3A_609, %swap3A_610], %unpack3A_600 {strides = array<i32>} : memref<128x64xf32, #tpu.memory_space<vmem>>, vector<16xf32>,
        %swap3A_612 = arith.index_cast %add3A_605 : i32 to index
        %swap3A_613 = arith.constant 32 : index
        %swap3A_614 = tpu.vector_load %arg8[%swap3A_612, %swap3A_613] {strides = array<i32>} : memref<128x64xf32, #tpu.memory_space<vmem>>, vector<16xf32>,
        tpu.vector_store %arg8[%swap3A_612, %swap3A_613], %unpack3A_599 {strides = array<i32>} : memref<128x64xf32, #tpu.memory_space<vmem>>, vector<16xf32>,
        %swap3A_615 = arith.index_cast %add3A_605 : i32 to index
        %swap3A_616 = arith.constant 48 : index
        %swap3A_617 = tpu.vector_load %arg8[%swap3A_615, %swap3A_616] {strides = array<i32>} : memref<128x64xf32, #tpu.memory_space<vmem>>, vector<16xf32>,
        tpu.vector_store %arg8[%swap3A_615, %swap3A_616], %unpack3A_601 {strides = array<i32>} : memref<128x64xf32, #tpu.memory_space<vmem>>, vector<16xf32>,
        %slice3A_618 = vector.extract_strided_slice %mul3A_103 {offsets = [4], sizes = [1], strides = [1]} : vector<16xi32> to vector<1xi32>
        %squeeze3A_619 = vector.extract %slice3A_618[0] : i32 from vector<1xi32>
        %get3A_620 = arith.index_cast %squeeze3A_619 : i32 to index
        %get3A_621 = tpu.vector_load %arg5[%get3A_620] {strides = array<i32>} : memref<32000xi32, #tpu.memory_space<vmem>>, vector<16xi32>,
        %bitcast3A_622 = vector.bitcast %get3A_621 : vector<16xi32> to vector<32xbf16>
        %add3A_623 = arith.constant 16 : i32
        %add3A_624 = arith.addi %squeeze3A_619, %add3A_623 : i32
        %get3A_625 = arith.index_cast %add3A_624 : i32 to index
        %get3A_626 = tpu.vector_load %arg5[%get3A_625] {strides = array<i32>} : memref<32000xi32, #tpu.memory_space<vmem>>, vector<16xi32>,
        %bitcast3A_627 = vector.bitcast %get3A_626 : vector<16xi32> to vector<32xbf16>
        %slice3A_628 = vector.extract_strided_slice %mul3A_112 {offsets = [4], sizes = [1], strides = [1]} : vector<16xi32> to vector<1xi32>
        %squeeze3A_629 = vector.extract %slice3A_628[0] : i32 from vector<1xi32>
        %get3A_630 = arith.index_cast %squeeze3A_629 : i32 to index
        %get3A_631 = tpu.vector_load %arg5[%get3A_630] {strides = array<i32>} : memref<32000xi32, #tpu.memory_space<vmem>>, vector<16xi32>,
        %bitcast3A_632 = vector.bitcast %get3A_631 : vector<16xi32> to vector<32xbf16>
        %add3A_633 = arith.constant 16 : i32
        %add3A_634 = arith.addi %squeeze3A_629, %add3A_633 : i32
        %get3A_635 = arith.index_cast %add3A_634 : i32 to index
        %get3A_636 = tpu.vector_load %arg5[%get3A_635] {strides = array<i32>} : memref<32000xi32, #tpu.memory_space<vmem>>, vector<16xi32>,
        %bitcast3A_637 = vector.bitcast %get3A_636 : vector<16xi32> to vector<32xbf16>
        %slice3A_638 = vector.extract_strided_slice %mul3A_121 {offsets = [4], sizes = [1], strides = [1]} : vector<16xi32> to vector<1xi32>
        %squeeze3A_639 = vector.extract %slice3A_638[0] : i32 from vector<1xi32>
        %get3A_640 = arith.index_cast %squeeze3A_639 : i32 to index
        %get3A_641 = tpu.vector_load %arg5[%get3A_640] {strides = array<i32>} : memref<32000xi32, #tpu.memory_space<vmem>>, vector<16xi32>,
        %bitcast3A_642 = vector.bitcast %get3A_641 : vector<16xi32> to vector<32xbf16>
        %add3A_643 = arith.constant 16 : i32
        %add3A_644 = arith.addi %squeeze3A_639, %add3A_643 : i32
        %get3A_645 = arith.index_cast %add3A_644 : i32 to index
        %get3A_646 = tpu.vector_load %arg5[%get3A_645] {strides = array<i32>} : memref<32000xi32, #tpu.memory_space<vmem>>, vector<16xi32>,
        %bitcast3A_647 = vector.bitcast %get3A_646 : vector<16xi32> to vector<32xbf16>
        %slice3A_648 = vector.extract_strided_slice %mul3A_130 {offsets = [4], sizes = [1], strides = [1]} : vector<16xi32> to vector<1xi32>
        %squeeze3A_649 = vector.extract %slice3A_648[0] : i32 from vector<1xi32>
        %get3A_650 = arith.index_cast %squeeze3A_649 : i32 to index
        %get3A_651 = tpu.vector_load %arg5[%get3A_650] {strides = array<i32>} : memref<32000xi32, #tpu.memory_space<vmem>>, vector<16xi32>,
        %bitcast3A_652 = vector.bitcast %get3A_651 : vector<16xi32> to vector<32xbf16>
        %add3A_653 = arith.constant 16 : i32
        %add3A_654 = arith.addi %squeeze3A_649, %add3A_653 : i32
        %get3A_655 = arith.index_cast %add3A_654 : i32 to index
        %get3A_656 = tpu.vector_load %arg5[%get3A_655] {strides = array<i32>} : memref<32000xi32, #tpu.memory_space<vmem>>, vector<16xi32>,
        %bitcast3A_657 = vector.bitcast %get3A_656 : vector<16xi32> to vector<32xbf16>
        %slice3A_658 = vector.extract_strided_slice %mul3A_139 {offsets = [4], sizes = [1], strides = [1]} : vector<16xi32> to vector<1xi32>
        %squeeze3A_659 = vector.extract %slice3A_658[0] : i32 from vector<1xi32>
        %get3A_660 = arith.index_cast %squeeze3A_659 : i32 to index
        %get3A_661 = tpu.vector_load %arg5[%get3A_660] {strides = array<i32>} : memref<32000xi32, #tpu.memory_space<vmem>>, vector<16xi32>,
        %bitcast3A_662 = vector.bitcast %get3A_661 : vector<16xi32> to vector<32xbf16>
        %add3A_663 = arith.constant 16 : i32
        %add3A_664 = arith.addi %squeeze3A_659, %add3A_663 : i32
        %get3A_665 = arith.index_cast %add3A_664 : i32 to index
        %get3A_666 = tpu.vector_load %arg5[%get3A_665] {strides = array<i32>} : memref<32000xi32, #tpu.memory_space<vmem>>, vector<16xi32>,
        %bitcast3A_667 = vector.bitcast %get3A_666 : vector<16xi32> to vector<32xbf16>
        %slice3A_668 = vector.extract_strided_slice %mul3A_148 {offsets = [4], sizes = [1], strides = [1]} : vector<16xi32> to vector<1xi32>
        %squeeze3A_669 = vector.extract %slice3A_668[0] : i32 from vector<1xi32>
        %get3A_670 = arith.index_cast %squeeze3A_669 : i32 to index
        %get3A_671 = tpu.vector_load %arg5[%get3A_670] {strides = array<i32>} : memref<32000xi32, #tpu.memory_space<vmem>>, vector<16xi32>,
        %bitcast3A_672 = vector.bitcast %get3A_671 : vector<16xi32> to vector<32xbf16>
        %add3A_673 = arith.constant 16 : i32
        %add3A_674 = arith.addi %squeeze3A_669, %add3A_673 : i32
        %get3A_675 = arith.index_cast %add3A_674 : i32 to index
        %get3A_676 = tpu.vector_load %arg5[%get3A_675] {strides = array<i32>} : memref<32000xi32, #tpu.memory_space<vmem>>, vector<16xi32>,
        %bitcast3A_677 = vector.bitcast %get3A_676 : vector<16xi32> to vector<32xbf16>
        %slice3A_678 = vector.extract_strided_slice %mul3A_157 {offsets = [4], sizes = [1], strides = [1]} : vector<16xi32> to vector<1xi32>
        %squeeze3A_679 = vector.extract %slice3A_678[0] : i32 from vector<1xi32>
        %get3A_680 = arith.index_cast %squeeze3A_679 : i32 to index
        %get3A_681 = tpu.vector_load %arg5[%get3A_680] {strides = array<i32>} : memref<32000xi32, #tpu.memory_space<vmem>>, vector<16xi32>,
        %bitcast3A_682 = vector.bitcast %get3A_681 : vector<16xi32> to vector<32xbf16>
        %add3A_683 = arith.constant 16 : i32
        %add3A_684 = arith.addi %squeeze3A_679, %add3A_683 : i32
        %get3A_685 = arith.index_cast %add3A_684 : i32 to index
        %get3A_686 = tpu.vector_load %arg5[%get3A_685] {strides = array<i32>} : memref<32000xi32, #tpu.memory_space<vmem>>, vector<16xi32>,
        %bitcast3A_687 = vector.bitcast %get3A_686 : vector<16xi32> to vector<32xbf16>
        %slice3A_688 = vector.extract_strided_slice %mul3A_166 {offsets = [4], sizes = [1], strides = [1]} : vector<16xi32> to vector<1xi32>
        %squeeze3A_689 = vector.extract %slice3A_688[0] : i32 from vector<1xi32>
        %get3A_690 = arith.index_cast %squeeze3A_689 : i32 to index
        %get3A_691 = tpu.vector_load %arg5[%get3A_690] {strides = array<i32>} : memref<32000xi32, #tpu.memory_space<vmem>>, vector<16xi32>,
        %bitcast3A_692 = vector.bitcast %get3A_691 : vector<16xi32> to vector<32xbf16>
        %add3A_693 = arith.constant 16 : i32
        %add3A_694 = arith.addi %squeeze3A_689, %add3A_693 : i32
        %get3A_695 = arith.index_cast %add3A_694 : i32 to index
        %get3A_696 = tpu.vector_load %arg5[%get3A_695] {strides = array<i32>} : memref<32000xi32, #tpu.memory_space<vmem>>, vector<16xi32>,
        %bitcast3A_697 = vector.bitcast %get3A_696 : vector<16xi32> to vector<32xbf16>
        %add3A_698 = arith.addf %bitcast3A_622, %bitcast3A_632 : vector<32xbf16>
        %add3A_699 = arith.addf %bitcast3A_642, %bitcast3A_652 : vector<32xbf16>
        %add3A_700 = arith.addf %add3A_698, %add3A_699 : vector<32xbf16>
        %add3A_701 = arith.addf %bitcast3A_662, %bitcast3A_672 : vector<32xbf16>
        %add3A_702 = arith.addf %bitcast3A_682, %bitcast3A_692 : vector<32xbf16>
        %add3A_703 = arith.addf %add3A_701, %add3A_702 : vector<32xbf16>
        %add3A_704 = arith.addf %add3A_700, %add3A_703 : vector<32xbf16>
        %add3A_705 = arith.addf %bitcast3A_627, %bitcast3A_637 : vector<32xbf16>
        %add3A_706 = arith.addf %bitcast3A_647, %bitcast3A_657 : vector<32xbf16>
        %add3A_707 = arith.addf %add3A_705, %add3A_706 : vector<32xbf16>
        %add3A_708 = arith.addf %bitcast3A_667, %bitcast3A_677 : vector<32xbf16>
        %add3A_709 = arith.addf %bitcast3A_687, %bitcast3A_697 : vector<32xbf16>
        %add3A_710 = arith.addf %add3A_708, %add3A_709 : vector<32xbf16>
        %add3A_711 = arith.addf %add3A_707, %add3A_710 : vector<32xbf16>
        %unpack3A_712 = tpu.unpack_subelements %add3A_704, 0 {pack_format = #tpu.pack_format<interleaved>} : vector<32xbf16> -> vector<16xf32>
        %unpack3A_713 = tpu.unpack_subelements %add3A_704, 1 {pack_format = #tpu.pack_format<interleaved>} : vector<32xbf16> -> vector<16xf32>
        %unpack3A_714 = tpu.unpack_subelements %add3A_711, 0 {pack_format = #tpu.pack_format<interleaved>} : vector<32xbf16> -> vector<16xf32>
        %unpack3A_715 = tpu.unpack_subelements %add3A_711, 1 {pack_format = #tpu.pack_format<interleaved>} : vector<32xbf16> -> vector<16xf32>
        %mul3A_716 = arith.constant 16 : i32
        %mul3A_717 = arith.muli %scan3A_95, %mul3A_716 : i32
        %add3A_718 = arith.constant 4 : i32
        %add3A_719 = arith.addi %mul3A_717, %add3A_718 : i32
        %swap3A_720 = arith.index_cast %add3A_719 : i32 to index
        %swap3A_721 = arith.constant 0 : index
        %swap3A_722 = tpu.vector_load %arg8[%swap3A_720, %swap3A_721] {strides = array<i32>} : memref<128x64xf32, #tpu.memory_space<vmem>>, vector<16xf32>,
        tpu.vector_store %arg8[%swap3A_720, %swap3A_721], %unpack3A_712 {strides = array<i32>} : memref<128x64xf32, #tpu.memory_space<vmem>>, vector<16xf32>,
        %swap3A_723 = arith.index_cast %add3A_719 : i32 to index
        %swap3A_724 = arith.constant 16 : index
        %swap3A_725 = tpu.vector_load %arg8[%swap3A_723, %swap3A_724] {strides = array<i32>} : memref<128x64xf32, #tpu.memory_space<vmem>>, vector<16xf32>,
        tpu.vector_store %arg8[%swap3A_723, %swap3A_724], %unpack3A_714 {strides = array<i32>} : memref<128x64xf32, #tpu.memory_space<vmem>>, vector<16xf32>,
        %swap3A_726 = arith.index_cast %add3A_719 : i32 to index
        %swap3A_727 = arith.constant 32 : index
        %swap3A_728 = tpu.vector_load %arg8[%swap3A_726, %swap3A_727] {strides = array<i32>} : memref<128x64xf32, #tpu.memory_space<vmem>>, vector<16xf32>,
        tpu.vector_store %arg8[%swap3A_726, %swap3A_727], %unpack3A_713 {strides = array<i32>} : memref<128x64xf32, #tpu.memory_space<vmem>>, vector<16xf32>,
        %swap3A_729 = arith.index_cast %add3A_719 : i32 to index
        %swap3A_730 = arith.constant 48 : index
        %swap3A_731 = tpu.vector_load %arg8[%swap3A_729, %swap3A_730] {strides = array<i32>} : memref<128x64xf32, #tpu.memory_space<vmem>>, vector<16xf32>,
        tpu.vector_store %arg8[%swap3A_729, %swap3A_730], %unpack3A_715 {strides = array<i32>} : memref<128x64xf32, #tpu.memory_space<vmem>>, vector<16xf32>,
        %slice3A_732 = vector.extract_strided_slice %mul3A_103 {offsets = [5], sizes = [1], strides = [1]} : vector<16xi32> to vector<1xi32>
        %squeeze3A_733 = vector.extract %slice3A_732[0] : i32 from vector<1xi32>
        %get3A_734 = arith.index_cast %squeeze3A_733 : i32 to index
        %get3A_735 = tpu.vector_load %arg5[%get3A_734] {strides = array<i32>} : memref<32000xi32, #tpu.memory_space<vmem>>, vector<16xi32>,
        %bitcast3A_736 = vector.bitcast %get3A_735 : vector<16xi32> to vector<32xbf16>
        %add3A_737 = arith.constant 16 : i32
        %add3A_738 = arith.addi %squeeze3A_733, %add3A_737 : i32
        %get3A_739 = arith.index_cast %add3A_738 : i32 to index
        %get3A_740 = tpu.vector_load %arg5[%get3A_739] {strides = array<i32>} : memref<32000xi32, #tpu.memory_space<vmem>>, vector<16xi32>,
        %bitcast3A_741 = vector.bitcast %get3A_740 : vector<16xi32> to vector<32xbf16>
        %slice3A_742 = vector.extract_strided_slice %mul3A_112 {offsets = [5], sizes = [1], strides = [1]} : vector<16xi32> to vector<1xi32>
        %squeeze3A_743 = vector.extract %slice3A_742[0] : i32 from vector<1xi32>
        %get3A_744 = arith.index_cast %squeeze3A_743 : i32 to index
        %get3A_745 = tpu.vector_load %arg5[%get3A_744] {strides = array<i32>} : memref<32000xi32, #tpu.memory_space<vmem>>, vector<16xi32>,
        %bitcast3A_746 = vector.bitcast %get3A_745 : vector<16xi32> to vector<32xbf16>
        %add3A_747 = arith.constant 16 : i32
        %add3A_748 = arith.addi %squeeze3A_743, %add3A_747 : i32
        %get3A_749 = arith.index_cast %add3A_748 : i32 to index
        %get3A_750 = tpu.vector_load %arg5[%get3A_749] {strides = array<i32>} : memref<32000xi32, #tpu.memory_space<vmem>>, vector<16xi32>,
        %bitcast3A_751 = vector.bitcast %get3A_750 : vector<16xi32> to vector<32xbf16>
        %slice3A_752 = vector.extract_strided_slice %mul3A_121 {offsets = [5], sizes = [1], strides = [1]} : vector<16xi32> to vector<1xi32>
        %squeeze3A_753 = vector.extract %slice3A_752[0] : i32 from vector<1xi32>
        %get3A_754 = arith.index_cast %squeeze3A_753 : i32 to index
        %get3A_755 = tpu.vector_load %arg5[%get3A_754] {strides = array<i32>} : memref<32000xi32, #tpu.memory_space<vmem>>, vector<16xi32>,
        %bitcast3A_756 = vector.bitcast %get3A_755 : vector<16xi32> to vector<32xbf16>
        %add3A_757 = arith.constant 16 : i32
        %add3A_758 = arith.addi %squeeze3A_753, %add3A_757 : i32
        %get3A_759 = arith.index_cast %add3A_758 : i32 to index
        %get3A_760 = tpu.vector_load %arg5[%get3A_759] {strides = array<i32>} : memref<32000xi32, #tpu.memory_space<vmem>>, vector<16xi32>,
        %bitcast3A_761 = vector.bitcast %get3A_760 : vector<16xi32> to vector<32xbf16>
        %slice3A_762 = vector.extract_strided_slice %mul3A_130 {offsets = [5], sizes = [1], strides = [1]} : vector<16xi32> to vector<1xi32>
        %squeeze3A_763 = vector.extract %slice3A_762[0] : i32 from vector<1xi32>
        %get3A_764 = arith.index_cast %squeeze3A_763 : i32 to index
        %get3A_765 = tpu.vector_load %arg5[%get3A_764] {strides = array<i32>} : memref<32000xi32, #tpu.memory_space<vmem>>, vector<16xi32>,
        %bitcast3A_766 = vector.bitcast %get3A_765 : vector<16xi32> to vector<32xbf16>
        %add3A_767 = arith.constant 16 : i32
        %add3A_768 = arith.addi %squeeze3A_763, %add3A_767 : i32
        %get3A_769 = arith.index_cast %add3A_768 : i32 to index
        %get3A_770 = tpu.vector_load %arg5[%get3A_769] {strides = array<i32>} : memref<32000xi32, #tpu.memory_space<vmem>>, vector<16xi32>,
        %bitcast3A_771 = vector.bitcast %get3A_770 : vector<16xi32> to vector<32xbf16>
        %slice3A_772 = vector.extract_strided_slice %mul3A_139 {offsets = [5], sizes = [1], strides = [1]} : vector<16xi32> to vector<1xi32>
        %squeeze3A_773 = vector.extract %slice3A_772[0] : i32 from vector<1xi32>
        %get3A_774 = arith.index_cast %squeeze3A_773 : i32 to index
        %get3A_775 = tpu.vector_load %arg5[%get3A_774] {strides = array<i32>} : memref<32000xi32, #tpu.memory_space<vmem>>, vector<16xi32>,
        %bitcast3A_776 = vector.bitcast %get3A_775 : vector<16xi32> to vector<32xbf16>
        %add3A_777 = arith.constant 16 : i32
        %add3A_778 = arith.addi %squeeze3A_773, %add3A_777 : i32
        %get3A_779 = arith.index_cast %add3A_778 : i32 to index
        %get3A_780 = tpu.vector_load %arg5[%get3A_779] {strides = array<i32>} : memref<32000xi32, #tpu.memory_space<vmem>>, vector<16xi32>,
        %bitcast3A_781 = vector.bitcast %get3A_780 : vector<16xi32> to vector<32xbf16>
        %slice3A_782 = vector.extract_strided_slice %mul3A_148 {offsets = [5], sizes = [1], strides = [1]} : vector<16xi32> to vector<1xi32>
        %squeeze3A_783 = vector.extract %slice3A_782[0] : i32 from vector<1xi32>
        %get3A_784 = arith.index_cast %squeeze3A_783 : i32 to index
        %get3A_785 = tpu.vector_load %arg5[%get3A_784] {strides = array<i32>} : memref<32000xi32, #tpu.memory_space<vmem>>, vector<16xi32>,
        %bitcast3A_786 = vector.bitcast %get3A_785 : vector<16xi32> to vector<32xbf16>
        %add3A_787 = arith.constant 16 : i32
        %add3A_788 = arith.addi %squeeze3A_783, %add3A_787 : i32
        %get3A_789 = arith.index_cast %add3A_788 : i32 to index
        %get3A_790 = tpu.vector_load %arg5[%get3A_789] {strides = array<i32>} : memref<32000xi32, #tpu.memory_space<vmem>>, vector<16xi32>,
        %bitcast3A_791 = vector.bitcast %get3A_790 : vector<16xi32> to vector<32xbf16>
        %slice3A_792 = vector.extract_strided_slice %mul3A_157 {offsets = [5], sizes = [1], strides = [1]} : vector<16xi32> to vector<1xi32>
        %squeeze3A_793 = vector.extract %slice3A_792[0] : i32 from vector<1xi32>
        %get3A_794 = arith.index_cast %squeeze3A_793 : i32 to index
        %get3A_795 = tpu.vector_load %arg5[%get3A_794] {strides = array<i32>} : memref<32000xi32, #tpu.memory_space<vmem>>, vector<16xi32>,
        %bitcast3A_796 = vector.bitcast %get3A_795 : vector<16xi32> to vector<32xbf16>
        %add3A_797 = arith.constant 16 : i32
        %add3A_798 = arith.addi %squeeze3A_793, %add3A_797 : i32
        %get3A_799 = arith.index_cast %add3A_798 : i32 to index
        %get3A_800 = tpu.vector_load %arg5[%get3A_799] {strides = array<i32>} : memref<32000xi32, #tpu.memory_space<vmem>>, vector<16xi32>,
        %bitcast3A_801 = vector.bitcast %get3A_800 : vector<16xi32> to vector<32xbf16>
        %slice3A_802 = vector.extract_strided_slice %mul3A_166 {offsets = [5], sizes = [1], strides = [1]} : vector<16xi32> to vector<1xi32>
        %squeeze3A_803 = vector.extract %slice3A_802[0] : i32 from vector<1xi32>
        %get3A_804 = arith.index_cast %squeeze3A_803 : i32 to index
        %get3A_805 = tpu.vector_load %arg5[%get3A_804] {strides = array<i32>} : memref<32000xi32, #tpu.memory_space<vmem>>, vector<16xi32>,
        %bitcast3A_806 = vector.bitcast %get3A_805 : vector<16xi32> to vector<32xbf16>
        %add3A_807 = arith.constant 16 : i32
        %add3A_808 = arith.addi %squeeze3A_803, %add3A_807 : i32
        %get3A_809 = arith.index_cast %add3A_808 : i32 to index
        %get3A_810 = tpu.vector_load %arg5[%get3A_809] {strides = array<i32>} : memref<32000xi32, #tpu.memory_space<vmem>>, vector<16xi32>,
        %bitcast3A_811 = vector.bitcast %get3A_810 : vector<16xi32> to vector<32xbf16>
        %add3A_812 = arith.addf %bitcast3A_736, %bitcast3A_746 : vector<32xbf16>
        %add3A_813 = arith.addf %bitcast3A_756, %bitcast3A_766 : vector<32xbf16>
        %add3A_814 = arith.addf %add3A_812, %add3A_813 : vector<32xbf16>
        %add3A_815 = arith.addf %bitcast3A_776, %bitcast3A_786 : vector<32xbf16>
        %add3A_816 = arith.addf %bitcast3A_796, %bitcast3A_806 : vector<32xbf16>
        %add3A_817 = arith.addf %add3A_815, %add3A_816 : vector<32xbf16>
        %add3A_818 = arith.addf %add3A_814, %add3A_817 : vector<32xbf16>
        %add3A_819 = arith.addf %bitcast3A_741, %bitcast3A_751 : vector<32xbf16>
        %add3A_820 = arith.addf %bitcast3A_761, %bitcast3A_771 : vector<32xbf16>
        %add3A_821 = arith.addf %add3A_819, %add3A_820 : vector<32xbf16>
        %add3A_822 = arith.addf %bitcast3A_781, %bitcast3A_791 : vector<32xbf16>
        %add3A_823 = arith.addf %bitcast3A_801, %bitcast3A_811 : vector<32xbf16>
        %add3A_824 = arith.addf %add3A_822, %add3A_823 : vector<32xbf16>
        %add3A_825 = arith.addf %add3A_821, %add3A_824 : vector<32xbf16>
        %unpack3A_826 = tpu.unpack_subelements %add3A_818, 0 {pack_format = #tpu.pack_format<interleaved>} : vector<32xbf16> -> vector<16xf32>
        %unpack3A_827 = tpu.unpack_subelements %add3A_818, 1 {pack_format = #tpu.pack_format<interleaved>} : vector<32xbf16> -> vector<16xf32>
        %unpack3A_828 = tpu.unpack_subelements %add3A_825, 0 {pack_format = #tpu.pack_format<interleaved>} : vector<32xbf16> -> vector<16xf32>
        %unpack3A_829 = tpu.unpack_subelements %add3A_825, 1 {pack_format = #tpu.pack_format<interleaved>} : vector<32xbf16> -> vector<16xf32>
        %mul3A_830 = arith.constant 16 : i32
        %mul3A_831 = arith.muli %scan3A_95, %mul3A_830 : i32
        %add3A_832 = arith.constant 5 : i32
        %add3A_833 = arith.addi %mul3A_831, %add3A_832 : i32
        %swap3A_834 = arith.index_cast %add3A_833 : i32 to index
        %swap3A_835 = arith.constant 0 : index
        %swap3A_836 = tpu.vector_load %arg8[%swap3A_834, %swap3A_835] {strides = array<i32>} : memref<128x64xf32, #tpu.memory_space<vmem>>, vector<16xf32>,
        tpu.vector_store %arg8[%swap3A_834, %swap3A_835], %unpack3A_826 {strides = array<i32>} : memref<128x64xf32, #tpu.memory_space<vmem>>, vector<16xf32>,
        %swap3A_837 = arith.index_cast %add3A_833 : i32 to index
        %swap3A_838 = arith.constant 16 : index
        %swap3A_839 = tpu.vector_load %arg8[%swap3A_837, %swap3A_838] {strides = array<i32>} : memref<128x64xf32, #tpu.memory_space<vmem>>, vector<16xf32>,
        tpu.vector_store %arg8[%swap3A_837, %swap3A_838], %unpack3A_828 {strides = array<i32>} : memref<128x64xf32, #tpu.memory_space<vmem>>, vector<16xf32>,
        %swap3A_840 = arith.index_cast %add3A_833 : i32 to index
        %swap3A_841 = arith.constant 32 : index
        %swap3A_842 = tpu.vector_load %arg8[%swap3A_840, %swap3A_841] {strides = array<i32>} : memref<128x64xf32, #tpu.memory_space<vmem>>, vector<16xf32>,
        tpu.vector_store %arg8[%swap3A_840, %swap3A_841], %unpack3A_827 {strides = array<i32>} : memref<128x64xf32, #tpu.memory_space<vmem>>, vector<16xf32>,
        %swap3A_843 = arith.index_cast %add3A_833 : i32 to index
        %swap3A_844 = arith.constant 48 : index
        %swap3A_845 = tpu.vector_load %arg8[%swap3A_843, %swap3A_844] {strides = array<i32>} : memref<128x64xf32, #tpu.memory_space<vmem>>, vector<16xf32>,
        tpu.vector_store %arg8[%swap3A_843, %swap3A_844], %unpack3A_829 {strides = array<i32>} : memref<128x64xf32, #tpu.memory_space<vmem>>, vector<16xf32>,
        %slice3A_846 = vector.extract_strided_slice %mul3A_103 {offsets = [6], sizes = [1], strides = [1]} : vector<16xi32> to vector<1xi32>
        %squeeze3A_847 = vector.extract %slice3A_846[0] : i32 from vector<1xi32>
        %get3A_848 = arith.index_cast %squeeze3A_847 : i32 to index
        %get3A_849 = tpu.vector_load %arg5[%get3A_848] {strides = array<i32>} : memref<32000xi32, #tpu.memory_space<vmem>>, vector<16xi32>,
        %bitcast3A_850 = vector.bitcast %get3A_849 : vector<16xi32> to vector<32xbf16>
        %add3A_851 = arith.constant 16 : i32
        %add3A_852 = arith.addi %squeeze3A_847, %add3A_851 : i32
        %get3A_853 = arith.index_cast %add3A_852 : i32 to index
        %get3A_854 = tpu.vector_load %arg5[%get3A_853] {strides = array<i32>} : memref<32000xi32, #tpu.memory_space<vmem>>, vector<16xi32>,
        %bitcast3A_855 = vector.bitcast %get3A_854 : vector<16xi32> to vector<32xbf16>
        %slice3A_856 = vector.extract_strided_slice %mul3A_112 {offsets = [6], sizes = [1], strides = [1]} : vector<16xi32> to vector<1xi32>
        %squeeze3A_857 = vector.extract %slice3A_856[0] : i32 from vector<1xi32>
        %get3A_858 = arith.index_cast %squeeze3A_857 : i32 to index
        %get3A_859 = tpu.vector_load %arg5[%get3A_858] {strides = array<i32>} : memref<32000xi32, #tpu.memory_space<vmem>>, vector<16xi32>,
        %bitcast3A_860 = vector.bitcast %get3A_859 : vector<16xi32> to vector<32xbf16>
        %add3A_861 = arith.constant 16 : i32
        %add3A_862 = arith.addi %squeeze3A_857, %add3A_861 : i32
        %get3A_863 = arith.index_cast %add3A_862 : i32 to index
        %get3A_864 = tpu.vector_load %arg5[%get3A_863] {strides = array<i32>} : memref<32000xi32, #tpu.memory_space<vmem>>, vector<16xi32>,
        %bitcast3A_865 = vector.bitcast %get3A_864 : vector<16xi32> to vector<32xbf16>
        %slice3A_866 = vector.extract_strided_slice %mul3A_121 {offsets = [6], sizes = [1], strides = [1]} : vector<16xi32> to vector<1xi32>
        %squeeze3A_867 = vector.extract %slice3A_866[0] : i32 from vector<1xi32>
        %get3A_868 = arith.index_cast %squeeze3A_867 : i32 to index
        %get3A_869 = tpu.vector_load %arg5[%get3A_868] {strides = array<i32>} : memref<32000xi32, #tpu.memory_space<vmem>>, vector<16xi32>,
        %bitcast3A_870 = vector.bitcast %get3A_869 : vector<16xi32> to vector<32xbf16>
        %add3A_871 = arith.constant 16 : i32
        %add3A_872 = arith.addi %squeeze3A_867, %add3A_871 : i32
        %get3A_873 = arith.index_cast %add3A_872 : i32 to index
        %get3A_874 = tpu.vector_load %arg5[%get3A_873] {strides = array<i32>} : memref<32000xi32, #tpu.memory_space<vmem>>, vector<16xi32>,
        %bitcast3A_875 = vector.bitcast %get3A_874 : vector<16xi32> to vector<32xbf16>
        %slice3A_876 = vector.extract_strided_slice %mul3A_130 {offsets = [6], sizes = [1], strides = [1]} : vector<16xi32> to vector<1xi32>
        %squeeze3A_877 = vector.extract %slice3A_876[0] : i32 from vector<1xi32>
        %get3A_878 = arith.index_cast %squeeze3A_877 : i32 to index
        %get3A_879 = tpu.vector_load %arg5[%get3A_878] {strides = array<i32>} : memref<32000xi32, #tpu.memory_space<vmem>>, vector<16xi32>,
        %bitcast3A_880 = vector.bitcast %get3A_879 : vector<16xi32> to vector<32xbf16>
        %add3A_881 = arith.constant 16 : i32
        %add3A_882 = arith.addi %squeeze3A_877, %add3A_881 : i32
        %get3A_883 = arith.index_cast %add3A_882 : i32 to index
        %get3A_884 = tpu.vector_load %arg5[%get3A_883] {strides = array<i32>} : memref<32000xi32, #tpu.memory_space<vmem>>, vector<16xi32>,
        %bitcast3A_885 = vector.bitcast %get3A_884 : vector<16xi32> to vector<32xbf16>
        %slice3A_886 = vector.extract_strided_slice %mul3A_139 {offsets = [6], sizes = [1], strides = [1]} : vector<16xi32> to vector<1xi32>
        %squeeze3A_887 = vector.extract %slice3A_886[0] : i32 from vector<1xi32>
        %get3A_888 = arith.index_cast %squeeze3A_887 : i32 to index
        %get3A_889 = tpu.vector_load %arg5[%get3A_888] {strides = array<i32>} : memref<32000xi32, #tpu.memory_space<vmem>>, vector<16xi32>,
        %bitcast3A_890 = vector.bitcast %get3A_889 : vector<16xi32> to vector<32xbf16>
        %add3A_891 = arith.constant 16 : i32
        %add3A_892 = arith.addi %squeeze3A_887, %add3A_891 : i32
        %get3A_893 = arith.index_cast %add3A_892 : i32 to index
        %get3A_894 = tpu.vector_load %arg5[%get3A_893] {strides = array<i32>} : memref<32000xi32, #tpu.memory_space<vmem>>, vector<16xi32>,
        %bitcast3A_895 = vector.bitcast %get3A_894 : vector<16xi32> to vector<32xbf16>
        %slice3A_896 = vector.extract_strided_slice %mul3A_148 {offsets = [6], sizes = [1], strides = [1]} : vector<16xi32> to vector<1xi32>
        %squeeze3A_897 = vector.extract %slice3A_896[0] : i32 from vector<1xi32>
        %get3A_898 = arith.index_cast %squeeze3A_897 : i32 to index
        %get3A_899 = tpu.vector_load %arg5[%get3A_898] {strides = array<i32>} : memref<32000xi32, #tpu.memory_space<vmem>>, vector<16xi32>,
        %bitcast3A_900 = vector.bitcast %get3A_899 : vector<16xi32> to vector<32xbf16>
        %add3A_901 = arith.constant 16 : i32
        %add3A_902 = arith.addi %squeeze3A_897, %add3A_901 : i32
        %get3A_903 = arith.index_cast %add3A_902 : i32 to index
        %get3A_904 = tpu.vector_load %arg5[%get3A_903] {strides = array<i32>} : memref<32000xi32, #tpu.memory_space<vmem>>, vector<16xi32>,
        %bitcast3A_905 = vector.bitcast %get3A_904 : vector<16xi32> to vector<32xbf16>
        %slice3A_906 = vector.extract_strided_slice %mul3A_157 {offsets = [6], sizes = [1], strides = [1]} : vector<16xi32> to vector<1xi32>
        %squeeze3A_907 = vector.extract %slice3A_906[0] : i32 from vector<1xi32>
        %get3A_908 = arith.index_cast %squeeze3A_907 : i32 to index
        %get3A_909 = tpu.vector_load %arg5[%get3A_908] {strides = array<i32>} : memref<32000xi32, #tpu.memory_space<vmem>>, vector<16xi32>,
        %bitcast3A_910 = vector.bitcast %get3A_909 : vector<16xi32> to vector<32xbf16>
        %add3A_911 = arith.constant 16 : i32
        %add3A_912 = arith.addi %squeeze3A_907, %add3A_911 : i32
        %get3A_913 = arith.index_cast %add3A_912 : i32 to index
        %get3A_914 = tpu.vector_load %arg5[%get3A_913] {strides = array<i32>} : memref<32000xi32, #tpu.memory_space<vmem>>, vector<16xi32>,
        %bitcast3A_915 = vector.bitcast %get3A_914 : vector<16xi32> to vector<32xbf16>
        %slice3A_916 = vector.extract_strided_slice %mul3A_166 {offsets = [6], sizes = [1], strides = [1]} : vector<16xi32> to vector<1xi32>
        %squeeze3A_917 = vector.extract %slice3A_916[0] : i32 from vector<1xi32>
        %get3A_918 = arith.index_cast %squeeze3A_917 : i32 to index
        %get3A_919 = tpu.vector_load %arg5[%get3A_918] {strides = array<i32>} : memref<32000xi32, #tpu.memory_space<vmem>>, vector<16xi32>,
        %bitcast3A_920 = vector.bitcast %get3A_919 : vector<16xi32> to vector<32xbf16>
        %add3A_921 = arith.constant 16 : i32
        %add3A_922 = arith.addi %squeeze3A_917, %add3A_921 : i32
        %get3A_923 = arith.index_cast %add3A_922 : i32 to index
        %get3A_924 = tpu.vector_load %arg5[%get3A_923] {strides = array<i32>} : memref<32000xi32, #tpu.memory_space<vmem>>, vector<16xi32>,
        %bitcast3A_925 = vector.bitcast %get3A_924 : vector<16xi32> to vector<32xbf16>
        %add3A_926 = arith.addf %bitcast3A_850, %bitcast3A_860 : vector<32xbf16>
        %add3A_927 = arith.addf %bitcast3A_870, %bitcast3A_880 : vector<32xbf16>
        %add3A_928 = arith.addf %add3A_926, %add3A_927 : vector<32xbf16>
        %add3A_929 = arith.addf %bitcast3A_890, %bitcast3A_900 : vector<32xbf16>
        %add3A_930 = arith.addf %bitcast3A_910, %bitcast3A_920 : vector<32xbf16>
        %add3A_931 = arith.addf %add3A_929, %add3A_930 : vector<32xbf16>
        %add3A_932 = arith.addf %add3A_928, %add3A_931 : vector<32xbf16>
        %add3A_933 = arith.addf %bitcast3A_855, %bitcast3A_865 : vector<32xbf16>
        %add3A_934 = arith.addf %bitcast3A_875, %bitcast3A_885 : vector<32xbf16>
        %add3A_935 = arith.addf %add3A_933, %add3A_934 : vector<32xbf16>
        %add3A_936 = arith.addf %bitcast3A_895, %bitcast3A_905 : vector<32xbf16>
        %add3A_937 = arith.addf %bitcast3A_915, %bitcast3A_925 : vector<32xbf16>
        %add3A_938 = arith.addf %add3A_936, %add3A_937 : vector<32xbf16>
        %add3A_939 = arith.addf %add3A_935, %add3A_938 : vector<32xbf16>
        %unpack3A_940 = tpu.unpack_subelements %add3A_932, 0 {pack_format = #tpu.pack_format<interleaved>} : vector<32xbf16> -> vector<16xf32>
        %unpack3A_941 = tpu.unpack_subelements %add3A_932, 1 {pack_format = #tpu.pack_format<interleaved>} : vector<32xbf16> -> vector<16xf32>
        %unpack3A_942 = tpu.unpack_subelements %add3A_939, 0 {pack_format = #tpu.pack_format<interleaved>} : vector<32xbf16> -> vector<16xf32>
        %unpack3A_943 = tpu.unpack_subelements %add3A_939, 1 {pack_format = #tpu.pack_format<interleaved>} : vector<32xbf16> -> vector<16xf32>
        %mul3A_944 = arith.constant 16 : i32
        %mul3A_945 = arith.muli %scan3A_95, %mul3A_944 : i32
        %add3A_946 = arith.constant 6 : i32
        %add3A_947 = arith.addi %mul3A_945, %add3A_946 : i32
        %swap3A_948 = arith.index_cast %add3A_947 : i32 to index
        %swap3A_949 = arith.constant 0 : index
        %swap3A_950 = tpu.vector_load %arg8[%swap3A_948, %swap3A_949] {strides = array<i32>} : memref<128x64xf32, #tpu.memory_space<vmem>>, vector<16xf32>,
        tpu.vector_store %arg8[%swap3A_948, %swap3A_949], %unpack3A_940 {strides = array<i32>} : memref<128x64xf32, #tpu.memory_space<vmem>>, vector<16xf32>,
        %swap3A_951 = arith.index_cast %add3A_947 : i32 to index
        %swap3A_952 = arith.constant 16 : index
        %swap3A_953 = tpu.vector_load %arg8[%swap3A_951, %swap3A_952] {strides = array<i32>} : memref<128x64xf32, #tpu.memory_space<vmem>>, vector<16xf32>,
        tpu.vector_store %arg8[%swap3A_951, %swap3A_952], %unpack3A_942 {strides = array<i32>} : memref<128x64xf32, #tpu.memory_space<vmem>>, vector<16xf32>,
        %swap3A_954 = arith.index_cast %add3A_947 : i32 to index
        %swap3A_955 = arith.constant 32 : index
        %swap3A_956 = tpu.vector_load %arg8[%swap3A_954, %swap3A_955] {strides = array<i32>} : memref<128x64xf32, #tpu.memory_space<vmem>>, vector<16xf32>,
        tpu.vector_store %arg8[%swap3A_954, %swap3A_955], %unpack3A_941 {strides = array<i32>} : memref<128x64xf32, #tpu.memory_space<vmem>>, vector<16xf32>,
        %swap3A_957 = arith.index_cast %add3A_947 : i32 to index
        %swap3A_958 = arith.constant 48 : index
        %swap3A_959 = tpu.vector_load %arg8[%swap3A_957, %swap3A_958] {strides = array<i32>} : memref<128x64xf32, #tpu.memory_space<vmem>>, vector<16xf32>,
        tpu.vector_store %arg8[%swap3A_957, %swap3A_958], %unpack3A_943 {strides = array<i32>} : memref<128x64xf32, #tpu.memory_space<vmem>>, vector<16xf32>,
        %slice3A_960 = vector.extract_strided_slice %mul3A_103 {offsets = [7], sizes = [1], strides = [1]} : vector<16xi32> to vector<1xi32>
        %squeeze3A_961 = vector.extract %slice3A_960[0] : i32 from vector<1xi32>
        %get3A_962 = arith.index_cast %squeeze3A_961 : i32 to index
        %get3A_963 = tpu.vector_load %arg5[%get3A_962] {strides = array<i32>} : memref<32000xi32, #tpu.memory_space<vmem>>, vector<16xi32>,
        %bitcast3A_964 = vector.bitcast %get3A_963 : vector<16xi32> to vector<32xbf16>
        %add3A_965 = arith.constant 16 : i32
        %add3A_966 = arith.addi %squeeze3A_961, %add3A_965 : i32
        %get3A_967 = arith.index_cast %add3A_966 : i32 to index
        %get3A_968 = tpu.vector_load %arg5[%get3A_967] {strides = array<i32>} : memref<32000xi32, #tpu.memory_space<vmem>>, vector<16xi32>,
        %bitcast3A_969 = vector.bitcast %get3A_968 : vector<16xi32> to vector<32xbf16>
        %slice3A_970 = vector.extract_strided_slice %mul3A_112 {offsets = [7], sizes = [1], strides = [1]} : vector<16xi32> to vector<1xi32>
        %squeeze3A_971 = vector.extract %slice3A_970[0] : i32 from vector<1xi32>
        %get3A_972 = arith.index_cast %squeeze3A_971 : i32 to index
        %get3A_973 = tpu.vector_load %arg5[%get3A_972] {strides = array<i32>} : memref<32000xi32, #tpu.memory_space<vmem>>, vector<16xi32>,
        %bitcast3A_974 = vector.bitcast %get3A_973 : vector<16xi32> to vector<32xbf16>
        %add3A_975 = arith.constant 16 : i32
        %add3A_976 = arith.addi %squeeze3A_971, %add3A_975 : i32
        %get3A_977 = arith.index_cast %add3A_976 : i32 to index
        %get3A_978 = tpu.vector_load %arg5[%get3A_977] {strides = array<i32>} : memref<32000xi32, #tpu.memory_space<vmem>>, vector<16xi32>,
        %bitcast3A_979 = vector.bitcast %get3A_978 : vector<16xi32> to vector<32xbf16>
        %slice3A_980 = vector.extract_strided_slice %mul3A_121 {offsets = [7], sizes = [1], strides = [1]} : vector<16xi32> to vector<1xi32>
        %squeeze3A_981 = vector.extract %slice3A_980[0] : i32 from vector<1xi32>
        %get3A_982 = arith.index_cast %squeeze3A_981 : i32 to index
        %get3A_983 = tpu.vector_load %arg5[%get3A_982] {strides = array<i32>} : memref<32000xi32, #tpu.memory_space<vmem>>, vector<16xi32>,
        %bitcast3A_984 = vector.bitcast %get3A_983 : vector<16xi32> to vector<32xbf16>
        %add3A_985 = arith.constant 16 : i32
        %add3A_986 = arith.addi %squeeze3A_981, %add3A_985 : i32
        %get3A_987 = arith.index_cast %add3A_986 : i32 to index
        %get3A_988 = tpu.vector_load %arg5[%get3A_987] {strides = array<i32>} : memref<32000xi32, #tpu.memory_space<vmem>>, vector<16xi32>,
        %bitcast3A_989 = vector.bitcast %get3A_988 : vector<16xi32> to vector<32xbf16>
        %slice3A_990 = vector.extract_strided_slice %mul3A_130 {offsets = [7], sizes = [1], strides = [1]} : vector<16xi32> to vector<1xi32>
        %squeeze3A_991 = vector.extract %slice3A_990[0] : i32 from vector<1xi32>
        %get3A_992 = arith.index_cast %squeeze3A_991 : i32 to index
        %get3A_993 = tpu.vector_load %arg5[%get3A_992] {strides = array<i32>} : memref<32000xi32, #tpu.memory_space<vmem>>, vector<16xi32>,
        %bitcast3A_994 = vector.bitcast %get3A_993 : vector<16xi32> to vector<32xbf16>
        %add3A_995 = arith.constant 16 : i32
        %add3A_996 = arith.addi %squeeze3A_991, %add3A_995 : i32
        %get3A_997 = arith.index_cast %add3A_996 : i32 to index
        %get3A_998 = tpu.vector_load %arg5[%get3A_997] {strides = array<i32>} : memref<32000xi32, #tpu.memory_space<vmem>>, vector<16xi32>,
        %bitcast3A_999 = vector.bitcast %get3A_998 : vector<16xi32> to vector<32xbf16>
        %slice3A_1000 = vector.extract_strided_slice %mul3A_139 {offsets = [7], sizes = [1], strides = [1]} : vector<16xi32> to vector<1xi32>
        %squeeze3A_1001 = vector.extract %slice3A_1000[0] : i32 from vector<1xi32>
        %get3A_1002 = arith.index_cast %squeeze3A_1001 : i32 to index
        %get3A_1003 = tpu.vector_load %arg5[%get3A_1002] {strides = array<i32>} : memref<32000xi32, #tpu.memory_space<vmem>>, vector<16xi32>,
        %bitcast3A_1004 = vector.bitcast %get3A_1003 : vector<16xi32> to vector<32xbf16>
        %add3A_1005 = arith.constant 16 : i32
        %add3A_1006 = arith.addi %squeeze3A_1001, %add3A_1005 : i32
        %get3A_1007 = arith.index_cast %add3A_1006 : i32 to index
        %get3A_1008 = tpu.vector_load %arg5[%get3A_1007] {strides = array<i32>} : memref<32000xi32, #tpu.memory_space<vmem>>, vector<16xi32>,
        %bitcast3A_1009 = vector.bitcast %get3A_1008 : vector<16xi32> to vector<32xbf16>
        %slice3A_1010 = vector.extract_strided_slice %mul3A_148 {offsets = [7], sizes = [1], strides = [1]} : vector<16xi32> to vector<1xi32>
        %squeeze3A_1011 = vector.extract %slice3A_1010[0] : i32 from vector<1xi32>
        %get3A_1012 = arith.index_cast %squeeze3A_1011 : i32 to index
        %get3A_1013 = tpu.vector_load %arg5[%get3A_1012] {strides = array<i32>} : memref<32000xi32, #tpu.memory_space<vmem>>, vector<16xi32>,
        %bitcast3A_1014 = vector.bitcast %get3A_1013 : vector<16xi32> to vector<32xbf16>
        %add3A_1015 = arith.constant 16 : i32
        %add3A_1016 = arith.addi %squeeze3A_1011, %add3A_1015 : i32
        %get3A_1017 = arith.index_cast %add3A_1016 : i32 to index
        %get3A_1018 = tpu.vector_load %arg5[%get3A_1017] {strides = array<i32>} : memref<32000xi32, #tpu.memory_space<vmem>>, vector<16xi32>,
        %bitcast3A_1019 = vector.bitcast %get3A_1018 : vector<16xi32> to vector<32xbf16>
        %slice3A_1020 = vector.extract_strided_slice %mul3A_157 {offsets = [7], sizes = [1], strides = [1]} : vector<16xi32> to vector<1xi32>
        %squeeze3A_1021 = vector.extract %slice3A_1020[0] : i32 from vector<1xi32>
        %get3A_1022 = arith.index_cast %squeeze3A_1021 : i32 to index
        %get3A_1023 = tpu.vector_load %arg5[%get3A_1022] {strides = array<i32>} : memref<32000xi32, #tpu.memory_space<vmem>>, vector<16xi32>,
        %bitcast3A_1024 = vector.bitcast %get3A_1023 : vector<16xi32> to vector<32xbf16>
        %add3A_1025 = arith.constant 16 : i32
        %add3A_1026 = arith.addi %squeeze3A_1021, %add3A_1025 : i32
        %get3A_1027 = arith.index_cast %add3A_1026 : i32 to index
        %get3A_1028 = tpu.vector_load %arg5[%get3A_1027] {strides = array<i32>} : memref<32000xi32, #tpu.memory_space<vmem>>, vector<16xi32>,
        %bitcast3A_1029 = vector.bitcast %get3A_1028 : vector<16xi32> to vector<32xbf16>
        %slice3A_1030 = vector.extract_strided_slice %mul3A_166 {offsets = [7], sizes = [1], strides = [1]} : vector<16xi32> to vector<1xi32>
        %squeeze3A_1031 = vector.extract %slice3A_1030[0] : i32 from vector<1xi32>
        %get3A_1032 = arith.index_cast %squeeze3A_1031 : i32 to index
        %get3A_1033 = tpu.vector_load %arg5[%get3A_1032] {strides = array<i32>} : memref<32000xi32, #tpu.memory_space<vmem>>, vector<16xi32>,
        %bitcast3A_1034 = vector.bitcast %get3A_1033 : vector<16xi32> to vector<32xbf16>
        %add3A_1035 = arith.constant 16 : i32
        %add3A_1036 = arith.addi %squeeze3A_1031, %add3A_1035 : i32
        %get3A_1037 = arith.index_cast %add3A_1036 : i32 to index
        %get3A_1038 = tpu.vector_load %arg5[%get3A_1037] {strides = array<i32>} : memref<32000xi32, #tpu.memory_space<vmem>>, vector<16xi32>,
        %bitcast3A_1039 = vector.bitcast %get3A_1038 : vector<16xi32> to vector<32xbf16>
        %add3A_1040 = arith.addf %bitcast3A_964, %bitcast3A_974 : vector<32xbf16>
        %add3A_1041 = arith.addf %bitcast3A_984, %bitcast3A_994 : vector<32xbf16>
        %add3A_1042 = arith.addf %add3A_1040, %add3A_1041 : vector<32xbf16>
        %add3A_1043 = arith.addf %bitcast3A_1004, %bitcast3A_1014 : vector<32xbf16>
        %add3A_1044 = arith.addf %bitcast3A_1024, %bitcast3A_1034 : vector<32xbf16>
        %add3A_1045 = arith.addf %add3A_1043, %add3A_1044 : vector<32xbf16>
        %add3A_1046 = arith.addf %add3A_1042, %add3A_1045 : vector<32xbf16>
        %add3A_1047 = arith.addf %bitcast3A_969, %bitcast3A_979 : vector<32xbf16>
        %add3A_1048 = arith.addf %bitcast3A_989, %bitcast3A_999 : vector<32xbf16>
        %add3A_1049 = arith.addf %add3A_1047, %add3A_1048 : vector<32xbf16>
        %add3A_1050 = arith.addf %bitcast3A_1009, %bitcast3A_1019 : vector<32xbf16>
        %add3A_1051 = arith.addf %bitcast3A_1029, %bitcast3A_1039 : vector<32xbf16>
        %add3A_1052 = arith.addf %add3A_1050, %add3A_1051 : vector<32xbf16>
        %add3A_1053 = arith.addf %add3A_1049, %add3A_1052 : vector<32xbf16>
        %unpack3A_1054 = tpu.unpack_subelements %add3A_1046, 0 {pack_format = #tpu.pack_format<interleaved>} : vector<32xbf16> -> vector<16xf32>
        %unpack3A_1055 = tpu.unpack_subelements %add3A_1046, 1 {pack_format = #tpu.pack_format<interleaved>} : vector<32xbf16> -> vector<16xf32>
        %unpack3A_1056 = tpu.unpack_subelements %add3A_1053, 0 {pack_format = #tpu.pack_format<interleaved>} : vector<32xbf16> -> vector<16xf32>
        %unpack3A_1057 = tpu.unpack_subelements %add3A_1053, 1 {pack_format = #tpu.pack_format<interleaved>} : vector<32xbf16> -> vector<16xf32>
        %mul3A_1058 = arith.constant 16 : i32
        %mul3A_1059 = arith.muli %scan3A_95, %mul3A_1058 : i32
        %add3A_1060 = arith.constant 7 : i32
        %add3A_1061 = arith.addi %mul3A_1059, %add3A_1060 : i32
        %swap3A_1062 = arith.index_cast %add3A_1061 : i32 to index
        %swap3A_1063 = arith.constant 0 : index
        %swap3A_1064 = tpu.vector_load %arg8[%swap3A_1062, %swap3A_1063] {strides = array<i32>} : memref<128x64xf32, #tpu.memory_space<vmem>>, vector<16xf32>,
        tpu.vector_store %arg8[%swap3A_1062, %swap3A_1063], %unpack3A_1054 {strides = array<i32>} : memref<128x64xf32, #tpu.memory_space<vmem>>, vector<16xf32>,
        %swap3A_1065 = arith.index_cast %add3A_1061 : i32 to index
        %swap3A_1066 = arith.constant 16 : index
        %swap3A_1067 = tpu.vector_load %arg8[%swap3A_1065, %swap3A_1066] {strides = array<i32>} : memref<128x64xf32, #tpu.memory_space<vmem>>, vector<16xf32>,
        tpu.vector_store %arg8[%swap3A_1065, %swap3A_1066], %unpack3A_1056 {strides = array<i32>} : memref<128x64xf32, #tpu.memory_space<vmem>>, vector<16xf32>,
        %swap3A_1068 = arith.index_cast %add3A_1061 : i32 to index
        %swap3A_1069 = arith.constant 32 : index
        %swap3A_1070 = tpu.vector_load %arg8[%swap3A_1068, %swap3A_1069] {strides = array<i32>} : memref<128x64xf32, #tpu.memory_space<vmem>>, vector<16xf32>,
        tpu.vector_store %arg8[%swap3A_1068, %swap3A_1069], %unpack3A_1055 {strides = array<i32>} : memref<128x64xf32, #tpu.memory_space<vmem>>, vector<16xf32>,
        %swap3A_1071 = arith.index_cast %add3A_1061 : i32 to index
        %swap3A_1072 = arith.constant 48 : index
        %swap3A_1073 = tpu.vector_load %arg8[%swap3A_1071, %swap3A_1072] {strides = array<i32>} : memref<128x64xf32, #tpu.memory_space<vmem>>, vector<16xf32>,
        tpu.vector_store %arg8[%swap3A_1071, %swap3A_1072], %unpack3A_1057 {strides = array<i32>} : memref<128x64xf32, #tpu.memory_space<vmem>>, vector<16xf32>,
        %slice3A_1074 = vector.extract_strided_slice %mul3A_103 {offsets = [8], sizes = [1], strides = [1]} : vector<16xi32> to vector<1xi32>
        %squeeze3A_1075 = vector.extract %slice3A_1074[0] : i32 from vector<1xi32>
        %get3A_1076 = arith.index_cast %squeeze3A_1075 : i32 to index
        %get3A_1077 = tpu.vector_load %arg5[%get3A_1076] {strides = array<i32>} : memref<32000xi32, #tpu.memory_space<vmem>>, vector<16xi32>,
        %bitcast3A_1078 = vector.bitcast %get3A_1077 : vector<16xi32> to vector<32xbf16>
        %add3A_1079 = arith.constant 16 : i32
        %add3A_1080 = arith.addi %squeeze3A_1075, %add3A_1079 : i32
        %get3A_1081 = arith.index_cast %add3A_1080 : i32 to index
        %get3A_1082 = tpu.vector_load %arg5[%get3A_1081] {strides = array<i32>} : memref<32000xi32, #tpu.memory_space<vmem>>, vector<16xi32>,
        %bitcast3A_1083 = vector.bitcast %get3A_1082 : vector<16xi32> to vector<32xbf16>
        %slice3A_1084 = vector.extract_strided_slice %mul3A_112 {offsets = [8], sizes = [1], strides = [1]} : vector<16xi32> to vector<1xi32>
        %squeeze3A_1085 = vector.extract %slice3A_1084[0] : i32 from vector<1xi32>
        %get3A_1086 = arith.index_cast %squeeze3A_1085 : i32 to index
        %get3A_1087 = tpu.vector_load %arg5[%get3A_1086] {strides = array<i32>} : memref<32000xi32, #tpu.memory_space<vmem>>, vector<16xi32>,
        %bitcast3A_1088 = vector.bitcast %get3A_1087 : vector<16xi32> to vector<32xbf16>
        %add3A_1089 = arith.constant 16 : i32
        %add3A_1090 = arith.addi %squeeze3A_1085, %add3A_1089 : i32
        %get3A_1091 = arith.index_cast %add3A_1090 : i32 to index
        %get3A_1092 = tpu.vector_load %arg5[%get3A_1091] {strides = array<i32>} : memref<32000xi32, #tpu.memory_space<vmem>>, vector<16xi32>,
        %bitcast3A_1093 = vector.bitcast %get3A_1092 : vector<16xi32> to vector<32xbf16>
        %slice3A_1094 = vector.extract_strided_slice %mul3A_121 {offsets = [8], sizes = [1], strides = [1]} : vector<16xi32> to vector<1xi32>
        %squeeze3A_1095 = vector.extract %slice3A_1094[0] : i32 from vector<1xi32>
        %get3A_1096 = arith.index_cast %squeeze3A_1095 : i32 to index
        %get3A_1097 = tpu.vector_load %arg5[%get3A_1096] {strides = array<i32>} : memref<32000xi32, #tpu.memory_space<vmem>>, vector<16xi32>,
        %bitcast3A_1098 = vector.bitcast %get3A_1097 : vector<16xi32> to vector<32xbf16>
        %add3A_1099 = arith.constant 16 : i32
        %add3A_1100 = arith.addi %squeeze3A_1095, %add3A_1099 : i32
        %get3A_1101 = arith.index_cast %add3A_1100 : i32 to index
        %get3A_1102 = tpu.vector_load %arg5[%get3A_1101] {strides = array<i32>} : memref<32000xi32, #tpu.memory_space<vmem>>, vector<16xi32>,
        %bitcast3A_1103 = vector.bitcast %get3A_1102 : vector<16xi32> to vector<32xbf16>
        %slice3A_1104 = vector.extract_strided_slice %mul3A_130 {offsets = [8], sizes = [1], strides = [1]} : vector<16xi32> to vector<1xi32>
        %squeeze3A_1105 = vector.extract %slice3A_1104[0] : i32 from vector<1xi32>
        %get3A_1106 = arith.index_cast %squeeze3A_1105 : i32 to index
        %get3A_1107 = tpu.vector_load %arg5[%get3A_1106] {strides = array<i32>} : memref<32000xi32, #tpu.memory_space<vmem>>, vector<16xi32>,
        %bitcast3A_1108 = vector.bitcast %get3A_1107 : vector<16xi32> to vector<32xbf16>
        %add3A_1109 = arith.constant 16 : i32
        %add3A_1110 = arith.addi %squeeze3A_1105, %add3A_1109 : i32
        %get3A_1111 = arith.index_cast %add3A_1110 : i32 to index
        %get3A_1112 = tpu.vector_load %arg5[%get3A_1111] {strides = array<i32>} : memref<32000xi32, #tpu.memory_space<vmem>>, vector<16xi32>,
        %bitcast3A_1113 = vector.bitcast %get3A_1112 : vector<16xi32> to vector<32xbf16>
        %slice3A_1114 = vector.extract_strided_slice %mul3A_139 {offsets = [8], sizes = [1], strides = [1]} : vector<16xi32> to vector<1xi32>
        %squeeze3A_1115 = vector.extract %slice3A_1114[0] : i32 from vector<1xi32>
        %get3A_1116 = arith.index_cast %squeeze3A_1115 : i32 to index
        %get3A_1117 = tpu.vector_load %arg5[%get3A_1116] {strides = array<i32>} : memref<32000xi32, #tpu.memory_space<vmem>>, vector<16xi32>,
        %bitcast3A_1118 = vector.bitcast %get3A_1117 : vector<16xi32> to vector<32xbf16>
        %add3A_1119 = arith.constant 16 : i32
        %add3A_1120 = arith.addi %squeeze3A_1115, %add3A_1119 : i32
        %get3A_1121 = arith.index_cast %add3A_1120 : i32 to index
        %get3A_1122 = tpu.vector_load %arg5[%get3A_1121] {strides = array<i32>} : memref<32000xi32, #tpu.memory_space<vmem>>, vector<16xi32>,
        %bitcast3A_1123 = vector.bitcast %get3A_1122 : vector<16xi32> to vector<32xbf16>
        %slice3A_1124 = vector.extract_strided_slice %mul3A_148 {offsets = [8], sizes = [1], strides = [1]} : vector<16xi32> to vector<1xi32>
        %squeeze3A_1125 = vector.extract %slice3A_1124[0] : i32 from vector<1xi32>
        %get3A_1126 = arith.index_cast %squeeze3A_1125 : i32 to index
        %get3A_1127 = tpu.vector_load %arg5[%get3A_1126] {strides = array<i32>} : memref<32000xi32, #tpu.memory_space<vmem>>, vector<16xi32>,
        %bitcast3A_1128 = vector.bitcast %get3A_1127 : vector<16xi32> to vector<32xbf16>
        %add3A_1129 = arith.constant 16 : i32
        %add3A_1130 = arith.addi %squeeze3A_1125, %add3A_1129 : i32
        %get3A_1131 = arith.index_cast %add3A_1130 : i32 to index
        %get3A_1132 = tpu.vector_load %arg5[%get3A_1131] {strides = array<i32>} : memref<32000xi32, #tpu.memory_space<vmem>>, vector<16xi32>,
        %bitcast3A_1133 = vector.bitcast %get3A_1132 : vector<16xi32> to vector<32xbf16>
        %slice3A_1134 = vector.extract_strided_slice %mul3A_157 {offsets = [8], sizes = [1], strides = [1]} : vector<16xi32> to vector<1xi32>
        %squeeze3A_1135 = vector.extract %slice3A_1134[0] : i32 from vector<1xi32>
        %get3A_1136 = arith.index_cast %squeeze3A_1135 : i32 to index
        %get3A_1137 = tpu.vector_load %arg5[%get3A_1136] {strides = array<i32>} : memref<32000xi32, #tpu.memory_space<vmem>>, vector<16xi32>,
        %bitcast3A_1138 = vector.bitcast %get3A_1137 : vector<16xi32> to vector<32xbf16>
        %add3A_1139 = arith.constant 16 : i32
        %add3A_1140 = arith.addi %squeeze3A_1135, %add3A_1139 : i32
        %get3A_1141 = arith.index_cast %add3A_1140 : i32 to index
        %get3A_1142 = tpu.vector_load %arg5[%get3A_1141] {strides = array<i32>} : memref<32000xi32, #tpu.memory_space<vmem>>, vector<16xi32>,
        %bitcast3A_1143 = vector.bitcast %get3A_1142 : vector<16xi32> to vector<32xbf16>
        %slice3A_1144 = vector.extract_strided_slice %mul3A_166 {offsets = [8], sizes = [1], strides = [1]} : vector<16xi32> to vector<1xi32>
        %squeeze3A_1145 = vector.extract %slice3A_1144[0] : i32 from vector<1xi32>
        %get3A_1146 = arith.index_cast %squeeze3A_1145 : i32 to index
        %get3A_1147 = tpu.vector_load %arg5[%get3A_1146] {strides = array<i32>} : memref<32000xi32, #tpu.memory_space<vmem>>, vector<16xi32>,
        %bitcast3A_1148 = vector.bitcast %get3A_1147 : vector<16xi32> to vector<32xbf16>
        %add3A_1149 = arith.constant 16 : i32
        %add3A_1150 = arith.addi %squeeze3A_1145, %add3A_1149 : i32
        %get3A_1151 = arith.index_cast %add3A_1150 : i32 to index
        %get3A_1152 = tpu.vector_load %arg5[%get3A_1151] {strides = array<i32>} : memref<32000xi32, #tpu.memory_space<vmem>>, vector<16xi32>,
        %bitcast3A_1153 = vector.bitcast %get3A_1152 : vector<16xi32> to vector<32xbf16>
        %add3A_1154 = arith.addf %bitcast3A_1078, %bitcast3A_1088 : vector<32xbf16>
        %add3A_1155 = arith.addf %bitcast3A_1098, %bitcast3A_1108 : vector<32xbf16>
        %add3A_1156 = arith.addf %add3A_1154, %add3A_1155 : vector<32xbf16>
        %add3A_1157 = arith.addf %bitcast3A_1118, %bitcast3A_1128 : vector<32xbf16>
        %add3A_1158 = arith.addf %bitcast3A_1138, %bitcast3A_1148 : vector<32xbf16>
        %add3A_1159 = arith.addf %add3A_1157, %add3A_1158 : vector<32xbf16>
        %add3A_1160 = arith.addf %add3A_1156, %add3A_1159 : vector<32xbf16>
        %add3A_1161 = arith.addf %bitcast3A_1083, %bitcast3A_1093 : vector<32xbf16>
        %add3A_1162 = arith.addf %bitcast3A_1103, %bitcast3A_1113 : vector<32xbf16>
        %add3A_1163 = arith.addf %add3A_1161, %add3A_1162 : vector<32xbf16>
        %add3A_1164 = arith.addf %bitcast3A_1123, %bitcast3A_1133 : vector<32xbf16>
        %add3A_1165 = arith.addf %bitcast3A_1143, %bitcast3A_1153 : vector<32xbf16>
        %add3A_1166 = arith.addf %add3A_1164, %add3A_1165 : vector<32xbf16>
        %add3A_1167 = arith.addf %add3A_1163, %add3A_1166 : vector<32xbf16>
        %unpack3A_1168 = tpu.unpack_subelements %add3A_1160, 0 {pack_format = #tpu.pack_format<interleaved>} : vector<32xbf16> -> vector<16xf32>
        %unpack3A_1169 = tpu.unpack_subelements %add3A_1160, 1 {pack_format = #tpu.pack_format<interleaved>} : vector<32xbf16> -> vector<16xf32>
        %unpack3A_1170 = tpu.unpack_subelements %add3A_1167, 0 {pack_format = #tpu.pack_format<interleaved>} : vector<32xbf16> -> vector<16xf32>
        %unpack3A_1171 = tpu.unpack_subelements %add3A_1167, 1 {pack_format = #tpu.pack_format<interleaved>} : vector<32xbf16> -> vector<16xf32>
        %mul3A_1172 = arith.constant 16 : i32
        %mul3A_1173 = arith.muli %scan3A_95, %mul3A_1172 : i32
        %add3A_1174 = arith.constant 8 : i32
        %add3A_1175 = arith.addi %mul3A_1173, %add3A_1174 : i32
        %swap3A_1176 = arith.index_cast %add3A_1175 : i32 to index
        %swap3A_1177 = arith.constant 0 : index
        %swap3A_1178 = tpu.vector_load %arg8[%swap3A_1176, %swap3A_1177] {strides = array<i32>} : memref<128x64xf32, #tpu.memory_space<vmem>>, vector<16xf32>,
        tpu.vector_store %arg8[%swap3A_1176, %swap3A_1177], %unpack3A_1168 {strides = array<i32>} : memref<128x64xf32, #tpu.memory_space<vmem>>, vector<16xf32>,
        %swap3A_1179 = arith.index_cast %add3A_1175 : i32 to index
        %swap3A_1180 = arith.constant 16 : index
        %swap3A_1181 = tpu.vector_load %arg8[%swap3A_1179, %swap3A_1180] {strides = array<i32>} : memref<128x64xf32, #tpu.memory_space<vmem>>, vector<16xf32>,
        tpu.vector_store %arg8[%swap3A_1179, %swap3A_1180], %unpack3A_1170 {strides = array<i32>} : memref<128x64xf32, #tpu.memory_space<vmem>>, vector<16xf32>,
        %swap3A_1182 = arith.index_cast %add3A_1175 : i32 to index
        %swap3A_1183 = arith.constant 32 : index
        %swap3A_1184 = tpu.vector_load %arg8[%swap3A_1182, %swap3A_1183] {strides = array<i32>} : memref<128x64xf32, #tpu.memory_space<vmem>>, vector<16xf32>,
        tpu.vector_store %arg8[%swap3A_1182, %swap3A_1183], %unpack3A_1169 {strides = array<i32>} : memref<128x64xf32, #tpu.memory_space<vmem>>, vector<16xf32>,
        %swap3A_1185 = arith.index_cast %add3A_1175 : i32 to index
        %swap3A_1186 = arith.constant 48 : index
        %swap3A_1187 = tpu.vector_load %arg8[%swap3A_1185, %swap3A_1186] {strides = array<i32>} : memref<128x64xf32, #tpu.memory_space<vmem>>, vector<16xf32>,
        tpu.vector_store %arg8[%swap3A_1185, %swap3A_1186], %unpack3A_1171 {strides = array<i32>} : memref<128x64xf32, #tpu.memory_space<vmem>>, vector<16xf32>,
        %slice3A_1188 = vector.extract_strided_slice %mul3A_103 {offsets = [9], sizes = [1], strides = [1]} : vector<16xi32> to vector<1xi32>
        %squeeze3A_1189 = vector.extract %slice3A_1188[0] : i32 from vector<1xi32>
        %get3A_1190 = arith.index_cast %squeeze3A_1189 : i32 to index
        %get3A_1191 = tpu.vector_load %arg5[%get3A_1190] {strides = array<i32>} : memref<32000xi32, #tpu.memory_space<vmem>>, vector<16xi32>,
        %bitcast3A_1192 = vector.bitcast %get3A_1191 : vector<16xi32> to vector<32xbf16>
        %add3A_1193 = arith.constant 16 : i32
        %add3A_1194 = arith.addi %squeeze3A_1189, %add3A_1193 : i32
        %get3A_1195 = arith.index_cast %add3A_1194 : i32 to index
        %get3A_1196 = tpu.vector_load %arg5[%get3A_1195] {strides = array<i32>} : memref<32000xi32, #tpu.memory_space<vmem>>, vector<16xi32>,
        %bitcast3A_1197 = vector.bitcast %get3A_1196 : vector<16xi32> to vector<32xbf16>
        %slice3A_1198 = vector.extract_strided_slice %mul3A_112 {offsets = [9], sizes = [1], strides = [1]} : vector<16xi32> to vector<1xi32>
        %squeeze3A_1199 = vector.extract %slice3A_1198[0] : i32 from vector<1xi32>
        %get3A_1200 = arith.index_cast %squeeze3A_1199 : i32 to index
        %get3A_1201 = tpu.vector_load %arg5[%get3A_1200] {strides = array<i32>} : memref<32000xi32, #tpu.memory_space<vmem>>, vector<16xi32>,
        %bitcast3A_1202 = vector.bitcast %get3A_1201 : vector<16xi32> to vector<32xbf16>
        %add3A_1203 = arith.constant 16 : i32
        %add3A_1204 = arith.addi %squeeze3A_1199, %add3A_1203 : i32
        %get3A_1205 = arith.index_cast %add3A_1204 : i32 to index
        %get3A_1206 = tpu.vector_load %arg5[%get3A_1205] {strides = array<i32>} : memref<32000xi32, #tpu.memory_space<vmem>>, vector<16xi32>,
        %bitcast3A_1207 = vector.bitcast %get3A_1206 : vector<16xi32> to vector<32xbf16>
        %slice3A_1208 = vector.extract_strided_slice %mul3A_121 {offsets = [9], sizes = [1], strides = [1]} : vector<16xi32> to vector<1xi32>
        %squeeze3A_1209 = vector.extract %slice3A_1208[0] : i32 from vector<1xi32>
        %get3A_1210 = arith.index_cast %squeeze3A_1209 : i32 to index
        %get3A_1211 = tpu.vector_load %arg5[%get3A_1210] {strides = array<i32>} : memref<32000xi32, #tpu.memory_space<vmem>>, vector<16xi32>,
        %bitcast3A_1212 = vector.bitcast %get3A_1211 : vector<16xi32> to vector<32xbf16>
        %add3A_1213 = arith.constant 16 : i32
        %add3A_1214 = arith.addi %squeeze3A_1209, %add3A_1213 : i32
        %get3A_1215 = arith.index_cast %add3A_1214 : i32 to index
        %get3A_1216 = tpu.vector_load %arg5[%get3A_1215] {strides = array<i32>} : memref<32000xi32, #tpu.memory_space<vmem>>, vector<16xi32>,
        %bitcast3A_1217 = vector.bitcast %get3A_1216 : vector<16xi32> to vector<32xbf16>
        %slice3A_1218 = vector.extract_strided_slice %mul3A_130 {offsets = [9], sizes = [1], strides = [1]} : vector<16xi32> to vector<1xi32>
        %squeeze3A_1219 = vector.extract %slice3A_1218[0] : i32 from vector<1xi32>
        %get3A_1220 = arith.index_cast %squeeze3A_1219 : i32 to index
        %get3A_1221 = tpu.vector_load %arg5[%get3A_1220] {strides = array<i32>} : memref<32000xi32, #tpu.memory_space<vmem>>, vector<16xi32>,
        %bitcast3A_1222 = vector.bitcast %get3A_1221 : vector<16xi32> to vector<32xbf16>
        %add3A_1223 = arith.constant 16 : i32
        %add3A_1224 = arith.addi %squeeze3A_1219, %add3A_1223 : i32
        %get3A_1225 = arith.index_cast %add3A_1224 : i32 to index
        %get3A_1226 = tpu.vector_load %arg5[%get3A_1225] {strides = array<i32>} : memref<32000xi32, #tpu.memory_space<vmem>>, vector<16xi32>,
        %bitcast3A_1227 = vector.bitcast %get3A_1226 : vector<16xi32> to vector<32xbf16>
        %slice3A_1228 = vector.extract_strided_slice %mul3A_139 {offsets = [9], sizes = [1], strides = [1]} : vector<16xi32> to vector<1xi32>
        %squeeze3A_1229 = vector.extract %slice3A_1228[0] : i32 from vector<1xi32>
        %get3A_1230 = arith.index_cast %squeeze3A_1229 : i32 to index
        %get3A_1231 = tpu.vector_load %arg5[%get3A_1230] {strides = array<i32>} : memref<32000xi32, #tpu.memory_space<vmem>>, vector<16xi32>,
        %bitcast3A_1232 = vector.bitcast %get3A_1231 : vector<16xi32> to vector<32xbf16>
        %add3A_1233 = arith.constant 16 : i32
        %add3A_1234 = arith.addi %squeeze3A_1229, %add3A_1233 : i32
        %get3A_1235 = arith.index_cast %add3A_1234 : i32 to index
        %get3A_1236 = tpu.vector_load %arg5[%get3A_1235] {strides = array<i32>} : memref<32000xi32, #tpu.memory_space<vmem>>, vector<16xi32>,
        %bitcast3A_1237 = vector.bitcast %get3A_1236 : vector<16xi32> to vector<32xbf16>
        %slice3A_1238 = vector.extract_strided_slice %mul3A_148 {offsets = [9], sizes = [1], strides = [1]} : vector<16xi32> to vector<1xi32>
        %squeeze3A_1239 = vector.extract %slice3A_1238[0] : i32 from vector<1xi32>
        %get3A_1240 = arith.index_cast %squeeze3A_1239 : i32 to index
        %get3A_1241 = tpu.vector_load %arg5[%get3A_1240] {strides = array<i32>} : memref<32000xi32, #tpu.memory_space<vmem>>, vector<16xi32>,
        %bitcast3A_1242 = vector.bitcast %get3A_1241 : vector<16xi32> to vector<32xbf16>
        %add3A_1243 = arith.constant 16 : i32
        %add3A_1244 = arith.addi %squeeze3A_1239, %add3A_1243 : i32
        %get3A_1245 = arith.index_cast %add3A_1244 : i32 to index
        %get3A_1246 = tpu.vector_load %arg5[%get3A_1245] {strides = array<i32>} : memref<32000xi32, #tpu.memory_space<vmem>>, vector<16xi32>,
        %bitcast3A_1247 = vector.bitcast %get3A_1246 : vector<16xi32> to vector<32xbf16>
        %slice3A_1248 = vector.extract_strided_slice %mul3A_157 {offsets = [9], sizes = [1], strides = [1]} : vector<16xi32> to vector<1xi32>
        %squeeze3A_1249 = vector.extract %slice3A_1248[0] : i32 from vector<1xi32>
        %get3A_1250 = arith.index_cast %squeeze3A_1249 : i32 to index
        %get3A_1251 = tpu.vector_load %arg5[%get3A_1250] {strides = array<i32>} : memref<32000xi32, #tpu.memory_space<vmem>>, vector<16xi32>,
        %bitcast3A_1252 = vector.bitcast %get3A_1251 : vector<16xi32> to vector<32xbf16>
        %add3A_1253 = arith.constant 16 : i32
        %add3A_1254 = arith.addi %squeeze3A_1249, %add3A_1253 : i32
        %get3A_1255 = arith.index_cast %add3A_1254 : i32 to index
        %get3A_1256 = tpu.vector_load %arg5[%get3A_1255] {strides = array<i32>} : memref<32000xi32, #tpu.memory_space<vmem>>, vector<16xi32>,
        %bitcast3A_1257 = vector.bitcast %get3A_1256 : vector<16xi32> to vector<32xbf16>
        %slice3A_1258 = vector.extract_strided_slice %mul3A_166 {offsets = [9], sizes = [1], strides = [1]} : vector<16xi32> to vector<1xi32>
        %squeeze3A_1259 = vector.extract %slice3A_1258[0] : i32 from vector<1xi32>
        %get3A_1260 = arith.index_cast %squeeze3A_1259 : i32 to index
        %get3A_1261 = tpu.vector_load %arg5[%get3A_1260] {strides = array<i32>} : memref<32000xi32, #tpu.memory_space<vmem>>, vector<16xi32>,
        %bitcast3A_1262 = vector.bitcast %get3A_1261 : vector<16xi32> to vector<32xbf16>
        %add3A_1263 = arith.constant 16 : i32
        %add3A_1264 = arith.addi %squeeze3A_1259, %add3A_1263 : i32
        %get3A_1265 = arith.index_cast %add3A_1264 : i32 to index
        %get3A_1266 = tpu.vector_load %arg5[%get3A_1265] {strides = array<i32>} : memref<32000xi32, #tpu.memory_space<vmem>>, vector<16xi32>,
        %bitcast3A_1267 = vector.bitcast %get3A_1266 : vector<16xi32> to vector<32xbf16>
        %add3A_1268 = arith.addf %bitcast3A_1192, %bitcast3A_1202 : vector<32xbf16>
        %add3A_1269 = arith.addf %bitcast3A_1212, %bitcast3A_1222 : vector<32xbf16>
        %add3A_1270 = arith.addf %add3A_1268, %add3A_1269 : vector<32xbf16>
        %add3A_1271 = arith.addf %bitcast3A_1232, %bitcast3A_1242 : vector<32xbf16>
        %add3A_1272 = arith.addf %bitcast3A_1252, %bitcast3A_1262 : vector<32xbf16>
        %add3A_1273 = arith.addf %add3A_1271, %add3A_1272 : vector<32xbf16>
        %add3A_1274 = arith.addf %add3A_1270, %add3A_1273 : vector<32xbf16>
        %add3A_1275 = arith.addf %bitcast3A_1197, %bitcast3A_1207 : vector<32xbf16>
        %add3A_1276 = arith.addf %bitcast3A_1217, %bitcast3A_1227 : vector<32xbf16>
        %add3A_1277 = arith.addf %add3A_1275, %add3A_1276 : vector<32xbf16>
        %add3A_1278 = arith.addf %bitcast3A_1237, %bitcast3A_1247 : vector<32xbf16>
        %add3A_1279 = arith.addf %bitcast3A_1257, %bitcast3A_1267 : vector<32xbf16>
        %add3A_1280 = arith.addf %add3A_1278, %add3A_1279 : vector<32xbf16>
        %add3A_1281 = arith.addf %add3A_1277, %add3A_1280 : vector<32xbf16>
        %unpack3A_1282 = tpu.unpack_subelements %add3A_1274, 0 {pack_format = #tpu.pack_format<interleaved>} : vector<32xbf16> -> vector<16xf32>
        %unpack3A_1283 = tpu.unpack_subelements %add3A_1274, 1 {pack_format = #tpu.pack_format<interleaved>} : vector<32xbf16> -> vector<16xf32>
        %unpack3A_1284 = tpu.unpack_subelements %add3A_1281, 0 {pack_format = #tpu.pack_format<interleaved>} : vector<32xbf16> -> vector<16xf32>
        %unpack3A_1285 = tpu.unpack_subelements %add3A_1281, 1 {pack_format = #tpu.pack_format<interleaved>} : vector<32xbf16> -> vector<16xf32>
        %mul3A_1286 = arith.constant 16 : i32
        %mul3A_1287 = arith.muli %scan3A_95, %mul3A_1286 : i32
        %add3A_1288 = arith.constant 9 : i32
        %add3A_1289 = arith.addi %mul3A_1287, %add3A_1288 : i32
        %swap3A_1290 = arith.index_cast %add3A_1289 : i32 to index
        %swap3A_1291 = arith.constant 0 : index
        %swap3A_1292 = tpu.vector_load %arg8[%swap3A_1290, %swap3A_1291] {strides = array<i32>} : memref<128x64xf32, #tpu.memory_space<vmem>>, vector<16xf32>,
        tpu.vector_store %arg8[%swap3A_1290, %swap3A_1291], %unpack3A_1282 {strides = array<i32>} : memref<128x64xf32, #tpu.memory_space<vmem>>, vector<16xf32>,
        %swap3A_1293 = arith.index_cast %add3A_1289 : i32 to index
        %swap3A_1294 = arith.constant 16 : index
        %swap3A_1295 = tpu.vector_load %arg8[%swap3A_1293, %swap3A_1294] {strides = array<i32>} : memref<128x64xf32, #tpu.memory_space<vmem>>, vector<16xf32>,
        tpu.vector_store %arg8[%swap3A_1293, %swap3A_1294], %unpack3A_1284 {strides = array<i32>} : memref<128x64xf32, #tpu.memory_space<vmem>>, vector<16xf32>,
        %swap3A_1296 = arith.index_cast %add3A_1289 : i32 to index
        %swap3A_1297 = arith.constant 32 : index
        %swap3A_1298 = tpu.vector_load %arg8[%swap3A_1296, %swap3A_1297] {strides = array<i32>} : memref<128x64xf32, #tpu.memory_space<vmem>>, vector<16xf32>,
        tpu.vector_store %arg8[%swap3A_1296, %swap3A_1297], %unpack3A_1283 {strides = array<i32>} : memref<128x64xf32, #tpu.memory_space<vmem>>, vector<16xf32>,
        %swap3A_1299 = arith.index_cast %add3A_1289 : i32 to index
        %swap3A_1300 = arith.constant 48 : index
        %swap3A_1301 = tpu.vector_load %arg8[%swap3A_1299, %swap3A_1300] {strides = array<i32>} : memref<128x64xf32, #tpu.memory_space<vmem>>, vector<16xf32>,
        tpu.vector_store %arg8[%swap3A_1299, %swap3A_1300], %unpack3A_1285 {strides = array<i32>} : memref<128x64xf32, #tpu.memory_space<vmem>>, vector<16xf32>,
        %slice3A_1302 = vector.extract_strided_slice %mul3A_103 {offsets = [10], sizes = [1], strides = [1]} : vector<16xi32> to vector<1xi32>
        %squeeze3A_1303 = vector.extract %slice3A_1302[0] : i32 from vector<1xi32>
        %get3A_1304 = arith.index_cast %squeeze3A_1303 : i32 to index
        %get3A_1305 = tpu.vector_load %arg5[%get3A_1304] {strides = array<i32>} : memref<32000xi32, #tpu.memory_space<vmem>>, vector<16xi32>,
        %bitcast3A_1306 = vector.bitcast %get3A_1305 : vector<16xi32> to vector<32xbf16>
        %add3A_1307 = arith.constant 16 : i32
        %add3A_1308 = arith.addi %squeeze3A_1303, %add3A_1307 : i32
        %get3A_1309 = arith.index_cast %add3A_1308 : i32 to index
        %get3A_1310 = tpu.vector_load %arg5[%get3A_1309] {strides = array<i32>} : memref<32000xi32, #tpu.memory_space<vmem>>, vector<16xi32>,
        %bitcast3A_1311 = vector.bitcast %get3A_1310 : vector<16xi32> to vector<32xbf16>
        %slice3A_1312 = vector.extract_strided_slice %mul3A_112 {offsets = [10], sizes = [1], strides = [1]} : vector<16xi32> to vector<1xi32>
        %squeeze3A_1313 = vector.extract %slice3A_1312[0] : i32 from vector<1xi32>
        %get3A_1314 = arith.index_cast %squeeze3A_1313 : i32 to index
        %get3A_1315 = tpu.vector_load %arg5[%get3A_1314] {strides = array<i32>} : memref<32000xi32, #tpu.memory_space<vmem>>, vector<16xi32>,
        %bitcast3A_1316 = vector.bitcast %get3A_1315 : vector<16xi32> to vector<32xbf16>
        %add3A_1317 = arith.constant 16 : i32
        %add3A_1318 = arith.addi %squeeze3A_1313, %add3A_1317 : i32
        %get3A_1319 = arith.index_cast %add3A_1318 : i32 to index
        %get3A_1320 = tpu.vector_load %arg5[%get3A_1319] {strides = array<i32>} : memref<32000xi32, #tpu.memory_space<vmem>>, vector<16xi32>,
        %bitcast3A_1321 = vector.bitcast %get3A_1320 : vector<16xi32> to vector<32xbf16>
        %slice3A_1322 = vector.extract_strided_slice %mul3A_121 {offsets = [10], sizes = [1], strides = [1]} : vector<16xi32> to vector<1xi32>
        %squeeze3A_1323 = vector.extract %slice3A_1322[0] : i32 from vector<1xi32>
        %get3A_1324 = arith.index_cast %squeeze3A_1323 : i32 to index
        %get3A_1325 = tpu.vector_load %arg5[%get3A_1324] {strides = array<i32>} : memref<32000xi32, #tpu.memory_space<vmem>>, vector<16xi32>,
        %bitcast3A_1326 = vector.bitcast %get3A_1325 : vector<16xi32> to vector<32xbf16>
        %add3A_1327 = arith.constant 16 : i32
        %add3A_1328 = arith.addi %squeeze3A_1323, %add3A_1327 : i32
        %get3A_1329 = arith.index_cast %add3A_1328 : i32 to index
        %get3A_1330 = tpu.vector_load %arg5[%get3A_1329] {strides = array<i32>} : memref<32000xi32, #tpu.memory_space<vmem>>, vector<16xi32>,
        %bitcast3A_1331 = vector.bitcast %get3A_1330 : vector<16xi32> to vector<32xbf16>
        %slice3A_1332 = vector.extract_strided_slice %mul3A_130 {offsets = [10], sizes = [1], strides = [1]} : vector<16xi32> to vector<1xi32>
        %squeeze3A_1333 = vector.extract %slice3A_1332[0] : i32 from vector<1xi32>
        %get3A_1334 = arith.index_cast %squeeze3A_1333 : i32 to index
        %get3A_1335 = tpu.vector_load %arg5[%get3A_1334] {strides = array<i32>} : memref<32000xi32, #tpu.memory_space<vmem>>, vector<16xi32>,
        %bitcast3A_1336 = vector.bitcast %get3A_1335 : vector<16xi32> to vector<32xbf16>
        %add3A_1337 = arith.constant 16 : i32
        %add3A_1338 = arith.addi %squeeze3A_1333, %add3A_1337 : i32
        %get3A_1339 = arith.index_cast %add3A_1338 : i32 to index
        %get3A_1340 = tpu.vector_load %arg5[%get3A_1339] {strides = array<i32>} : memref<32000xi32, #tpu.memory_space<vmem>>, vector<16xi32>,
        %bitcast3A_1341 = vector.bitcast %get3A_1340 : vector<16xi32> to vector<32xbf16>
        %slice3A_1342 = vector.extract_strided_slice %mul3A_139 {offsets = [10], sizes = [1], strides = [1]} : vector<16xi32> to vector<1xi32>
        %squeeze3A_1343 = vector.extract %slice3A_1342[0] : i32 from vector<1xi32>
        %get3A_1344 = arith.index_cast %squeeze3A_1343 : i32 to index
        %get3A_1345 = tpu.vector_load %arg5[%get3A_1344] {strides = array<i32>} : memref<32000xi32, #tpu.memory_space<vmem>>, vector<16xi32>,
        %bitcast3A_1346 = vector.bitcast %get3A_1345 : vector<16xi32> to vector<32xbf16>
        %add3A_1347 = arith.constant 16 : i32
        %add3A_1348 = arith.addi %squeeze3A_1343, %add3A_1347 : i32
        %get3A_1349 = arith.index_cast %add3A_1348 : i32 to index
        %get3A_1350 = tpu.vector_load %arg5[%get3A_1349] {strides = array<i32>} : memref<32000xi32, #tpu.memory_space<vmem>>, vector<16xi32>,
        %bitcast3A_1351 = vector.bitcast %get3A_1350 : vector<16xi32> to vector<32xbf16>
        %slice3A_1352 = vector.extract_strided_slice %mul3A_148 {offsets = [10], sizes = [1], strides = [1]} : vector<16xi32> to vector<1xi32>
        %squeeze3A_1353 = vector.extract %slice3A_1352[0] : i32 from vector<1xi32>
        %get3A_1354 = arith.index_cast %squeeze3A_1353 : i32 to index
        %get3A_1355 = tpu.vector_load %arg5[%get3A_1354] {strides = array<i32>} : memref<32000xi32, #tpu.memory_space<vmem>>, vector<16xi32>,
        %bitcast3A_1356 = vector.bitcast %get3A_1355 : vector<16xi32> to vector<32xbf16>
        %add3A_1357 = arith.constant 16 : i32
        %add3A_1358 = arith.addi %squeeze3A_1353, %add3A_1357 : i32
        %get3A_1359 = arith.index_cast %add3A_1358 : i32 to index
        %get3A_1360 = tpu.vector_load %arg5[%get3A_1359] {strides = array<i32>} : memref<32000xi32, #tpu.memory_space<vmem>>, vector<16xi32>,
        %bitcast3A_1361 = vector.bitcast %get3A_1360 : vector<16xi32> to vector<32xbf16>
        %slice3A_1362 = vector.extract_strided_slice %mul3A_157 {offsets = [10], sizes = [1], strides = [1]} : vector<16xi32> to vector<1xi32>
        %squeeze3A_1363 = vector.extract %slice3A_1362[0] : i32 from vector<1xi32>
        %get3A_1364 = arith.index_cast %squeeze3A_1363 : i32 to index
        %get3A_1365 = tpu.vector_load %arg5[%get3A_1364] {strides = array<i32>} : memref<32000xi32, #tpu.memory_space<vmem>>, vector<16xi32>,
        %bitcast3A_1366 = vector.bitcast %get3A_1365 : vector<16xi32> to vector<32xbf16>
        %add3A_1367 = arith.constant 16 : i32
        %add3A_1368 = arith.addi %squeeze3A_1363, %add3A_1367 : i32
        %get3A_1369 = arith.index_cast %add3A_1368 : i32 to index
        %get3A_1370 = tpu.vector_load %arg5[%get3A_1369] {strides = array<i32>} : memref<32000xi32, #tpu.memory_space<vmem>>, vector<16xi32>,
        %bitcast3A_1371 = vector.bitcast %get3A_1370 : vector<16xi32> to vector<32xbf16>
        %slice3A_1372 = vector.extract_strided_slice %mul3A_166 {offsets = [10], sizes = [1], strides = [1]} : vector<16xi32> to vector<1xi32>
        %squeeze3A_1373 = vector.extract %slice3A_1372[0] : i32 from vector<1xi32>
        %get3A_1374 = arith.index_cast %squeeze3A_1373 : i32 to index
        %get3A_1375 = tpu.vector_load %arg5[%get3A_1374] {strides = array<i32>} : memref<32000xi32, #tpu.memory_space<vmem>>, vector<16xi32>,
        %bitcast3A_1376 = vector.bitcast %get3A_1375 : vector<16xi32> to vector<32xbf16>
        %add3A_1377 = arith.constant 16 : i32
        %add3A_1378 = arith.addi %squeeze3A_1373, %add3A_1377 : i32
        %get3A_1379 = arith.index_cast %add3A_1378 : i32 to index
        %get3A_1380 = tpu.vector_load %arg5[%get3A_1379] {strides = array<i32>} : memref<32000xi32, #tpu.memory_space<vmem>>, vector<16xi32>,
        %bitcast3A_1381 = vector.bitcast %get3A_1380 : vector<16xi32> to vector<32xbf16>
        %add3A_1382 = arith.addf %bitcast3A_1306, %bitcast3A_1316 : vector<32xbf16>
        %add3A_1383 = arith.addf %bitcast3A_1326, %bitcast3A_1336 : vector<32xbf16>
        %add3A_1384 = arith.addf %add3A_1382, %add3A_1383 : vector<32xbf16>
        %add3A_1385 = arith.addf %bitcast3A_1346, %bitcast3A_1356 : vector<32xbf16>
        %add3A_1386 = arith.addf %bitcast3A_1366, %bitcast3A_1376 : vector<32xbf16>
        %add3A_1387 = arith.addf %add3A_1385, %add3A_1386 : vector<32xbf16>
        %add3A_1388 = arith.addf %add3A_1384, %add3A_1387 : vector<32xbf16>
        %add3A_1389 = arith.addf %bitcast3A_1311, %bitcast3A_1321 : vector<32xbf16>
        %add3A_1390 = arith.addf %bitcast3A_1331, %bitcast3A_1341 : vector<32xbf16>
        %add3A_1391 = arith.addf %add3A_1389, %add3A_1390 : vector<32xbf16>
        %add3A_1392 = arith.addf %bitcast3A_1351, %bitcast3A_1361 : vector<32xbf16>
        %add3A_1393 = arith.addf %bitcast3A_1371, %bitcast3A_1381 : vector<32xbf16>
        %add3A_1394 = arith.addf %add3A_1392, %add3A_1393 : vector<32xbf16>
        %add3A_1395 = arith.addf %add3A_1391, %add3A_1394 : vector<32xbf16>
        %unpack3A_1396 = tpu.unpack_subelements %add3A_1388, 0 {pack_format = #tpu.pack_format<interleaved>} : vector<32xbf16> -> vector<16xf32>
        %unpack3A_1397 = tpu.unpack_subelements %add3A_1388, 1 {pack_format = #tpu.pack_format<interleaved>} : vector<32xbf16> -> vector<16xf32>
        %unpack3A_1398 = tpu.unpack_subelements %add3A_1395, 0 {pack_format = #tpu.pack_format<interleaved>} : vector<32xbf16> -> vector<16xf32>
        %unpack3A_1399 = tpu.unpack_subelements %add3A_1395, 1 {pack_format = #tpu.pack_format<interleaved>} : vector<32xbf16> -> vector<16xf32>
        %mul3A_1400 = arith.constant 16 : i32
        %mul3A_1401 = arith.muli %scan3A_95, %mul3A_1400 : i32
        %add3A_1402 = arith.constant 10 : i32
        %add3A_1403 = arith.addi %mul3A_1401, %add3A_1402 : i32
        %swap3A_1404 = arith.index_cast %add3A_1403 : i32 to index
        %swap3A_1405 = arith.constant 0 : index
        %swap3A_1406 = tpu.vector_load %arg8[%swap3A_1404, %swap3A_1405] {strides = array<i32>} : memref<128x64xf32, #tpu.memory_space<vmem>>, vector<16xf32>,
        tpu.vector_store %arg8[%swap3A_1404, %swap3A_1405], %unpack3A_1396 {strides = array<i32>} : memref<128x64xf32, #tpu.memory_space<vmem>>, vector<16xf32>,
        %swap3A_1407 = arith.index_cast %add3A_1403 : i32 to index
        %swap3A_1408 = arith.constant 16 : index
        %swap3A_1409 = tpu.vector_load %arg8[%swap3A_1407, %swap3A_1408] {strides = array<i32>} : memref<128x64xf32, #tpu.memory_space<vmem>>, vector<16xf32>,
        tpu.vector_store %arg8[%swap3A_1407, %swap3A_1408], %unpack3A_1398 {strides = array<i32>} : memref<128x64xf32, #tpu.memory_space<vmem>>, vector<16xf32>,
        %swap3A_1410 = arith.index_cast %add3A_1403 : i32 to index
        %swap3A_1411 = arith.constant 32 : index
        %swap3A_1412 = tpu.vector_load %arg8[%swap3A_1410, %swap3A_1411] {strides = array<i32>} : memref<128x64xf32, #tpu.memory_space<vmem>>, vector<16xf32>,
        tpu.vector_store %arg8[%swap3A_1410, %swap3A_1411], %unpack3A_1397 {strides = array<i32>} : memref<128x64xf32, #tpu.memory_space<vmem>>, vector<16xf32>,
        %swap3A_1413 = arith.index_cast %add3A_1403 : i32 to index
        %swap3A_1414 = arith.constant 48 : index
        %swap3A_1415 = tpu.vector_load %arg8[%swap3A_1413, %swap3A_1414] {strides = array<i32>} : memref<128x64xf32, #tpu.memory_space<vmem>>, vector<16xf32>,
        tpu.vector_store %arg8[%swap3A_1413, %swap3A_1414], %unpack3A_1399 {strides = array<i32>} : memref<128x64xf32, #tpu.memory_space<vmem>>, vector<16xf32>,
        %slice3A_1416 = vector.extract_strided_slice %mul3A_103 {offsets = [11], sizes = [1], strides = [1]} : vector<16xi32> to vector<1xi32>
        %squeeze3A_1417 = vector.extract %slice3A_1416[0] : i32 from vector<1xi32>
        %get3A_1418 = arith.index_cast %squeeze3A_1417 : i32 to index
        %get3A_1419 = tpu.vector_load %arg5[%get3A_1418] {strides = array<i32>} : memref<32000xi32, #tpu.memory_space<vmem>>, vector<16xi32>,
        %bitcast3A_1420 = vector.bitcast %get3A_1419 : vector<16xi32> to vector<32xbf16>
        %add3A_1421 = arith.constant 16 : i32
        %add3A_1422 = arith.addi %squeeze3A_1417, %add3A_1421 : i32
        %get3A_1423 = arith.index_cast %add3A_1422 : i32 to index
        %get3A_1424 = tpu.vector_load %arg5[%get3A_1423] {strides = array<i32>} : memref<32000xi32, #tpu.memory_space<vmem>>, vector<16xi32>,
        %bitcast3A_1425 = vector.bitcast %get3A_1424 : vector<16xi32> to vector<32xbf16>
        %slice3A_1426 = vector.extract_strided_slice %mul3A_112 {offsets = [11], sizes = [1], strides = [1]} : vector<16xi32> to vector<1xi32>
        %squeeze3A_1427 = vector.extract %slice3A_1426[0] : i32 from vector<1xi32>
        %get3A_1428 = arith.index_cast %squeeze3A_1427 : i32 to index
        %get3A_1429 = tpu.vector_load %arg5[%get3A_1428] {strides = array<i32>} : memref<32000xi32, #tpu.memory_space<vmem>>, vector<16xi32>,
        %bitcast3A_1430 = vector.bitcast %get3A_1429 : vector<16xi32> to vector<32xbf16>
        %add3A_1431 = arith.constant 16 : i32
        %add3A_1432 = arith.addi %squeeze3A_1427, %add3A_1431 : i32
        %get3A_1433 = arith.index_cast %add3A_1432 : i32 to index
        %get3A_1434 = tpu.vector_load %arg5[%get3A_1433] {strides = array<i32>} : memref<32000xi32, #tpu.memory_space<vmem>>, vector<16xi32>,
        %bitcast3A_1435 = vector.bitcast %get3A_1434 : vector<16xi32> to vector<32xbf16>
        %slice3A_1436 = vector.extract_strided_slice %mul3A_121 {offsets = [11], sizes = [1], strides = [1]} : vector<16xi32> to vector<1xi32>
        %squeeze3A_1437 = vector.extract %slice3A_1436[0] : i32 from vector<1xi32>
        %get3A_1438 = arith.index_cast %squeeze3A_1437 : i32 to index
        %get3A_1439 = tpu.vector_load %arg5[%get3A_1438] {strides = array<i32>} : memref<32000xi32, #tpu.memory_space<vmem>>, vector<16xi32>,
        %bitcast3A_1440 = vector.bitcast %get3A_1439 : vector<16xi32> to vector<32xbf16>
        %add3A_1441 = arith.constant 16 : i32
        %add3A_1442 = arith.addi %squeeze3A_1437, %add3A_1441 : i32
        %get3A_1443 = arith.index_cast %add3A_1442 : i32 to index
        %get3A_1444 = tpu.vector_load %arg5[%get3A_1443] {strides = array<i32>} : memref<32000xi32, #tpu.memory_space<vmem>>, vector<16xi32>,
        %bitcast3A_1445 = vector.bitcast %get3A_1444 : vector<16xi32> to vector<32xbf16>
        %slice3A_1446 = vector.extract_strided_slice %mul3A_130 {offsets = [11], sizes = [1], strides = [1]} : vector<16xi32> to vector<1xi32>
        %squeeze3A_1447 = vector.extract %slice3A_1446[0] : i32 from vector<1xi32>
        %get3A_1448 = arith.index_cast %squeeze3A_1447 : i32 to index
        %get3A_1449 = tpu.vector_load %arg5[%get3A_1448] {strides = array<i32>} : memref<32000xi32, #tpu.memory_space<vmem>>, vector<16xi32>,
        %bitcast3A_1450 = vector.bitcast %get3A_1449 : vector<16xi32> to vector<32xbf16>
        %add3A_1451 = arith.constant 16 : i32
        %add3A_1452 = arith.addi %squeeze3A_1447, %add3A_1451 : i32
        %get3A_1453 = arith.index_cast %add3A_1452 : i32 to index
        %get3A_1454 = tpu.vector_load %arg5[%get3A_1453] {strides = array<i32>} : memref<32000xi32, #tpu.memory_space<vmem>>, vector<16xi32>,
        %bitcast3A_1455 = vector.bitcast %get3A_1454 : vector<16xi32> to vector<32xbf16>
        %slice3A_1456 = vector.extract_strided_slice %mul3A_139 {offsets = [11], sizes = [1], strides = [1]} : vector<16xi32> to vector<1xi32>
        %squeeze3A_1457 = vector.extract %slice3A_1456[0] : i32 from vector<1xi32>
        %get3A_1458 = arith.index_cast %squeeze3A_1457 : i32 to index
        %get3A_1459 = tpu.vector_load %arg5[%get3A_1458] {strides = array<i32>} : memref<32000xi32, #tpu.memory_space<vmem>>, vector<16xi32>,
        %bitcast3A_1460 = vector.bitcast %get3A_1459 : vector<16xi32> to vector<32xbf16>
        %add3A_1461 = arith.constant 16 : i32
        %add3A_1462 = arith.addi %squeeze3A_1457, %add3A_1461 : i32
        %get3A_1463 = arith.index_cast %add3A_1462 : i32 to index
        %get3A_1464 = tpu.vector_load %arg5[%get3A_1463] {strides = array<i32>} : memref<32000xi32, #tpu.memory_space<vmem>>, vector<16xi32>,
        %bitcast3A_1465 = vector.bitcast %get3A_1464 : vector<16xi32> to vector<32xbf16>
        %slice3A_1466 = vector.extract_strided_slice %mul3A_148 {offsets = [11], sizes = [1], strides = [1]} : vector<16xi32> to vector<1xi32>
        %squeeze3A_1467 = vector.extract %slice3A_1466[0] : i32 from vector<1xi32>
        %get3A_1468 = arith.index_cast %squeeze3A_1467 : i32 to index
        %get3A_1469 = tpu.vector_load %arg5[%get3A_1468] {strides = array<i32>} : memref<32000xi32, #tpu.memory_space<vmem>>, vector<16xi32>,
        %bitcast3A_1470 = vector.bitcast %get3A_1469 : vector<16xi32> to vector<32xbf16>
        %add3A_1471 = arith.constant 16 : i32
        %add3A_1472 = arith.addi %squeeze3A_1467, %add3A_1471 : i32
        %get3A_1473 = arith.index_cast %add3A_1472 : i32 to index
        %get3A_1474 = tpu.vector_load %arg5[%get3A_1473] {strides = array<i32>} : memref<32000xi32, #tpu.memory_space<vmem>>, vector<16xi32>,
        %bitcast3A_1475 = vector.bitcast %get3A_1474 : vector<16xi32> to vector<32xbf16>
        %slice3A_1476 = vector.extract_strided_slice %mul3A_157 {offsets = [11], sizes = [1], strides = [1]} : vector<16xi32> to vector<1xi32>
        %squeeze3A_1477 = vector.extract %slice3A_1476[0] : i32 from vector<1xi32>
        %get3A_1478 = arith.index_cast %squeeze3A_1477 : i32 to index
        %get3A_1479 = tpu.vector_load %arg5[%get3A_1478] {strides = array<i32>} : memref<32000xi32, #tpu.memory_space<vmem>>, vector<16xi32>,
        %bitcast3A_1480 = vector.bitcast %get3A_1479 : vector<16xi32> to vector<32xbf16>
        %add3A_1481 = arith.constant 16 : i32
        %add3A_1482 = arith.addi %squeeze3A_1477, %add3A_1481 : i32
        %get3A_1483 = arith.index_cast %add3A_1482 : i32 to index
        %get3A_1484 = tpu.vector_load %arg5[%get3A_1483] {strides = array<i32>} : memref<32000xi32, #tpu.memory_space<vmem>>, vector<16xi32>,
        %bitcast3A_1485 = vector.bitcast %get3A_1484 : vector<16xi32> to vector<32xbf16>
        %slice3A_1486 = vector.extract_strided_slice %mul3A_166 {offsets = [11], sizes = [1], strides = [1]} : vector<16xi32> to vector<1xi32>
        %squeeze3A_1487 = vector.extract %slice3A_1486[0] : i32 from vector<1xi32>
        %get3A_1488 = arith.index_cast %squeeze3A_1487 : i32 to index
        %get3A_1489 = tpu.vector_load %arg5[%get3A_1488] {strides = array<i32>} : memref<32000xi32, #tpu.memory_space<vmem>>, vector<16xi32>,
        %bitcast3A_1490 = vector.bitcast %get3A_1489 : vector<16xi32> to vector<32xbf16>
        %add3A_1491 = arith.constant 16 : i32
        %add3A_1492 = arith.addi %squeeze3A_1487, %add3A_1491 : i32
        %get3A_1493 = arith.index_cast %add3A_1492 : i32 to index
        %get3A_1494 = tpu.vector_load %arg5[%get3A_1493] {strides = array<i32>} : memref<32000xi32, #tpu.memory_space<vmem>>, vector<16xi32>,
        %bitcast3A_1495 = vector.bitcast %get3A_1494 : vector<16xi32> to vector<32xbf16>
        %add3A_1496 = arith.addf %bitcast3A_1420, %bitcast3A_1430 : vector<32xbf16>
        %add3A_1497 = arith.addf %bitcast3A_1440, %bitcast3A_1450 : vector<32xbf16>
        %add3A_1498 = arith.addf %add3A_1496, %add3A_1497 : vector<32xbf16>
        %add3A_1499 = arith.addf %bitcast3A_1460, %bitcast3A_1470 : vector<32xbf16>
        %add3A_1500 = arith.addf %bitcast3A_1480, %bitcast3A_1490 : vector<32xbf16>
        %add3A_1501 = arith.addf %add3A_1499, %add3A_1500 : vector<32xbf16>
        %add3A_1502 = arith.addf %add3A_1498, %add3A_1501 : vector<32xbf16>
        %add3A_1503 = arith.addf %bitcast3A_1425, %bitcast3A_1435 : vector<32xbf16>
        %add3A_1504 = arith.addf %bitcast3A_1445, %bitcast3A_1455 : vector<32xbf16>
        %add3A_1505 = arith.addf %add3A_1503, %add3A_1504 : vector<32xbf16>
        %add3A_1506 = arith.addf %bitcast3A_1465, %bitcast3A_1475 : vector<32xbf16>
        %add3A_1507 = arith.addf %bitcast3A_1485, %bitcast3A_1495 : vector<32xbf16>
        %add3A_1508 = arith.addf %add3A_1506, %add3A_1507 : vector<32xbf16>
        %add3A_1509 = arith.addf %add3A_1505, %add3A_1508 : vector<32xbf16>
        %unpack3A_1510 = tpu.unpack_subelements %add3A_1502, 0 {pack_format = #tpu.pack_format<interleaved>} : vector<32xbf16> -> vector<16xf32>
        %unpack3A_1511 = tpu.unpack_subelements %add3A_1502, 1 {pack_format = #tpu.pack_format<interleaved>} : vector<32xbf16> -> vector<16xf32>
        %unpack3A_1512 = tpu.unpack_subelements %add3A_1509, 0 {pack_format = #tpu.pack_format<interleaved>} : vector<32xbf16> -> vector<16xf32>
        %unpack3A_1513 = tpu.unpack_subelements %add3A_1509, 1 {pack_format = #tpu.pack_format<interleaved>} : vector<32xbf16> -> vector<16xf32>
        %mul3A_1514 = arith.constant 16 : i32
        %mul3A_1515 = arith.muli %scan3A_95, %mul3A_1514 : i32
        %add3A_1516 = arith.constant 11 : i32
        %add3A_1517 = arith.addi %mul3A_1515, %add3A_1516 : i32
        %swap3A_1518 = arith.index_cast %add3A_1517 : i32 to index
        %swap3A_1519 = arith.constant 0 : index
        %swap3A_1520 = tpu.vector_load %arg8[%swap3A_1518, %swap3A_1519] {strides = array<i32>} : memref<128x64xf32, #tpu.memory_space<vmem>>, vector<16xf32>,
        tpu.vector_store %arg8[%swap3A_1518, %swap3A_1519], %unpack3A_1510 {strides = array<i32>} : memref<128x64xf32, #tpu.memory_space<vmem>>, vector<16xf32>,
        %swap3A_1521 = arith.index_cast %add3A_1517 : i32 to index
        %swap3A_1522 = arith.constant 16 : index
        %swap3A_1523 = tpu.vector_load %arg8[%swap3A_1521, %swap3A_1522] {strides = array<i32>} : memref<128x64xf32, #tpu.memory_space<vmem>>, vector<16xf32>,
        tpu.vector_store %arg8[%swap3A_1521, %swap3A_1522], %unpack3A_1512 {strides = array<i32>} : memref<128x64xf32, #tpu.memory_space<vmem>>, vector<16xf32>,
        %swap3A_1524 = arith.index_cast %add3A_1517 : i32 to index
        %swap3A_1525 = arith.constant 32 : index
        %swap3A_1526 = tpu.vector_load %arg8[%swap3A_1524, %swap3A_1525] {strides = array<i32>} : memref<128x64xf32, #tpu.memory_space<vmem>>, vector<16xf32>,
        tpu.vector_store %arg8[%swap3A_1524, %swap3A_1525], %unpack3A_1511 {strides = array<i32>} : memref<128x64xf32, #tpu.memory_space<vmem>>, vector<16xf32>,
        %swap3A_1527 = arith.index_cast %add3A_1517 : i32 to index
        %swap3A_1528 = arith.constant 48 : index
        %swap3A_1529 = tpu.vector_load %arg8[%swap3A_1527, %swap3A_1528] {strides = array<i32>} : memref<128x64xf32, #tpu.memory_space<vmem>>, vector<16xf32>,
        tpu.vector_store %arg8[%swap3A_1527, %swap3A_1528], %unpack3A_1513 {strides = array<i32>} : memref<128x64xf32, #tpu.memory_space<vmem>>, vector<16xf32>,
        %slice3A_1530 = vector.extract_strided_slice %mul3A_103 {offsets = [12], sizes = [1], strides = [1]} : vector<16xi32> to vector<1xi32>
        %squeeze3A_1531 = vector.extract %slice3A_1530[0] : i32 from vector<1xi32>
        %get3A_1532 = arith.index_cast %squeeze3A_1531 : i32 to index
        %get3A_1533 = tpu.vector_load %arg5[%get3A_1532] {strides = array<i32>} : memref<32000xi32, #tpu.memory_space<vmem>>, vector<16xi32>,
        %bitcast3A_1534 = vector.bitcast %get3A_1533 : vector<16xi32> to vector<32xbf16>
        %add3A_1535 = arith.constant 16 : i32
        %add3A_1536 = arith.addi %squeeze3A_1531, %add3A_1535 : i32
        %get3A_1537 = arith.index_cast %add3A_1536 : i32 to index
        %get3A_1538 = tpu.vector_load %arg5[%get3A_1537] {strides = array<i32>} : memref<32000xi32, #tpu.memory_space<vmem>>, vector<16xi32>,
        %bitcast3A_1539 = vector.bitcast %get3A_1538 : vector<16xi32> to vector<32xbf16>
        %slice3A_1540 = vector.extract_strided_slice %mul3A_112 {offsets = [12], sizes = [1], strides = [1]} : vector<16xi32> to vector<1xi32>
        %squeeze3A_1541 = vector.extract %slice3A_1540[0] : i32 from vector<1xi32>
        %get3A_1542 = arith.index_cast %squeeze3A_1541 : i32 to index
        %get3A_1543 = tpu.vector_load %arg5[%get3A_1542] {strides = array<i32>} : memref<32000xi32, #tpu.memory_space<vmem>>, vector<16xi32>,
        %bitcast3A_1544 = vector.bitcast %get3A_1543 : vector<16xi32> to vector<32xbf16>
        %add3A_1545 = arith.constant 16 : i32
        %add3A_1546 = arith.addi %squeeze3A_1541, %add3A_1545 : i32
        %get3A_1547 = arith.index_cast %add3A_1546 : i32 to index
        %get3A_1548 = tpu.vector_load %arg5[%get3A_1547] {strides = array<i32>} : memref<32000xi32, #tpu.memory_space<vmem>>, vector<16xi32>,
        %bitcast3A_1549 = vector.bitcast %get3A_1548 : vector<16xi32> to vector<32xbf16>
        %slice3A_1550 = vector.extract_strided_slice %mul3A_121 {offsets = [12], sizes = [1], strides = [1]} : vector<16xi32> to vector<1xi32>
        %squeeze3A_1551 = vector.extract %slice3A_1550[0] : i32 from vector<1xi32>
        %get3A_1552 = arith.index_cast %squeeze3A_1551 : i32 to index
        %get3A_1553 = tpu.vector_load %arg5[%get3A_1552] {strides = array<i32>} : memref<32000xi32, #tpu.memory_space<vmem>>, vector<16xi32>,
        %bitcast3A_1554 = vector.bitcast %get3A_1553 : vector<16xi32> to vector<32xbf16>
        %add3A_1555 = arith.constant 16 : i32
        %add3A_1556 = arith.addi %squeeze3A_1551, %add3A_1555 : i32
        %get3A_1557 = arith.index_cast %add3A_1556 : i32 to index
        %get3A_1558 = tpu.vector_load %arg5[%get3A_1557] {strides = array<i32>} : memref<32000xi32, #tpu.memory_space<vmem>>, vector<16xi32>,
        %bitcast3A_1559 = vector.bitcast %get3A_1558 : vector<16xi32> to vector<32xbf16>
        %slice3A_1560 = vector.extract_strided_slice %mul3A_130 {offsets = [12], sizes = [1], strides = [1]} : vector<16xi32> to vector<1xi32>
        %squeeze3A_1561 = vector.extract %slice3A_1560[0] : i32 from vector<1xi32>
        %get3A_1562 = arith.index_cast %squeeze3A_1561 : i32 to index
        %get3A_1563 = tpu.vector_load %arg5[%get3A_1562] {strides = array<i32>} : memref<32000xi32, #tpu.memory_space<vmem>>, vector<16xi32>,
        %bitcast3A_1564 = vector.bitcast %get3A_1563 : vector<16xi32> to vector<32xbf16>
        %add3A_1565 = arith.constant 16 : i32
        %add3A_1566 = arith.addi %squeeze3A_1561, %add3A_1565 : i32
        %get3A_1567 = arith.index_cast %add3A_1566 : i32 to index
        %get3A_1568 = tpu.vector_load %arg5[%get3A_1567] {strides = array<i32>} : memref<32000xi32, #tpu.memory_space<vmem>>, vector<16xi32>,
        %bitcast3A_1569 = vector.bitcast %get3A_1568 : vector<16xi32> to vector<32xbf16>
        %slice3A_1570 = vector.extract_strided_slice %mul3A_139 {offsets = [12], sizes = [1], strides = [1]} : vector<16xi32> to vector<1xi32>
        %squeeze3A_1571 = vector.extract %slice3A_1570[0] : i32 from vector<1xi32>
        %get3A_1572 = arith.index_cast %squeeze3A_1571 : i32 to index
        %get3A_1573 = tpu.vector_load %arg5[%get3A_1572] {strides = array<i32>} : memref<32000xi32, #tpu.memory_space<vmem>>, vector<16xi32>,
        %bitcast3A_1574 = vector.bitcast %get3A_1573 : vector<16xi32> to vector<32xbf16>
        %add3A_1575 = arith.constant 16 : i32
        %add3A_1576 = arith.addi %squeeze3A_1571, %add3A_1575 : i32
        %get3A_1577 = arith.index_cast %add3A_1576 : i32 to index
        %get3A_1578 = tpu.vector_load %arg5[%get3A_1577] {strides = array<i32>} : memref<32000xi32, #tpu.memory_space<vmem>>, vector<16xi32>,
        %bitcast3A_1579 = vector.bitcast %get3A_1578 : vector<16xi32> to vector<32xbf16>
        %slice3A_1580 = vector.extract_strided_slice %mul3A_148 {offsets = [12], sizes = [1], strides = [1]} : vector<16xi32> to vector<1xi32>
        %squeeze3A_1581 = vector.extract %slice3A_1580[0] : i32 from vector<1xi32>
        %get3A_1582 = arith.index_cast %squeeze3A_1581 : i32 to index
        %get3A_1583 = tpu.vector_load %arg5[%get3A_1582] {strides = array<i32>} : memref<32000xi32, #tpu.memory_space<vmem>>, vector<16xi32>,
        %bitcast3A_1584 = vector.bitcast %get3A_1583 : vector<16xi32> to vector<32xbf16>
        %add3A_1585 = arith.constant 16 : i32
        %add3A_1586 = arith.addi %squeeze3A_1581, %add3A_1585 : i32
        %get3A_1587 = arith.index_cast %add3A_1586 : i32 to index
        %get3A_1588 = tpu.vector_load %arg5[%get3A_1587] {strides = array<i32>} : memref<32000xi32, #tpu.memory_space<vmem>>, vector<16xi32>,
        %bitcast3A_1589 = vector.bitcast %get3A_1588 : vector<16xi32> to vector<32xbf16>
        %slice3A_1590 = vector.extract_strided_slice %mul3A_157 {offsets = [12], sizes = [1], strides = [1]} : vector<16xi32> to vector<1xi32>
        %squeeze3A_1591 = vector.extract %slice3A_1590[0] : i32 from vector<1xi32>
        %get3A_1592 = arith.index_cast %squeeze3A_1591 : i32 to index
        %get3A_1593 = tpu.vector_load %arg5[%get3A_1592] {strides = array<i32>} : memref<32000xi32, #tpu.memory_space<vmem>>, vector<16xi32>,
        %bitcast3A_1594 = vector.bitcast %get3A_1593 : vector<16xi32> to vector<32xbf16>
        %add3A_1595 = arith.constant 16 : i32
        %add3A_1596 = arith.addi %squeeze3A_1591, %add3A_1595 : i32
        %get3A_1597 = arith.index_cast %add3A_1596 : i32 to index
        %get3A_1598 = tpu.vector_load %arg5[%get3A_1597] {strides = array<i32>} : memref<32000xi32, #tpu.memory_space<vmem>>, vector<16xi32>,
        %bitcast3A_1599 = vector.bitcast %get3A_1598 : vector<16xi32> to vector<32xbf16>
        %slice3A_1600 = vector.extract_strided_slice %mul3A_166 {offsets = [12], sizes = [1], strides = [1]} : vector<16xi32> to vector<1xi32>
        %squeeze3A_1601 = vector.extract %slice3A_1600[0] : i32 from vector<1xi32>
        %get3A_1602 = arith.index_cast %squeeze3A_1601 : i32 to index
        %get3A_1603 = tpu.vector_load %arg5[%get3A_1602] {strides = array<i32>} : memref<32000xi32, #tpu.memory_space<vmem>>, vector<16xi32>,
        %bitcast3A_1604 = vector.bitcast %get3A_1603 : vector<16xi32> to vector<32xbf16>
        %add3A_1605 = arith.constant 16 : i32
        %add3A_1606 = arith.addi %squeeze3A_1601, %add3A_1605 : i32
        %get3A_1607 = arith.index_cast %add3A_1606 : i32 to index
        %get3A_1608 = tpu.vector_load %arg5[%get3A_1607] {strides = array<i32>} : memref<32000xi32, #tpu.memory_space<vmem>>, vector<16xi32>,
        %bitcast3A_1609 = vector.bitcast %get3A_1608 : vector<16xi32> to vector<32xbf16>
        %add3A_1610 = arith.addf %bitcast3A_1534, %bitcast3A_1544 : vector<32xbf16>
        %add3A_1611 = arith.addf %bitcast3A_1554, %bitcast3A_1564 : vector<32xbf16>
        %add3A_1612 = arith.addf %add3A_1610, %add3A_1611 : vector<32xbf16>
        %add3A_1613 = arith.addf %bitcast3A_1574, %bitcast3A_1584 : vector<32xbf16>
        %add3A_1614 = arith.addf %bitcast3A_1594, %bitcast3A_1604 : vector<32xbf16>
        %add3A_1615 = arith.addf %add3A_1613, %add3A_1614 : vector<32xbf16>
        %add3A_1616 = arith.addf %add3A_1612, %add3A_1615 : vector<32xbf16>
        %add3A_1617 = arith.addf %bitcast3A_1539, %bitcast3A_1549 : vector<32xbf16>
        %add3A_1618 = arith.addf %bitcast3A_1559, %bitcast3A_1569 : vector<32xbf16>
        %add3A_1619 = arith.addf %add3A_1617, %add3A_1618 : vector<32xbf16>
        %add3A_1620 = arith.addf %bitcast3A_1579, %bitcast3A_1589 : vector<32xbf16>
        %add3A_1621 = arith.addf %bitcast3A_1599, %bitcast3A_1609 : vector<32xbf16>
        %add3A_1622 = arith.addf %add3A_1620, %add3A_1621 : vector<32xbf16>
        %add3A_1623 = arith.addf %add3A_1619, %add3A_1622 : vector<32xbf16>
        %unpack3A_1624 = tpu.unpack_subelements %add3A_1616, 0 {pack_format = #tpu.pack_format<interleaved>} : vector<32xbf16> -> vector<16xf32>
        %unpack3A_1625 = tpu.unpack_subelements %add3A_1616, 1 {pack_format = #tpu.pack_format<interleaved>} : vector<32xbf16> -> vector<16xf32>
        %unpack3A_1626 = tpu.unpack_subelements %add3A_1623, 0 {pack_format = #tpu.pack_format<interleaved>} : vector<32xbf16> -> vector<16xf32>
        %unpack3A_1627 = tpu.unpack_subelements %add3A_1623, 1 {pack_format = #tpu.pack_format<interleaved>} : vector<32xbf16> -> vector<16xf32>
        %mul3A_1628 = arith.constant 16 : i32
        %mul3A_1629 = arith.muli %scan3A_95, %mul3A_1628 : i32
        %add3A_1630 = arith.constant 12 : i32
        %add3A_1631 = arith.addi %mul3A_1629, %add3A_1630 : i32
        %swap3A_1632 = arith.index_cast %add3A_1631 : i32 to index
        %swap3A_1633 = arith.constant 0 : index
        %swap3A_1634 = tpu.vector_load %arg8[%swap3A_1632, %swap3A_1633] {strides = array<i32>} : memref<128x64xf32, #tpu.memory_space<vmem>>, vector<16xf32>,
        tpu.vector_store %arg8[%swap3A_1632, %swap3A_1633], %unpack3A_1624 {strides = array<i32>} : memref<128x64xf32, #tpu.memory_space<vmem>>, vector<16xf32>,
        %swap3A_1635 = arith.index_cast %add3A_1631 : i32 to index
        %swap3A_1636 = arith.constant 16 : index
        %swap3A_1637 = tpu.vector_load %arg8[%swap3A_1635, %swap3A_1636] {strides = array<i32>} : memref<128x64xf32, #tpu.memory_space<vmem>>, vector<16xf32>,
        tpu.vector_store %arg8[%swap3A_1635, %swap3A_1636], %unpack3A_1626 {strides = array<i32>} : memref<128x64xf32, #tpu.memory_space<vmem>>, vector<16xf32>,
        %swap3A_1638 = arith.index_cast %add3A_1631 : i32 to index
        %swap3A_1639 = arith.constant 32 : index
        %swap3A_1640 = tpu.vector_load %arg8[%swap3A_1638, %swap3A_1639] {strides = array<i32>} : memref<128x64xf32, #tpu.memory_space<vmem>>, vector<16xf32>,
        tpu.vector_store %arg8[%swap3A_1638, %swap3A_1639], %unpack3A_1625 {strides = array<i32>} : memref<128x64xf32, #tpu.memory_space<vmem>>, vector<16xf32>,
        %swap3A_1641 = arith.index_cast %add3A_1631 : i32 to index
        %swap3A_1642 = arith.constant 48 : index
        %swap3A_1643 = tpu.vector_load %arg8[%swap3A_1641, %swap3A_1642] {strides = array<i32>} : memref<128x64xf32, #tpu.memory_space<vmem>>, vector<16xf32>,
        tpu.vector_store %arg8[%swap3A_1641, %swap3A_1642], %unpack3A_1627 {strides = array<i32>} : memref<128x64xf32, #tpu.memory_space<vmem>>, vector<16xf32>,
        %slice3A_1644 = vector.extract_strided_slice %mul3A_103 {offsets = [13], sizes = [1], strides = [1]} : vector<16xi32> to vector<1xi32>
        %squeeze3A_1645 = vector.extract %slice3A_1644[0] : i32 from vector<1xi32>
        %get3A_1646 = arith.index_cast %squeeze3A_1645 : i32 to index
        %get3A_1647 = tpu.vector_load %arg5[%get3A_1646] {strides = array<i32>} : memref<32000xi32, #tpu.memory_space<vmem>>, vector<16xi32>,
        %bitcast3A_1648 = vector.bitcast %get3A_1647 : vector<16xi32> to vector<32xbf16>
        %add3A_1649 = arith.constant 16 : i32
        %add3A_1650 = arith.addi %squeeze3A_1645, %add3A_1649 : i32
        %get3A_1651 = arith.index_cast %add3A_1650 : i32 to index
        %get3A_1652 = tpu.vector_load %arg5[%get3A_1651] {strides = array<i32>} : memref<32000xi32, #tpu.memory_space<vmem>>, vector<16xi32>,
        %bitcast3A_1653 = vector.bitcast %get3A_1652 : vector<16xi32> to vector<32xbf16>
        %slice3A_1654 = vector.extract_strided_slice %mul3A_112 {offsets = [13], sizes = [1], strides = [1]} : vector<16xi32> to vector<1xi32>
        %squeeze3A_1655 = vector.extract %slice3A_1654[0] : i32 from vector<1xi32>
        %get3A_1656 = arith.index_cast %squeeze3A_1655 : i32 to index
        %get3A_1657 = tpu.vector_load %arg5[%get3A_1656] {strides = array<i32>} : memref<32000xi32, #tpu.memory_space<vmem>>, vector<16xi32>,
        %bitcast3A_1658 = vector.bitcast %get3A_1657 : vector<16xi32> to vector<32xbf16>
        %add3A_1659 = arith.constant 16 : i32
        %add3A_1660 = arith.addi %squeeze3A_1655, %add3A_1659 : i32
        %get3A_1661 = arith.index_cast %add3A_1660 : i32 to index
        %get3A_1662 = tpu.vector_load %arg5[%get3A_1661] {strides = array<i32>} : memref<32000xi32, #tpu.memory_space<vmem>>, vector<16xi32>,
        %bitcast3A_1663 = vector.bitcast %get3A_1662 : vector<16xi32> to vector<32xbf16>
        %slice3A_1664 = vector.extract_strided_slice %mul3A_121 {offsets = [13], sizes = [1], strides = [1]} : vector<16xi32> to vector<1xi32>
        %squeeze3A_1665 = vector.extract %slice3A_1664[0] : i32 from vector<1xi32>
        %get3A_1666 = arith.index_cast %squeeze3A_1665 : i32 to index
        %get3A_1667 = tpu.vector_load %arg5[%get3A_1666] {strides = array<i32>} : memref<32000xi32, #tpu.memory_space<vmem>>, vector<16xi32>,
        %bitcast3A_1668 = vector.bitcast %get3A_1667 : vector<16xi32> to vector<32xbf16>
        %add3A_1669 = arith.constant 16 : i32
        %add3A_1670 = arith.addi %squeeze3A_1665, %add3A_1669 : i32
        %get3A_1671 = arith.index_cast %add3A_1670 : i32 to index
        %get3A_1672 = tpu.vector_load %arg5[%get3A_1671] {strides = array<i32>} : memref<32000xi32, #tpu.memory_space<vmem>>, vector<16xi32>,
        %bitcast3A_1673 = vector.bitcast %get3A_1672 : vector<16xi32> to vector<32xbf16>
        %slice3A_1674 = vector.extract_strided_slice %mul3A_130 {offsets = [13], sizes = [1], strides = [1]} : vector<16xi32> to vector<1xi32>
        %squeeze3A_1675 = vector.extract %slice3A_1674[0] : i32 from vector<1xi32>
        %get3A_1676 = arith.index_cast %squeeze3A_1675 : i32 to index
        %get3A_1677 = tpu.vector_load %arg5[%get3A_1676] {strides = array<i32>} : memref<32000xi32, #tpu.memory_space<vmem>>, vector<16xi32>,
        %bitcast3A_1678 = vector.bitcast %get3A_1677 : vector<16xi32> to vector<32xbf16>
        %add3A_1679 = arith.constant 16 : i32
        %add3A_1680 = arith.addi %squeeze3A_1675, %add3A_1679 : i32
        %get3A_1681 = arith.index_cast %add3A_1680 : i32 to index
        %get3A_1682 = tpu.vector_load %arg5[%get3A_1681] {strides = array<i32>} : memref<32000xi32, #tpu.memory_space<vmem>>, vector<16xi32>,
        %bitcast3A_1683 = vector.bitcast %get3A_1682 : vector<16xi32> to vector<32xbf16>
        %slice3A_1684 = vector.extract_strided_slice %mul3A_139 {offsets = [13], sizes = [1], strides = [1]} : vector<16xi32> to vector<1xi32>
        %squeeze3A_1685 = vector.extract %slice3A_1684[0] : i32 from vector<1xi32>
        %get3A_1686 = arith.index_cast %squeeze3A_1685 : i32 to index
        %get3A_1687 = tpu.vector_load %arg5[%get3A_1686] {strides = array<i32>} : memref<32000xi32, #tpu.memory_space<vmem>>, vector<16xi32>,
        %bitcast3A_1688 = vector.bitcast %get3A_1687 : vector<16xi32> to vector<32xbf16>
        %add3A_1689 = arith.constant 16 : i32
        %add3A_1690 = arith.addi %squeeze3A_1685, %add3A_1689 : i32
        %get3A_1691 = arith.index_cast %add3A_1690 : i32 to index
        %get3A_1692 = tpu.vector_load %arg5[%get3A_1691] {strides = array<i32>} : memref<32000xi32, #tpu.memory_space<vmem>>, vector<16xi32>,
        %bitcast3A_1693 = vector.bitcast %get3A_1692 : vector<16xi32> to vector<32xbf16>
        %slice3A_1694 = vector.extract_strided_slice %mul3A_148 {offsets = [13], sizes = [1], strides = [1]} : vector<16xi32> to vector<1xi32>
        %squeeze3A_1695 = vector.extract %slice3A_1694[0] : i32 from vector<1xi32>
        %get3A_1696 = arith.index_cast %squeeze3A_1695 : i32 to index
        %get3A_1697 = tpu.vector_load %arg5[%get3A_1696] {strides = array<i32>} : memref<32000xi32, #tpu.memory_space<vmem>>, vector<16xi32>,
        %bitcast3A_1698 = vector.bitcast %get3A_1697 : vector<16xi32> to vector<32xbf16>
        %add3A_1699 = arith.constant 16 : i32
        %add3A_1700 = arith.addi %squeeze3A_1695, %add3A_1699 : i32
        %get3A_1701 = arith.index_cast %add3A_1700 : i32 to index
        %get3A_1702 = tpu.vector_load %arg5[%get3A_1701] {strides = array<i32>} : memref<32000xi32, #tpu.memory_space<vmem>>, vector<16xi32>,
        %bitcast3A_1703 = vector.bitcast %get3A_1702 : vector<16xi32> to vector<32xbf16>
        %slice3A_1704 = vector.extract_strided_slice %mul3A_157 {offsets = [13], sizes = [1], strides = [1]} : vector<16xi32> to vector<1xi32>
        %squeeze3A_1705 = vector.extract %slice3A_1704[0] : i32 from vector<1xi32>
        %get3A_1706 = arith.index_cast %squeeze3A_1705 : i32 to index
        %get3A_1707 = tpu.vector_load %arg5[%get3A_1706] {strides = array<i32>} : memref<32000xi32, #tpu.memory_space<vmem>>, vector<16xi32>,
        %bitcast3A_1708 = vector.bitcast %get3A_1707 : vector<16xi32> to vector<32xbf16>
        %add3A_1709 = arith.constant 16 : i32
        %add3A_1710 = arith.addi %squeeze3A_1705, %add3A_1709 : i32
        %get3A_1711 = arith.index_cast %add3A_1710 : i32 to index
        %get3A_1712 = tpu.vector_load %arg5[%get3A_1711] {strides = array<i32>} : memref<32000xi32, #tpu.memory_space<vmem>>, vector<16xi32>,
        %bitcast3A_1713 = vector.bitcast %get3A_1712 : vector<16xi32> to vector<32xbf16>
        %slice3A_1714 = vector.extract_strided_slice %mul3A_166 {offsets = [13], sizes = [1], strides = [1]} : vector<16xi32> to vector<1xi32>
        %squeeze3A_1715 = vector.extract %slice3A_1714[0] : i32 from vector<1xi32>
        %get3A_1716 = arith.index_cast %squeeze3A_1715 : i32 to index
        %get3A_1717 = tpu.vector_load %arg5[%get3A_1716] {strides = array<i32>} : memref<32000xi32, #tpu.memory_space<vmem>>, vector<16xi32>,
        %bitcast3A_1718 = vector.bitcast %get3A_1717 : vector<16xi32> to vector<32xbf16>
        %add3A_1719 = arith.constant 16 : i32
        %add3A_1720 = arith.addi %squeeze3A_1715, %add3A_1719 : i32
        %get3A_1721 = arith.index_cast %add3A_1720 : i32 to index
        %get3A_1722 = tpu.vector_load %arg5[%get3A_1721] {strides = array<i32>} : memref<32000xi32, #tpu.memory_space<vmem>>, vector<16xi32>,
        %bitcast3A_1723 = vector.bitcast %get3A_1722 : vector<16xi32> to vector<32xbf16>
        %add3A_1724 = arith.addf %bitcast3A_1648, %bitcast3A_1658 : vector<32xbf16>
        %add3A_1725 = arith.addf %bitcast3A_1668, %bitcast3A_1678 : vector<32xbf16>
        %add3A_1726 = arith.addf %add3A_1724, %add3A_1725 : vector<32xbf16>
        %add3A_1727 = arith.addf %bitcast3A_1688, %bitcast3A_1698 : vector<32xbf16>
        %add3A_1728 = arith.addf %bitcast3A_1708, %bitcast3A_1718 : vector<32xbf16>
        %add3A_1729 = arith.addf %add3A_1727, %add3A_1728 : vector<32xbf16>
        %add3A_1730 = arith.addf %add3A_1726, %add3A_1729 : vector<32xbf16>
        %add3A_1731 = arith.addf %bitcast3A_1653, %bitcast3A_1663 : vector<32xbf16>
        %add3A_1732 = arith.addf %bitcast3A_1673, %bitcast3A_1683 : vector<32xbf16>
        %add3A_1733 = arith.addf %add3A_1731, %add3A_1732 : vector<32xbf16>
        %add3A_1734 = arith.addf %bitcast3A_1693, %bitcast3A_1703 : vector<32xbf16>
        %add3A_1735 = arith.addf %bitcast3A_1713, %bitcast3A_1723 : vector<32xbf16>
        %add3A_1736 = arith.addf %add3A_1734, %add3A_1735 : vector<32xbf16>
        %add3A_1737 = arith.addf %add3A_1733, %add3A_1736 : vector<32xbf16>
        %unpack3A_1738 = tpu.unpack_subelements %add3A_1730, 0 {pack_format = #tpu.pack_format<interleaved>} : vector<32xbf16> -> vector<16xf32>
        %unpack3A_1739 = tpu.unpack_subelements %add3A_1730, 1 {pack_format = #tpu.pack_format<interleaved>} : vector<32xbf16> -> vector<16xf32>
        %unpack3A_1740 = tpu.unpack_subelements %add3A_1737, 0 {pack_format = #tpu.pack_format<interleaved>} : vector<32xbf16> -> vector<16xf32>
        %unpack3A_1741 = tpu.unpack_subelements %add3A_1737, 1 {pack_format = #tpu.pack_format<interleaved>} : vector<32xbf16> -> vector<16xf32>
        %mul3A_1742 = arith.constant 16 : i32
        %mul3A_1743 = arith.muli %scan3A_95, %mul3A_1742 : i32
        %add3A_1744 = arith.constant 13 : i32
        %add3A_1745 = arith.addi %mul3A_1743, %add3A_1744 : i32
        %swap3A_1746 = arith.index_cast %add3A_1745 : i32 to index
        %swap3A_1747 = arith.constant 0 : index
        %swap3A_1748 = tpu.vector_load %arg8[%swap3A_1746, %swap3A_1747] {strides = array<i32>} : memref<128x64xf32, #tpu.memory_space<vmem>>, vector<16xf32>,
        tpu.vector_store %arg8[%swap3A_1746, %swap3A_1747], %unpack3A_1738 {strides = array<i32>} : memref<128x64xf32, #tpu.memory_space<vmem>>, vector<16xf32>,
        %swap3A_1749 = arith.index_cast %add3A_1745 : i32 to index
        %swap3A_1750 = arith.constant 16 : index
        %swap3A_1751 = tpu.vector_load %arg8[%swap3A_1749, %swap3A_1750] {strides = array<i32>} : memref<128x64xf32, #tpu.memory_space<vmem>>, vector<16xf32>,
        tpu.vector_store %arg8[%swap3A_1749, %swap3A_1750], %unpack3A_1740 {strides = array<i32>} : memref<128x64xf32, #tpu.memory_space<vmem>>, vector<16xf32>,
        %swap3A_1752 = arith.index_cast %add3A_1745 : i32 to index
        %swap3A_1753 = arith.constant 32 : index
        %swap3A_1754 = tpu.vector_load %arg8[%swap3A_1752, %swap3A_1753] {strides = array<i32>} : memref<128x64xf32, #tpu.memory_space<vmem>>, vector<16xf32>,
        tpu.vector_store %arg8[%swap3A_1752, %swap3A_1753], %unpack3A_1739 {strides = array<i32>} : memref<128x64xf32, #tpu.memory_space<vmem>>, vector<16xf32>,
        %swap3A_1755 = arith.index_cast %add3A_1745 : i32 to index
        %swap3A_1756 = arith.constant 48 : index
        %swap3A_1757 = tpu.vector_load %arg8[%swap3A_1755, %swap3A_1756] {strides = array<i32>} : memref<128x64xf32, #tpu.memory_space<vmem>>, vector<16xf32>,
        tpu.vector_store %arg8[%swap3A_1755, %swap3A_1756], %unpack3A_1741 {strides = array<i32>} : memref<128x64xf32, #tpu.memory_space<vmem>>, vector<16xf32>,
        %slice3A_1758 = vector.extract_strided_slice %mul3A_103 {offsets = [14], sizes = [1], strides = [1]} : vector<16xi32> to vector<1xi32>
        %squeeze3A_1759 = vector.extract %slice3A_1758[0] : i32 from vector<1xi32>
        %get3A_1760 = arith.index_cast %squeeze3A_1759 : i32 to index
        %get3A_1761 = tpu.vector_load %arg5[%get3A_1760] {strides = array<i32>} : memref<32000xi32, #tpu.memory_space<vmem>>, vector<16xi32>,
        %bitcast3A_1762 = vector.bitcast %get3A_1761 : vector<16xi32> to vector<32xbf16>
        %add3A_1763 = arith.constant 16 : i32
        %add3A_1764 = arith.addi %squeeze3A_1759, %add3A_1763 : i32
        %get3A_1765 = arith.index_cast %add3A_1764 : i32 to index
        %get3A_1766 = tpu.vector_load %arg5[%get3A_1765] {strides = array<i32>} : memref<32000xi32, #tpu.memory_space<vmem>>, vector<16xi32>,
        %bitcast3A_1767 = vector.bitcast %get3A_1766 : vector<16xi32> to vector<32xbf16>
        %slice3A_1768 = vector.extract_strided_slice %mul3A_112 {offsets = [14], sizes = [1], strides = [1]} : vector<16xi32> to vector<1xi32>
        %squeeze3A_1769 = vector.extract %slice3A_1768[0] : i32 from vector<1xi32>
        %get3A_1770 = arith.index_cast %squeeze3A_1769 : i32 to index
        %get3A_1771 = tpu.vector_load %arg5[%get3A_1770] {strides = array<i32>} : memref<32000xi32, #tpu.memory_space<vmem>>, vector<16xi32>,
        %bitcast3A_1772 = vector.bitcast %get3A_1771 : vector<16xi32> to vector<32xbf16>
        %add3A_1773 = arith.constant 16 : i32
        %add3A_1774 = arith.addi %squeeze3A_1769, %add3A_1773 : i32
        %get3A_1775 = arith.index_cast %add3A_1774 : i32 to index
        %get3A_1776 = tpu.vector_load %arg5[%get3A_1775] {strides = array<i32>} : memref<32000xi32, #tpu.memory_space<vmem>>, vector<16xi32>,
        %bitcast3A_1777 = vector.bitcast %get3A_1776 : vector<16xi32> to vector<32xbf16>
        %slice3A_1778 = vector.extract_strided_slice %mul3A_121 {offsets = [14], sizes = [1], strides = [1]} : vector<16xi32> to vector<1xi32>
        %squeeze3A_1779 = vector.extract %slice3A_1778[0] : i32 from vector<1xi32>
        %get3A_1780 = arith.index_cast %squeeze3A_1779 : i32 to index
        %get3A_1781 = tpu.vector_load %arg5[%get3A_1780] {strides = array<i32>} : memref<32000xi32, #tpu.memory_space<vmem>>, vector<16xi32>,
        %bitcast3A_1782 = vector.bitcast %get3A_1781 : vector<16xi32> to vector<32xbf16>
        %add3A_1783 = arith.constant 16 : i32
        %add3A_1784 = arith.addi %squeeze3A_1779, %add3A_1783 : i32
        %get3A_1785 = arith.index_cast %add3A_1784 : i32 to index
        %get3A_1786 = tpu.vector_load %arg5[%get3A_1785] {strides = array<i32>} : memref<32000xi32, #tpu.memory_space<vmem>>, vector<16xi32>,
        %bitcast3A_1787 = vector.bitcast %get3A_1786 : vector<16xi32> to vector<32xbf16>
        %slice3A_1788 = vector.extract_strided_slice %mul3A_130 {offsets = [14], sizes = [1], strides = [1]} : vector<16xi32> to vector<1xi32>
        %squeeze3A_1789 = vector.extract %slice3A_1788[0] : i32 from vector<1xi32>
        %get3A_1790 = arith.index_cast %squeeze3A_1789 : i32 to index
        %get3A_1791 = tpu.vector_load %arg5[%get3A_1790] {strides = array<i32>} : memref<32000xi32, #tpu.memory_space<vmem>>, vector<16xi32>,
        %bitcast3A_1792 = vector.bitcast %get3A_1791 : vector<16xi32> to vector<32xbf16>
        %add3A_1793 = arith.constant 16 : i32
        %add3A_1794 = arith.addi %squeeze3A_1789, %add3A_1793 : i32
        %get3A_1795 = arith.index_cast %add3A_1794 : i32 to index
        %get3A_1796 = tpu.vector_load %arg5[%get3A_1795] {strides = array<i32>} : memref<32000xi32, #tpu.memory_space<vmem>>, vector<16xi32>,
        %bitcast3A_1797 = vector.bitcast %get3A_1796 : vector<16xi32> to vector<32xbf16>
        %slice3A_1798 = vector.extract_strided_slice %mul3A_139 {offsets = [14], sizes = [1], strides = [1]} : vector<16xi32> to vector<1xi32>
        %squeeze3A_1799 = vector.extract %slice3A_1798[0] : i32 from vector<1xi32>
        %get3A_1800 = arith.index_cast %squeeze3A_1799 : i32 to index
        %get3A_1801 = tpu.vector_load %arg5[%get3A_1800] {strides = array<i32>} : memref<32000xi32, #tpu.memory_space<vmem>>, vector<16xi32>,
        %bitcast3A_1802 = vector.bitcast %get3A_1801 : vector<16xi32> to vector<32xbf16>
        %add3A_1803 = arith.constant 16 : i32
        %add3A_1804 = arith.addi %squeeze3A_1799, %add3A_1803 : i32
        %get3A_1805 = arith.index_cast %add3A_1804 : i32 to index
        %get3A_1806 = tpu.vector_load %arg5[%get3A_1805] {strides = array<i32>} : memref<32000xi32, #tpu.memory_space<vmem>>, vector<16xi32>,
        %bitcast3A_1807 = vector.bitcast %get3A_1806 : vector<16xi32> to vector<32xbf16>
        %slice3A_1808 = vector.extract_strided_slice %mul3A_148 {offsets = [14], sizes = [1], strides = [1]} : vector<16xi32> to vector<1xi32>
        %squeeze3A_1809 = vector.extract %slice3A_1808[0] : i32 from vector<1xi32>
        %get3A_1810 = arith.index_cast %squeeze3A_1809 : i32 to index
        %get3A_1811 = tpu.vector_load %arg5[%get3A_1810] {strides = array<i32>} : memref<32000xi32, #tpu.memory_space<vmem>>, vector<16xi32>,
        %bitcast3A_1812 = vector.bitcast %get3A_1811 : vector<16xi32> to vector<32xbf16>
        %add3A_1813 = arith.constant 16 : i32
        %add3A_1814 = arith.addi %squeeze3A_1809, %add3A_1813 : i32
        %get3A_1815 = arith.index_cast %add3A_1814 : i32 to index
        %get3A_1816 = tpu.vector_load %arg5[%get3A_1815] {strides = array<i32>} : memref<32000xi32, #tpu.memory_space<vmem>>, vector<16xi32>,
        %bitcast3A_1817 = vector.bitcast %get3A_1816 : vector<16xi32> to vector<32xbf16>
        %slice3A_1818 = vector.extract_strided_slice %mul3A_157 {offsets = [14], sizes = [1], strides = [1]} : vector<16xi32> to vector<1xi32>
        %squeeze3A_1819 = vector.extract %slice3A_1818[0] : i32 from vector<1xi32>
        %get3A_1820 = arith.index_cast %squeeze3A_1819 : i32 to index
        %get3A_1821 = tpu.vector_load %arg5[%get3A_1820] {strides = array<i32>} : memref<32000xi32, #tpu.memory_space<vmem>>, vector<16xi32>,
        %bitcast3A_1822 = vector.bitcast %get3A_1821 : vector<16xi32> to vector<32xbf16>
        %add3A_1823 = arith.constant 16 : i32
        %add3A_1824 = arith.addi %squeeze3A_1819, %add3A_1823 : i32
        %get3A_1825 = arith.index_cast %add3A_1824 : i32 to index
        %get3A_1826 = tpu.vector_load %arg5[%get3A_1825] {strides = array<i32>} : memref<32000xi32, #tpu.memory_space<vmem>>, vector<16xi32>,
        %bitcast3A_1827 = vector.bitcast %get3A_1826 : vector<16xi32> to vector<32xbf16>
        %slice3A_1828 = vector.extract_strided_slice %mul3A_166 {offsets = [14], sizes = [1], strides = [1]} : vector<16xi32> to vector<1xi32>
        %squeeze3A_1829 = vector.extract %slice3A_1828[0] : i32 from vector<1xi32>
        %get3A_1830 = arith.index_cast %squeeze3A_1829 : i32 to index
        %get3A_1831 = tpu.vector_load %arg5[%get3A_1830] {strides = array<i32>} : memref<32000xi32, #tpu.memory_space<vmem>>, vector<16xi32>,
        %bitcast3A_1832 = vector.bitcast %get3A_1831 : vector<16xi32> to vector<32xbf16>
        %add3A_1833 = arith.constant 16 : i32
        %add3A_1834 = arith.addi %squeeze3A_1829, %add3A_1833 : i32
        %get3A_1835 = arith.index_cast %add3A_1834 : i32 to index
        %get3A_1836 = tpu.vector_load %arg5[%get3A_1835] {strides = array<i32>} : memref<32000xi32, #tpu.memory_space<vmem>>, vector<16xi32>,
        %bitcast3A_1837 = vector.bitcast %get3A_1836 : vector<16xi32> to vector<32xbf16>
        %add3A_1838 = arith.addf %bitcast3A_1762, %bitcast3A_1772 : vector<32xbf16>
        %add3A_1839 = arith.addf %bitcast3A_1782, %bitcast3A_1792 : vector<32xbf16>
        %add3A_1840 = arith.addf %add3A_1838, %add3A_1839 : vector<32xbf16>
        %add3A_1841 = arith.addf %bitcast3A_1802, %bitcast3A_1812 : vector<32xbf16>
        %add3A_1842 = arith.addf %bitcast3A_1822, %bitcast3A_1832 : vector<32xbf16>
        %add3A_1843 = arith.addf %add3A_1841, %add3A_1842 : vector<32xbf16>
        %add3A_1844 = arith.addf %add3A_1840, %add3A_1843 : vector<32xbf16>
        %add3A_1845 = arith.addf %bitcast3A_1767, %bitcast3A_1777 : vector<32xbf16>
        %add3A_1846 = arith.addf %bitcast3A_1787, %bitcast3A_1797 : vector<32xbf16>
        %add3A_1847 = arith.addf %add3A_1845, %add3A_1846 : vector<32xbf16>
        %add3A_1848 = arith.addf %bitcast3A_1807, %bitcast3A_1817 : vector<32xbf16>
        %add3A_1849 = arith.addf %bitcast3A_1827, %bitcast3A_1837 : vector<32xbf16>
        %add3A_1850 = arith.addf %add3A_1848, %add3A_1849 : vector<32xbf16>
        %add3A_1851 = arith.addf %add3A_1847, %add3A_1850 : vector<32xbf16>
        %unpack3A_1852 = tpu.unpack_subelements %add3A_1844, 0 {pack_format = #tpu.pack_format<interleaved>} : vector<32xbf16> -> vector<16xf32>
        %unpack3A_1853 = tpu.unpack_subelements %add3A_1844, 1 {pack_format = #tpu.pack_format<interleaved>} : vector<32xbf16> -> vector<16xf32>
        %unpack3A_1854 = tpu.unpack_subelements %add3A_1851, 0 {pack_format = #tpu.pack_format<interleaved>} : vector<32xbf16> -> vector<16xf32>
        %unpack3A_1855 = tpu.unpack_subelements %add3A_1851, 1 {pack_format = #tpu.pack_format<interleaved>} : vector<32xbf16> -> vector<16xf32>
        %mul3A_1856 = arith.constant 16 : i32
        %mul3A_1857 = arith.muli %scan3A_95, %mul3A_1856 : i32
        %add3A_1858 = arith.constant 14 : i32
        %add3A_1859 = arith.addi %mul3A_1857, %add3A_1858 : i32
        %swap3A_1860 = arith.index_cast %add3A_1859 : i32 to index
        %swap3A_1861 = arith.constant 0 : index
        %swap3A_1862 = tpu.vector_load %arg8[%swap3A_1860, %swap3A_1861] {strides = array<i32>} : memref<128x64xf32, #tpu.memory_space<vmem>>, vector<16xf32>,
        tpu.vector_store %arg8[%swap3A_1860, %swap3A_1861], %unpack3A_1852 {strides = array<i32>} : memref<128x64xf32, #tpu.memory_space<vmem>>, vector<16xf32>,
        %swap3A_1863 = arith.index_cast %add3A_1859 : i32 to index
        %swap3A_1864 = arith.constant 16 : index
        %swap3A_1865 = tpu.vector_load %arg8[%swap3A_1863, %swap3A_1864] {strides = array<i32>} : memref<128x64xf32, #tpu.memory_space<vmem>>, vector<16xf32>,
        tpu.vector_store %arg8[%swap3A_1863, %swap3A_1864], %unpack3A_1854 {strides = array<i32>} : memref<128x64xf32, #tpu.memory_space<vmem>>, vector<16xf32>,
        %swap3A_1866 = arith.index_cast %add3A_1859 : i32 to index
        %swap3A_1867 = arith.constant 32 : index
        %swap3A_1868 = tpu.vector_load %arg8[%swap3A_1866, %swap3A_1867] {strides = array<i32>} : memref<128x64xf32, #tpu.memory_space<vmem>>, vector<16xf32>,
        tpu.vector_store %arg8[%swap3A_1866, %swap3A_1867], %unpack3A_1853 {strides = array<i32>} : memref<128x64xf32, #tpu.memory_space<vmem>>, vector<16xf32>,
        %swap3A_1869 = arith.index_cast %add3A_1859 : i32 to index
        %swap3A_1870 = arith.constant 48 : index
        %swap3A_1871 = tpu.vector_load %arg8[%swap3A_1869, %swap3A_1870] {strides = array<i32>} : memref<128x64xf32, #tpu.memory_space<vmem>>, vector<16xf32>,
        tpu.vector_store %arg8[%swap3A_1869, %swap3A_1870], %unpack3A_1855 {strides = array<i32>} : memref<128x64xf32, #tpu.memory_space<vmem>>, vector<16xf32>,
        %slice3A_1872 = vector.extract_strided_slice %mul3A_103 {offsets = [15], sizes = [1], strides = [1]} : vector<16xi32> to vector<1xi32>
        %squeeze3A_1873 = vector.extract %slice3A_1872[0] : i32 from vector<1xi32>
        %get3A_1874 = arith.index_cast %squeeze3A_1873 : i32 to index
        %get3A_1875 = tpu.vector_load %arg5[%get3A_1874] {strides = array<i32>} : memref<32000xi32, #tpu.memory_space<vmem>>, vector<16xi32>,
        %bitcast3A_1876 = vector.bitcast %get3A_1875 : vector<16xi32> to vector<32xbf16>
        %add3A_1877 = arith.constant 16 : i32
        %add3A_1878 = arith.addi %squeeze3A_1873, %add3A_1877 : i32
        %get3A_1879 = arith.index_cast %add3A_1878 : i32 to index
        %get3A_1880 = tpu.vector_load %arg5[%get3A_1879] {strides = array<i32>} : memref<32000xi32, #tpu.memory_space<vmem>>, vector<16xi32>,
        %bitcast3A_1881 = vector.bitcast %get3A_1880 : vector<16xi32> to vector<32xbf16>
        %slice3A_1882 = vector.extract_strided_slice %mul3A_112 {offsets = [15], sizes = [1], strides = [1]} : vector<16xi32> to vector<1xi32>
        %squeeze3A_1883 = vector.extract %slice3A_1882[0] : i32 from vector<1xi32>
        %get3A_1884 = arith.index_cast %squeeze3A_1883 : i32 to index
        %get3A_1885 = tpu.vector_load %arg5[%get3A_1884] {strides = array<i32>} : memref<32000xi32, #tpu.memory_space<vmem>>, vector<16xi32>,
        %bitcast3A_1886 = vector.bitcast %get3A_1885 : vector<16xi32> to vector<32xbf16>
        %add3A_1887 = arith.constant 16 : i32
        %add3A_1888 = arith.addi %squeeze3A_1883, %add3A_1887 : i32
        %get3A_1889 = arith.index_cast %add3A_1888 : i32 to index
        %get3A_1890 = tpu.vector_load %arg5[%get3A_1889] {strides = array<i32>} : memref<32000xi32, #tpu.memory_space<vmem>>, vector<16xi32>,
        %bitcast3A_1891 = vector.bitcast %get3A_1890 : vector<16xi32> to vector<32xbf16>
        %slice3A_1892 = vector.extract_strided_slice %mul3A_121 {offsets = [15], sizes = [1], strides = [1]} : vector<16xi32> to vector<1xi32>
        %squeeze3A_1893 = vector.extract %slice3A_1892[0] : i32 from vector<1xi32>
        %get3A_1894 = arith.index_cast %squeeze3A_1893 : i32 to index
        %get3A_1895 = tpu.vector_load %arg5[%get3A_1894] {strides = array<i32>} : memref<32000xi32, #tpu.memory_space<vmem>>, vector<16xi32>,
        %bitcast3A_1896 = vector.bitcast %get3A_1895 : vector<16xi32> to vector<32xbf16>
        %add3A_1897 = arith.constant 16 : i32
        %add3A_1898 = arith.addi %squeeze3A_1893, %add3A_1897 : i32
        %get3A_1899 = arith.index_cast %add3A_1898 : i32 to index
        %get3A_1900 = tpu.vector_load %arg5[%get3A_1899] {strides = array<i32>} : memref<32000xi32, #tpu.memory_space<vmem>>, vector<16xi32>,
        %bitcast3A_1901 = vector.bitcast %get3A_1900 : vector<16xi32> to vector<32xbf16>
        %slice3A_1902 = vector.extract_strided_slice %mul3A_130 {offsets = [15], sizes = [1], strides = [1]} : vector<16xi32> to vector<1xi32>
        %squeeze3A_1903 = vector.extract %slice3A_1902[0] : i32 from vector<1xi32>
        %get3A_1904 = arith.index_cast %squeeze3A_1903 : i32 to index
        %get3A_1905 = tpu.vector_load %arg5[%get3A_1904] {strides = array<i32>} : memref<32000xi32, #tpu.memory_space<vmem>>, vector<16xi32>,
        %bitcast3A_1906 = vector.bitcast %get3A_1905 : vector<16xi32> to vector<32xbf16>
        %add3A_1907 = arith.constant 16 : i32
        %add3A_1908 = arith.addi %squeeze3A_1903, %add3A_1907 : i32
        %get3A_1909 = arith.index_cast %add3A_1908 : i32 to index
        %get3A_1910 = tpu.vector_load %arg5[%get3A_1909] {strides = array<i32>} : memref<32000xi32, #tpu.memory_space<vmem>>, vector<16xi32>,
        %bitcast3A_1911 = vector.bitcast %get3A_1910 : vector<16xi32> to vector<32xbf16>
        %slice3A_1912 = vector.extract_strided_slice %mul3A_139 {offsets = [15], sizes = [1], strides = [1]} : vector<16xi32> to vector<1xi32>
        %squeeze3A_1913 = vector.extract %slice3A_1912[0] : i32 from vector<1xi32>
        %get3A_1914 = arith.index_cast %squeeze3A_1913 : i32 to index
        %get3A_1915 = tpu.vector_load %arg5[%get3A_1914] {strides = array<i32>} : memref<32000xi32, #tpu.memory_space<vmem>>, vector<16xi32>,
        %bitcast3A_1916 = vector.bitcast %get3A_1915 : vector<16xi32> to vector<32xbf16>
        %add3A_1917 = arith.constant 16 : i32
        %add3A_1918 = arith.addi %squeeze3A_1913, %add3A_1917 : i32
        %get3A_1919 = arith.index_cast %add3A_1918 : i32 to index
        %get3A_1920 = tpu.vector_load %arg5[%get3A_1919] {strides = array<i32>} : memref<32000xi32, #tpu.memory_space<vmem>>, vector<16xi32>,
        %bitcast3A_1921 = vector.bitcast %get3A_1920 : vector<16xi32> to vector<32xbf16>
        %slice3A_1922 = vector.extract_strided_slice %mul3A_148 {offsets = [15], sizes = [1], strides = [1]} : vector<16xi32> to vector<1xi32>
        %squeeze3A_1923 = vector.extract %slice3A_1922[0] : i32 from vector<1xi32>
        %get3A_1924 = arith.index_cast %squeeze3A_1923 : i32 to index
        %get3A_1925 = tpu.vector_load %arg5[%get3A_1924] {strides = array<i32>} : memref<32000xi32, #tpu.memory_space<vmem>>, vector<16xi32>,
        %bitcast3A_1926 = vector.bitcast %get3A_1925 : vector<16xi32> to vector<32xbf16>
        %add3A_1927 = arith.constant 16 : i32
        %add3A_1928 = arith.addi %squeeze3A_1923, %add3A_1927 : i32
        %get3A_1929 = arith.index_cast %add3A_1928 : i32 to index
        %get3A_1930 = tpu.vector_load %arg5[%get3A_1929] {strides = array<i32>} : memref<32000xi32, #tpu.memory_space<vmem>>, vector<16xi32>,
        %bitcast3A_1931 = vector.bitcast %get3A_1930 : vector<16xi32> to vector<32xbf16>
        %slice3A_1932 = vector.extract_strided_slice %mul3A_157 {offsets = [15], sizes = [1], strides = [1]} : vector<16xi32> to vector<1xi32>
        %squeeze3A_1933 = vector.extract %slice3A_1932[0] : i32 from vector<1xi32>
        %get3A_1934 = arith.index_cast %squeeze3A_1933 : i32 to index
        %get3A_1935 = tpu.vector_load %arg5[%get3A_1934] {strides = array<i32>} : memref<32000xi32, #tpu.memory_space<vmem>>, vector<16xi32>,
        %bitcast3A_1936 = vector.bitcast %get3A_1935 : vector<16xi32> to vector<32xbf16>
        %add3A_1937 = arith.constant 16 : i32
        %add3A_1938 = arith.addi %squeeze3A_1933, %add3A_1937 : i32
        %get3A_1939 = arith.index_cast %add3A_1938 : i32 to index
        %get3A_1940 = tpu.vector_load %arg5[%get3A_1939] {strides = array<i32>} : memref<32000xi32, #tpu.memory_space<vmem>>, vector<16xi32>,
        %bitcast3A_1941 = vector.bitcast %get3A_1940 : vector<16xi32> to vector<32xbf16>
        %slice3A_1942 = vector.extract_strided_slice %mul3A_166 {offsets = [15], sizes = [1], strides = [1]} : vector<16xi32> to vector<1xi32>
        %squeeze3A_1943 = vector.extract %slice3A_1942[0] : i32 from vector<1xi32>
        %get3A_1944 = arith.index_cast %squeeze3A_1943 : i32 to index
        %get3A_1945 = tpu.vector_load %arg5[%get3A_1944] {strides = array<i32>} : memref<32000xi32, #tpu.memory_space<vmem>>, vector<16xi32>,
        %bitcast3A_1946 = vector.bitcast %get3A_1945 : vector<16xi32> to vector<32xbf16>
        %add3A_1947 = arith.constant 16 : i32
        %add3A_1948 = arith.addi %squeeze3A_1943, %add3A_1947 : i32
        %get3A_1949 = arith.index_cast %add3A_1948 : i32 to index
        %get3A_1950 = tpu.vector_load %arg5[%get3A_1949] {strides = array<i32>} : memref<32000xi32, #tpu.memory_space<vmem>>, vector<16xi32>,
        %bitcast3A_1951 = vector.bitcast %get3A_1950 : vector<16xi32> to vector<32xbf16>
        %add3A_1952 = arith.addf %bitcast3A_1876, %bitcast3A_1886 : vector<32xbf16>
        %add3A_1953 = arith.addf %bitcast3A_1896, %bitcast3A_1906 : vector<32xbf16>
        %add3A_1954 = arith.addf %add3A_1952, %add3A_1953 : vector<32xbf16>
        %add3A_1955 = arith.addf %bitcast3A_1916, %bitcast3A_1926 : vector<32xbf16>
        %add3A_1956 = arith.addf %bitcast3A_1936, %bitcast3A_1946 : vector<32xbf16>
        %add3A_1957 = arith.addf %add3A_1955, %add3A_1956 : vector<32xbf16>
        %add3A_1958 = arith.addf %add3A_1954, %add3A_1957 : vector<32xbf16>
        %add3A_1959 = arith.addf %bitcast3A_1881, %bitcast3A_1891 : vector<32xbf16>
        %add3A_1960 = arith.addf %bitcast3A_1901, %bitcast3A_1911 : vector<32xbf16>
        %add3A_1961 = arith.addf %add3A_1959, %add3A_1960 : vector<32xbf16>
        %add3A_1962 = arith.addf %bitcast3A_1921, %bitcast3A_1931 : vector<32xbf16>
        %add3A_1963 = arith.addf %bitcast3A_1941, %bitcast3A_1951 : vector<32xbf16>
        %add3A_1964 = arith.addf %add3A_1962, %add3A_1963 : vector<32xbf16>
        %add3A_1965 = arith.addf %add3A_1961, %add3A_1964 : vector<32xbf16>
        %unpack3A_1966 = tpu.unpack_subelements %add3A_1958, 0 {pack_format = #tpu.pack_format<interleaved>} : vector<32xbf16> -> vector<16xf32>
        %unpack3A_1967 = tpu.unpack_subelements %add3A_1958, 1 {pack_format = #tpu.pack_format<interleaved>} : vector<32xbf16> -> vector<16xf32>
        %unpack3A_1968 = tpu.unpack_subelements %add3A_1965, 0 {pack_format = #tpu.pack_format<interleaved>} : vector<32xbf16> -> vector<16xf32>
        %unpack3A_1969 = tpu.unpack_subelements %add3A_1965, 1 {pack_format = #tpu.pack_format<interleaved>} : vector<32xbf16> -> vector<16xf32>
        %mul3A_1970 = arith.constant 16 : i32
        %mul3A_1971 = arith.muli %scan3A_95, %mul3A_1970 : i32
        %add3A_1972 = arith.constant 15 : i32
        %add3A_1973 = arith.addi %mul3A_1971, %add3A_1972 : i32
        %swap3A_1974 = arith.index_cast %add3A_1973 : i32 to index
        %swap3A_1975 = arith.constant 0 : index
        %swap3A_1976 = tpu.vector_load %arg8[%swap3A_1974, %swap3A_1975] {strides = array<i32>} : memref<128x64xf32, #tpu.memory_space<vmem>>, vector<16xf32>,
        tpu.vector_store %arg8[%swap3A_1974, %swap3A_1975], %unpack3A_1966 {strides = array<i32>} : memref<128x64xf32, #tpu.memory_space<vmem>>, vector<16xf32>,
        %swap3A_1977 = arith.index_cast %add3A_1973 : i32 to index
        %swap3A_1978 = arith.constant 16 : index
        %swap3A_1979 = tpu.vector_load %arg8[%swap3A_1977, %swap3A_1978] {strides = array<i32>} : memref<128x64xf32, #tpu.memory_space<vmem>>, vector<16xf32>,
        tpu.vector_store %arg8[%swap3A_1977, %swap3A_1978], %unpack3A_1968 {strides = array<i32>} : memref<128x64xf32, #tpu.memory_space<vmem>>, vector<16xf32>,
        %swap3A_1980 = arith.index_cast %add3A_1973 : i32 to index
        %swap3A_1981 = arith.constant 32 : index
        %swap3A_1982 = tpu.vector_load %arg8[%swap3A_1980, %swap3A_1981] {strides = array<i32>} : memref<128x64xf32, #tpu.memory_space<vmem>>, vector<16xf32>,
        tpu.vector_store %arg8[%swap3A_1980, %swap3A_1981], %unpack3A_1967 {strides = array<i32>} : memref<128x64xf32, #tpu.memory_space<vmem>>, vector<16xf32>,
        %swap3A_1983 = arith.index_cast %add3A_1973 : i32 to index
        %swap3A_1984 = arith.constant 48 : index
        %swap3A_1985 = tpu.vector_load %arg8[%swap3A_1983, %swap3A_1984] {strides = array<i32>} : memref<128x64xf32, #tpu.memory_space<vmem>>, vector<16xf32>,
        tpu.vector_store %arg8[%swap3A_1983, %swap3A_1984], %unpack3A_1969 {strides = array<i32>} : memref<128x64xf32, #tpu.memory_space<vmem>>, vector<16xf32>,
      }
      %scan3A_52 = arith.constant 8 : i32
      %lt3A = arith.constant 9 : i32
      %lt3A_53 = arith.cmpi slt, %scan3A_34, %lt3A : i32
      %convert_element_type3A_54 = arith.extui %lt3A_53 : i1 to i32
      %cond3A_55 = arith.constant 0 : i32
      %cond3A_56 = arith.cmpi ne, %convert_element_type3A_54, %cond3A_55 : i32
      scf.if %cond3A_56 {
        %add3A_95 = arith.constant 2 : i32
        %add3A_96 = arith.addi %add3A_38, %add3A_95 : i32
        %dma_start3A_97 = arith.constant 0 : i32
        %dma_start3A_98 = tpu.memref_slice %arg3[%add3A_96, %dma_start3A_97, %mul3A_2] : memref<20x8x4096xi32, #tpu.memory_space<hbm>> -> memref<1x8x128xi32, #tpu.memory_space<hbm>>
        %dma_start3A_99 = tpu.memref_squeeze %dma_start3A_98 : memref<1x8x128xi32, #tpu.memory_space<hbm>> -> memref<8x128xi32, #tpu.memory_space<hbm>>
        %dma_start3A_100 = arith.constant 0 : i32
        %dma_start3A_101 = tpu.memref_slice %arg3[%add3A_96, %dma_start3A_100, %mul3A_2] : memref<20x8x4096xi32, #tpu.memory_space<hbm>> -> memref<1x8x128xi32, #tpu.memory_space<hbm>>
        %dma_start3A_102 = tpu.memref_squeeze %dma_start3A_101 : memref<1x8x128xi32, #tpu.memory_space<hbm>> -> memref<8x128xi32, #tpu.memory_space<hbm>>
        tpu.enqueue_dma source(%dma_start3A_102 : memref<8x128xi32, #tpu.memory_space<hbm>>) target(%arg6 : memref<8x128xi32, #tpu.memory_space<vmem>>) target_semaphore(%arg10 : memref<!tpu.dma_semaphore, #tpu.memory_space<semaphore_mem>>)
      } else {
      }
      %dma_start3A_57 = arith.constant 0 : i32
      %dma_start3A_58 = tpu.memref_slice %arg4[%add3A_38, %mul3A_2, %dma_start3A_57] : memref<20x4096x64xf32, #tpu.memory_space<hbm>> -> memref<1x128x64xf32, #tpu.memory_space<hbm>>
      %dma_start3A_59 = tpu.memref_squeeze %dma_start3A_58 : memref<1x128x64xf32, #tpu.memory_space<hbm>> -> memref<128x64xf32, #tpu.memory_space<hbm>>
      %dma_start3A_60 = arith.constant 0 : i32
      %dma_start3A_61 = tpu.memref_slice %arg4[%add3A_38, %mul3A_2, %dma_start3A_60] : memref<20x4096x64xf32, #tpu.memory_space<hbm>> -> memref<1x128x64xf32, #tpu.memory_space<hbm>>
      %dma_start3A_62 = tpu.memref_squeeze %dma_start3A_61 : memref<1x128x64xf32, #tpu.memory_space<hbm>> -> memref<128x64xf32, #tpu.memory_space<hbm>>
      tpu.enqueue_dma source(%arg8 : memref<128x64xf32, #tpu.memory_space<vmem>>) target(%dma_start3A_62 : memref<128x64xf32, #tpu.memory_space<hbm>>) target_semaphore(%arg12 : memref<!tpu.dma_semaphore, #tpu.memory_space<semaphore_mem>>)
      %mul3A_63 = arith.constant 2 : i32
      %mul3A_64 = arith.muli %mul3A_63, %scan3A_34 : i32
      %add3A_65 = arith.constant 1 : i32
      %add3A_66 = arith.addi %mul3A_64, %add3A_65 : i32
      %dma_wait3A_67 = arith.constant 0 : i32
      %dma_wait3A_68 = tpu.memref_slice %arg3[%add3A_66, %dma_wait3A_67, %mul3A_2] : memref<20x8x4096xi32, #tpu.memory_space<hbm>> -> memref<1x8x128xi32, #tpu.memory_space<hbm>>
      %dma_wait3A_69 = tpu.memref_squeeze %dma_wait3A_68 : memref<1x8x128xi32, #tpu.memory_space<hbm>> -> memref<8x128xi32, #tpu.memory_space<hbm>>
      %dma_wait3A_70 = arith.constant 0 : i32
      %dma_wait3A_71 = tpu.memref_slice %arg3[%add3A_66, %dma_wait3A_70, %mul3A_2] : memref<20x8x4096xi32, #tpu.memory_space<hbm>> -> memref<1x8x128xi32, #tpu.memory_space<hbm>>
      %dma_wait3A_72 = tpu.memref_squeeze %dma_wait3A_71 : memref<1x8x128xi32, #tpu.memory_space<hbm>> -> memref<8x128xi32, #tpu.memory_space<hbm>>
      tpu.wait_dma2 semaphore(%arg11 : memref<!tpu.dma_semaphore, #tpu.memory_space<semaphore_mem>>) src(%dma_wait3A_72 : memref<8x128xi32, #tpu.memory_space<hbm>>) dst(%arg7 : memref<8x128xi32, #tpu.memory_space<vmem>>)
      %gt3A_73 = arith.constant 0 : i32
      %gt3A_74 = arith.cmpi sgt, %scan3A_34, %gt3A_73 : i32
      %convert_element_type3A_75 = arith.extui %gt3A_74 : i1 to i32
      %cond3A_76 = arith.constant 0 : i32
      %cond3A_77 = arith.cmpi ne, %convert_element_type3A_75, %cond3A_76 : i32
      scf.if %cond3A_77 {
        %sub3A = arith.constant 2 : i32
        %sub3A_95 = arith.subi %add3A_66, %sub3A : i32
        %dma_wait3A_96 = arith.constant 0 : i32
        %dma_wait3A_97 = tpu.memref_slice %arg4[%sub3A_95, %mul3A_2, %dma_wait3A_96] : memref<20x4096x64xf32, #tpu.memory_space<hbm>> -> memref<1x128x64xf32, #tpu.memory_space<hbm>>
        %dma_wait3A_98 = tpu.memref_squeeze %dma_wait3A_97 : memref<1x128x64xf32, #tpu.memory_space<hbm>> -> memref<128x64xf32, #tpu.memory_space<hbm>>
        %dma_wait3A_99 = arith.constant 0 : i32
        %dma_wait3A_100 = tpu.memref_slice %arg4[%sub3A_95, %mul3A_2, %dma_wait3A_99] : memref<20x4096x64xf32, #tpu.memory_space<hbm>> -> memref<1x128x64xf32, #tpu.memory_space<hbm>>
        %dma_wait3A_101 = tpu.memref_squeeze %dma_wait3A_100 : memref<1x128x64xf32, #tpu.memory_space<hbm>> -> memref<128x64xf32, #tpu.memory_space<hbm>>
        tpu.wait_dma2 semaphore(%arg13 : memref<!tpu.dma_semaphore, #tpu.memory_space<semaphore_mem>>) src(%arg9 : memref<128x64xf32, #tpu.memory_space<vmem>>) dst(%dma_wait3A_101 : memref<128x64xf32, #tpu.memory_space<hbm>>)
      } else {
      }
      %scan3A_78 = arith.constant 0 : i32
      %scan3A_79 = arith.constant 0 : i32
      %scan3A_80 = arith.constant 8 : i32
      %scan3A_81 = arith.addi %scan3A_79, %scan3A_80 : i32
      %scan3A_82 = arith.constant 1 : i32
      scf.for %scan3A_95 = %scan3A_79 to %scan3A_81 step %scan3A_82  : i32 {
        %mul3A_96 = arith.constant 16 : i32
        %mul3A_97 = arith.muli %scan3A_95, %mul3A_96 : i32
        %get3A = arith.constant 0 : i32
        %get3A_98 = arith.index_cast %get3A : i32 to index
        %get3A_99 = arith.index_cast %mul3A_97 : i32 to index
        %get3A_100 = tpu.vector_load %arg7[%get3A_98, %get3A_99] {strides = array<i32>} : memref<8x128xi32, #tpu.memory_space<vmem>>, vector<16xi32>,
        %mul3A_101 = arith.constant 32 : i32
        %mul3A_102 = vector.broadcast %mul3A_101 : i32 to vector<16xi32>
        %mul3A_103 = arith.muli %get3A_100, %mul3A_102 : vector<16xi32>
        %mul3A_104 = arith.constant 16 : i32
        %mul3A_105 = arith.muli %scan3A_95, %mul3A_104 : i32
        %get3A_106 = arith.constant 1 : i32
        %get3A_107 = arith.index_cast %get3A_106 : i32 to index
        %get3A_108 = arith.index_cast %mul3A_105 : i32 to index
        %get3A_109 = tpu.vector_load %arg7[%get3A_107, %get3A_108] {strides = array<i32>} : memref<8x128xi32, #tpu.memory_space<vmem>>, vector<16xi32>,
        %mul3A_110 = arith.constant 32 : i32
        %mul3A_111 = vector.broadcast %mul3A_110 : i32 to vector<16xi32>
        %mul3A_112 = arith.muli %get3A_109, %mul3A_111 : vector<16xi32>
        %mul3A_113 = arith.constant 16 : i32
        %mul3A_114 = arith.muli %scan3A_95, %mul3A_113 : i32
        %get3A_115 = arith.constant 2 : i32
        %get3A_116 = arith.index_cast %get3A_115 : i32 to index
        %get3A_117 = arith.index_cast %mul3A_114 : i32 to index
        %get3A_118 = tpu.vector_load %arg7[%get3A_116, %get3A_117] {strides = array<i32>} : memref<8x128xi32, #tpu.memory_space<vmem>>, vector<16xi32>,
        %mul3A_119 = arith.constant 32 : i32
        %mul3A_120 = vector.broadcast %mul3A_119 : i32 to vector<16xi32>
        %mul3A_121 = arith.muli %get3A_118, %mul3A_120 : vector<16xi32>
        %mul3A_122 = arith.constant 16 : i32
        %mul3A_123 = arith.muli %scan3A_95, %mul3A_122 : i32
        %get3A_124 = arith.constant 3 : i32
        %get3A_125 = arith.index_cast %get3A_124 : i32 to index
        %get3A_126 = arith.index_cast %mul3A_123 : i32 to index
        %get3A_127 = tpu.vector_load %arg7[%get3A_125, %get3A_126] {strides = array<i32>} : memref<8x128xi32, #tpu.memory_space<vmem>>, vector<16xi32>,
        %mul3A_128 = arith.constant 32 : i32
        %mul3A_129 = vector.broadcast %mul3A_128 : i32 to vector<16xi32>
        %mul3A_130 = arith.muli %get3A_127, %mul3A_129 : vector<16xi32>
        %mul3A_131 = arith.constant 16 : i32
        %mul3A_132 = arith.muli %scan3A_95, %mul3A_131 : i32
        %get3A_133 = arith.constant 4 : i32
        %get3A_134 = arith.index_cast %get3A_133 : i32 to index
        %get3A_135 = arith.index_cast %mul3A_132 : i32 to index
        %get3A_136 = tpu.vector_load %arg7[%get3A_134, %get3A_135] {strides = array<i32>} : memref<8x128xi32, #tpu.memory_space<vmem>>, vector<16xi32>,
        %mul3A_137 = arith.constant 32 : i32
        %mul3A_138 = vector.broadcast %mul3A_137 : i32 to vector<16xi32>
        %mul3A_139 = arith.muli %get3A_136, %mul3A_138 : vector<16xi32>
        %mul3A_140 = arith.constant 16 : i32
        %mul3A_141 = arith.muli %scan3A_95, %mul3A_140 : i32
        %get3A_142 = arith.constant 5 : i32
        %get3A_143 = arith.index_cast %get3A_142 : i32 to index
        %get3A_144 = arith.index_cast %mul3A_141 : i32 to index
        %get3A_145 = tpu.vector_load %arg7[%get3A_143, %get3A_144] {strides = array<i32>} : memref<8x128xi32, #tpu.memory_space<vmem>>, vector<16xi32>,
        %mul3A_146 = arith.constant 32 : i32
        %mul3A_147 = vector.broadcast %mul3A_146 : i32 to vector<16xi32>
        %mul3A_148 = arith.muli %get3A_145, %mul3A_147 : vector<16xi32>
        %mul3A_149 = arith.constant 16 : i32
        %mul3A_150 = arith.muli %scan3A_95, %mul3A_149 : i32
        %get3A_151 = arith.constant 6 : i32
        %get3A_152 = arith.index_cast %get3A_151 : i32 to index
        %get3A_153 = arith.index_cast %mul3A_150 : i32 to index
        %get3A_154 = tpu.vector_load %arg7[%get3A_152, %get3A_153] {strides = array<i32>} : memref<8x128xi32, #tpu.memory_space<vmem>>, vector<16xi32>,
        %mul3A_155 = arith.constant 32 : i32
        %mul3A_156 = vector.broadcast %mul3A_155 : i32 to vector<16xi32>
        %mul3A_157 = arith.muli %get3A_154, %mul3A_156 : vector<16xi32>
        %mul3A_158 = arith.constant 16 : i32
        %mul3A_159 = arith.muli %scan3A_95, %mul3A_158 : i32
        %get3A_160 = arith.constant 7 : i32
        %get3A_161 = arith.index_cast %get3A_160 : i32 to index
        %get3A_162 = arith.index_cast %mul3A_159 : i32 to index
        %get3A_163 = tpu.vector_load %arg7[%get3A_161, %get3A_162] {strides = array<i32>} : memref<8x128xi32, #tpu.memory_space<vmem>>, vector<16xi32>,
        %mul3A_164 = arith.constant 32 : i32
        %mul3A_165 = vector.broadcast %mul3A_164 : i32 to vector<16xi32>
        %mul3A_166 = arith.muli %get3A_163, %mul3A_165 : vector<16xi32>
        %slice3A = vector.extract_strided_slice %mul3A_103 {offsets = [0], sizes = [1], strides = [1]} : vector<16xi32> to vector<1xi32>
        %squeeze3A = vector.extract %slice3A[0] : i32 from vector<1xi32>
        %get3A_167 = arith.index_cast %squeeze3A : i32 to index
        %get3A_168 = tpu.vector_load %arg5[%get3A_167] {strides = array<i32>} : memref<32000xi32, #tpu.memory_space<vmem>>, vector<16xi32>,
        %bitcast3A = vector.bitcast %get3A_168 : vector<16xi32> to vector<32xbf16>
        %add3A_169 = arith.constant 16 : i32
        %add3A_170 = arith.addi %squeeze3A, %add3A_169 : i32
        %get3A_171 = arith.index_cast %add3A_170 : i32 to index
        %get3A_172 = tpu.vector_load %arg5[%get3A_171] {strides = array<i32>} : memref<32000xi32, #tpu.memory_space<vmem>>, vector<16xi32>,
        %bitcast3A_173 = vector.bitcast %get3A_172 : vector<16xi32> to vector<32xbf16>
        %slice3A_174 = vector.extract_strided_slice %mul3A_112 {offsets = [0], sizes = [1], strides = [1]} : vector<16xi32> to vector<1xi32>
        %squeeze3A_175 = vector.extract %slice3A_174[0] : i32 from vector<1xi32>
        %get3A_176 = arith.index_cast %squeeze3A_175 : i32 to index
        %get3A_177 = tpu.vector_load %arg5[%get3A_176] {strides = array<i32>} : memref<32000xi32, #tpu.memory_space<vmem>>, vector<16xi32>,
        %bitcast3A_178 = vector.bitcast %get3A_177 : vector<16xi32> to vector<32xbf16>
        %add3A_179 = arith.constant 16 : i32
        %add3A_180 = arith.addi %squeeze3A_175, %add3A_179 : i32
        %get3A_181 = arith.index_cast %add3A_180 : i32 to index
        %get3A_182 = tpu.vector_load %arg5[%get3A_181] {strides = array<i32>} : memref<32000xi32, #tpu.memory_space<vmem>>, vector<16xi32>,
        %bitcast3A_183 = vector.bitcast %get3A_182 : vector<16xi32> to vector<32xbf16>
        %slice3A_184 = vector.extract_strided_slice %mul3A_121 {offsets = [0], sizes = [1], strides = [1]} : vector<16xi32> to vector<1xi32>
        %squeeze3A_185 = vector.extract %slice3A_184[0] : i32 from vector<1xi32>
        %get3A_186 = arith.index_cast %squeeze3A_185 : i32 to index
        %get3A_187 = tpu.vector_load %arg5[%get3A_186] {strides = array<i32>} : memref<32000xi32, #tpu.memory_space<vmem>>, vector<16xi32>,
        %bitcast3A_188 = vector.bitcast %get3A_187 : vector<16xi32> to vector<32xbf16>
        %add3A_189 = arith.constant 16 : i32
        %add3A_190 = arith.addi %squeeze3A_185, %add3A_189 : i32
        %get3A_191 = arith.index_cast %add3A_190 : i32 to index
        %get3A_192 = tpu.vector_load %arg5[%get3A_191] {strides = array<i32>} : memref<32000xi32, #tpu.memory_space<vmem>>, vector<16xi32>,
        %bitcast3A_193 = vector.bitcast %get3A_192 : vector<16xi32> to vector<32xbf16>
        %slice3A_194 = vector.extract_strided_slice %mul3A_130 {offsets = [0], sizes = [1], strides = [1]} : vector<16xi32> to vector<1xi32>
        %squeeze3A_195 = vector.extract %slice3A_194[0] : i32 from vector<1xi32>
        %get3A_196 = arith.index_cast %squeeze3A_195 : i32 to index
        %get3A_197 = tpu.vector_load %arg5[%get3A_196] {strides = array<i32>} : memref<32000xi32, #tpu.memory_space<vmem>>, vector<16xi32>,
        %bitcast3A_198 = vector.bitcast %get3A_197 : vector<16xi32> to vector<32xbf16>
        %add3A_199 = arith.constant 16 : i32
        %add3A_200 = arith.addi %squeeze3A_195, %add3A_199 : i32
        %get3A_201 = arith.index_cast %add3A_200 : i32 to index
        %get3A_202 = tpu.vector_load %arg5[%get3A_201] {strides = array<i32>} : memref<32000xi32, #tpu.memory_space<vmem>>, vector<16xi32>,
        %bitcast3A_203 = vector.bitcast %get3A_202 : vector<16xi32> to vector<32xbf16>
        %slice3A_204 = vector.extract_strided_slice %mul3A_139 {offsets = [0], sizes = [1], strides = [1]} : vector<16xi32> to vector<1xi32>
        %squeeze3A_205 = vector.extract %slice3A_204[0] : i32 from vector<1xi32>
        %get3A_206 = arith.index_cast %squeeze3A_205 : i32 to index
        %get3A_207 = tpu.vector_load %arg5[%get3A_206] {strides = array<i32>} : memref<32000xi32, #tpu.memory_space<vmem>>, vector<16xi32>,
        %bitcast3A_208 = vector.bitcast %get3A_207 : vector<16xi32> to vector<32xbf16>
        %add3A_209 = arith.constant 16 : i32
        %add3A_210 = arith.addi %squeeze3A_205, %add3A_209 : i32
        %get3A_211 = arith.index_cast %add3A_210 : i32 to index
        %get3A_212 = tpu.vector_load %arg5[%get3A_211] {strides = array<i32>} : memref<32000xi32, #tpu.memory_space<vmem>>, vector<16xi32>,
        %bitcast3A_213 = vector.bitcast %get3A_212 : vector<16xi32> to vector<32xbf16>
        %slice3A_214 = vector.extract_strided_slice %mul3A_148 {offsets = [0], sizes = [1], strides = [1]} : vector<16xi32> to vector<1xi32>
        %squeeze3A_215 = vector.extract %slice3A_214[0] : i32 from vector<1xi32>
        %get3A_216 = arith.index_cast %squeeze3A_215 : i32 to index
        %get3A_217 = tpu.vector_load %arg5[%get3A_216] {strides = array<i32>} : memref<32000xi32, #tpu.memory_space<vmem>>, vector<16xi32>,
        %bitcast3A_218 = vector.bitcast %get3A_217 : vector<16xi32> to vector<32xbf16>
        %add3A_219 = arith.constant 16 : i32
        %add3A_220 = arith.addi %squeeze3A_215, %add3A_219 : i32
        %get3A_221 = arith.index_cast %add3A_220 : i32 to index
        %get3A_222 = tpu.vector_load %arg5[%get3A_221] {strides = array<i32>} : memref<32000xi32, #tpu.memory_space<vmem>>, vector<16xi32>,
        %bitcast3A_223 = vector.bitcast %get3A_222 : vector<16xi32> to vector<32xbf16>
        %slice3A_224 = vector.extract_strided_slice %mul3A_157 {offsets = [0], sizes = [1], strides = [1]} : vector<16xi32> to vector<1xi32>
        %squeeze3A_225 = vector.extract %slice3A_224[0] : i32 from vector<1xi32>
        %get3A_226 = arith.index_cast %squeeze3A_225 : i32 to index
        %get3A_227 = tpu.vector_load %arg5[%get3A_226] {strides = array<i32>} : memref<32000xi32, #tpu.memory_space<vmem>>, vector<16xi32>,
        %bitcast3A_228 = vector.bitcast %get3A_227 : vector<16xi32> to vector<32xbf16>
        %add3A_229 = arith.constant 16 : i32
        %add3A_230 = arith.addi %squeeze3A_225, %add3A_229 : i32
        %get3A_231 = arith.index_cast %add3A_230 : i32 to index
        %get3A_232 = tpu.vector_load %arg5[%get3A_231] {strides = array<i32>} : memref<32000xi32, #tpu.memory_space<vmem>>, vector<16xi32>,
        %bitcast3A_233 = vector.bitcast %get3A_232 : vector<16xi32> to vector<32xbf16>
        %slice3A_234 = vector.extract_strided_slice %mul3A_166 {offsets = [0], sizes = [1], strides = [1]} : vector<16xi32> to vector<1xi32>
        %squeeze3A_235 = vector.extract %slice3A_234[0] : i32 from vector<1xi32>
        %get3A_236 = arith.index_cast %squeeze3A_235 : i32 to index
        %get3A_237 = tpu.vector_load %arg5[%get3A_236] {strides = array<i32>} : memref<32000xi32, #tpu.memory_space<vmem>>, vector<16xi32>,
        %bitcast3A_238 = vector.bitcast %get3A_237 : vector<16xi32> to vector<32xbf16>
        %add3A_239 = arith.constant 16 : i32
        %add3A_240 = arith.addi %squeeze3A_235, %add3A_239 : i32
        %get3A_241 = arith.index_cast %add3A_240 : i32 to index
        %get3A_242 = tpu.vector_load %arg5[%get3A_241] {strides = array<i32>} : memref<32000xi32, #tpu.memory_space<vmem>>, vector<16xi32>,
        %bitcast3A_243 = vector.bitcast %get3A_242 : vector<16xi32> to vector<32xbf16>
        %add3A_244 = arith.addf %bitcast3A, %bitcast3A_178 : vector<32xbf16>
        %add3A_245 = arith.addf %bitcast3A_188, %bitcast3A_198 : vector<32xbf16>
        %add3A_246 = arith.addf %add3A_244, %add3A_245 : vector<32xbf16>
        %add3A_247 = arith.addf %bitcast3A_208, %bitcast3A_218 : vector<32xbf16>
        %add3A_248 = arith.addf %bitcast3A_228, %bitcast3A_238 : vector<32xbf16>
        %add3A_249 = arith.addf %add3A_247, %add3A_248 : vector<32xbf16>
        %add3A_250 = arith.addf %add3A_246, %add3A_249 : vector<32xbf16>
        %add3A_251 = arith.addf %bitcast3A_173, %bitcast3A_183 : vector<32xbf16>
        %add3A_252 = arith.addf %bitcast3A_193, %bitcast3A_203 : vector<32xbf16>
        %add3A_253 = arith.addf %add3A_251, %add3A_252 : vector<32xbf16>
        %add3A_254 = arith.addf %bitcast3A_213, %bitcast3A_223 : vector<32xbf16>
        %add3A_255 = arith.addf %bitcast3A_233, %bitcast3A_243 : vector<32xbf16>
        %add3A_256 = arith.addf %add3A_254, %add3A_255 : vector<32xbf16>
        %add3A_257 = arith.addf %add3A_253, %add3A_256 : vector<32xbf16>
        %unpack3A = tpu.unpack_subelements %add3A_250, 0 {pack_format = #tpu.pack_format<interleaved>} : vector<32xbf16> -> vector<16xf32>
        %unpack3A_258 = tpu.unpack_subelements %add3A_250, 1 {pack_format = #tpu.pack_format<interleaved>} : vector<32xbf16> -> vector<16xf32>
        %unpack3A_259 = tpu.unpack_subelements %add3A_257, 0 {pack_format = #tpu.pack_format<interleaved>} : vector<32xbf16> -> vector<16xf32>
        %unpack3A_260 = tpu.unpack_subelements %add3A_257, 1 {pack_format = #tpu.pack_format<interleaved>} : vector<32xbf16> -> vector<16xf32>
        %mul3A_261 = arith.constant 16 : i32
        %mul3A_262 = arith.muli %scan3A_95, %mul3A_261 : i32
        %add3A_263 = arith.constant 0 : i32
        %add3A_264 = arith.addi %mul3A_262, %add3A_263 : i32
        %swap3A = arith.index_cast %add3A_264 : i32 to index
        %swap3A_265 = arith.constant 0 : index
        %swap3A_266 = tpu.vector_load %arg9[%swap3A, %swap3A_265] {strides = array<i32>} : memref<128x64xf32, #tpu.memory_space<vmem>>, vector<16xf32>,
        tpu.vector_store %arg9[%swap3A, %swap3A_265], %unpack3A {strides = array<i32>} : memref<128x64xf32, #tpu.memory_space<vmem>>, vector<16xf32>,
        %swap3A_267 = arith.index_cast %add3A_264 : i32 to index
        %swap3A_268 = arith.constant 16 : index
        %swap3A_269 = tpu.vector_load %arg9[%swap3A_267, %swap3A_268] {strides = array<i32>} : memref<128x64xf32, #tpu.memory_space<vmem>>, vector<16xf32>,
        tpu.vector_store %arg9[%swap3A_267, %swap3A_268], %unpack3A_259 {strides = array<i32>} : memref<128x64xf32, #tpu.memory_space<vmem>>, vector<16xf32>,
        %swap3A_270 = arith.index_cast %add3A_264 : i32 to index
        %swap3A_271 = arith.constant 32 : index
        %swap3A_272 = tpu.vector_load %arg9[%swap3A_270, %swap3A_271] {strides = array<i32>} : memref<128x64xf32, #tpu.memory_space<vmem>>, vector<16xf32>,
        tpu.vector_store %arg9[%swap3A_270, %swap3A_271], %unpack3A_258 {strides = array<i32>} : memref<128x64xf32, #tpu.memory_space<vmem>>, vector<16xf32>,
        %swap3A_273 = arith.index_cast %add3A_264 : i32 to index
        %swap3A_274 = arith.constant 48 : index
        %swap3A_275 = tpu.vector_load %arg9[%swap3A_273, %swap3A_274] {strides = array<i32>} : memref<128x64xf32, #tpu.memory_space<vmem>>, vector<16xf32>,
        tpu.vector_store %arg9[%swap3A_273, %swap3A_274], %unpack3A_260 {strides = array<i32>} : memref<128x64xf32, #tpu.memory_space<vmem>>, vector<16xf32>,
        %slice3A_276 = vector.extract_strided_slice %mul3A_103 {offsets = [1], sizes = [1], strides = [1]} : vector<16xi32> to vector<1xi32>
        %squeeze3A_277 = vector.extract %slice3A_276[0] : i32 from vector<1xi32>
        %get3A_278 = arith.index_cast %squeeze3A_277 : i32 to index
        %get3A_279 = tpu.vector_load %arg5[%get3A_278] {strides = array<i32>} : memref<32000xi32, #tpu.memory_space<vmem>>, vector<16xi32>,
        %bitcast3A_280 = vector.bitcast %get3A_279 : vector<16xi32> to vector<32xbf16>
        %add3A_281 = arith.constant 16 : i32
        %add3A_282 = arith.addi %squeeze3A_277, %add3A_281 : i32
        %get3A_283 = arith.index_cast %add3A_282 : i32 to index
        %get3A_284 = tpu.vector_load %arg5[%get3A_283] {strides = array<i32>} : memref<32000xi32, #tpu.memory_space<vmem>>, vector<16xi32>,
        %bitcast3A_285 = vector.bitcast %get3A_284 : vector<16xi32> to vector<32xbf16>
        %slice3A_286 = vector.extract_strided_slice %mul3A_112 {offsets = [1], sizes = [1], strides = [1]} : vector<16xi32> to vector<1xi32>
        %squeeze3A_287 = vector.extract %slice3A_286[0] : i32 from vector<1xi32>
        %get3A_288 = arith.index_cast %squeeze3A_287 : i32 to index
        %get3A_289 = tpu.vector_load %arg5[%get3A_288] {strides = array<i32>} : memref<32000xi32, #tpu.memory_space<vmem>>, vector<16xi32>,
        %bitcast3A_290 = vector.bitcast %get3A_289 : vector<16xi32> to vector<32xbf16>
        %add3A_291 = arith.constant 16 : i32
        %add3A_292 = arith.addi %squeeze3A_287, %add3A_291 : i32
        %get3A_293 = arith.index_cast %add3A_292 : i32 to index
        %get3A_294 = tpu.vector_load %arg5[%get3A_293] {strides = array<i32>} : memref<32000xi32, #tpu.memory_space<vmem>>, vector<16xi32>,
        %bitcast3A_295 = vector.bitcast %get3A_294 : vector<16xi32> to vector<32xbf16>
        %slice3A_296 = vector.extract_strided_slice %mul3A_121 {offsets = [1], sizes = [1], strides = [1]} : vector<16xi32> to vector<1xi32>
        %squeeze3A_297 = vector.extract %slice3A_296[0] : i32 from vector<1xi32>
        %get3A_298 = arith.index_cast %squeeze3A_297 : i32 to index
        %get3A_299 = tpu.vector_load %arg5[%get3A_298] {strides = array<i32>} : memref<32000xi32, #tpu.memory_space<vmem>>, vector<16xi32>,
        %bitcast3A_300 = vector.bitcast %get3A_299 : vector<16xi32> to vector<32xbf16>
        %add3A_301 = arith.constant 16 : i32
        %add3A_302 = arith.addi %squeeze3A_297, %add3A_301 : i32
        %get3A_303 = arith.index_cast %add3A_302 : i32 to index
        %get3A_304 = tpu.vector_load %arg5[%get3A_303] {strides = array<i32>} : memref<32000xi32, #tpu.memory_space<vmem>>, vector<16xi32>,
        %bitcast3A_305 = vector.bitcast %get3A_304 : vector<16xi32> to vector<32xbf16>
        %slice3A_306 = vector.extract_strided_slice %mul3A_130 {offsets = [1], sizes = [1], strides = [1]} : vector<16xi32> to vector<1xi32>
        %squeeze3A_307 = vector.extract %slice3A_306[0] : i32 from vector<1xi32>
        %get3A_308 = arith.index_cast %squeeze3A_307 : i32 to index
        %get3A_309 = tpu.vector_load %arg5[%get3A_308] {strides = array<i32>} : memref<32000xi32, #tpu.memory_space<vmem>>, vector<16xi32>,
        %bitcast3A_310 = vector.bitcast %get3A_309 : vector<16xi32> to vector<32xbf16>
        %add3A_311 = arith.constant 16 : i32
        %add3A_312 = arith.addi %squeeze3A_307, %add3A_311 : i32
        %get3A_313 = arith.index_cast %add3A_312 : i32 to index
        %get3A_314 = tpu.vector_load %arg5[%get3A_313] {strides = array<i32>} : memref<32000xi32, #tpu.memory_space<vmem>>, vector<16xi32>,
        %bitcast3A_315 = vector.bitcast %get3A_314 : vector<16xi32> to vector<32xbf16>
        %slice3A_316 = vector.extract_strided_slice %mul3A_139 {offsets = [1], sizes = [1], strides = [1]} : vector<16xi32> to vector<1xi32>
        %squeeze3A_317 = vector.extract %slice3A_316[0] : i32 from vector<1xi32>
        %get3A_318 = arith.index_cast %squeeze3A_317 : i32 to index
        %get3A_319 = tpu.vector_load %arg5[%get3A_318] {strides = array<i32>} : memref<32000xi32, #tpu.memory_space<vmem>>, vector<16xi32>,
        %bitcast3A_320 = vector.bitcast %get3A_319 : vector<16xi32> to vector<32xbf16>
        %add3A_321 = arith.constant 16 : i32
        %add3A_322 = arith.addi %squeeze3A_317, %add3A_321 : i32
        %get3A_323 = arith.index_cast %add3A_322 : i32 to index
        %get3A_324 = tpu.vector_load %arg5[%get3A_323] {strides = array<i32>} : memref<32000xi32, #tpu.memory_space<vmem>>, vector<16xi32>,
        %bitcast3A_325 = vector.bitcast %get3A_324 : vector<16xi32> to vector<32xbf16>
        %slice3A_326 = vector.extract_strided_slice %mul3A_148 {offsets = [1], sizes = [1], strides = [1]} : vector<16xi32> to vector<1xi32>
        %squeeze3A_327 = vector.extract %slice3A_326[0] : i32 from vector<1xi32>
        %get3A_328 = arith.index_cast %squeeze3A_327 : i32 to index
        %get3A_329 = tpu.vector_load %arg5[%get3A_328] {strides = array<i32>} : memref<32000xi32, #tpu.memory_space<vmem>>, vector<16xi32>,
        %bitcast3A_330 = vector.bitcast %get3A_329 : vector<16xi32> to vector<32xbf16>
        %add3A_331 = arith.constant 16 : i32
        %add3A_332 = arith.addi %squeeze3A_327, %add3A_331 : i32
        %get3A_333 = arith.index_cast %add3A_332 : i32 to index
        %get3A_334 = tpu.vector_load %arg5[%get3A_333] {strides = array<i32>} : memref<32000xi32, #tpu.memory_space<vmem>>, vector<16xi32>,
        %bitcast3A_335 = vector.bitcast %get3A_334 : vector<16xi32> to vector<32xbf16>
        %slice3A_336 = vector.extract_strided_slice %mul3A_157 {offsets = [1], sizes = [1], strides = [1]} : vector<16xi32> to vector<1xi32>
        %squeeze3A_337 = vector.extract %slice3A_336[0] : i32 from vector<1xi32>
        %get3A_338 = arith.index_cast %squeeze3A_337 : i32 to index
        %get3A_339 = tpu.vector_load %arg5[%get3A_338] {strides = array<i32>} : memref<32000xi32, #tpu.memory_space<vmem>>, vector<16xi32>,
        %bitcast3A_340 = vector.bitcast %get3A_339 : vector<16xi32> to vector<32xbf16>
        %add3A_341 = arith.constant 16 : i32
        %add3A_342 = arith.addi %squeeze3A_337, %add3A_341 : i32
        %get3A_343 = arith.index_cast %add3A_342 : i32 to index
        %get3A_344 = tpu.vector_load %arg5[%get3A_343] {strides = array<i32>} : memref<32000xi32, #tpu.memory_space<vmem>>, vector<16xi32>,
        %bitcast3A_345 = vector.bitcast %get3A_344 : vector<16xi32> to vector<32xbf16>
        %slice3A_346 = vector.extract_strided_slice %mul3A_166 {offsets = [1], sizes = [1], strides = [1]} : vector<16xi32> to vector<1xi32>
        %squeeze3A_347 = vector.extract %slice3A_346[0] : i32 from vector<1xi32>
        %get3A_348 = arith.index_cast %squeeze3A_347 : i32 to index
        %get3A_349 = tpu.vector_load %arg5[%get3A_348] {strides = array<i32>} : memref<32000xi32, #tpu.memory_space<vmem>>, vector<16xi32>,
        %bitcast3A_350 = vector.bitcast %get3A_349 : vector<16xi32> to vector<32xbf16>
        %add3A_351 = arith.constant 16 : i32
        %add3A_352 = arith.addi %squeeze3A_347, %add3A_351 : i32
        %get3A_353 = arith.index_cast %add3A_352 : i32 to index
        %get3A_354 = tpu.vector_load %arg5[%get3A_353] {strides = array<i32>} : memref<32000xi32, #tpu.memory_space<vmem>>, vector<16xi32>,
        %bitcast3A_355 = vector.bitcast %get3A_354 : vector<16xi32> to vector<32xbf16>
        %add3A_356 = arith.addf %bitcast3A_280, %bitcast3A_290 : vector<32xbf16>
        %add3A_357 = arith.addf %bitcast3A_300, %bitcast3A_310 : vector<32xbf16>
        %add3A_358 = arith.addf %add3A_356, %add3A_357 : vector<32xbf16>
        %add3A_359 = arith.addf %bitcast3A_320, %bitcast3A_330 : vector<32xbf16>
        %add3A_360 = arith.addf %bitcast3A_340, %bitcast3A_350 : vector<32xbf16>
        %add3A_361 = arith.addf %add3A_359, %add3A_360 : vector<32xbf16>
        %add3A_362 = arith.addf %add3A_358, %add3A_361 : vector<32xbf16>
        %add3A_363 = arith.addf %bitcast3A_285, %bitcast3A_295 : vector<32xbf16>
        %add3A_364 = arith.addf %bitcast3A_305, %bitcast3A_315 : vector<32xbf16>
        %add3A_365 = arith.addf %add3A_363, %add3A_364 : vector<32xbf16>
        %add3A_366 = arith.addf %bitcast3A_325, %bitcast3A_335 : vector<32xbf16>
        %add3A_367 = arith.addf %bitcast3A_345, %bitcast3A_355 : vector<32xbf16>
        %add3A_368 = arith.addf %add3A_366, %add3A_367 : vector<32xbf16>
        %add3A_369 = arith.addf %add3A_365, %add3A_368 : vector<32xbf16>
        %unpack3A_370 = tpu.unpack_subelements %add3A_362, 0 {pack_format = #tpu.pack_format<interleaved>} : vector<32xbf16> -> vector<16xf32>
        %unpack3A_371 = tpu.unpack_subelements %add3A_362, 1 {pack_format = #tpu.pack_format<interleaved>} : vector<32xbf16> -> vector<16xf32>
        %unpack3A_372 = tpu.unpack_subelements %add3A_369, 0 {pack_format = #tpu.pack_format<interleaved>} : vector<32xbf16> -> vector<16xf32>
        %unpack3A_373 = tpu.unpack_subelements %add3A_369, 1 {pack_format = #tpu.pack_format<interleaved>} : vector<32xbf16> -> vector<16xf32>
        %mul3A_374 = arith.constant 16 : i32
        %mul3A_375 = arith.muli %scan3A_95, %mul3A_374 : i32
        %add3A_376 = arith.constant 1 : i32
        %add3A_377 = arith.addi %mul3A_375, %add3A_376 : i32
        %swap3A_378 = arith.index_cast %add3A_377 : i32 to index
        %swap3A_379 = arith.constant 0 : index
        %swap3A_380 = tpu.vector_load %arg9[%swap3A_378, %swap3A_379] {strides = array<i32>} : memref<128x64xf32, #tpu.memory_space<vmem>>, vector<16xf32>,
        tpu.vector_store %arg9[%swap3A_378, %swap3A_379], %unpack3A_370 {strides = array<i32>} : memref<128x64xf32, #tpu.memory_space<vmem>>, vector<16xf32>,
        %swap3A_381 = arith.index_cast %add3A_377 : i32 to index
        %swap3A_382 = arith.constant 16 : index
        %swap3A_383 = tpu.vector_load %arg9[%swap3A_381, %swap3A_382] {strides = array<i32>} : memref<128x64xf32, #tpu.memory_space<vmem>>, vector<16xf32>,
        tpu.vector_store %arg9[%swap3A_381, %swap3A_382], %unpack3A_372 {strides = array<i32>} : memref<128x64xf32, #tpu.memory_space<vmem>>, vector<16xf32>,
        %swap3A_384 = arith.index_cast %add3A_377 : i32 to index
        %swap3A_385 = arith.constant 32 : index
        %swap3A_386 = tpu.vector_load %arg9[%swap3A_384, %swap3A_385] {strides = array<i32>} : memref<128x64xf32, #tpu.memory_space<vmem>>, vector<16xf32>,
        tpu.vector_store %arg9[%swap3A_384, %swap3A_385], %unpack3A_371 {strides = array<i32>} : memref<128x64xf32, #tpu.memory_space<vmem>>, vector<16xf32>,
        %swap3A_387 = arith.index_cast %add3A_377 : i32 to index
        %swap3A_388 = arith.constant 48 : index
        %swap3A_389 = tpu.vector_load %arg9[%swap3A_387, %swap3A_388] {strides = array<i32>} : memref<128x64xf32, #tpu.memory_space<vmem>>, vector<16xf32>,
        tpu.vector_store %arg9[%swap3A_387, %swap3A_388], %unpack3A_373 {strides = array<i32>} : memref<128x64xf32, #tpu.memory_space<vmem>>, vector<16xf32>,
        %slice3A_390 = vector.extract_strided_slice %mul3A_103 {offsets = [2], sizes = [1], strides = [1]} : vector<16xi32> to vector<1xi32>
        %squeeze3A_391 = vector.extract %slice3A_390[0] : i32 from vector<1xi32>
        %get3A_392 = arith.index_cast %squeeze3A_391 : i32 to index
        %get3A_393 = tpu.vector_load %arg5[%get3A_392] {strides = array<i32>} : memref<32000xi32, #tpu.memory_space<vmem>>, vector<16xi32>,
        %bitcast3A_394 = vector.bitcast %get3A_393 : vector<16xi32> to vector<32xbf16>
        %add3A_395 = arith.constant 16 : i32
        %add3A_396 = arith.addi %squeeze3A_391, %add3A_395 : i32
        %get3A_397 = arith.index_cast %add3A_396 : i32 to index
        %get3A_398 = tpu.vector_load %arg5[%get3A_397] {strides = array<i32>} : memref<32000xi32, #tpu.memory_space<vmem>>, vector<16xi32>,
        %bitcast3A_399 = vector.bitcast %get3A_398 : vector<16xi32> to vector<32xbf16>
        %slice3A_400 = vector.extract_strided_slice %mul3A_112 {offsets = [2], sizes = [1], strides = [1]} : vector<16xi32> to vector<1xi32>
        %squeeze3A_401 = vector.extract %slice3A_400[0] : i32 from vector<1xi32>
        %get3A_402 = arith.index_cast %squeeze3A_401 : i32 to index
        %get3A_403 = tpu.vector_load %arg5[%get3A_402] {strides = array<i32>} : memref<32000xi32, #tpu.memory_space<vmem>>, vector<16xi32>,
        %bitcast3A_404 = vector.bitcast %get3A_403 : vector<16xi32> to vector<32xbf16>
        %add3A_405 = arith.constant 16 : i32
        %add3A_406 = arith.addi %squeeze3A_401, %add3A_405 : i32
        %get3A_407 = arith.index_cast %add3A_406 : i32 to index
        %get3A_408 = tpu.vector_load %arg5[%get3A_407] {strides = array<i32>} : memref<32000xi32, #tpu.memory_space<vmem>>, vector<16xi32>,
        %bitcast3A_409 = vector.bitcast %get3A_408 : vector<16xi32> to vector<32xbf16>
        %slice3A_410 = vector.extract_strided_slice %mul3A_121 {offsets = [2], sizes = [1], strides = [1]} : vector<16xi32> to vector<1xi32>
        %squeeze3A_411 = vector.extract %slice3A_410[0] : i32 from vector<1xi32>
        %get3A_412 = arith.index_cast %squeeze3A_411 : i32 to index
        %get3A_413 = tpu.vector_load %arg5[%get3A_412] {strides = array<i32>} : memref<32000xi32, #tpu.memory_space<vmem>>, vector<16xi32>,
        %bitcast3A_414 = vector.bitcast %get3A_413 : vector<16xi32> to vector<32xbf16>
        %add3A_415 = arith.constant 16 : i32
        %add3A_416 = arith.addi %squeeze3A_411, %add3A_415 : i32
        %get3A_417 = arith.index_cast %add3A_416 : i32 to index
        %get3A_418 = tpu.vector_load %arg5[%get3A_417] {strides = array<i32>} : memref<32000xi32, #tpu.memory_space<vmem>>, vector<16xi32>,
        %bitcast3A_419 = vector.bitcast %get3A_418 : vector<16xi32> to vector<32xbf16>
        %slice3A_420 = vector.extract_strided_slice %mul3A_130 {offsets = [2], sizes = [1], strides = [1]} : vector<16xi32> to vector<1xi32>
        %squeeze3A_421 = vector.extract %slice3A_420[0] : i32 from vector<1xi32>
        %get3A_422 = arith.index_cast %squeeze3A_421 : i32 to index
        %get3A_423 = tpu.vector_load %arg5[%get3A_422] {strides = array<i32>} : memref<32000xi32, #tpu.memory_space<vmem>>, vector<16xi32>,
        %bitcast3A_424 = vector.bitcast %get3A_423 : vector<16xi32> to vector<32xbf16>
        %add3A_425 = arith.constant 16 : i32
        %add3A_426 = arith.addi %squeeze3A_421, %add3A_425 : i32
        %get3A_427 = arith.index_cast %add3A_426 : i32 to index
        %get3A_428 = tpu.vector_load %arg5[%get3A_427] {strides = array<i32>} : memref<32000xi32, #tpu.memory_space<vmem>>, vector<16xi32>,
        %bitcast3A_429 = vector.bitcast %get3A_428 : vector<16xi32> to vector<32xbf16>
        %slice3A_430 = vector.extract_strided_slice %mul3A_139 {offsets = [2], sizes = [1], strides = [1]} : vector<16xi32> to vector<1xi32>
        %squeeze3A_431 = vector.extract %slice3A_430[0] : i32 from vector<1xi32>
        %get3A_432 = arith.index_cast %squeeze3A_431 : i32 to index
        %get3A_433 = tpu.vector_load %arg5[%get3A_432] {strides = array<i32>} : memref<32000xi32, #tpu.memory_space<vmem>>, vector<16xi32>,
        %bitcast3A_434 = vector.bitcast %get3A_433 : vector<16xi32> to vector<32xbf16>
        %add3A_435 = arith.constant 16 : i32
        %add3A_436 = arith.addi %squeeze3A_431, %add3A_435 : i32
        %get3A_437 = arith.index_cast %add3A_436 : i32 to index
        %get3A_438 = tpu.vector_load %arg5[%get3A_437] {strides = array<i32>} : memref<32000xi32, #tpu.memory_space<vmem>>, vector<16xi32>,
        %bitcast3A_439 = vector.bitcast %get3A_438 : vector<16xi32> to vector<32xbf16>
        %slice3A_440 = vector.extract_strided_slice %mul3A_148 {offsets = [2], sizes = [1], strides = [1]} : vector<16xi32> to vector<1xi32>
        %squeeze3A_441 = vector.extract %slice3A_440[0] : i32 from vector<1xi32>
        %get3A_442 = arith.index_cast %squeeze3A_441 : i32 to index
        %get3A_443 = tpu.vector_load %arg5[%get3A_442] {strides = array<i32>} : memref<32000xi32, #tpu.memory_space<vmem>>, vector<16xi32>,
        %bitcast3A_444 = vector.bitcast %get3A_443 : vector<16xi32> to vector<32xbf16>
        %add3A_445 = arith.constant 16 : i32
        %add3A_446 = arith.addi %squeeze3A_441, %add3A_445 : i32
        %get3A_447 = arith.index_cast %add3A_446 : i32 to index
        %get3A_448 = tpu.vector_load %arg5[%get3A_447] {strides = array<i32>} : memref<32000xi32, #tpu.memory_space<vmem>>, vector<16xi32>,
        %bitcast3A_449 = vector.bitcast %get3A_448 : vector<16xi32> to vector<32xbf16>
        %slice3A_450 = vector.extract_strided_slice %mul3A_157 {offsets = [2], sizes = [1], strides = [1]} : vector<16xi32> to vector<1xi32>
        %squeeze3A_451 = vector.extract %slice3A_450[0] : i32 from vector<1xi32>
        %get3A_452 = arith.index_cast %squeeze3A_451 : i32 to index
        %get3A_453 = tpu.vector_load %arg5[%get3A_452] {strides = array<i32>} : memref<32000xi32, #tpu.memory_space<vmem>>, vector<16xi32>,
        %bitcast3A_454 = vector.bitcast %get3A_453 : vector<16xi32> to vector<32xbf16>
        %add3A_455 = arith.constant 16 : i32
        %add3A_456 = arith.addi %squeeze3A_451, %add3A_455 : i32
        %get3A_457 = arith.index_cast %add3A_456 : i32 to index
        %get3A_458 = tpu.vector_load %arg5[%get3A_457] {strides = array<i32>} : memref<32000xi32, #tpu.memory_space<vmem>>, vector<16xi32>,
        %bitcast3A_459 = vector.bitcast %get3A_458 : vector<16xi32> to vector<32xbf16>
        %slice3A_460 = vector.extract_strided_slice %mul3A_166 {offsets = [2], sizes = [1], strides = [1]} : vector<16xi32> to vector<1xi32>
        %squeeze3A_461 = vector.extract %slice3A_460[0] : i32 from vector<1xi32>
        %get3A_462 = arith.index_cast %squeeze3A_461 : i32 to index
        %get3A_463 = tpu.vector_load %arg5[%get3A_462] {strides = array<i32>} : memref<32000xi32, #tpu.memory_space<vmem>>, vector<16xi32>,
        %bitcast3A_464 = vector.bitcast %get3A_463 : vector<16xi32> to vector<32xbf16>
        %add3A_465 = arith.constant 16 : i32
        %add3A_466 = arith.addi %squeeze3A_461, %add3A_465 : i32
        %get3A_467 = arith.index_cast %add3A_466 : i32 to index
        %get3A_468 = tpu.vector_load %arg5[%get3A_467] {strides = array<i32>} : memref<32000xi32, #tpu.memory_space<vmem>>, vector<16xi32>,
        %bitcast3A_469 = vector.bitcast %get3A_468 : vector<16xi32> to vector<32xbf16>
        %add3A_470 = arith.addf %bitcast3A_394, %bitcast3A_404 : vector<32xbf16>
        %add3A_471 = arith.addf %bitcast3A_414, %bitcast3A_424 : vector<32xbf16>
        %add3A_472 = arith.addf %add3A_470, %add3A_471 : vector<32xbf16>
        %add3A_473 = arith.addf %bitcast3A_434, %bitcast3A_444 : vector<32xbf16>
        %add3A_474 = arith.addf %bitcast3A_454, %bitcast3A_464 : vector<32xbf16>
        %add3A_475 = arith.addf %add3A_473, %add3A_474 : vector<32xbf16>
        %add3A_476 = arith.addf %add3A_472, %add3A_475 : vector<32xbf16>
        %add3A_477 = arith.addf %bitcast3A_399, %bitcast3A_409 : vector<32xbf16>
        %add3A_478 = arith.addf %bitcast3A_419, %bitcast3A_429 : vector<32xbf16>
        %add3A_479 = arith.addf %add3A_477, %add3A_478 : vector<32xbf16>
        %add3A_480 = arith.addf %bitcast3A_439, %bitcast3A_449 : vector<32xbf16>
        %add3A_481 = arith.addf %bitcast3A_459, %bitcast3A_469 : vector<32xbf16>
        %add3A_482 = arith.addf %add3A_480, %add3A_481 : vector<32xbf16>
        %add3A_483 = arith.addf %add3A_479, %add3A_482 : vector<32xbf16>
        %unpack3A_484 = tpu.unpack_subelements %add3A_476, 0 {pack_format = #tpu.pack_format<interleaved>} : vector<32xbf16> -> vector<16xf32>
        %unpack3A_485 = tpu.unpack_subelements %add3A_476, 1 {pack_format = #tpu.pack_format<interleaved>} : vector<32xbf16> -> vector<16xf32>
        %unpack3A_486 = tpu.unpack_subelements %add3A_483, 0 {pack_format = #tpu.pack_format<interleaved>} : vector<32xbf16> -> vector<16xf32>
        %unpack3A_487 = tpu.unpack_subelements %add3A_483, 1 {pack_format = #tpu.pack_format<interleaved>} : vector<32xbf16> -> vector<16xf32>
        %mul3A_488 = arith.constant 16 : i32
        %mul3A_489 = arith.muli %scan3A_95, %mul3A_488 : i32
        %add3A_490 = arith.constant 2 : i32
        %add3A_491 = arith.addi %mul3A_489, %add3A_490 : i32
        %swap3A_492 = arith.index_cast %add3A_491 : i32 to index
        %swap3A_493 = arith.constant 0 : index
        %swap3A_494 = tpu.vector_load %arg9[%swap3A_492, %swap3A_493] {strides = array<i32>} : memref<128x64xf32, #tpu.memory_space<vmem>>, vector<16xf32>,
        tpu.vector_store %arg9[%swap3A_492, %swap3A_493], %unpack3A_484 {strides = array<i32>} : memref<128x64xf32, #tpu.memory_space<vmem>>, vector<16xf32>,
        %swap3A_495 = arith.index_cast %add3A_491 : i32 to index
        %swap3A_496 = arith.constant 16 : index
        %swap3A_497 = tpu.vector_load %arg9[%swap3A_495, %swap3A_496] {strides = array<i32>} : memref<128x64xf32, #tpu.memory_space<vmem>>, vector<16xf32>,
        tpu.vector_store %arg9[%swap3A_495, %swap3A_496], %unpack3A_486 {strides = array<i32>} : memref<128x64xf32, #tpu.memory_space<vmem>>, vector<16xf32>,
        %swap3A_498 = arith.index_cast %add3A_491 : i32 to index
        %swap3A_499 = arith.constant 32 : index
        %swap3A_500 = tpu.vector_load %arg9[%swap3A_498, %swap3A_499] {strides = array<i32>} : memref<128x64xf32, #tpu.memory_space<vmem>>, vector<16xf32>,
        tpu.vector_store %arg9[%swap3A_498, %swap3A_499], %unpack3A_485 {strides = array<i32>} : memref<128x64xf32, #tpu.memory_space<vmem>>, vector<16xf32>,
        %swap3A_501 = arith.index_cast %add3A_491 : i32 to index
        %swap3A_502 = arith.constant 48 : index
        %swap3A_503 = tpu.vector_load %arg9[%swap3A_501, %swap3A_502] {strides = array<i32>} : memref<128x64xf32, #tpu.memory_space<vmem>>, vector<16xf32>,
        tpu.vector_store %arg9[%swap3A_501, %swap3A_502], %unpack3A_487 {strides = array<i32>} : memref<128x64xf32, #tpu.memory_space<vmem>>, vector<16xf32>,
        %slice3A_504 = vector.extract_strided_slice %mul3A_103 {offsets = [3], sizes = [1], strides = [1]} : vector<16xi32> to vector<1xi32>
        %squeeze3A_505 = vector.extract %slice3A_504[0] : i32 from vector<1xi32>
        %get3A_506 = arith.index_cast %squeeze3A_505 : i32 to index
        %get3A_507 = tpu.vector_load %arg5[%get3A_506] {strides = array<i32>} : memref<32000xi32, #tpu.memory_space<vmem>>, vector<16xi32>,
        %bitcast3A_508 = vector.bitcast %get3A_507 : vector<16xi32> to vector<32xbf16>
        %add3A_509 = arith.constant 16 : i32
        %add3A_510 = arith.addi %squeeze3A_505, %add3A_509 : i32
        %get3A_511 = arith.index_cast %add3A_510 : i32 to index
        %get3A_512 = tpu.vector_load %arg5[%get3A_511] {strides = array<i32>} : memref<32000xi32, #tpu.memory_space<vmem>>, vector<16xi32>,
        %bitcast3A_513 = vector.bitcast %get3A_512 : vector<16xi32> to vector<32xbf16>
        %slice3A_514 = vector.extract_strided_slice %mul3A_112 {offsets = [3], sizes = [1], strides = [1]} : vector<16xi32> to vector<1xi32>
        %squeeze3A_515 = vector.extract %slice3A_514[0] : i32 from vector<1xi32>
        %get3A_516 = arith.index_cast %squeeze3A_515 : i32 to index
        %get3A_517 = tpu.vector_load %arg5[%get3A_516] {strides = array<i32>} : memref<32000xi32, #tpu.memory_space<vmem>>, vector<16xi32>,
        %bitcast3A_518 = vector.bitcast %get3A_517 : vector<16xi32> to vector<32xbf16>
        %add3A_519 = arith.constant 16 : i32
        %add3A_520 = arith.addi %squeeze3A_515, %add3A_519 : i32
        %get3A_521 = arith.index_cast %add3A_520 : i32 to index
        %get3A_522 = tpu.vector_load %arg5[%get3A_521] {strides = array<i32>} : memref<32000xi32, #tpu.memory_space<vmem>>, vector<16xi32>,
        %bitcast3A_523 = vector.bitcast %get3A_522 : vector<16xi32> to vector<32xbf16>
        %slice3A_524 = vector.extract_strided_slice %mul3A_121 {offsets = [3], sizes = [1], strides = [1]} : vector<16xi32> to vector<1xi32>
        %squeeze3A_525 = vector.extract %slice3A_524[0] : i32 from vector<1xi32>
        %get3A_526 = arith.index_cast %squeeze3A_525 : i32 to index
        %get3A_527 = tpu.vector_load %arg5[%get3A_526] {strides = array<i32>} : memref<32000xi32, #tpu.memory_space<vmem>>, vector<16xi32>,
        %bitcast3A_528 = vector.bitcast %get3A_527 : vector<16xi32> to vector<32xbf16>
        %add3A_529 = arith.constant 16 : i32
        %add3A_530 = arith.addi %squeeze3A_525, %add3A_529 : i32
        %get3A_531 = arith.index_cast %add3A_530 : i32 to index
        %get3A_532 = tpu.vector_load %arg5[%get3A_531] {strides = array<i32>} : memref<32000xi32, #tpu.memory_space<vmem>>, vector<16xi32>,
        %bitcast3A_533 = vector.bitcast %get3A_532 : vector<16xi32> to vector<32xbf16>
        %slice3A_534 = vector.extract_strided_slice %mul3A_130 {offsets = [3], sizes = [1], strides = [1]} : vector<16xi32> to vector<1xi32>
        %squeeze3A_535 = vector.extract %slice3A_534[0] : i32 from vector<1xi32>
        %get3A_536 = arith.index_cast %squeeze3A_535 : i32 to index
        %get3A_537 = tpu.vector_load %arg5[%get3A_536] {strides = array<i32>} : memref<32000xi32, #tpu.memory_space<vmem>>, vector<16xi32>,
        %bitcast3A_538 = vector.bitcast %get3A_537 : vector<16xi32> to vector<32xbf16>
        %add3A_539 = arith.constant 16 : i32
        %add3A_540 = arith.addi %squeeze3A_535, %add3A_539 : i32
        %get3A_541 = arith.index_cast %add3A_540 : i32 to index
        %get3A_542 = tpu.vector_load %arg5[%get3A_541] {strides = array<i32>} : memref<32000xi32, #tpu.memory_space<vmem>>, vector<16xi32>,
        %bitcast3A_543 = vector.bitcast %get3A_542 : vector<16xi32> to vector<32xbf16>
        %slice3A_544 = vector.extract_strided_slice %mul3A_139 {offsets = [3], sizes = [1], strides = [1]} : vector<16xi32> to vector<1xi32>
        %squeeze3A_545 = vector.extract %slice3A_544[0] : i32 from vector<1xi32>
        %get3A_546 = arith.index_cast %squeeze3A_545 : i32 to index
        %get3A_547 = tpu.vector_load %arg5[%get3A_546] {strides = array<i32>} : memref<32000xi32, #tpu.memory_space<vmem>>, vector<16xi32>,
        %bitcast3A_548 = vector.bitcast %get3A_547 : vector<16xi32> to vector<32xbf16>
        %add3A_549 = arith.constant 16 : i32
        %add3A_550 = arith.addi %squeeze3A_545, %add3A_549 : i32
        %get3A_551 = arith.index_cast %add3A_550 : i32 to index
        %get3A_552 = tpu.vector_load %arg5[%get3A_551] {strides = array<i32>} : memref<32000xi32, #tpu.memory_space<vmem>>, vector<16xi32>,
        %bitcast3A_553 = vector.bitcast %get3A_552 : vector<16xi32> to vector<32xbf16>
        %slice3A_554 = vector.extract_strided_slice %mul3A_148 {offsets = [3], sizes = [1], strides = [1]} : vector<16xi32> to vector<1xi32>
        %squeeze3A_555 = vector.extract %slice3A_554[0] : i32 from vector<1xi32>
        %get3A_556 = arith.index_cast %squeeze3A_555 : i32 to index
        %get3A_557 = tpu.vector_load %arg5[%get3A_556] {strides = array<i32>} : memref<32000xi32, #tpu.memory_space<vmem>>, vector<16xi32>,
        %bitcast3A_558 = vector.bitcast %get3A_557 : vector<16xi32> to vector<32xbf16>
        %add3A_559 = arith.constant 16 : i32
        %add3A_560 = arith.addi %squeeze3A_555, %add3A_559 : i32
        %get3A_561 = arith.index_cast %add3A_560 : i32 to index
        %get3A_562 = tpu.vector_load %arg5[%get3A_561] {strides = array<i32>} : memref<32000xi32, #tpu.memory_space<vmem>>, vector<16xi32>,
        %bitcast3A_563 = vector.bitcast %get3A_562 : vector<16xi32> to vector<32xbf16>
        %slice3A_564 = vector.extract_strided_slice %mul3A_157 {offsets = [3], sizes = [1], strides = [1]} : vector<16xi32> to vector<1xi32>
        %squeeze3A_565 = vector.extract %slice3A_564[0] : i32 from vector<1xi32>
        %get3A_566 = arith.index_cast %squeeze3A_565 : i32 to index
        %get3A_567 = tpu.vector_load %arg5[%get3A_566] {strides = array<i32>} : memref<32000xi32, #tpu.memory_space<vmem>>, vector<16xi32>,
        %bitcast3A_568 = vector.bitcast %get3A_567 : vector<16xi32> to vector<32xbf16>
        %add3A_569 = arith.constant 16 : i32
        %add3A_570 = arith.addi %squeeze3A_565, %add3A_569 : i32
        %get3A_571 = arith.index_cast %add3A_570 : i32 to index
        %get3A_572 = tpu.vector_load %arg5[%get3A_571] {strides = array<i32>} : memref<32000xi32, #tpu.memory_space<vmem>>, vector<16xi32>,
        %bitcast3A_573 = vector.bitcast %get3A_572 : vector<16xi32> to vector<32xbf16>
        %slice3A_574 = vector.extract_strided_slice %mul3A_166 {offsets = [3], sizes = [1], strides = [1]} : vector<16xi32> to vector<1xi32>
        %squeeze3A_575 = vector.extract %slice3A_574[0] : i32 from vector<1xi32>
        %get3A_576 = arith.index_cast %squeeze3A_575 : i32 to index
        %get3A_577 = tpu.vector_load %arg5[%get3A_576] {strides = array<i32>} : memref<32000xi32, #tpu.memory_space<vmem>>, vector<16xi32>,
        %bitcast3A_578 = vector.bitcast %get3A_577 : vector<16xi32> to vector<32xbf16>
        %add3A_579 = arith.constant 16 : i32
        %add3A_580 = arith.addi %squeeze3A_575, %add3A_579 : i32
        %get3A_581 = arith.index_cast %add3A_580 : i32 to index
        %get3A_582 = tpu.vector_load %arg5[%get3A_581] {strides = array<i32>} : memref<32000xi32, #tpu.memory_space<vmem>>, vector<16xi32>,
        %bitcast3A_583 = vector.bitcast %get3A_582 : vector<16xi32> to vector<32xbf16>
        %add3A_584 = arith.addf %bitcast3A_508, %bitcast3A_518 : vector<32xbf16>
        %add3A_585 = arith.addf %bitcast3A_528, %bitcast3A_538 : vector<32xbf16>
        %add3A_586 = arith.addf %add3A_584, %add3A_585 : vector<32xbf16>
        %add3A_587 = arith.addf %bitcast3A_548, %bitcast3A_558 : vector<32xbf16>
        %add3A_588 = arith.addf %bitcast3A_568, %bitcast3A_578 : vector<32xbf16>
        %add3A_589 = arith.addf %add3A_587, %add3A_588 : vector<32xbf16>
        %add3A_590 = arith.addf %add3A_586, %add3A_589 : vector<32xbf16>
        %add3A_591 = arith.addf %bitcast3A_513, %bitcast3A_523 : vector<32xbf16>
        %add3A_592 = arith.addf %bitcast3A_533, %bitcast3A_543 : vector<32xbf16>
        %add3A_593 = arith.addf %add3A_591, %add3A_592 : vector<32xbf16>
        %add3A_594 = arith.addf %bitcast3A_553, %bitcast3A_563 : vector<32xbf16>
        %add3A_595 = arith.addf %bitcast3A_573, %bitcast3A_583 : vector<32xbf16>
        %add3A_596 = arith.addf %add3A_594, %add3A_595 : vector<32xbf16>
        %add3A_597 = arith.addf %add3A_593, %add3A_596 : vector<32xbf16>
        %unpack3A_598 = tpu.unpack_subelements %add3A_590, 0 {pack_format = #tpu.pack_format<interleaved>} : vector<32xbf16> -> vector<16xf32>
        %unpack3A_599 = tpu.unpack_subelements %add3A_590, 1 {pack_format = #tpu.pack_format<interleaved>} : vector<32xbf16> -> vector<16xf32>
        %unpack3A_600 = tpu.unpack_subelements %add3A_597, 0 {pack_format = #tpu.pack_format<interleaved>} : vector<32xbf16> -> vector<16xf32>
        %unpack3A_601 = tpu.unpack_subelements %add3A_597, 1 {pack_format = #tpu.pack_format<interleaved>} : vector<32xbf16> -> vector<16xf32>
        %mul3A_602 = arith.constant 16 : i32
        %mul3A_603 = arith.muli %scan3A_95, %mul3A_602 : i32
        %add3A_604 = arith.constant 3 : i32
        %add3A_605 = arith.addi %mul3A_603, %add3A_604 : i32
        %swap3A_606 = arith.index_cast %add3A_605 : i32 to index
        %swap3A_607 = arith.constant 0 : index
        %swap3A_608 = tpu.vector_load %arg9[%swap3A_606, %swap3A_607] {strides = array<i32>} : memref<128x64xf32, #tpu.memory_space<vmem>>, vector<16xf32>,
        tpu.vector_store %arg9[%swap3A_606, %swap3A_607], %unpack3A_598 {strides = array<i32>} : memref<128x64xf32, #tpu.memory_space<vmem>>, vector<16xf32>,
        %swap3A_609 = arith.index_cast %add3A_605 : i32 to index
        %swap3A_610 = arith.constant 16 : index
        %swap3A_611 = tpu.vector_load %arg9[%swap3A_609, %swap3A_610] {strides = array<i32>} : memref<128x64xf32, #tpu.memory_space<vmem>>, vector<16xf32>,
        tpu.vector_store %arg9[%swap3A_609, %swap3A_610], %unpack3A_600 {strides = array<i32>} : memref<128x64xf32, #tpu.memory_space<vmem>>, vector<16xf32>,
        %swap3A_612 = arith.index_cast %add3A_605 : i32 to index
        %swap3A_613 = arith.constant 32 : index
        %swap3A_614 = tpu.vector_load %arg9[%swap3A_612, %swap3A_613] {strides = array<i32>} : memref<128x64xf32, #tpu.memory_space<vmem>>, vector<16xf32>,
        tpu.vector_store %arg9[%swap3A_612, %swap3A_613], %unpack3A_599 {strides = array<i32>} : memref<128x64xf32, #tpu.memory_space<vmem>>, vector<16xf32>,
        %swap3A_615 = arith.index_cast %add3A_605 : i32 to index
        %swap3A_616 = arith.constant 48 : index
        %swap3A_617 = tpu.vector_load %arg9[%swap3A_615, %swap3A_616] {strides = array<i32>} : memref<128x64xf32, #tpu.memory_space<vmem>>, vector<16xf32>,
        tpu.vector_store %arg9[%swap3A_615, %swap3A_616], %unpack3A_601 {strides = array<i32>} : memref<128x64xf32, #tpu.memory_space<vmem>>, vector<16xf32>,
        %slice3A_618 = vector.extract_strided_slice %mul3A_103 {offsets = [4], sizes = [1], strides = [1]} : vector<16xi32> to vector<1xi32>
        %squeeze3A_619 = vector.extract %slice3A_618[0] : i32 from vector<1xi32>
        %get3A_620 = arith.index_cast %squeeze3A_619 : i32 to index
        %get3A_621 = tpu.vector_load %arg5[%get3A_620] {strides = array<i32>} : memref<32000xi32, #tpu.memory_space<vmem>>, vector<16xi32>,
        %bitcast3A_622 = vector.bitcast %get3A_621 : vector<16xi32> to vector<32xbf16>
        %add3A_623 = arith.constant 16 : i32
        %add3A_624 = arith.addi %squeeze3A_619, %add3A_623 : i32
        %get3A_625 = arith.index_cast %add3A_624 : i32 to index
        %get3A_626 = tpu.vector_load %arg5[%get3A_625] {strides = array<i32>} : memref<32000xi32, #tpu.memory_space<vmem>>, vector<16xi32>,
        %bitcast3A_627 = vector.bitcast %get3A_626 : vector<16xi32> to vector<32xbf16>
        %slice3A_628 = vector.extract_strided_slice %mul3A_112 {offsets = [4], sizes = [1], strides = [1]} : vector<16xi32> to vector<1xi32>
        %squeeze3A_629 = vector.extract %slice3A_628[0] : i32 from vector<1xi32>
        %get3A_630 = arith.index_cast %squeeze3A_629 : i32 to index
        %get3A_631 = tpu.vector_load %arg5[%get3A_630] {strides = array<i32>} : memref<32000xi32, #tpu.memory_space<vmem>>, vector<16xi32>,
        %bitcast3A_632 = vector.bitcast %get3A_631 : vector<16xi32> to vector<32xbf16>
        %add3A_633 = arith.constant 16 : i32
        %add3A_634 = arith.addi %squeeze3A_629, %add3A_633 : i32
        %get3A_635 = arith.index_cast %add3A_634 : i32 to index
        %get3A_636 = tpu.vector_load %arg5[%get3A_635] {strides = array<i32>} : memref<32000xi32, #tpu.memory_space<vmem>>, vector<16xi32>,
        %bitcast3A_637 = vector.bitcast %get3A_636 : vector<16xi32> to vector<32xbf16>
        %slice3A_638 = vector.extract_strided_slice %mul3A_121 {offsets = [4], sizes = [1], strides = [1]} : vector<16xi32> to vector<1xi32>
        %squeeze3A_639 = vector.extract %slice3A_638[0] : i32 from vector<1xi32>
        %get3A_640 = arith.index_cast %squeeze3A_639 : i32 to index
        %get3A_641 = tpu.vector_load %arg5[%get3A_640] {strides = array<i32>} : memref<32000xi32, #tpu.memory_space<vmem>>, vector<16xi32>,
        %bitcast3A_642 = vector.bitcast %get3A_641 : vector<16xi32> to vector<32xbf16>
        %add3A_643 = arith.constant 16 : i32
        %add3A_644 = arith.addi %squeeze3A_639, %add3A_643 : i32
        %get3A_645 = arith.index_cast %add3A_644 : i32 to index
        %get3A_646 = tpu.vector_load %arg5[%get3A_645] {strides = array<i32>} : memref<32000xi32, #tpu.memory_space<vmem>>, vector<16xi32>,
        %bitcast3A_647 = vector.bitcast %get3A_646 : vector<16xi32> to vector<32xbf16>
        %slice3A_648 = vector.extract_strided_slice %mul3A_130 {offsets = [4], sizes = [1], strides = [1]} : vector<16xi32> to vector<1xi32>
        %squeeze3A_649 = vector.extract %slice3A_648[0] : i32 from vector<1xi32>
        %get3A_650 = arith.index_cast %squeeze3A_649 : i32 to index
        %get3A_651 = tpu.vector_load %arg5[%get3A_650] {strides = array<i32>} : memref<32000xi32, #tpu.memory_space<vmem>>, vector<16xi32>,
        %bitcast3A_652 = vector.bitcast %get3A_651 : vector<16xi32> to vector<32xbf16>
        %add3A_653 = arith.constant 16 : i32
        %add3A_654 = arith.addi %squeeze3A_649, %add3A_653 : i32
        %get3A_655 = arith.index_cast %add3A_654 : i32 to index
        %get3A_656 = tpu.vector_load %arg5[%get3A_655] {strides = array<i32>} : memref<32000xi32, #tpu.memory_space<vmem>>, vector<16xi32>,
        %bitcast3A_657 = vector.bitcast %get3A_656 : vector<16xi32> to vector<32xbf16>
        %slice3A_658 = vector.extract_strided_slice %mul3A_139 {offsets = [4], sizes = [1], strides = [1]} : vector<16xi32> to vector<1xi32>
        %squeeze3A_659 = vector.extract %slice3A_658[0] : i32 from vector<1xi32>
        %get3A_660 = arith.index_cast %squeeze3A_659 : i32 to index
        %get3A_661 = tpu.vector_load %arg5[%get3A_660] {strides = array<i32>} : memref<32000xi32, #tpu.memory_space<vmem>>, vector<16xi32>,
        %bitcast3A_662 = vector.bitcast %get3A_661 : vector<16xi32> to vector<32xbf16>
        %add3A_663 = arith.constant 16 : i32
        %add3A_664 = arith.addi %squeeze3A_659, %add3A_663 : i32
        %get3A_665 = arith.index_cast %add3A_664 : i32 to index
        %get3A_666 = tpu.vector_load %arg5[%get3A_665] {strides = array<i32>} : memref<32000xi32, #tpu.memory_space<vmem>>, vector<16xi32>,
        %bitcast3A_667 = vector.bitcast %get3A_666 : vector<16xi32> to vector<32xbf16>
        %slice3A_668 = vector.extract_strided_slice %mul3A_148 {offsets = [4], sizes = [1], strides = [1]} : vector<16xi32> to vector<1xi32>
        %squeeze3A_669 = vector.extract %slice3A_668[0] : i32 from vector<1xi32>
        %get3A_670 = arith.index_cast %squeeze3A_669 : i32 to index
        %get3A_671 = tpu.vector_load %arg5[%get3A_670] {strides = array<i32>} : memref<32000xi32, #tpu.memory_space<vmem>>, vector<16xi32>,
        %bitcast3A_672 = vector.bitcast %get3A_671 : vector<16xi32> to vector<32xbf16>
        %add3A_673 = arith.constant 16 : i32
        %add3A_674 = arith.addi %squeeze3A_669, %add3A_673 : i32
        %get3A_675 = arith.index_cast %add3A_674 : i32 to index
        %get3A_676 = tpu.vector_load %arg5[%get3A_675] {strides = array<i32>} : memref<32000xi32, #tpu.memory_space<vmem>>, vector<16xi32>,
        %bitcast3A_677 = vector.bitcast %get3A_676 : vector<16xi32> to vector<32xbf16>
        %slice3A_678 = vector.extract_strided_slice %mul3A_157 {offsets = [4], sizes = [1], strides = [1]} : vector<16xi32> to vector<1xi32>
        %squeeze3A_679 = vector.extract %slice3A_678[0] : i32 from vector<1xi32>
        %get3A_680 = arith.index_cast %squeeze3A_679 : i32 to index
        %get3A_681 = tpu.vector_load %arg5[%get3A_680] {strides = array<i32>} : memref<32000xi32, #tpu.memory_space<vmem>>, vector<16xi32>,
        %bitcast3A_682 = vector.bitcast %get3A_681 : vector<16xi32> to vector<32xbf16>
        %add3A_683 = arith.constant 16 : i32
        %add3A_684 = arith.addi %squeeze3A_679, %add3A_683 : i32
        %get3A_685 = arith.index_cast %add3A_684 : i32 to index
        %get3A_686 = tpu.vector_load %arg5[%get3A_685] {strides = array<i32>} : memref<32000xi32, #tpu.memory_space<vmem>>, vector<16xi32>,
        %bitcast3A_687 = vector.bitcast %get3A_686 : vector<16xi32> to vector<32xbf16>
        %slice3A_688 = vector.extract_strided_slice %mul3A_166 {offsets = [4], sizes = [1], strides = [1]} : vector<16xi32> to vector<1xi32>
        %squeeze3A_689 = vector.extract %slice3A_688[0] : i32 from vector<1xi32>
        %get3A_690 = arith.index_cast %squeeze3A_689 : i32 to index
        %get3A_691 = tpu.vector_load %arg5[%get3A_690] {strides = array<i32>} : memref<32000xi32, #tpu.memory_space<vmem>>, vector<16xi32>,
        %bitcast3A_692 = vector.bitcast %get3A_691 : vector<16xi32> to vector<32xbf16>
        %add3A_693 = arith.constant 16 : i32
        %add3A_694 = arith.addi %squeeze3A_689, %add3A_693 : i32
        %get3A_695 = arith.index_cast %add3A_694 : i32 to index
        %get3A_696 = tpu.vector_load %arg5[%get3A_695] {strides = array<i32>} : memref<32000xi32, #tpu.memory_space<vmem>>, vector<16xi32>,
        %bitcast3A_697 = vector.bitcast %get3A_696 : vector<16xi32> to vector<32xbf16>
        %add3A_698 = arith.addf %bitcast3A_622, %bitcast3A_632 : vector<32xbf16>
        %add3A_699 = arith.addf %bitcast3A_642, %bitcast3A_652 : vector<32xbf16>
        %add3A_700 = arith.addf %add3A_698, %add3A_699 : vector<32xbf16>
        %add3A_701 = arith.addf %bitcast3A_662, %bitcast3A_672 : vector<32xbf16>
        %add3A_702 = arith.addf %bitcast3A_682, %bitcast3A_692 : vector<32xbf16>
        %add3A_703 = arith.addf %add3A_701, %add3A_702 : vector<32xbf16>
        %add3A_704 = arith.addf %add3A_700, %add3A_703 : vector<32xbf16>
        %add3A_705 = arith.addf %bitcast3A_627, %bitcast3A_637 : vector<32xbf16>
        %add3A_706 = arith.addf %bitcast3A_647, %bitcast3A_657 : vector<32xbf16>
        %add3A_707 = arith.addf %add3A_705, %add3A_706 : vector<32xbf16>
        %add3A_708 = arith.addf %bitcast3A_667, %bitcast3A_677 : vector<32xbf16>
        %add3A_709 = arith.addf %bitcast3A_687, %bitcast3A_697 : vector<32xbf16>
        %add3A_710 = arith.addf %add3A_708, %add3A_709 : vector<32xbf16>
        %add3A_711 = arith.addf %add3A_707, %add3A_710 : vector<32xbf16>
        %unpack3A_712 = tpu.unpack_subelements %add3A_704, 0 {pack_format = #tpu.pack_format<interleaved>} : vector<32xbf16> -> vector<16xf32>
        %unpack3A_713 = tpu.unpack_subelements %add3A_704, 1 {pack_format = #tpu.pack_format<interleaved>} : vector<32xbf16> -> vector<16xf32>
        %unpack3A_714 = tpu.unpack_subelements %add3A_711, 0 {pack_format = #tpu.pack_format<interleaved>} : vector<32xbf16> -> vector<16xf32>
        %unpack3A_715 = tpu.unpack_subelements %add3A_711, 1 {pack_format = #tpu.pack_format<interleaved>} : vector<32xbf16> -> vector<16xf32>
        %mul3A_716 = arith.constant 16 : i32
        %mul3A_717 = arith.muli %scan3A_95, %mul3A_716 : i32
        %add3A_718 = arith.constant 4 : i32
        %add3A_719 = arith.addi %mul3A_717, %add3A_718 : i32
        %swap3A_720 = arith.index_cast %add3A_719 : i32 to index
        %swap3A_721 = arith.constant 0 : index
        %swap3A_722 = tpu.vector_load %arg9[%swap3A_720, %swap3A_721] {strides = array<i32>} : memref<128x64xf32, #tpu.memory_space<vmem>>, vector<16xf32>,
        tpu.vector_store %arg9[%swap3A_720, %swap3A_721], %unpack3A_712 {strides = array<i32>} : memref<128x64xf32, #tpu.memory_space<vmem>>, vector<16xf32>,
        %swap3A_723 = arith.index_cast %add3A_719 : i32 to index
        %swap3A_724 = arith.constant 16 : index
        %swap3A_725 = tpu.vector_load %arg9[%swap3A_723, %swap3A_724] {strides = array<i32>} : memref<128x64xf32, #tpu.memory_space<vmem>>, vector<16xf32>,
        tpu.vector_store %arg9[%swap3A_723, %swap3A_724], %unpack3A_714 {strides = array<i32>} : memref<128x64xf32, #tpu.memory_space<vmem>>, vector<16xf32>,
        %swap3A_726 = arith.index_cast %add3A_719 : i32 to index
        %swap3A_727 = arith.constant 32 : index
        %swap3A_728 = tpu.vector_load %arg9[%swap3A_726, %swap3A_727] {strides = array<i32>} : memref<128x64xf32, #tpu.memory_space<vmem>>, vector<16xf32>,
        tpu.vector_store %arg9[%swap3A_726, %swap3A_727], %unpack3A_713 {strides = array<i32>} : memref<128x64xf32, #tpu.memory_space<vmem>>, vector<16xf32>,
        %swap3A_729 = arith.index_cast %add3A_719 : i32 to index
        %swap3A_730 = arith.constant 48 : index
        %swap3A_731 = tpu.vector_load %arg9[%swap3A_729, %swap3A_730] {strides = array<i32>} : memref<128x64xf32, #tpu.memory_space<vmem>>, vector<16xf32>,
        tpu.vector_store %arg9[%swap3A_729, %swap3A_730], %unpack3A_715 {strides = array<i32>} : memref<128x64xf32, #tpu.memory_space<vmem>>, vector<16xf32>,
        %slice3A_732 = vector.extract_strided_slice %mul3A_103 {offsets = [5], sizes = [1], strides = [1]} : vector<16xi32> to vector<1xi32>
        %squeeze3A_733 = vector.extract %slice3A_732[0] : i32 from vector<1xi32>
        %get3A_734 = arith.index_cast %squeeze3A_733 : i32 to index
        %get3A_735 = tpu.vector_load %arg5[%get3A_734] {strides = array<i32>} : memref<32000xi32, #tpu.memory_space<vmem>>, vector<16xi32>,
        %bitcast3A_736 = vector.bitcast %get3A_735 : vector<16xi32> to vector<32xbf16>
        %add3A_737 = arith.constant 16 : i32
        %add3A_738 = arith.addi %squeeze3A_733, %add3A_737 : i32
        %get3A_739 = arith.index_cast %add3A_738 : i32 to index
        %get3A_740 = tpu.vector_load %arg5[%get3A_739] {strides = array<i32>} : memref<32000xi32, #tpu.memory_space<vmem>>, vector<16xi32>,
        %bitcast3A_741 = vector.bitcast %get3A_740 : vector<16xi32> to vector<32xbf16>
        %slice3A_742 = vector.extract_strided_slice %mul3A_112 {offsets = [5], sizes = [1], strides = [1]} : vector<16xi32> to vector<1xi32>
        %squeeze3A_743 = vector.extract %slice3A_742[0] : i32 from vector<1xi32>
        %get3A_744 = arith.index_cast %squeeze3A_743 : i32 to index
        %get3A_745 = tpu.vector_load %arg5[%get3A_744] {strides = array<i32>} : memref<32000xi32, #tpu.memory_space<vmem>>, vector<16xi32>,
        %bitcast3A_746 = vector.bitcast %get3A_745 : vector<16xi32> to vector<32xbf16>
        %add3A_747 = arith.constant 16 : i32
        %add3A_748 = arith.addi %squeeze3A_743, %add3A_747 : i32
        %get3A_749 = arith.index_cast %add3A_748 : i32 to index
        %get3A_750 = tpu.vector_load %arg5[%get3A_749] {strides = array<i32>} : memref<32000xi32, #tpu.memory_space<vmem>>, vector<16xi32>,
        %bitcast3A_751 = vector.bitcast %get3A_750 : vector<16xi32> to vector<32xbf16>
        %slice3A_752 = vector.extract_strided_slice %mul3A_121 {offsets = [5], sizes = [1], strides = [1]} : vector<16xi32> to vector<1xi32>
        %squeeze3A_753 = vector.extract %slice3A_752[0] : i32 from vector<1xi32>
        %get3A_754 = arith.index_cast %squeeze3A_753 : i32 to index
        %get3A_755 = tpu.vector_load %arg5[%get3A_754] {strides = array<i32>} : memref<32000xi32, #tpu.memory_space<vmem>>, vector<16xi32>,
        %bitcast3A_756 = vector.bitcast %get3A_755 : vector<16xi32> to vector<32xbf16>
        %add3A_757 = arith.constant 16 : i32
        %add3A_758 = arith.addi %squeeze3A_753, %add3A_757 : i32
        %get3A_759 = arith.index_cast %add3A_758 : i32 to index
        %get3A_760 = tpu.vector_load %arg5[%get3A_759] {strides = array<i32>} : memref<32000xi32, #tpu.memory_space<vmem>>, vector<16xi32>,
        %bitcast3A_761 = vector.bitcast %get3A_760 : vector<16xi32> to vector<32xbf16>
        %slice3A_762 = vector.extract_strided_slice %mul3A_130 {offsets = [5], sizes = [1], strides = [1]} : vector<16xi32> to vector<1xi32>
        %squeeze3A_763 = vector.extract %slice3A_762[0] : i32 from vector<1xi32>
        %get3A_764 = arith.index_cast %squeeze3A_763 : i32 to index
        %get3A_765 = tpu.vector_load %arg5[%get3A_764] {strides = array<i32>} : memref<32000xi32, #tpu.memory_space<vmem>>, vector<16xi32>,
        %bitcast3A_766 = vector.bitcast %get3A_765 : vector<16xi32> to vector<32xbf16>
        %add3A_767 = arith.constant 16 : i32
        %add3A_768 = arith.addi %squeeze3A_763, %add3A_767 : i32
        %get3A_769 = arith.index_cast %add3A_768 : i32 to index
        %get3A_770 = tpu.vector_load %arg5[%get3A_769] {strides = array<i32>} : memref<32000xi32, #tpu.memory_space<vmem>>, vector<16xi32>,
        %bitcast3A_771 = vector.bitcast %get3A_770 : vector<16xi32> to vector<32xbf16>
        %slice3A_772 = vector.extract_strided_slice %mul3A_139 {offsets = [5], sizes = [1], strides = [1]} : vector<16xi32> to vector<1xi32>
        %squeeze3A_773 = vector.extract %slice3A_772[0] : i32 from vector<1xi32>
        %get3A_774 = arith.index_cast %squeeze3A_773 : i32 to index
        %get3A_775 = tpu.vector_load %arg5[%get3A_774] {strides = array<i32>} : memref<32000xi32, #tpu.memory_space<vmem>>, vector<16xi32>,
        %bitcast3A_776 = vector.bitcast %get3A_775 : vector<16xi32> to vector<32xbf16>
        %add3A_777 = arith.constant 16 : i32
        %add3A_778 = arith.addi %squeeze3A_773, %add3A_777 : i32
        %get3A_779 = arith.index_cast %add3A_778 : i32 to index
        %get3A_780 = tpu.vector_load %arg5[%get3A_779] {strides = array<i32>} : memref<32000xi32, #tpu.memory_space<vmem>>, vector<16xi32>,
        %bitcast3A_781 = vector.bitcast %get3A_780 : vector<16xi32> to vector<32xbf16>
        %slice3A_782 = vector.extract_strided_slice %mul3A_148 {offsets = [5], sizes = [1], strides = [1]} : vector<16xi32> to vector<1xi32>
        %squeeze3A_783 = vector.extract %slice3A_782[0] : i32 from vector<1xi32>
        %get3A_784 = arith.index_cast %squeeze3A_783 : i32 to index
        %get3A_785 = tpu.vector_load %arg5[%get3A_784] {strides = array<i32>} : memref<32000xi32, #tpu.memory_space<vmem>>, vector<16xi32>,
        %bitcast3A_786 = vector.bitcast %get3A_785 : vector<16xi32> to vector<32xbf16>
        %add3A_787 = arith.constant 16 : i32
        %add3A_788 = arith.addi %squeeze3A_783, %add3A_787 : i32
        %get3A_789 = arith.index_cast %add3A_788 : i32 to index
        %get3A_790 = tpu.vector_load %arg5[%get3A_789] {strides = array<i32>} : memref<32000xi32, #tpu.memory_space<vmem>>, vector<16xi32>,
        %bitcast3A_791 = vector.bitcast %get3A_790 : vector<16xi32> to vector<32xbf16>
        %slice3A_792 = vector.extract_strided_slice %mul3A_157 {offsets = [5], sizes = [1], strides = [1]} : vector<16xi32> to vector<1xi32>
        %squeeze3A_793 = vector.extract %slice3A_792[0] : i32 from vector<1xi32>
        %get3A_794 = arith.index_cast %squeeze3A_793 : i32 to index
        %get3A_795 = tpu.vector_load %arg5[%get3A_794] {strides = array<i32>} : memref<32000xi32, #tpu.memory_space<vmem>>, vector<16xi32>,
        %bitcast3A_796 = vector.bitcast %get3A_795 : vector<16xi32> to vector<32xbf16>
        %add3A_797 = arith.constant 16 : i32
        %add3A_798 = arith.addi %squeeze3A_793, %add3A_797 : i32
        %get3A_799 = arith.index_cast %add3A_798 : i32 to index
        %get3A_800 = tpu.vector_load %arg5[%get3A_799] {strides = array<i32>} : memref<32000xi32, #tpu.memory_space<vmem>>, vector<16xi32>,
        %bitcast3A_801 = vector.bitcast %get3A_800 : vector<16xi32> to vector<32xbf16>
        %slice3A_802 = vector.extract_strided_slice %mul3A_166 {offsets = [5], sizes = [1], strides = [1]} : vector<16xi32> to vector<1xi32>
        %squeeze3A_803 = vector.extract %slice3A_802[0] : i32 from vector<1xi32>
        %get3A_804 = arith.index_cast %squeeze3A_803 : i32 to index
        %get3A_805 = tpu.vector_load %arg5[%get3A_804] {strides = array<i32>} : memref<32000xi32, #tpu.memory_space<vmem>>, vector<16xi32>,
        %bitcast3A_806 = vector.bitcast %get3A_805 : vector<16xi32> to vector<32xbf16>
        %add3A_807 = arith.constant 16 : i32
        %add3A_808 = arith.addi %squeeze3A_803, %add3A_807 : i32
        %get3A_809 = arith.index_cast %add3A_808 : i32 to index
        %get3A_810 = tpu.vector_load %arg5[%get3A_809] {strides = array<i32>} : memref<32000xi32, #tpu.memory_space<vmem>>, vector<16xi32>,
        %bitcast3A_811 = vector.bitcast %get3A_810 : vector<16xi32> to vector<32xbf16>
        %add3A_812 = arith.addf %bitcast3A_736, %bitcast3A_746 : vector<32xbf16>
        %add3A_813 = arith.addf %bitcast3A_756, %bitcast3A_766 : vector<32xbf16>
        %add3A_814 = arith.addf %add3A_812, %add3A_813 : vector<32xbf16>
        %add3A_815 = arith.addf %bitcast3A_776, %bitcast3A_786 : vector<32xbf16>
        %add3A_816 = arith.addf %bitcast3A_796, %bitcast3A_806 : vector<32xbf16>
        %add3A_817 = arith.addf %add3A_815, %add3A_816 : vector<32xbf16>
        %add3A_818 = arith.addf %add3A_814, %add3A_817 : vector<32xbf16>
        %add3A_819 = arith.addf %bitcast3A_741, %bitcast3A_751 : vector<32xbf16>
        %add3A_820 = arith.addf %bitcast3A_761, %bitcast3A_771 : vector<32xbf16>
        %add3A_821 = arith.addf %add3A_819, %add3A_820 : vector<32xbf16>
        %add3A_822 = arith.addf %bitcast3A_781, %bitcast3A_791 : vector<32xbf16>
        %add3A_823 = arith.addf %bitcast3A_801, %bitcast3A_811 : vector<32xbf16>
        %add3A_824 = arith.addf %add3A_822, %add3A_823 : vector<32xbf16>
        %add3A_825 = arith.addf %add3A_821, %add3A_824 : vector<32xbf16>
        %unpack3A_826 = tpu.unpack_subelements %add3A_818, 0 {pack_format = #tpu.pack_format<interleaved>} : vector<32xbf16> -> vector<16xf32>
        %unpack3A_827 = tpu.unpack_subelements %add3A_818, 1 {pack_format = #tpu.pack_format<interleaved>} : vector<32xbf16> -> vector<16xf32>
        %unpack3A_828 = tpu.unpack_subelements %add3A_825, 0 {pack_format = #tpu.pack_format<interleaved>} : vector<32xbf16> -> vector<16xf32>
        %unpack3A_829 = tpu.unpack_subelements %add3A_825, 1 {pack_format = #tpu.pack_format<interleaved>} : vector<32xbf16> -> vector<16xf32>
        %mul3A_830 = arith.constant 16 : i32
        %mul3A_831 = arith.muli %scan3A_95, %mul3A_830 : i32
        %add3A_832 = arith.constant 5 : i32
        %add3A_833 = arith.addi %mul3A_831, %add3A_832 : i32
        %swap3A_834 = arith.index_cast %add3A_833 : i32 to index
        %swap3A_835 = arith.constant 0 : index
        %swap3A_836 = tpu.vector_load %arg9[%swap3A_834, %swap3A_835] {strides = array<i32>} : memref<128x64xf32, #tpu.memory_space<vmem>>, vector<16xf32>,
        tpu.vector_store %arg9[%swap3A_834, %swap3A_835], %unpack3A_826 {strides = array<i32>} : memref<128x64xf32, #tpu.memory_space<vmem>>, vector<16xf32>,
        %swap3A_837 = arith.index_cast %add3A_833 : i32 to index
        %swap3A_838 = arith.constant 16 : index
        %swap3A_839 = tpu.vector_load %arg9[%swap3A_837, %swap3A_838] {strides = array<i32>} : memref<128x64xf32, #tpu.memory_space<vmem>>, vector<16xf32>,
        tpu.vector_store %arg9[%swap3A_837, %swap3A_838], %unpack3A_828 {strides = array<i32>} : memref<128x64xf32, #tpu.memory_space<vmem>>, vector<16xf32>,
        %swap3A_840 = arith.index_cast %add3A_833 : i32 to index
        %swap3A_841 = arith.constant 32 : index
        %swap3A_842 = tpu.vector_load %arg9[%swap3A_840, %swap3A_841] {strides = array<i32>} : memref<128x64xf32, #tpu.memory_space<vmem>>, vector<16xf32>,
        tpu.vector_store %arg9[%swap3A_840, %swap3A_841], %unpack3A_827 {strides = array<i32>} : memref<128x64xf32, #tpu.memory_space<vmem>>, vector<16xf32>,
        %swap3A_843 = arith.index_cast %add3A_833 : i32 to index
        %swap3A_844 = arith.constant 48 : index
        %swap3A_845 = tpu.vector_load %arg9[%swap3A_843, %swap3A_844] {strides = array<i32>} : memref<128x64xf32, #tpu.memory_space<vmem>>, vector<16xf32>,
        tpu.vector_store %arg9[%swap3A_843, %swap3A_844], %unpack3A_829 {strides = array<i32>} : memref<128x64xf32, #tpu.memory_space<vmem>>, vector<16xf32>,
        %slice3A_846 = vector.extract_strided_slice %mul3A_103 {offsets = [6], sizes = [1], strides = [1]} : vector<16xi32> to vector<1xi32>
        %squeeze3A_847 = vector.extract %slice3A_846[0] : i32 from vector<1xi32>
        %get3A_848 = arith.index_cast %squeeze3A_847 : i32 to index
        %get3A_849 = tpu.vector_load %arg5[%get3A_848] {strides = array<i32>} : memref<32000xi32, #tpu.memory_space<vmem>>, vector<16xi32>,
        %bitcast3A_850 = vector.bitcast %get3A_849 : vector<16xi32> to vector<32xbf16>
        %add3A_851 = arith.constant 16 : i32
        %add3A_852 = arith.addi %squeeze3A_847, %add3A_851 : i32
        %get3A_853 = arith.index_cast %add3A_852 : i32 to index
        %get3A_854 = tpu.vector_load %arg5[%get3A_853] {strides = array<i32>} : memref<32000xi32, #tpu.memory_space<vmem>>, vector<16xi32>,
        %bitcast3A_855 = vector.bitcast %get3A_854 : vector<16xi32> to vector<32xbf16>
        %slice3A_856 = vector.extract_strided_slice %mul3A_112 {offsets = [6], sizes = [1], strides = [1]} : vector<16xi32> to vector<1xi32>
        %squeeze3A_857 = vector.extract %slice3A_856[0] : i32 from vector<1xi32>
        %get3A_858 = arith.index_cast %squeeze3A_857 : i32 to index
        %get3A_859 = tpu.vector_load %arg5[%get3A_858] {strides = array<i32>} : memref<32000xi32, #tpu.memory_space<vmem>>, vector<16xi32>,
        %bitcast3A_860 = vector.bitcast %get3A_859 : vector<16xi32> to vector<32xbf16>
        %add3A_861 = arith.constant 16 : i32
        %add3A_862 = arith.addi %squeeze3A_857, %add3A_861 : i32
        %get3A_863 = arith.index_cast %add3A_862 : i32 to index
        %get3A_864 = tpu.vector_load %arg5[%get3A_863] {strides = array<i32>} : memref<32000xi32, #tpu.memory_space<vmem>>, vector<16xi32>,
        %bitcast3A_865 = vector.bitcast %get3A_864 : vector<16xi32> to vector<32xbf16>
        %slice3A_866 = vector.extract_strided_slice %mul3A_121 {offsets = [6], sizes = [1], strides = [1]} : vector<16xi32> to vector<1xi32>
        %squeeze3A_867 = vector.extract %slice3A_866[0] : i32 from vector<1xi32>
        %get3A_868 = arith.index_cast %squeeze3A_867 : i32 to index
        %get3A_869 = tpu.vector_load %arg5[%get3A_868] {strides = array<i32>} : memref<32000xi32, #tpu.memory_space<vmem>>, vector<16xi32>,
        %bitcast3A_870 = vector.bitcast %get3A_869 : vector<16xi32> to vector<32xbf16>
        %add3A_871 = arith.constant 16 : i32
        %add3A_872 = arith.addi %squeeze3A_867, %add3A_871 : i32
        %get3A_873 = arith.index_cast %add3A_872 : i32 to index
        %get3A_874 = tpu.vector_load %arg5[%get3A_873] {strides = array<i32>} : memref<32000xi32, #tpu.memory_space<vmem>>, vector<16xi32>,
        %bitcast3A_875 = vector.bitcast %get3A_874 : vector<16xi32> to vector<32xbf16>
        %slice3A_876 = vector.extract_strided_slice %mul3A_130 {offsets = [6], sizes = [1], strides = [1]} : vector<16xi32> to vector<1xi32>
        %squeeze3A_877 = vector.extract %slice3A_876[0] : i32 from vector<1xi32>
        %get3A_878 = arith.index_cast %squeeze3A_877 : i32 to index
        %get3A_879 = tpu.vector_load %arg5[%get3A_878] {strides = array<i32>} : memref<32000xi32, #tpu.memory_space<vmem>>, vector<16xi32>,
        %bitcast3A_880 = vector.bitcast %get3A_879 : vector<16xi32> to vector<32xbf16>
        %add3A_881 = arith.constant 16 : i32
        %add3A_882 = arith.addi %squeeze3A_877, %add3A_881 : i32
        %get3A_883 = arith.index_cast %add3A_882 : i32 to index
        %get3A_884 = tpu.vector_load %arg5[%get3A_883] {strides = array<i32>} : memref<32000xi32, #tpu.memory_space<vmem>>, vector<16xi32>,
        %bitcast3A_885 = vector.bitcast %get3A_884 : vector<16xi32> to vector<32xbf16>
        %slice3A_886 = vector.extract_strided_slice %mul3A_139 {offsets = [6], sizes = [1], strides = [1]} : vector<16xi32> to vector<1xi32>
        %squeeze3A_887 = vector.extract %slice3A_886[0] : i32 from vector<1xi32>
        %get3A_888 = arith.index_cast %squeeze3A_887 : i32 to index
        %get3A_889 = tpu.vector_load %arg5[%get3A_888] {strides = array<i32>} : memref<32000xi32, #tpu.memory_space<vmem>>, vector<16xi32>,
        %bitcast3A_890 = vector.bitcast %get3A_889 : vector<16xi32> to vector<32xbf16>
        %add3A_891 = arith.constant 16 : i32
        %add3A_892 = arith.addi %squeeze3A_887, %add3A_891 : i32
        %get3A_893 = arith.index_cast %add3A_892 : i32 to index
        %get3A_894 = tpu.vector_load %arg5[%get3A_893] {strides = array<i32>} : memref<32000xi32, #tpu.memory_space<vmem>>, vector<16xi32>,
        %bitcast3A_895 = vector.bitcast %get3A_894 : vector<16xi32> to vector<32xbf16>
        %slice3A_896 = vector.extract_strided_slice %mul3A_148 {offsets = [6], sizes = [1], strides = [1]} : vector<16xi32> to vector<1xi32>
        %squeeze3A_897 = vector.extract %slice3A_896[0] : i32 from vector<1xi32>
        %get3A_898 = arith.index_cast %squeeze3A_897 : i32 to index
        %get3A_899 = tpu.vector_load %arg5[%get3A_898] {strides = array<i32>} : memref<32000xi32, #tpu.memory_space<vmem>>, vector<16xi32>,
        %bitcast3A_900 = vector.bitcast %get3A_899 : vector<16xi32> to vector<32xbf16>
        %add3A_901 = arith.constant 16 : i32
        %add3A_902 = arith.addi %squeeze3A_897, %add3A_901 : i32
        %get3A_903 = arith.index_cast %add3A_902 : i32 to index
        %get3A_904 = tpu.vector_load %arg5[%get3A_903] {strides = array<i32>} : memref<32000xi32, #tpu.memory_space<vmem>>, vector<16xi32>,
        %bitcast3A_905 = vector.bitcast %get3A_904 : vector<16xi32> to vector<32xbf16>
        %slice3A_906 = vector.extract_strided_slice %mul3A_157 {offsets = [6], sizes = [1], strides = [1]} : vector<16xi32> to vector<1xi32>
        %squeeze3A_907 = vector.extract %slice3A_906[0] : i32 from vector<1xi32>
        %get3A_908 = arith.index_cast %squeeze3A_907 : i32 to index
        %get3A_909 = tpu.vector_load %arg5[%get3A_908] {strides = array<i32>} : memref<32000xi32, #tpu.memory_space<vmem>>, vector<16xi32>,
        %bitcast3A_910 = vector.bitcast %get3A_909 : vector<16xi32> to vector<32xbf16>
        %add3A_911 = arith.constant 16 : i32
        %add3A_912 = arith.addi %squeeze3A_907, %add3A_911 : i32
        %get3A_913 = arith.index_cast %add3A_912 : i32 to index
        %get3A_914 = tpu.vector_load %arg5[%get3A_913] {strides = array<i32>} : memref<32000xi32, #tpu.memory_space<vmem>>, vector<16xi32>,
        %bitcast3A_915 = vector.bitcast %get3A_914 : vector<16xi32> to vector<32xbf16>
        %slice3A_916 = vector.extract_strided_slice %mul3A_166 {offsets = [6], sizes = [1], strides = [1]} : vector<16xi32> to vector<1xi32>
        %squeeze3A_917 = vector.extract %slice3A_916[0] : i32 from vector<1xi32>
        %get3A_918 = arith.index_cast %squeeze3A_917 : i32 to index
        %get3A_919 = tpu.vector_load %arg5[%get3A_918] {strides = array<i32>} : memref<32000xi32, #tpu.memory_space<vmem>>, vector<16xi32>,
        %bitcast3A_920 = vector.bitcast %get3A_919 : vector<16xi32> to vector<32xbf16>
        %add3A_921 = arith.constant 16 : i32
        %add3A_922 = arith.addi %squeeze3A_917, %add3A_921 : i32
        %get3A_923 = arith.index_cast %add3A_922 : i32 to index
        %get3A_924 = tpu.vector_load %arg5[%get3A_923] {strides = array<i32>} : memref<32000xi32, #tpu.memory_space<vmem>>, vector<16xi32>,
        %bitcast3A_925 = vector.bitcast %get3A_924 : vector<16xi32> to vector<32xbf16>
        %add3A_926 = arith.addf %bitcast3A_850, %bitcast3A_860 : vector<32xbf16>
        %add3A_927 = arith.addf %bitcast3A_870, %bitcast3A_880 : vector<32xbf16>
        %add3A_928 = arith.addf %add3A_926, %add3A_927 : vector<32xbf16>
        %add3A_929 = arith.addf %bitcast3A_890, %bitcast3A_900 : vector<32xbf16>
        %add3A_930 = arith.addf %bitcast3A_910, %bitcast3A_920 : vector<32xbf16>
        %add3A_931 = arith.addf %add3A_929, %add3A_930 : vector<32xbf16>
        %add3A_932 = arith.addf %add3A_928, %add3A_931 : vector<32xbf16>
        %add3A_933 = arith.addf %bitcast3A_855, %bitcast3A_865 : vector<32xbf16>
        %add3A_934 = arith.addf %bitcast3A_875, %bitcast3A_885 : vector<32xbf16>
        %add3A_935 = arith.addf %add3A_933, %add3A_934 : vector<32xbf16>
        %add3A_936 = arith.addf %bitcast3A_895, %bitcast3A_905 : vector<32xbf16>
        %add3A_937 = arith.addf %bitcast3A_915, %bitcast3A_925 : vector<32xbf16>
        %add3A_938 = arith.addf %add3A_936, %add3A_937 : vector<32xbf16>
        %add3A_939 = arith.addf %add3A_935, %add3A_938 : vector<32xbf16>
        %unpack3A_940 = tpu.unpack_subelements %add3A_932, 0 {pack_format = #tpu.pack_format<interleaved>} : vector<32xbf16> -> vector<16xf32>
        %unpack3A_941 = tpu.unpack_subelements %add3A_932, 1 {pack_format = #tpu.pack_format<interleaved>} : vector<32xbf16> -> vector<16xf32>
        %unpack3A_942 = tpu.unpack_subelements %add3A_939, 0 {pack_format = #tpu.pack_format<interleaved>} : vector<32xbf16> -> vector<16xf32>
        %unpack3A_943 = tpu.unpack_subelements %add3A_939, 1 {pack_format = #tpu.pack_format<interleaved>} : vector<32xbf16> -> vector<16xf32>
        %mul3A_944 = arith.constant 16 : i32
        %mul3A_945 = arith.muli %scan3A_95, %mul3A_944 : i32
        %add3A_946 = arith.constant 6 : i32
        %add3A_947 = arith.addi %mul3A_945, %add3A_946 : i32
        %swap3A_948 = arith.index_cast %add3A_947 : i32 to index
        %swap3A_949 = arith.constant 0 : index
        %swap3A_950 = tpu.vector_load %arg9[%swap3A_948, %swap3A_949] {strides = array<i32>} : memref<128x64xf32, #tpu.memory_space<vmem>>, vector<16xf32>,
        tpu.vector_store %arg9[%swap3A_948, %swap3A_949], %unpack3A_940 {strides = array<i32>} : memref<128x64xf32, #tpu.memory_space<vmem>>, vector<16xf32>,
        %swap3A_951 = arith.index_cast %add3A_947 : i32 to index
        %swap3A_952 = arith.constant 16 : index
        %swap3A_953 = tpu.vector_load %arg9[%swap3A_951, %swap3A_952] {strides = array<i32>} : memref<128x64xf32, #tpu.memory_space<vmem>>, vector<16xf32>,
        tpu.vector_store %arg9[%swap3A_951, %swap3A_952], %unpack3A_942 {strides = array<i32>} : memref<128x64xf32, #tpu.memory_space<vmem>>, vector<16xf32>,
        %swap3A_954 = arith.index_cast %add3A_947 : i32 to index
        %swap3A_955 = arith.constant 32 : index
        %swap3A_956 = tpu.vector_load %arg9[%swap3A_954, %swap3A_955] {strides = array<i32>} : memref<128x64xf32, #tpu.memory_space<vmem>>, vector<16xf32>,
        tpu.vector_store %arg9[%swap3A_954, %swap3A_955], %unpack3A_941 {strides = array<i32>} : memref<128x64xf32, #tpu.memory_space<vmem>>, vector<16xf32>,
        %swap3A_957 = arith.index_cast %add3A_947 : i32 to index
        %swap3A_958 = arith.constant 48 : index
        %swap3A_959 = tpu.vector_load %arg9[%swap3A_957, %swap3A_958] {strides = array<i32>} : memref<128x64xf32, #tpu.memory_space<vmem>>, vector<16xf32>,
        tpu.vector_store %arg9[%swap3A_957, %swap3A_958], %unpack3A_943 {strides = array<i32>} : memref<128x64xf32, #tpu.memory_space<vmem>>, vector<16xf32>,
        %slice3A_960 = vector.extract_strided_slice %mul3A_103 {offsets = [7], sizes = [1], strides = [1]} : vector<16xi32> to vector<1xi32>
        %squeeze3A_961 = vector.extract %slice3A_960[0] : i32 from vector<1xi32>
        %get3A_962 = arith.index_cast %squeeze3A_961 : i32 to index
        %get3A_963 = tpu.vector_load %arg5[%get3A_962] {strides = array<i32>} : memref<32000xi32, #tpu.memory_space<vmem>>, vector<16xi32>,
        %bitcast3A_964 = vector.bitcast %get3A_963 : vector<16xi32> to vector<32xbf16>
        %add3A_965 = arith.constant 16 : i32
        %add3A_966 = arith.addi %squeeze3A_961, %add3A_965 : i32
        %get3A_967 = arith.index_cast %add3A_966 : i32 to index
        %get3A_968 = tpu.vector_load %arg5[%get3A_967] {strides = array<i32>} : memref<32000xi32, #tpu.memory_space<vmem>>, vector<16xi32>,
        %bitcast3A_969 = vector.bitcast %get3A_968 : vector<16xi32> to vector<32xbf16>
        %slice3A_970 = vector.extract_strided_slice %mul3A_112 {offsets = [7], sizes = [1], strides = [1]} : vector<16xi32> to vector<1xi32>
        %squeeze3A_971 = vector.extract %slice3A_970[0] : i32 from vector<1xi32>
        %get3A_972 = arith.index_cast %squeeze3A_971 : i32 to index
        %get3A_973 = tpu.vector_load %arg5[%get3A_972] {strides = array<i32>} : memref<32000xi32, #tpu.memory_space<vmem>>, vector<16xi32>,
        %bitcast3A_974 = vector.bitcast %get3A_973 : vector<16xi32> to vector<32xbf16>
        %add3A_975 = arith.constant 16 : i32
        %add3A_976 = arith.addi %squeeze3A_971, %add3A_975 : i32
        %get3A_977 = arith.index_cast %add3A_976 : i32 to index
        %get3A_978 = tpu.vector_load %arg5[%get3A_977] {strides = array<i32>} : memref<32000xi32, #tpu.memory_space<vmem>>, vector<16xi32>,
        %bitcast3A_979 = vector.bitcast %get3A_978 : vector<16xi32> to vector<32xbf16>
        %slice3A_980 = vector.extract_strided_slice %mul3A_121 {offsets = [7], sizes = [1], strides = [1]} : vector<16xi32> to vector<1xi32>
        %squeeze3A_981 = vector.extract %slice3A_980[0] : i32 from vector<1xi32>
        %get3A_982 = arith.index_cast %squeeze3A_981 : i32 to index
        %get3A_983 = tpu.vector_load %arg5[%get3A_982] {strides = array<i32>} : memref<32000xi32, #tpu.memory_space<vmem>>, vector<16xi32>,
        %bitcast3A_984 = vector.bitcast %get3A_983 : vector<16xi32> to vector<32xbf16>
        %add3A_985 = arith.constant 16 : i32
        %add3A_986 = arith.addi %squeeze3A_981, %add3A_985 : i32
        %get3A_987 = arith.index_cast %add3A_986 : i32 to index
        %get3A_988 = tpu.vector_load %arg5[%get3A_987] {strides = array<i32>} : memref<32000xi32, #tpu.memory_space<vmem>>, vector<16xi32>,
        %bitcast3A_989 = vector.bitcast %get3A_988 : vector<16xi32> to vector<32xbf16>
        %slice3A_990 = vector.extract_strided_slice %mul3A_130 {offsets = [7], sizes = [1], strides = [1]} : vector<16xi32> to vector<1xi32>
        %squeeze3A_991 = vector.extract %slice3A_990[0] : i32 from vector<1xi32>
        %get3A_992 = arith.index_cast %squeeze3A_991 : i32 to index
        %get3A_993 = tpu.vector_load %arg5[%get3A_992] {strides = array<i32>} : memref<32000xi32, #tpu.memory_space<vmem>>, vector<16xi32>,
        %bitcast3A_994 = vector.bitcast %get3A_993 : vector<16xi32> to vector<32xbf16>
        %add3A_995 = arith.constant 16 : i32
        %add3A_996 = arith.addi %squeeze3A_991, %add3A_995 : i32
        %get3A_997 = arith.index_cast %add3A_996 : i32 to index
        %get3A_998 = tpu.vector_load %arg5[%get3A_997] {strides = array<i32>} : memref<32000xi32, #tpu.memory_space<vmem>>, vector<16xi32>,
        %bitcast3A_999 = vector.bitcast %get3A_998 : vector<16xi32> to vector<32xbf16>
        %slice3A_1000 = vector.extract_strided_slice %mul3A_139 {offsets = [7], sizes = [1], strides = [1]} : vector<16xi32> to vector<1xi32>
        %squeeze3A_1001 = vector.extract %slice3A_1000[0] : i32 from vector<1xi32>
        %get3A_1002 = arith.index_cast %squeeze3A_1001 : i32 to index
        %get3A_1003 = tpu.vector_load %arg5[%get3A_1002] {strides = array<i32>} : memref<32000xi32, #tpu.memory_space<vmem>>, vector<16xi32>,
        %bitcast3A_1004 = vector.bitcast %get3A_1003 : vector<16xi32> to vector<32xbf16>
        %add3A_1005 = arith.constant 16 : i32
        %add3A_1006 = arith.addi %squeeze3A_1001, %add3A_1005 : i32
        %get3A_1007 = arith.index_cast %add3A_1006 : i32 to index
        %get3A_1008 = tpu.vector_load %arg5[%get3A_1007] {strides = array<i32>} : memref<32000xi32, #tpu.memory_space<vmem>>, vector<16xi32>,
        %bitcast3A_1009 = vector.bitcast %get3A_1008 : vector<16xi32> to vector<32xbf16>
        %slice3A_1010 = vector.extract_strided_slice %mul3A_148 {offsets = [7], sizes = [1], strides = [1]} : vector<16xi32> to vector<1xi32>
        %squeeze3A_1011 = vector.extract %slice3A_1010[0] : i32 from vector<1xi32>
        %get3A_1012 = arith.index_cast %squeeze3A_1011 : i32 to index
        %get3A_1013 = tpu.vector_load %arg5[%get3A_1012] {strides = array<i32>} : memref<32000xi32, #tpu.memory_space<vmem>>, vector<16xi32>,
        %bitcast3A_1014 = vector.bitcast %get3A_1013 : vector<16xi32> to vector<32xbf16>
        %add3A_1015 = arith.constant 16 : i32
        %add3A_1016 = arith.addi %squeeze3A_1011, %add3A_1015 : i32
        %get3A_1017 = arith.index_cast %add3A_1016 : i32 to index
        %get3A_1018 = tpu.vector_load %arg5[%get3A_1017] {strides = array<i32>} : memref<32000xi32, #tpu.memory_space<vmem>>, vector<16xi32>,
        %bitcast3A_1019 = vector.bitcast %get3A_1018 : vector<16xi32> to vector<32xbf16>
        %slice3A_1020 = vector.extract_strided_slice %mul3A_157 {offsets = [7], sizes = [1], strides = [1]} : vector<16xi32> to vector<1xi32>
        %squeeze3A_1021 = vector.extract %slice3A_1020[0] : i32 from vector<1xi32>
        %get3A_1022 = arith.index_cast %squeeze3A_1021 : i32 to index
        %get3A_1023 = tpu.vector_load %arg5[%get3A_1022] {strides = array<i32>} : memref<32000xi32, #tpu.memory_space<vmem>>, vector<16xi32>,
        %bitcast3A_1024 = vector.bitcast %get3A_1023 : vector<16xi32> to vector<32xbf16>
        %add3A_1025 = arith.constant 16 : i32
        %add3A_1026 = arith.addi %squeeze3A_1021, %add3A_1025 : i32
        %get3A_1027 = arith.index_cast %add3A_1026 : i32 to index
        %get3A_1028 = tpu.vector_load %arg5[%get3A_1027] {strides = array<i32>} : memref<32000xi32, #tpu.memory_space<vmem>>, vector<16xi32>,
        %bitcast3A_1029 = vector.bitcast %get3A_1028 : vector<16xi32> to vector<32xbf16>
        %slice3A_1030 = vector.extract_strided_slice %mul3A_166 {offsets = [7], sizes = [1], strides = [1]} : vector<16xi32> to vector<1xi32>
        %squeeze3A_1031 = vector.extract %slice3A_1030[0] : i32 from vector<1xi32>
        %get3A_1032 = arith.index_cast %squeeze3A_1031 : i32 to index
        %get3A_1033 = tpu.vector_load %arg5[%get3A_1032] {strides = array<i32>} : memref<32000xi32, #tpu.memory_space<vmem>>, vector<16xi32>,
        %bitcast3A_1034 = vector.bitcast %get3A_1033 : vector<16xi32> to vector<32xbf16>
        %add3A_1035 = arith.constant 16 : i32
        %add3A_1036 = arith.addi %squeeze3A_1031, %add3A_1035 : i32
        %get3A_1037 = arith.index_cast %add3A_1036 : i32 to index
        %get3A_1038 = tpu.vector_load %arg5[%get3A_1037] {strides = array<i32>} : memref<32000xi32, #tpu.memory_space<vmem>>, vector<16xi32>,
        %bitcast3A_1039 = vector.bitcast %get3A_1038 : vector<16xi32> to vector<32xbf16>
        %add3A_1040 = arith.addf %bitcast3A_964, %bitcast3A_974 : vector<32xbf16>
        %add3A_1041 = arith.addf %bitcast3A_984, %bitcast3A_994 : vector<32xbf16>
        %add3A_1042 = arith.addf %add3A_1040, %add3A_1041 : vector<32xbf16>
        %add3A_1043 = arith.addf %bitcast3A_1004, %bitcast3A_1014 : vector<32xbf16>
        %add3A_1044 = arith.addf %bitcast3A_1024, %bitcast3A_1034 : vector<32xbf16>
        %add3A_1045 = arith.addf %add3A_1043, %add3A_1044 : vector<32xbf16>
        %add3A_1046 = arith.addf %add3A_1042, %add3A_1045 : vector<32xbf16>
        %add3A_1047 = arith.addf %bitcast3A_969, %bitcast3A_979 : vector<32xbf16>
        %add3A_1048 = arith.addf %bitcast3A_989, %bitcast3A_999 : vector<32xbf16>
        %add3A_1049 = arith.addf %add3A_1047, %add3A_1048 : vector<32xbf16>
        %add3A_1050 = arith.addf %bitcast3A_1009, %bitcast3A_1019 : vector<32xbf16>
        %add3A_1051 = arith.addf %bitcast3A_1029, %bitcast3A_1039 : vector<32xbf16>
        %add3A_1052 = arith.addf %add3A_1050, %add3A_1051 : vector<32xbf16>
        %add3A_1053 = arith.addf %add3A_1049, %add3A_1052 : vector<32xbf16>
        %unpack3A_1054 = tpu.unpack_subelements %add3A_1046, 0 {pack_format = #tpu.pack_format<interleaved>} : vector<32xbf16> -> vector<16xf32>
        %unpack3A_1055 = tpu.unpack_subelements %add3A_1046, 1 {pack_format = #tpu.pack_format<interleaved>} : vector<32xbf16> -> vector<16xf32>
        %unpack3A_1056 = tpu.unpack_subelements %add3A_1053, 0 {pack_format = #tpu.pack_format<interleaved>} : vector<32xbf16> -> vector<16xf32>
        %unpack3A_1057 = tpu.unpack_subelements %add3A_1053, 1 {pack_format = #tpu.pack_format<interleaved>} : vector<32xbf16> -> vector<16xf32>
        %mul3A_1058 = arith.constant 16 : i32
        %mul3A_1059 = arith.muli %scan3A_95, %mul3A_1058 : i32
        %add3A_1060 = arith.constant 7 : i32
        %add3A_1061 = arith.addi %mul3A_1059, %add3A_1060 : i32
        %swap3A_1062 = arith.index_cast %add3A_1061 : i32 to index
        %swap3A_1063 = arith.constant 0 : index
        %swap3A_1064 = tpu.vector_load %arg9[%swap3A_1062, %swap3A_1063] {strides = array<i32>} : memref<128x64xf32, #tpu.memory_space<vmem>>, vector<16xf32>,
        tpu.vector_store %arg9[%swap3A_1062, %swap3A_1063], %unpack3A_1054 {strides = array<i32>} : memref<128x64xf32, #tpu.memory_space<vmem>>, vector<16xf32>,
        %swap3A_1065 = arith.index_cast %add3A_1061 : i32 to index
        %swap3A_1066 = arith.constant 16 : index
        %swap3A_1067 = tpu.vector_load %arg9[%swap3A_1065, %swap3A_1066] {strides = array<i32>} : memref<128x64xf32, #tpu.memory_space<vmem>>, vector<16xf32>,
        tpu.vector_store %arg9[%swap3A_1065, %swap3A_1066], %unpack3A_1056 {strides = array<i32>} : memref<128x64xf32, #tpu.memory_space<vmem>>, vector<16xf32>,
        %swap3A_1068 = arith.index_cast %add3A_1061 : i32 to index
        %swap3A_1069 = arith.constant 32 : index
        %swap3A_1070 = tpu.vector_load %arg9[%swap3A_1068, %swap3A_1069] {strides = array<i32>} : memref<128x64xf32, #tpu.memory_space<vmem>>, vector<16xf32>,
        tpu.vector_store %arg9[%swap3A_1068, %swap3A_1069], %unpack3A_1055 {strides = array<i32>} : memref<128x64xf32, #tpu.memory_space<vmem>>, vector<16xf32>,
        %swap3A_1071 = arith.index_cast %add3A_1061 : i32 to index
        %swap3A_1072 = arith.constant 48 : index
        %swap3A_1073 = tpu.vector_load %arg9[%swap3A_1071, %swap3A_1072] {strides = array<i32>} : memref<128x64xf32, #tpu.memory_space<vmem>>, vector<16xf32>,
        tpu.vector_store %arg9[%swap3A_1071, %swap3A_1072], %unpack3A_1057 {strides = array<i32>} : memref<128x64xf32, #tpu.memory_space<vmem>>, vector<16xf32>,
        %slice3A_1074 = vector.extract_strided_slice %mul3A_103 {offsets = [8], sizes = [1], strides = [1]} : vector<16xi32> to vector<1xi32>
        %squeeze3A_1075 = vector.extract %slice3A_1074[0] : i32 from vector<1xi32>
        %get3A_1076 = arith.index_cast %squeeze3A_1075 : i32 to index
        %get3A_1077 = tpu.vector_load %arg5[%get3A_1076] {strides = array<i32>} : memref<32000xi32, #tpu.memory_space<vmem>>, vector<16xi32>,
        %bitcast3A_1078 = vector.bitcast %get3A_1077 : vector<16xi32> to vector<32xbf16>
        %add3A_1079 = arith.constant 16 : i32
        %add3A_1080 = arith.addi %squeeze3A_1075, %add3A_1079 : i32
        %get3A_1081 = arith.index_cast %add3A_1080 : i32 to index
        %get3A_1082 = tpu.vector_load %arg5[%get3A_1081] {strides = array<i32>} : memref<32000xi32, #tpu.memory_space<vmem>>, vector<16xi32>,
        %bitcast3A_1083 = vector.bitcast %get3A_1082 : vector<16xi32> to vector<32xbf16>
        %slice3A_1084 = vector.extract_strided_slice %mul3A_112 {offsets = [8], sizes = [1], strides = [1]} : vector<16xi32> to vector<1xi32>
        %squeeze3A_1085 = vector.extract %slice3A_1084[0] : i32 from vector<1xi32>
        %get3A_1086 = arith.index_cast %squeeze3A_1085 : i32 to index
        %get3A_1087 = tpu.vector_load %arg5[%get3A_1086] {strides = array<i32>} : memref<32000xi32, #tpu.memory_space<vmem>>, vector<16xi32>,
        %bitcast3A_1088 = vector.bitcast %get3A_1087 : vector<16xi32> to vector<32xbf16>
        %add3A_1089 = arith.constant 16 : i32
        %add3A_1090 = arith.addi %squeeze3A_1085, %add3A_1089 : i32
        %get3A_1091 = arith.index_cast %add3A_1090 : i32 to index
        %get3A_1092 = tpu.vector_load %arg5[%get3A_1091] {strides = array<i32>} : memref<32000xi32, #tpu.memory_space<vmem>>, vector<16xi32>,
        %bitcast3A_1093 = vector.bitcast %get3A_1092 : vector<16xi32> to vector<32xbf16>
        %slice3A_1094 = vector.extract_strided_slice %mul3A_121 {offsets = [8], sizes = [1], strides = [1]} : vector<16xi32> to vector<1xi32>
        %squeeze3A_1095 = vector.extract %slice3A_1094[0] : i32 from vector<1xi32>
        %get3A_1096 = arith.index_cast %squeeze3A_1095 : i32 to index
        %get3A_1097 = tpu.vector_load %arg5[%get3A_1096] {strides = array<i32>} : memref<32000xi32, #tpu.memory_space<vmem>>, vector<16xi32>,
        %bitcast3A_1098 = vector.bitcast %get3A_1097 : vector<16xi32> to vector<32xbf16>
        %add3A_1099 = arith.constant 16 : i32
        %add3A_1100 = arith.addi %squeeze3A_1095, %add3A_1099 : i32
        %get3A_1101 = arith.index_cast %add3A_1100 : i32 to index
        %get3A_1102 = tpu.vector_load %arg5[%get3A_1101] {strides = array<i32>} : memref<32000xi32, #tpu.memory_space<vmem>>, vector<16xi32>,
        %bitcast3A_1103 = vector.bitcast %get3A_1102 : vector<16xi32> to vector<32xbf16>
        %slice3A_1104 = vector.extract_strided_slice %mul3A_130 {offsets = [8], sizes = [1], strides = [1]} : vector<16xi32> to vector<1xi32>
        %squeeze3A_1105 = vector.extract %slice3A_1104[0] : i32 from vector<1xi32>
        %get3A_1106 = arith.index_cast %squeeze3A_1105 : i32 to index
        %get3A_1107 = tpu.vector_load %arg5[%get3A_1106] {strides = array<i32>} : memref<32000xi32, #tpu.memory_space<vmem>>, vector<16xi32>,
        %bitcast3A_1108 = vector.bitcast %get3A_1107 : vector<16xi32> to vector<32xbf16>
        %add3A_1109 = arith.constant 16 : i32
        %add3A_1110 = arith.addi %squeeze3A_1105, %add3A_1109 : i32
        %get3A_1111 = arith.index_cast %add3A_1110 : i32 to index
        %get3A_1112 = tpu.vector_load %arg5[%get3A_1111] {strides = array<i32>} : memref<32000xi32, #tpu.memory_space<vmem>>, vector<16xi32>,
        %bitcast3A_1113 = vector.bitcast %get3A_1112 : vector<16xi32> to vector<32xbf16>
        %slice3A_1114 = vector.extract_strided_slice %mul3A_139 {offsets = [8], sizes = [1], strides = [1]} : vector<16xi32> to vector<1xi32>
        %squeeze3A_1115 = vector.extract %slice3A_1114[0] : i32 from vector<1xi32>
        %get3A_1116 = arith.index_cast %squeeze3A_1115 : i32 to index
        %get3A_1117 = tpu.vector_load %arg5[%get3A_1116] {strides = array<i32>} : memref<32000xi32, #tpu.memory_space<vmem>>, vector<16xi32>,
        %bitcast3A_1118 = vector.bitcast %get3A_1117 : vector<16xi32> to vector<32xbf16>
        %add3A_1119 = arith.constant 16 : i32
        %add3A_1120 = arith.addi %squeeze3A_1115, %add3A_1119 : i32
        %get3A_1121 = arith.index_cast %add3A_1120 : i32 to index
        %get3A_1122 = tpu.vector_load %arg5[%get3A_1121] {strides = array<i32>} : memref<32000xi32, #tpu.memory_space<vmem>>, vector<16xi32>,
        %bitcast3A_1123 = vector.bitcast %get3A_1122 : vector<16xi32> to vector<32xbf16>
        %slice3A_1124 = vector.extract_strided_slice %mul3A_148 {offsets = [8], sizes = [1], strides = [1]} : vector<16xi32> to vector<1xi32>
        %squeeze3A_1125 = vector.extract %slice3A_1124[0] : i32 from vector<1xi32>
        %get3A_1126 = arith.index_cast %squeeze3A_1125 : i32 to index
        %get3A_1127 = tpu.vector_load %arg5[%get3A_1126] {strides = array<i32>} : memref<32000xi32, #tpu.memory_space<vmem>>, vector<16xi32>,
        %bitcast3A_1128 = vector.bitcast %get3A_1127 : vector<16xi32> to vector<32xbf16>
        %add3A_1129 = arith.constant 16 : i32
        %add3A_1130 = arith.addi %squeeze3A_1125, %add3A_1129 : i32
        %get3A_1131 = arith.index_cast %add3A_1130 : i32 to index
        %get3A_1132 = tpu.vector_load %arg5[%get3A_1131] {strides = array<i32>} : memref<32000xi32, #tpu.memory_space<vmem>>, vector<16xi32>,
        %bitcast3A_1133 = vector.bitcast %get3A_1132 : vector<16xi32> to vector<32xbf16>
        %slice3A_1134 = vector.extract_strided_slice %mul3A_157 {offsets = [8], sizes = [1], strides = [1]} : vector<16xi32> to vector<1xi32>
        %squeeze3A_1135 = vector.extract %slice3A_1134[0] : i32 from vector<1xi32>
        %get3A_1136 = arith.index_cast %squeeze3A_1135 : i32 to index
        %get3A_1137 = tpu.vector_load %arg5[%get3A_1136] {strides = array<i32>} : memref<32000xi32, #tpu.memory_space<vmem>>, vector<16xi32>,
        %bitcast3A_1138 = vector.bitcast %get3A_1137 : vector<16xi32> to vector<32xbf16>
        %add3A_1139 = arith.constant 16 : i32
        %add3A_1140 = arith.addi %squeeze3A_1135, %add3A_1139 : i32
        %get3A_1141 = arith.index_cast %add3A_1140 : i32 to index
        %get3A_1142 = tpu.vector_load %arg5[%get3A_1141] {strides = array<i32>} : memref<32000xi32, #tpu.memory_space<vmem>>, vector<16xi32>,
        %bitcast3A_1143 = vector.bitcast %get3A_1142 : vector<16xi32> to vector<32xbf16>
        %slice3A_1144 = vector.extract_strided_slice %mul3A_166 {offsets = [8], sizes = [1], strides = [1]} : vector<16xi32> to vector<1xi32>
        %squeeze3A_1145 = vector.extract %slice3A_1144[0] : i32 from vector<1xi32>
        %get3A_1146 = arith.index_cast %squeeze3A_1145 : i32 to index
        %get3A_1147 = tpu.vector_load %arg5[%get3A_1146] {strides = array<i32>} : memref<32000xi32, #tpu.memory_space<vmem>>, vector<16xi32>,
        %bitcast3A_1148 = vector.bitcast %get3A_1147 : vector<16xi32> to vector<32xbf16>
        %add3A_1149 = arith.constant 16 : i32
        %add3A_1150 = arith.addi %squeeze3A_1145, %add3A_1149 : i32
        %get3A_1151 = arith.index_cast %add3A_1150 : i32 to index
        %get3A_1152 = tpu.vector_load %arg5[%get3A_1151] {strides = array<i32>} : memref<32000xi32, #tpu.memory_space<vmem>>, vector<16xi32>,
        %bitcast3A_1153 = vector.bitcast %get3A_1152 : vector<16xi32> to vector<32xbf16>
        %add3A_1154 = arith.addf %bitcast3A_1078, %bitcast3A_1088 : vector<32xbf16>
        %add3A_1155 = arith.addf %bitcast3A_1098, %bitcast3A_1108 : vector<32xbf16>
        %add3A_1156 = arith.addf %add3A_1154, %add3A_1155 : vector<32xbf16>
        %add3A_1157 = arith.addf %bitcast3A_1118, %bitcast3A_1128 : vector<32xbf16>
        %add3A_1158 = arith.addf %bitcast3A_1138, %bitcast3A_1148 : vector<32xbf16>
        %add3A_1159 = arith.addf %add3A_1157, %add3A_1158 : vector<32xbf16>
        %add3A_1160 = arith.addf %add3A_1156, %add3A_1159 : vector<32xbf16>
        %add3A_1161 = arith.addf %bitcast3A_1083, %bitcast3A_1093 : vector<32xbf16>
        %add3A_1162 = arith.addf %bitcast3A_1103, %bitcast3A_1113 : vector<32xbf16>
        %add3A_1163 = arith.addf %add3A_1161, %add3A_1162 : vector<32xbf16>
        %add3A_1164 = arith.addf %bitcast3A_1123, %bitcast3A_1133 : vector<32xbf16>
        %add3A_1165 = arith.addf %bitcast3A_1143, %bitcast3A_1153 : vector<32xbf16>
        %add3A_1166 = arith.addf %add3A_1164, %add3A_1165 : vector<32xbf16>
        %add3A_1167 = arith.addf %add3A_1163, %add3A_1166 : vector<32xbf16>
        %unpack3A_1168 = tpu.unpack_subelements %add3A_1160, 0 {pack_format = #tpu.pack_format<interleaved>} : vector<32xbf16> -> vector<16xf32>
        %unpack3A_1169 = tpu.unpack_subelements %add3A_1160, 1 {pack_format = #tpu.pack_format<interleaved>} : vector<32xbf16> -> vector<16xf32>
        %unpack3A_1170 = tpu.unpack_subelements %add3A_1167, 0 {pack_format = #tpu.pack_format<interleaved>} : vector<32xbf16> -> vector<16xf32>
        %unpack3A_1171 = tpu.unpack_subelements %add3A_1167, 1 {pack_format = #tpu.pack_format<interleaved>} : vector<32xbf16> -> vector<16xf32>
        %mul3A_1172 = arith.constant 16 : i32
        %mul3A_1173 = arith.muli %scan3A_95, %mul3A_1172 : i32
        %add3A_1174 = arith.constant 8 : i32
        %add3A_1175 = arith.addi %mul3A_1173, %add3A_1174 : i32
        %swap3A_1176 = arith.index_cast %add3A_1175 : i32 to index
        %swap3A_1177 = arith.constant 0 : index
        %swap3A_1178 = tpu.vector_load %arg9[%swap3A_1176, %swap3A_1177] {strides = array<i32>} : memref<128x64xf32, #tpu.memory_space<vmem>>, vector<16xf32>,
        tpu.vector_store %arg9[%swap3A_1176, %swap3A_1177], %unpack3A_1168 {strides = array<i32>} : memref<128x64xf32, #tpu.memory_space<vmem>>, vector<16xf32>,
        %swap3A_1179 = arith.index_cast %add3A_1175 : i32 to index
        %swap3A_1180 = arith.constant 16 : index
        %swap3A_1181 = tpu.vector_load %arg9[%swap3A_1179, %swap3A_1180] {strides = array<i32>} : memref<128x64xf32, #tpu.memory_space<vmem>>, vector<16xf32>,
        tpu.vector_store %arg9[%swap3A_1179, %swap3A_1180], %unpack3A_1170 {strides = array<i32>} : memref<128x64xf32, #tpu.memory_space<vmem>>, vector<16xf32>,
        %swap3A_1182 = arith.index_cast %add3A_1175 : i32 to index
        %swap3A_1183 = arith.constant 32 : index
        %swap3A_1184 = tpu.vector_load %arg9[%swap3A_1182, %swap3A_1183] {strides = array<i32>} : memref<128x64xf32, #tpu.memory_space<vmem>>, vector<16xf32>,
        tpu.vector_store %arg9[%swap3A_1182, %swap3A_1183], %unpack3A_1169 {strides = array<i32>} : memref<128x64xf32, #tpu.memory_space<vmem>>, vector<16xf32>,
        %swap3A_1185 = arith.index_cast %add3A_1175 : i32 to index
        %swap3A_1186 = arith.constant 48 : index
        %swap3A_1187 = tpu.vector_load %arg9[%swap3A_1185, %swap3A_1186] {strides = array<i32>} : memref<128x64xf32, #tpu.memory_space<vmem>>, vector<16xf32>,
        tpu.vector_store %arg9[%swap3A_1185, %swap3A_1186], %unpack3A_1171 {strides = array<i32>} : memref<128x64xf32, #tpu.memory_space<vmem>>, vector<16xf32>,
        %slice3A_1188 = vector.extract_strided_slice %mul3A_103 {offsets = [9], sizes = [1], strides = [1]} : vector<16xi32> to vector<1xi32>
        %squeeze3A_1189 = vector.extract %slice3A_1188[0] : i32 from vector<1xi32>
        %get3A_1190 = arith.index_cast %squeeze3A_1189 : i32 to index
        %get3A_1191 = tpu.vector_load %arg5[%get3A_1190] {strides = array<i32>} : memref<32000xi32, #tpu.memory_space<vmem>>, vector<16xi32>,
        %bitcast3A_1192 = vector.bitcast %get3A_1191 : vector<16xi32> to vector<32xbf16>
        %add3A_1193 = arith.constant 16 : i32
        %add3A_1194 = arith.addi %squeeze3A_1189, %add3A_1193 : i32
        %get3A_1195 = arith.index_cast %add3A_1194 : i32 to index
        %get3A_1196 = tpu.vector_load %arg5[%get3A_1195] {strides = array<i32>} : memref<32000xi32, #tpu.memory_space<vmem>>, vector<16xi32>,
        %bitcast3A_1197 = vector.bitcast %get3A_1196 : vector<16xi32> to vector<32xbf16>
        %slice3A_1198 = vector.extract_strided_slice %mul3A_112 {offsets = [9], sizes = [1], strides = [1]} : vector<16xi32> to vector<1xi32>
        %squeeze3A_1199 = vector.extract %slice3A_1198[0] : i32 from vector<1xi32>
        %get3A_1200 = arith.index_cast %squeeze3A_1199 : i32 to index
        %get3A_1201 = tpu.vector_load %arg5[%get3A_1200] {strides = array<i32>} : memref<32000xi32, #tpu.memory_space<vmem>>, vector<16xi32>,
        %bitcast3A_1202 = vector.bitcast %get3A_1201 : vector<16xi32> to vector<32xbf16>
        %add3A_1203 = arith.constant 16 : i32
        %add3A_1204 = arith.addi %squeeze3A_1199, %add3A_1203 : i32
        %get3A_1205 = arith.index_cast %add3A_1204 : i32 to index
        %get3A_1206 = tpu.vector_load %arg5[%get3A_1205] {strides = array<i32>} : memref<32000xi32, #tpu.memory_space<vmem>>, vector<16xi32>,
        %bitcast3A_1207 = vector.bitcast %get3A_1206 : vector<16xi32> to vector<32xbf16>
        %slice3A_1208 = vector.extract_strided_slice %mul3A_121 {offsets = [9], sizes = [1], strides = [1]} : vector<16xi32> to vector<1xi32>
        %squeeze3A_1209 = vector.extract %slice3A_1208[0] : i32 from vector<1xi32>
        %get3A_1210 = arith.index_cast %squeeze3A_1209 : i32 to index
        %get3A_1211 = tpu.vector_load %arg5[%get3A_1210] {strides = array<i32>} : memref<32000xi32, #tpu.memory_space<vmem>>, vector<16xi32>,
        %bitcast3A_1212 = vector.bitcast %get3A_1211 : vector<16xi32> to vector<32xbf16>
        %add3A_1213 = arith.constant 16 : i32
        %add3A_1214 = arith.addi %squeeze3A_1209, %add3A_1213 : i32
        %get3A_1215 = arith.index_cast %add3A_1214 : i32 to index
        %get3A_1216 = tpu.vector_load %arg5[%get3A_1215] {strides = array<i32>} : memref<32000xi32, #tpu.memory_space<vmem>>, vector<16xi32>,
        %bitcast3A_1217 = vector.bitcast %get3A_1216 : vector<16xi32> to vector<32xbf16>
        %slice3A_1218 = vector.extract_strided_slice %mul3A_130 {offsets = [9], sizes = [1], strides = [1]} : vector<16xi32> to vector<1xi32>
        %squeeze3A_1219 = vector.extract %slice3A_1218[0] : i32 from vector<1xi32>
        %get3A_1220 = arith.index_cast %squeeze3A_1219 : i32 to index
        %get3A_1221 = tpu.vector_load %arg5[%get3A_1220] {strides = array<i32>} : memref<32000xi32, #tpu.memory_space<vmem>>, vector<16xi32>,
        %bitcast3A_1222 = vector.bitcast %get3A_1221 : vector<16xi32> to vector<32xbf16>
        %add3A_1223 = arith.constant 16 : i32
        %add3A_1224 = arith.addi %squeeze3A_1219, %add3A_1223 : i32
        %get3A_1225 = arith.index_cast %add3A_1224 : i32 to index
        %get3A_1226 = tpu.vector_load %arg5[%get3A_1225] {strides = array<i32>} : memref<32000xi32, #tpu.memory_space<vmem>>, vector<16xi32>,
        %bitcast3A_1227 = vector.bitcast %get3A_1226 : vector<16xi32> to vector<32xbf16>
        %slice3A_1228 = vector.extract_strided_slice %mul3A_139 {offsets = [9], sizes = [1], strides = [1]} : vector<16xi32> to vector<1xi32>
        %squeeze3A_1229 = vector.extract %slice3A_1228[0] : i32 from vector<1xi32>
        %get3A_1230 = arith.index_cast %squeeze3A_1229 : i32 to index
        %get3A_1231 = tpu.vector_load %arg5[%get3A_1230] {strides = array<i32>} : memref<32000xi32, #tpu.memory_space<vmem>>, vector<16xi32>,
        %bitcast3A_1232 = vector.bitcast %get3A_1231 : vector<16xi32> to vector<32xbf16>
        %add3A_1233 = arith.constant 16 : i32
        %add3A_1234 = arith.addi %squeeze3A_1229, %add3A_1233 : i32
        %get3A_1235 = arith.index_cast %add3A_1234 : i32 to index
        %get3A_1236 = tpu.vector_load %arg5[%get3A_1235] {strides = array<i32>} : memref<32000xi32, #tpu.memory_space<vmem>>, vector<16xi32>,
        %bitcast3A_1237 = vector.bitcast %get3A_1236 : vector<16xi32> to vector<32xbf16>
        %slice3A_1238 = vector.extract_strided_slice %mul3A_148 {offsets = [9], sizes = [1], strides = [1]} : vector<16xi32> to vector<1xi32>
        %squeeze3A_1239 = vector.extract %slice3A_1238[0] : i32 from vector<1xi32>
        %get3A_1240 = arith.index_cast %squeeze3A_1239 : i32 to index
        %get3A_1241 = tpu.vector_load %arg5[%get3A_1240] {strides = array<i32>} : memref<32000xi32, #tpu.memory_space<vmem>>, vector<16xi32>,
        %bitcast3A_1242 = vector.bitcast %get3A_1241 : vector<16xi32> to vector<32xbf16>
        %add3A_1243 = arith.constant 16 : i32
        %add3A_1244 = arith.addi %squeeze3A_1239, %add3A_1243 : i32
        %get3A_1245 = arith.index_cast %add3A_1244 : i32 to index
        %get3A_1246 = tpu.vector_load %arg5[%get3A_1245] {strides = array<i32>} : memref<32000xi32, #tpu.memory_space<vmem>>, vector<16xi32>,
        %bitcast3A_1247 = vector.bitcast %get3A_1246 : vector<16xi32> to vector<32xbf16>
        %slice3A_1248 = vector.extract_strided_slice %mul3A_157 {offsets = [9], sizes = [1], strides = [1]} : vector<16xi32> to vector<1xi32>
        %squeeze3A_1249 = vector.extract %slice3A_1248[0] : i32 from vector<1xi32>
        %get3A_1250 = arith.index_cast %squeeze3A_1249 : i32 to index
        %get3A_1251 = tpu.vector_load %arg5[%get3A_1250] {strides = array<i32>} : memref<32000xi32, #tpu.memory_space<vmem>>, vector<16xi32>,
        %bitcast3A_1252 = vector.bitcast %get3A_1251 : vector<16xi32> to vector<32xbf16>
        %add3A_1253 = arith.constant 16 : i32
        %add3A_1254 = arith.addi %squeeze3A_1249, %add3A_1253 : i32
        %get3A_1255 = arith.index_cast %add3A_1254 : i32 to index
        %get3A_1256 = tpu.vector_load %arg5[%get3A_1255] {strides = array<i32>} : memref<32000xi32, #tpu.memory_space<vmem>>, vector<16xi32>,
        %bitcast3A_1257 = vector.bitcast %get3A_1256 : vector<16xi32> to vector<32xbf16>
        %slice3A_1258 = vector.extract_strided_slice %mul3A_166 {offsets = [9], sizes = [1], strides = [1]} : vector<16xi32> to vector<1xi32>
        %squeeze3A_1259 = vector.extract %slice3A_1258[0] : i32 from vector<1xi32>
        %get3A_1260 = arith.index_cast %squeeze3A_1259 : i32 to index
        %get3A_1261 = tpu.vector_load %arg5[%get3A_1260] {strides = array<i32>} : memref<32000xi32, #tpu.memory_space<vmem>>, vector<16xi32>,
        %bitcast3A_1262 = vector.bitcast %get3A_1261 : vector<16xi32> to vector<32xbf16>
        %add3A_1263 = arith.constant 16 : i32
        %add3A_1264 = arith.addi %squeeze3A_1259, %add3A_1263 : i32
        %get3A_1265 = arith.index_cast %add3A_1264 : i32 to index
        %get3A_1266 = tpu.vector_load %arg5[%get3A_1265] {strides = array<i32>} : memref<32000xi32, #tpu.memory_space<vmem>>, vector<16xi32>,
        %bitcast3A_1267 = vector.bitcast %get3A_1266 : vector<16xi32> to vector<32xbf16>
        %add3A_1268 = arith.addf %bitcast3A_1192, %bitcast3A_1202 : vector<32xbf16>
        %add3A_1269 = arith.addf %bitcast3A_1212, %bitcast3A_1222 : vector<32xbf16>
        %add3A_1270 = arith.addf %add3A_1268, %add3A_1269 : vector<32xbf16>
        %add3A_1271 = arith.addf %bitcast3A_1232, %bitcast3A_1242 : vector<32xbf16>
        %add3A_1272 = arith.addf %bitcast3A_1252, %bitcast3A_1262 : vector<32xbf16>
        %add3A_1273 = arith.addf %add3A_1271, %add3A_1272 : vector<32xbf16>
        %add3A_1274 = arith.addf %add3A_1270, %add3A_1273 : vector<32xbf16>
        %add3A_1275 = arith.addf %bitcast3A_1197, %bitcast3A_1207 : vector<32xbf16>
        %add3A_1276 = arith.addf %bitcast3A_1217, %bitcast3A_1227 : vector<32xbf16>
        %add3A_1277 = arith.addf %add3A_1275, %add3A_1276 : vector<32xbf16>
        %add3A_1278 = arith.addf %bitcast3A_1237, %bitcast3A_1247 : vector<32xbf16>
        %add3A_1279 = arith.addf %bitcast3A_1257, %bitcast3A_1267 : vector<32xbf16>
        %add3A_1280 = arith.addf %add3A_1278, %add3A_1279 : vector<32xbf16>
        %add3A_1281 = arith.addf %add3A_1277, %add3A_1280 : vector<32xbf16>
        %unpack3A_1282 = tpu.unpack_subelements %add3A_1274, 0 {pack_format = #tpu.pack_format<interleaved>} : vector<32xbf16> -> vector<16xf32>
        %unpack3A_1283 = tpu.unpack_subelements %add3A_1274, 1 {pack_format = #tpu.pack_format<interleaved>} : vector<32xbf16> -> vector<16xf32>
        %unpack3A_1284 = tpu.unpack_subelements %add3A_1281, 0 {pack_format = #tpu.pack_format<interleaved>} : vector<32xbf16> -> vector<16xf32>
        %unpack3A_1285 = tpu.unpack_subelements %add3A_1281, 1 {pack_format = #tpu.pack_format<interleaved>} : vector<32xbf16> -> vector<16xf32>
        %mul3A_1286 = arith.constant 16 : i32
        %mul3A_1287 = arith.muli %scan3A_95, %mul3A_1286 : i32
        %add3A_1288 = arith.constant 9 : i32
        %add3A_1289 = arith.addi %mul3A_1287, %add3A_1288 : i32
        %swap3A_1290 = arith.index_cast %add3A_1289 : i32 to index
        %swap3A_1291 = arith.constant 0 : index
        %swap3A_1292 = tpu.vector_load %arg9[%swap3A_1290, %swap3A_1291] {strides = array<i32>} : memref<128x64xf32, #tpu.memory_space<vmem>>, vector<16xf32>,
        tpu.vector_store %arg9[%swap3A_1290, %swap3A_1291], %unpack3A_1282 {strides = array<i32>} : memref<128x64xf32, #tpu.memory_space<vmem>>, vector<16xf32>,
        %swap3A_1293 = arith.index_cast %add3A_1289 : i32 to index
        %swap3A_1294 = arith.constant 16 : index
        %swap3A_1295 = tpu.vector_load %arg9[%swap3A_1293, %swap3A_1294] {strides = array<i32>} : memref<128x64xf32, #tpu.memory_space<vmem>>, vector<16xf32>,
        tpu.vector_store %arg9[%swap3A_1293, %swap3A_1294], %unpack3A_1284 {strides = array<i32>} : memref<128x64xf32, #tpu.memory_space<vmem>>, vector<16xf32>,
        %swap3A_1296 = arith.index_cast %add3A_1289 : i32 to index
        %swap3A_1297 = arith.constant 32 : index
        %swap3A_1298 = tpu.vector_load %arg9[%swap3A_1296, %swap3A_1297] {strides = array<i32>} : memref<128x64xf32, #tpu.memory_space<vmem>>, vector<16xf32>,
        tpu.vector_store %arg9[%swap3A_1296, %swap3A_1297], %unpack3A_1283 {strides = array<i32>} : memref<128x64xf32, #tpu.memory_space<vmem>>, vector<16xf32>,
        %swap3A_1299 = arith.index_cast %add3A_1289 : i32 to index
        %swap3A_1300 = arith.constant 48 : index
        %swap3A_1301 = tpu.vector_load %arg9[%swap3A_1299, %swap3A_1300] {strides = array<i32>} : memref<128x64xf32, #tpu.memory_space<vmem>>, vector<16xf32>,
        tpu.vector_store %arg9[%swap3A_1299, %swap3A_1300], %unpack3A_1285 {strides = array<i32>} : memref<128x64xf32, #tpu.memory_space<vmem>>, vector<16xf32>,
        %slice3A_1302 = vector.extract_strided_slice %mul3A_103 {offsets = [10], sizes = [1], strides = [1]} : vector<16xi32> to vector<1xi32>
        %squeeze3A_1303 = vector.extract %slice3A_1302[0] : i32 from vector<1xi32>
        %get3A_1304 = arith.index_cast %squeeze3A_1303 : i32 to index
        %get3A_1305 = tpu.vector_load %arg5[%get3A_1304] {strides = array<i32>} : memref<32000xi32, #tpu.memory_space<vmem>>, vector<16xi32>,
        %bitcast3A_1306 = vector.bitcast %get3A_1305 : vector<16xi32> to vector<32xbf16>
        %add3A_1307 = arith.constant 16 : i32
        %add3A_1308 = arith.addi %squeeze3A_1303, %add3A_1307 : i32
        %get3A_1309 = arith.index_cast %add3A_1308 : i32 to index
        %get3A_1310 = tpu.vector_load %arg5[%get3A_1309] {strides = array<i32>} : memref<32000xi32, #tpu.memory_space<vmem>>, vector<16xi32>,
        %bitcast3A_1311 = vector.bitcast %get3A_1310 : vector<16xi32> to vector<32xbf16>
        %slice3A_1312 = vector.extract_strided_slice %mul3A_112 {offsets = [10], sizes = [1], strides = [1]} : vector<16xi32> to vector<1xi32>
        %squeeze3A_1313 = vector.extract %slice3A_1312[0] : i32 from vector<1xi32>
        %get3A_1314 = arith.index_cast %squeeze3A_1313 : i32 to index
        %get3A_1315 = tpu.vector_load %arg5[%get3A_1314] {strides = array<i32>} : memref<32000xi32, #tpu.memory_space<vmem>>, vector<16xi32>,
        %bitcast3A_1316 = vector.bitcast %get3A_1315 : vector<16xi32> to vector<32xbf16>
        %add3A_1317 = arith.constant 16 : i32
        %add3A_1318 = arith.addi %squeeze3A_1313, %add3A_1317 : i32
        %get3A_1319 = arith.index_cast %add3A_1318 : i32 to index
        %get3A_1320 = tpu.vector_load %arg5[%get3A_1319] {strides = array<i32>} : memref<32000xi32, #tpu.memory_space<vmem>>, vector<16xi32>,
        %bitcast3A_1321 = vector.bitcast %get3A_1320 : vector<16xi32> to vector<32xbf16>
        %slice3A_1322 = vector.extract_strided_slice %mul3A_121 {offsets = [10], sizes = [1], strides = [1]} : vector<16xi32> to vector<1xi32>
        %squeeze3A_1323 = vector.extract %slice3A_1322[0] : i32 from vector<1xi32>
        %get3A_1324 = arith.index_cast %squeeze3A_1323 : i32 to index
        %get3A_1325 = tpu.vector_load %arg5[%get3A_1324] {strides = array<i32>} : memref<32000xi32, #tpu.memory_space<vmem>>, vector<16xi32>,
        %bitcast3A_1326 = vector.bitcast %get3A_1325 : vector<16xi32> to vector<32xbf16>
        %add3A_1327 = arith.constant 16 : i32
        %add3A_1328 = arith.addi %squeeze3A_1323, %add3A_1327 : i32
        %get3A_1329 = arith.index_cast %add3A_1328 : i32 to index
        %get3A_1330 = tpu.vector_load %arg5[%get3A_1329] {strides = array<i32>} : memref<32000xi32, #tpu.memory_space<vmem>>, vector<16xi32>,
        %bitcast3A_1331 = vector.bitcast %get3A_1330 : vector<16xi32> to vector<32xbf16>
        %slice3A_1332 = vector.extract_strided_slice %mul3A_130 {offsets = [10], sizes = [1], strides = [1]} : vector<16xi32> to vector<1xi32>
        %squeeze3A_1333 = vector.extract %slice3A_1332[0] : i32 from vector<1xi32>
        %get3A_1334 = arith.index_cast %squeeze3A_1333 : i32 to index
        %get3A_1335 = tpu.vector_load %arg5[%get3A_1334] {strides = array<i32>} : memref<32000xi32, #tpu.memory_space<vmem>>, vector<16xi32>,
        %bitcast3A_1336 = vector.bitcast %get3A_1335 : vector<16xi32> to vector<32xbf16>
        %add3A_1337 = arith.constant 16 : i32
        %add3A_1338 = arith.addi %squeeze3A_1333, %add3A_1337 : i32
        %get3A_1339 = arith.index_cast %add3A_1338 : i32 to index
        %get3A_1340 = tpu.vector_load %arg5[%get3A_1339] {strides = array<i32>} : memref<32000xi32, #tpu.memory_space<vmem>>, vector<16xi32>,
        %bitcast3A_1341 = vector.bitcast %get3A_1340 : vector<16xi32> to vector<32xbf16>
        %slice3A_1342 = vector.extract_strided_slice %mul3A_139 {offsets = [10], sizes = [1], strides = [1]} : vector<16xi32> to vector<1xi32>
        %squeeze3A_1343 = vector.extract %slice3A_1342[0] : i32 from vector<1xi32>
        %get3A_1344 = arith.index_cast %squeeze3A_1343 : i32 to index
        %get3A_1345 = tpu.vector_load %arg5[%get3A_1344] {strides = array<i32>} : memref<32000xi32, #tpu.memory_space<vmem>>, vector<16xi32>,
        %bitcast3A_1346 = vector.bitcast %get3A_1345 : vector<16xi32> to vector<32xbf16>
        %add3A_1347 = arith.constant 16 : i32
        %add3A_1348 = arith.addi %squeeze3A_1343, %add3A_1347 : i32
        %get3A_1349 = arith.index_cast %add3A_1348 : i32 to index
        %get3A_1350 = tpu.vector_load %arg5[%get3A_1349] {strides = array<i32>} : memref<32000xi32, #tpu.memory_space<vmem>>, vector<16xi32>,
        %bitcast3A_1351 = vector.bitcast %get3A_1350 : vector<16xi32> to vector<32xbf16>
        %slice3A_1352 = vector.extract_strided_slice %mul3A_148 {offsets = [10], sizes = [1], strides = [1]} : vector<16xi32> to vector<1xi32>
        %squeeze3A_1353 = vector.extract %slice3A_1352[0] : i32 from vector<1xi32>
        %get3A_1354 = arith.index_cast %squeeze3A_1353 : i32 to index
        %get3A_1355 = tpu.vector_load %arg5[%get3A_1354] {strides = array<i32>} : memref<32000xi32, #tpu.memory_space<vmem>>, vector<16xi32>,
        %bitcast3A_1356 = vector.bitcast %get3A_1355 : vector<16xi32> to vector<32xbf16>
        %add3A_1357 = arith.constant 16 : i32
        %add3A_1358 = arith.addi %squeeze3A_1353, %add3A_1357 : i32
        %get3A_1359 = arith.index_cast %add3A_1358 : i32 to index
        %get3A_1360 = tpu.vector_load %arg5[%get3A_1359] {strides = array<i32>} : memref<32000xi32, #tpu.memory_space<vmem>>, vector<16xi32>,
        %bitcast3A_1361 = vector.bitcast %get3A_1360 : vector<16xi32> to vector<32xbf16>
        %slice3A_1362 = vector.extract_strided_slice %mul3A_157 {offsets = [10], sizes = [1], strides = [1]} : vector<16xi32> to vector<1xi32>
        %squeeze3A_1363 = vector.extract %slice3A_1362[0] : i32 from vector<1xi32>
        %get3A_1364 = arith.index_cast %squeeze3A_1363 : i32 to index
        %get3A_1365 = tpu.vector_load %arg5[%get3A_1364] {strides = array<i32>} : memref<32000xi32, #tpu.memory_space<vmem>>, vector<16xi32>,
        %bitcast3A_1366 = vector.bitcast %get3A_1365 : vector<16xi32> to vector<32xbf16>
        %add3A_1367 = arith.constant 16 : i32
        %add3A_1368 = arith.addi %squeeze3A_1363, %add3A_1367 : i32
        %get3A_1369 = arith.index_cast %add3A_1368 : i32 to index
        %get3A_1370 = tpu.vector_load %arg5[%get3A_1369] {strides = array<i32>} : memref<32000xi32, #tpu.memory_space<vmem>>, vector<16xi32>,
        %bitcast3A_1371 = vector.bitcast %get3A_1370 : vector<16xi32> to vector<32xbf16>
        %slice3A_1372 = vector.extract_strided_slice %mul3A_166 {offsets = [10], sizes = [1], strides = [1]} : vector<16xi32> to vector<1xi32>
        %squeeze3A_1373 = vector.extract %slice3A_1372[0] : i32 from vector<1xi32>
        %get3A_1374 = arith.index_cast %squeeze3A_1373 : i32 to index
        %get3A_1375 = tpu.vector_load %arg5[%get3A_1374] {strides = array<i32>} : memref<32000xi32, #tpu.memory_space<vmem>>, vector<16xi32>,
        %bitcast3A_1376 = vector.bitcast %get3A_1375 : vector<16xi32> to vector<32xbf16>
        %add3A_1377 = arith.constant 16 : i32
        %add3A_1378 = arith.addi %squeeze3A_1373, %add3A_1377 : i32
        %get3A_1379 = arith.index_cast %add3A_1378 : i32 to index
        %get3A_1380 = tpu.vector_load %arg5[%get3A_1379] {strides = array<i32>} : memref<32000xi32, #tpu.memory_space<vmem>>, vector<16xi32>,
        %bitcast3A_1381 = vector.bitcast %get3A_1380 : vector<16xi32> to vector<32xbf16>
        %add3A_1382 = arith.addf %bitcast3A_1306, %bitcast3A_1316 : vector<32xbf16>
        %add3A_1383 = arith.addf %bitcast3A_1326, %bitcast3A_1336 : vector<32xbf16>
        %add3A_1384 = arith.addf %add3A_1382, %add3A_1383 : vector<32xbf16>
        %add3A_1385 = arith.addf %bitcast3A_1346, %bitcast3A_1356 : vector<32xbf16>
        %add3A_1386 = arith.addf %bitcast3A_1366, %bitcast3A_1376 : vector<32xbf16>
        %add3A_1387 = arith.addf %add3A_1385, %add3A_1386 : vector<32xbf16>
        %add3A_1388 = arith.addf %add3A_1384, %add3A_1387 : vector<32xbf16>
        %add3A_1389 = arith.addf %bitcast3A_1311, %bitcast3A_1321 : vector<32xbf16>
        %add3A_1390 = arith.addf %bitcast3A_1331, %bitcast3A_1341 : vector<32xbf16>
        %add3A_1391 = arith.addf %add3A_1389, %add3A_1390 : vector<32xbf16>
        %add3A_1392 = arith.addf %bitcast3A_1351, %bitcast3A_1361 : vector<32xbf16>
        %add3A_1393 = arith.addf %bitcast3A_1371, %bitcast3A_1381 : vector<32xbf16>
        %add3A_1394 = arith.addf %add3A_1392, %add3A_1393 : vector<32xbf16>
        %add3A_1395 = arith.addf %add3A_1391, %add3A_1394 : vector<32xbf16>
        %unpack3A_1396 = tpu.unpack_subelements %add3A_1388, 0 {pack_format = #tpu.pack_format<interleaved>} : vector<32xbf16> -> vector<16xf32>
        %unpack3A_1397 = tpu.unpack_subelements %add3A_1388, 1 {pack_format = #tpu.pack_format<interleaved>} : vector<32xbf16> -> vector<16xf32>
        %unpack3A_1398 = tpu.unpack_subelements %add3A_1395, 0 {pack_format = #tpu.pack_format<interleaved>} : vector<32xbf16> -> vector<16xf32>
        %unpack3A_1399 = tpu.unpack_subelements %add3A_1395, 1 {pack_format = #tpu.pack_format<interleaved>} : vector<32xbf16> -> vector<16xf32>
        %mul3A_1400 = arith.constant 16 : i32
        %mul3A_1401 = arith.muli %scan3A_95, %mul3A_1400 : i32
        %add3A_1402 = arith.constant 10 : i32
        %add3A_1403 = arith.addi %mul3A_1401, %add3A_1402 : i32
        %swap3A_1404 = arith.index_cast %add3A_1403 : i32 to index
        %swap3A_1405 = arith.constant 0 : index
        %swap3A_1406 = tpu.vector_load %arg9[%swap3A_1404, %swap3A_1405] {strides = array<i32>} : memref<128x64xf32, #tpu.memory_space<vmem>>, vector<16xf32>,
        tpu.vector_store %arg9[%swap3A_1404, %swap3A_1405], %unpack3A_1396 {strides = array<i32>} : memref<128x64xf32, #tpu.memory_space<vmem>>, vector<16xf32>,
        %swap3A_1407 = arith.index_cast %add3A_1403 : i32 to index
        %swap3A_1408 = arith.constant 16 : index
        %swap3A_1409 = tpu.vector_load %arg9[%swap3A_1407, %swap3A_1408] {strides = array<i32>} : memref<128x64xf32, #tpu.memory_space<vmem>>, vector<16xf32>,
        tpu.vector_store %arg9[%swap3A_1407, %swap3A_1408], %unpack3A_1398 {strides = array<i32>} : memref<128x64xf32, #tpu.memory_space<vmem>>, vector<16xf32>,
        %swap3A_1410 = arith.index_cast %add3A_1403 : i32 to index
        %swap3A_1411 = arith.constant 32 : index
        %swap3A_1412 = tpu.vector_load %arg9[%swap3A_1410, %swap3A_1411] {strides = array<i32>} : memref<128x64xf32, #tpu.memory_space<vmem>>, vector<16xf32>,
        tpu.vector_store %arg9[%swap3A_1410, %swap3A_1411], %unpack3A_1397 {strides = array<i32>} : memref<128x64xf32, #tpu.memory_space<vmem>>, vector<16xf32>,
        %swap3A_1413 = arith.index_cast %add3A_1403 : i32 to index
        %swap3A_1414 = arith.constant 48 : index
        %swap3A_1415 = tpu.vector_load %arg9[%swap3A_1413, %swap3A_1414] {strides = array<i32>} : memref<128x64xf32, #tpu.memory_space<vmem>>, vector<16xf32>,
        tpu.vector_store %arg9[%swap3A_1413, %swap3A_1414], %unpack3A_1399 {strides = array<i32>} : memref<128x64xf32, #tpu.memory_space<vmem>>, vector<16xf32>,
        %slice3A_1416 = vector.extract_strided_slice %mul3A_103 {offsets = [11], sizes = [1], strides = [1]} : vector<16xi32> to vector<1xi32>
        %squeeze3A_1417 = vector.extract %slice3A_1416[0] : i32 from vector<1xi32>
        %get3A_1418 = arith.index_cast %squeeze3A_1417 : i32 to index
        %get3A_1419 = tpu.vector_load %arg5[%get3A_1418] {strides = array<i32>} : memref<32000xi32, #tpu.memory_space<vmem>>, vector<16xi32>,
        %bitcast3A_1420 = vector.bitcast %get3A_1419 : vector<16xi32> to vector<32xbf16>
        %add3A_1421 = arith.constant 16 : i32
        %add3A_1422 = arith.addi %squeeze3A_1417, %add3A_1421 : i32
        %get3A_1423 = arith.index_cast %add3A_1422 : i32 to index
        %get3A_1424 = tpu.vector_load %arg5[%get3A_1423] {strides = array<i32>} : memref<32000xi32, #tpu.memory_space<vmem>>, vector<16xi32>,
        %bitcast3A_1425 = vector.bitcast %get3A_1424 : vector<16xi32> to vector<32xbf16>
        %slice3A_1426 = vector.extract_strided_slice %mul3A_112 {offsets = [11], sizes = [1], strides = [1]} : vector<16xi32> to vector<1xi32>
        %squeeze3A_1427 = vector.extract %slice3A_1426[0] : i32 from vector<1xi32>
        %get3A_1428 = arith.index_cast %squeeze3A_1427 : i32 to index
        %get3A_1429 = tpu.vector_load %arg5[%get3A_1428] {strides = array<i32>} : memref<32000xi32, #tpu.memory_space<vmem>>, vector<16xi32>,
        %bitcast3A_1430 = vector.bitcast %get3A_1429 : vector<16xi32> to vector<32xbf16>
        %add3A_1431 = arith.constant 16 : i32
        %add3A_1432 = arith.addi %squeeze3A_1427, %add3A_1431 : i32
        %get3A_1433 = arith.index_cast %add3A_1432 : i32 to index
        %get3A_1434 = tpu.vector_load %arg5[%get3A_1433] {strides = array<i32>} : memref<32000xi32, #tpu.memory_space<vmem>>, vector<16xi32>,
        %bitcast3A_1435 = vector.bitcast %get3A_1434 : vector<16xi32> to vector<32xbf16>
        %slice3A_1436 = vector.extract_strided_slice %mul3A_121 {offsets = [11], sizes = [1], strides = [1]} : vector<16xi32> to vector<1xi32>
        %squeeze3A_1437 = vector.extract %slice3A_1436[0] : i32 from vector<1xi32>
        %get3A_1438 = arith.index_cast %squeeze3A_1437 : i32 to index
        %get3A_1439 = tpu.vector_load %arg5[%get3A_1438] {strides = array<i32>} : memref<32000xi32, #tpu.memory_space<vmem>>, vector<16xi32>,
        %bitcast3A_1440 = vector.bitcast %get3A_1439 : vector<16xi32> to vector<32xbf16>
        %add3A_1441 = arith.constant 16 : i32
        %add3A_1442 = arith.addi %squeeze3A_1437, %add3A_1441 : i32
        %get3A_1443 = arith.index_cast %add3A_1442 : i32 to index
        %get3A_1444 = tpu.vector_load %arg5[%get3A_1443] {strides = array<i32>} : memref<32000xi32, #tpu.memory_space<vmem>>, vector<16xi32>,
        %bitcast3A_1445 = vector.bitcast %get3A_1444 : vector<16xi32> to vector<32xbf16>
        %slice3A_1446 = vector.extract_strided_slice %mul3A_130 {offsets = [11], sizes = [1], strides = [1]} : vector<16xi32> to vector<1xi32>
        %squeeze3A_1447 = vector.extract %slice3A_1446[0] : i32 from vector<1xi32>
        %get3A_1448 = arith.index_cast %squeeze3A_1447 : i32 to index
        %get3A_1449 = tpu.vector_load %arg5[%get3A_1448] {strides = array<i32>} : memref<32000xi32, #tpu.memory_space<vmem>>, vector<16xi32>,
        %bitcast3A_1450 = vector.bitcast %get3A_1449 : vector<16xi32> to vector<32xbf16>
        %add3A_1451 = arith.constant 16 : i32
        %add3A_1452 = arith.addi %squeeze3A_1447, %add3A_1451 : i32
        %get3A_1453 = arith.index_cast %add3A_1452 : i32 to index
        %get3A_1454 = tpu.vector_load %arg5[%get3A_1453] {strides = array<i32>} : memref<32000xi32, #tpu.memory_space<vmem>>, vector<16xi32>,
        %bitcast3A_1455 = vector.bitcast %get3A_1454 : vector<16xi32> to vector<32xbf16>
        %slice3A_1456 = vector.extract_strided_slice %mul3A_139 {offsets = [11], sizes = [1], strides = [1]} : vector<16xi32> to vector<1xi32>
        %squeeze3A_1457 = vector.extract %slice3A_1456[0] : i32 from vector<1xi32>
        %get3A_1458 = arith.index_cast %squeeze3A_1457 : i32 to index
        %get3A_1459 = tpu.vector_load %arg5[%get3A_1458] {strides = array<i32>} : memref<32000xi32, #tpu.memory_space<vmem>>, vector<16xi32>,
        %bitcast3A_1460 = vector.bitcast %get3A_1459 : vector<16xi32> to vector<32xbf16>
        %add3A_1461 = arith.constant 16 : i32
        %add3A_1462 = arith.addi %squeeze3A_1457, %add3A_1461 : i32
        %get3A_1463 = arith.index_cast %add3A_1462 : i32 to index
        %get3A_1464 = tpu.vector_load %arg5[%get3A_1463] {strides = array<i32>} : memref<32000xi32, #tpu.memory_space<vmem>>, vector<16xi32>,
        %bitcast3A_1465 = vector.bitcast %get3A_1464 : vector<16xi32> to vector<32xbf16>
        %slice3A_1466 = vector.extract_strided_slice %mul3A_148 {offsets = [11], sizes = [1], strides = [1]} : vector<16xi32> to vector<1xi32>
        %squeeze3A_1467 = vector.extract %slice3A_1466[0] : i32 from vector<1xi32>
        %get3A_1468 = arith.index_cast %squeeze3A_1467 : i32 to index
        %get3A_1469 = tpu.vector_load %arg5[%get3A_1468] {strides = array<i32>} : memref<32000xi32, #tpu.memory_space<vmem>>, vector<16xi32>,
        %bitcast3A_1470 = vector.bitcast %get3A_1469 : vector<16xi32> to vector<32xbf16>
        %add3A_1471 = arith.constant 16 : i32
        %add3A_1472 = arith.addi %squeeze3A_1467, %add3A_1471 : i32
        %get3A_1473 = arith.index_cast %add3A_1472 : i32 to index
        %get3A_1474 = tpu.vector_load %arg5[%get3A_1473] {strides = array<i32>} : memref<32000xi32, #tpu.memory_space<vmem>>, vector<16xi32>,
        %bitcast3A_1475 = vector.bitcast %get3A_1474 : vector<16xi32> to vector<32xbf16>
        %slice3A_1476 = vector.extract_strided_slice %mul3A_157 {offsets = [11], sizes = [1], strides = [1]} : vector<16xi32> to vector<1xi32>
        %squeeze3A_1477 = vector.extract %slice3A_1476[0] : i32 from vector<1xi32>
        %get3A_1478 = arith.index_cast %squeeze3A_1477 : i32 to index
        %get3A_1479 = tpu.vector_load %arg5[%get3A_1478] {strides = array<i32>} : memref<32000xi32, #tpu.memory_space<vmem>>, vector<16xi32>,
        %bitcast3A_1480 = vector.bitcast %get3A_1479 : vector<16xi32> to vector<32xbf16>
        %add3A_1481 = arith.constant 16 : i32
        %add3A_1482 = arith.addi %squeeze3A_1477, %add3A_1481 : i32
        %get3A_1483 = arith.index_cast %add3A_1482 : i32 to index
        %get3A_1484 = tpu.vector_load %arg5[%get3A_1483] {strides = array<i32>} : memref<32000xi32, #tpu.memory_space<vmem>>, vector<16xi32>,
        %bitcast3A_1485 = vector.bitcast %get3A_1484 : vector<16xi32> to vector<32xbf16>
        %slice3A_1486 = vector.extract_strided_slice %mul3A_166 {offsets = [11], sizes = [1], strides = [1]} : vector<16xi32> to vector<1xi32>
        %squeeze3A_1487 = vector.extract %slice3A_1486[0] : i32 from vector<1xi32>
        %get3A_1488 = arith.index_cast %squeeze3A_1487 : i32 to index
        %get3A_1489 = tpu.vector_load %arg5[%get3A_1488] {strides = array<i32>} : memref<32000xi32, #tpu.memory_space<vmem>>, vector<16xi32>,
        %bitcast3A_1490 = vector.bitcast %get3A_1489 : vector<16xi32> to vector<32xbf16>
        %add3A_1491 = arith.constant 16 : i32
        %add3A_1492 = arith.addi %squeeze3A_1487, %add3A_1491 : i32
        %get3A_1493 = arith.index_cast %add3A_1492 : i32 to index
        %get3A_1494 = tpu.vector_load %arg5[%get3A_1493] {strides = array<i32>} : memref<32000xi32, #tpu.memory_space<vmem>>, vector<16xi32>,
        %bitcast3A_1495 = vector.bitcast %get3A_1494 : vector<16xi32> to vector<32xbf16>
        %add3A_1496 = arith.addf %bitcast3A_1420, %bitcast3A_1430 : vector<32xbf16>
        %add3A_1497 = arith.addf %bitcast3A_1440, %bitcast3A_1450 : vector<32xbf16>
        %add3A_1498 = arith.addf %add3A_1496, %add3A_1497 : vector<32xbf16>
        %add3A_1499 = arith.addf %bitcast3A_1460, %bitcast3A_1470 : vector<32xbf16>
        %add3A_1500 = arith.addf %bitcast3A_1480, %bitcast3A_1490 : vector<32xbf16>
        %add3A_1501 = arith.addf %add3A_1499, %add3A_1500 : vector<32xbf16>
        %add3A_1502 = arith.addf %add3A_1498, %add3A_1501 : vector<32xbf16>
        %add3A_1503 = arith.addf %bitcast3A_1425, %bitcast3A_1435 : vector<32xbf16>
        %add3A_1504 = arith.addf %bitcast3A_1445, %bitcast3A_1455 : vector<32xbf16>
        %add3A_1505 = arith.addf %add3A_1503, %add3A_1504 : vector<32xbf16>
        %add3A_1506 = arith.addf %bitcast3A_1465, %bitcast3A_1475 : vector<32xbf16>
        %add3A_1507 = arith.addf %bitcast3A_1485, %bitcast3A_1495 : vector<32xbf16>
        %add3A_1508 = arith.addf %add3A_1506, %add3A_1507 : vector<32xbf16>
        %add3A_1509 = arith.addf %add3A_1505, %add3A_1508 : vector<32xbf16>
        %unpack3A_1510 = tpu.unpack_subelements %add3A_1502, 0 {pack_format = #tpu.pack_format<interleaved>} : vector<32xbf16> -> vector<16xf32>
        %unpack3A_1511 = tpu.unpack_subelements %add3A_1502, 1 {pack_format = #tpu.pack_format<interleaved>} : vector<32xbf16> -> vector<16xf32>
        %unpack3A_1512 = tpu.unpack_subelements %add3A_1509, 0 {pack_format = #tpu.pack_format<interleaved>} : vector<32xbf16> -> vector<16xf32>
        %unpack3A_1513 = tpu.unpack_subelements %add3A_1509, 1 {pack_format = #tpu.pack_format<interleaved>} : vector<32xbf16> -> vector<16xf32>
        %mul3A_1514 = arith.constant 16 : i32
        %mul3A_1515 = arith.muli %scan3A_95, %mul3A_1514 : i32
        %add3A_1516 = arith.constant 11 : i32
        %add3A_1517 = arith.addi %mul3A_1515, %add3A_1516 : i32
        %swap3A_1518 = arith.index_cast %add3A_1517 : i32 to index
        %swap3A_1519 = arith.constant 0 : index
        %swap3A_1520 = tpu.vector_load %arg9[%swap3A_1518, %swap3A_1519] {strides = array<i32>} : memref<128x64xf32, #tpu.memory_space<vmem>>, vector<16xf32>,
        tpu.vector_store %arg9[%swap3A_1518, %swap3A_1519], %unpack3A_1510 {strides = array<i32>} : memref<128x64xf32, #tpu.memory_space<vmem>>, vector<16xf32>,
        %swap3A_1521 = arith.index_cast %add3A_1517 : i32 to index
        %swap3A_1522 = arith.constant 16 : index
        %swap3A_1523 = tpu.vector_load %arg9[%swap3A_1521, %swap3A_1522] {strides = array<i32>} : memref<128x64xf32, #tpu.memory_space<vmem>>, vector<16xf32>,
        tpu.vector_store %arg9[%swap3A_1521, %swap3A_1522], %unpack3A_1512 {strides = array<i32>} : memref<128x64xf32, #tpu.memory_space<vmem>>, vector<16xf32>,
        %swap3A_1524 = arith.index_cast %add3A_1517 : i32 to index
        %swap3A_1525 = arith.constant 32 : index
        %swap3A_1526 = tpu.vector_load %arg9[%swap3A_1524, %swap3A_1525] {strides = array<i32>} : memref<128x64xf32, #tpu.memory_space<vmem>>, vector<16xf32>,
        tpu.vector_store %arg9[%swap3A_1524, %swap3A_1525], %unpack3A_1511 {strides = array<i32>} : memref<128x64xf32, #tpu.memory_space<vmem>>, vector<16xf32>,
        %swap3A_1527 = arith.index_cast %add3A_1517 : i32 to index
        %swap3A_1528 = arith.constant 48 : index
        %swap3A_1529 = tpu.vector_load %arg9[%swap3A_1527, %swap3A_1528] {strides = array<i32>} : memref<128x64xf32, #tpu.memory_space<vmem>>, vector<16xf32>,
        tpu.vector_store %arg9[%swap3A_1527, %swap3A_1528], %unpack3A_1513 {strides = array<i32>} : memref<128x64xf32, #tpu.memory_space<vmem>>, vector<16xf32>,
        %slice3A_1530 = vector.extract_strided_slice %mul3A_103 {offsets = [12], sizes = [1], strides = [1]} : vector<16xi32> to vector<1xi32>
        %squeeze3A_1531 = vector.extract %slice3A_1530[0] : i32 from vector<1xi32>
        %get3A_1532 = arith.index_cast %squeeze3A_1531 : i32 to index
        %get3A_1533 = tpu.vector_load %arg5[%get3A_1532] {strides = array<i32>} : memref<32000xi32, #tpu.memory_space<vmem>>, vector<16xi32>,
        %bitcast3A_1534 = vector.bitcast %get3A_1533 : vector<16xi32> to vector<32xbf16>
        %add3A_1535 = arith.constant 16 : i32
        %add3A_1536 = arith.addi %squeeze3A_1531, %add3A_1535 : i32
        %get3A_1537 = arith.index_cast %add3A_1536 : i32 to index
        %get3A_1538 = tpu.vector_load %arg5[%get3A_1537] {strides = array<i32>} : memref<32000xi32, #tpu.memory_space<vmem>>, vector<16xi32>,
        %bitcast3A_1539 = vector.bitcast %get3A_1538 : vector<16xi32> to vector<32xbf16>
        %slice3A_1540 = vector.extract_strided_slice %mul3A_112 {offsets = [12], sizes = [1], strides = [1]} : vector<16xi32> to vector<1xi32>
        %squeeze3A_1541 = vector.extract %slice3A_1540[0] : i32 from vector<1xi32>
        %get3A_1542 = arith.index_cast %squeeze3A_1541 : i32 to index
        %get3A_1543 = tpu.vector_load %arg5[%get3A_1542] {strides = array<i32>} : memref<32000xi32, #tpu.memory_space<vmem>>, vector<16xi32>,
        %bitcast3A_1544 = vector.bitcast %get3A_1543 : vector<16xi32> to vector<32xbf16>
        %add3A_1545 = arith.constant 16 : i32
        %add3A_1546 = arith.addi %squeeze3A_1541, %add3A_1545 : i32
        %get3A_1547 = arith.index_cast %add3A_1546 : i32 to index
        %get3A_1548 = tpu.vector_load %arg5[%get3A_1547] {strides = array<i32>} : memref<32000xi32, #tpu.memory_space<vmem>>, vector<16xi32>,
        %bitcast3A_1549 = vector.bitcast %get3A_1548 : vector<16xi32> to vector<32xbf16>
        %slice3A_1550 = vector.extract_strided_slice %mul3A_121 {offsets = [12], sizes = [1], strides = [1]} : vector<16xi32> to vector<1xi32>
        %squeeze3A_1551 = vector.extract %slice3A_1550[0] : i32 from vector<1xi32>
        %get3A_1552 = arith.index_cast %squeeze3A_1551 : i32 to index
        %get3A_1553 = tpu.vector_load %arg5[%get3A_1552] {strides = array<i32>} : memref<32000xi32, #tpu.memory_space<vmem>>, vector<16xi32>,
        %bitcast3A_1554 = vector.bitcast %get3A_1553 : vector<16xi32> to vector<32xbf16>
        %add3A_1555 = arith.constant 16 : i32
        %add3A_1556 = arith.addi %squeeze3A_1551, %add3A_1555 : i32
        %get3A_1557 = arith.index_cast %add3A_1556 : i32 to index
        %get3A_1558 = tpu.vector_load %arg5[%get3A_1557] {strides = array<i32>} : memref<32000xi32, #tpu.memory_space<vmem>>, vector<16xi32>,
        %bitcast3A_1559 = vector.bitcast %get3A_1558 : vector<16xi32> to vector<32xbf16>
        %slice3A_1560 = vector.extract_strided_slice %mul3A_130 {offsets = [12], sizes = [1], strides = [1]} : vector<16xi32> to vector<1xi32>
        %squeeze3A_1561 = vector.extract %slice3A_1560[0] : i32 from vector<1xi32>
        %get3A_1562 = arith.index_cast %squeeze3A_1561 : i32 to index
        %get3A_1563 = tpu.vector_load %arg5[%get3A_1562] {strides = array<i32>} : memref<32000xi32, #tpu.memory_space<vmem>>, vector<16xi32>,
        %bitcast3A_1564 = vector.bitcast %get3A_1563 : vector<16xi32> to vector<32xbf16>
        %add3A_1565 = arith.constant 16 : i32
        %add3A_1566 = arith.addi %squeeze3A_1561, %add3A_1565 : i32
        %get3A_1567 = arith.index_cast %add3A_1566 : i32 to index
        %get3A_1568 = tpu.vector_load %arg5[%get3A_1567] {strides = array<i32>} : memref<32000xi32, #tpu.memory_space<vmem>>, vector<16xi32>,
        %bitcast3A_1569 = vector.bitcast %get3A_1568 : vector<16xi32> to vector<32xbf16>
        %slice3A_1570 = vector.extract_strided_slice %mul3A_139 {offsets = [12], sizes = [1], strides = [1]} : vector<16xi32> to vector<1xi32>
        %squeeze3A_1571 = vector.extract %slice3A_1570[0] : i32 from vector<1xi32>
        %get3A_1572 = arith.index_cast %squeeze3A_1571 : i32 to index
        %get3A_1573 = tpu.vector_load %arg5[%get3A_1572] {strides = array<i32>} : memref<32000xi32, #tpu.memory_space<vmem>>, vector<16xi32>,
        %bitcast3A_1574 = vector.bitcast %get3A_1573 : vector<16xi32> to vector<32xbf16>
        %add3A_1575 = arith.constant 16 : i32
        %add3A_1576 = arith.addi %squeeze3A_1571, %add3A_1575 : i32
        %get3A_1577 = arith.index_cast %add3A_1576 : i32 to index
        %get3A_1578 = tpu.vector_load %arg5[%get3A_1577] {strides = array<i32>} : memref<32000xi32, #tpu.memory_space<vmem>>, vector<16xi32>,
        %bitcast3A_1579 = vector.bitcast %get3A_1578 : vector<16xi32> to vector<32xbf16>
        %slice3A_1580 = vector.extract_strided_slice %mul3A_148 {offsets = [12], sizes = [1], strides = [1]} : vector<16xi32> to vector<1xi32>
        %squeeze3A_1581 = vector.extract %slice3A_1580[0] : i32 from vector<1xi32>
        %get3A_1582 = arith.index_cast %squeeze3A_1581 : i32 to index
        %get3A_1583 = tpu.vector_load %arg5[%get3A_1582] {strides = array<i32>} : memref<32000xi32, #tpu.memory_space<vmem>>, vector<16xi32>,
        %bitcast3A_1584 = vector.bitcast %get3A_1583 : vector<16xi32> to vector<32xbf16>
        %add3A_1585 = arith.constant 16 : i32
        %add3A_1586 = arith.addi %squeeze3A_1581, %add3A_1585 : i32
        %get3A_1587 = arith.index_cast %add3A_1586 : i32 to index
        %get3A_1588 = tpu.vector_load %arg5[%get3A_1587] {strides = array<i32>} : memref<32000xi32, #tpu.memory_space<vmem>>, vector<16xi32>,
        %bitcast3A_1589 = vector.bitcast %get3A_1588 : vector<16xi32> to vector<32xbf16>
        %slice3A_1590 = vector.extract_strided_slice %mul3A_157 {offsets = [12], sizes = [1], strides = [1]} : vector<16xi32> to vector<1xi32>
        %squeeze3A_1591 = vector.extract %slice3A_1590[0] : i32 from vector<1xi32>
        %get3A_1592 = arith.index_cast %squeeze3A_1591 : i32 to index
        %get3A_1593 = tpu.vector_load %arg5[%get3A_1592] {strides = array<i32>} : memref<32000xi32, #tpu.memory_space<vmem>>, vector<16xi32>,
        %bitcast3A_1594 = vector.bitcast %get3A_1593 : vector<16xi32> to vector<32xbf16>
        %add3A_1595 = arith.constant 16 : i32
        %add3A_1596 = arith.addi %squeeze3A_1591, %add3A_1595 : i32
        %get3A_1597 = arith.index_cast %add3A_1596 : i32 to index
        %get3A_1598 = tpu.vector_load %arg5[%get3A_1597] {strides = array<i32>} : memref<32000xi32, #tpu.memory_space<vmem>>, vector<16xi32>,
        %bitcast3A_1599 = vector.bitcast %get3A_1598 : vector<16xi32> to vector<32xbf16>
        %slice3A_1600 = vector.extract_strided_slice %mul3A_166 {offsets = [12], sizes = [1], strides = [1]} : vector<16xi32> to vector<1xi32>
        %squeeze3A_1601 = vector.extract %slice3A_1600[0] : i32 from vector<1xi32>
        %get3A_1602 = arith.index_cast %squeeze3A_1601 : i32 to index
        %get3A_1603 = tpu.vector_load %arg5[%get3A_1602] {strides = array<i32>} : memref<32000xi32, #tpu.memory_space<vmem>>, vector<16xi32>,
        %bitcast3A_1604 = vector.bitcast %get3A_1603 : vector<16xi32> to vector<32xbf16>
        %add3A_1605 = arith.constant 16 : i32
        %add3A_1606 = arith.addi %squeeze3A_1601, %add3A_1605 : i32
        %get3A_1607 = arith.index_cast %add3A_1606 : i32 to index
        %get3A_1608 = tpu.vector_load %arg5[%get3A_1607] {strides = array<i32>} : memref<32000xi32, #tpu.memory_space<vmem>>, vector<16xi32>,
        %bitcast3A_1609 = vector.bitcast %get3A_1608 : vector<16xi32> to vector<32xbf16>
        %add3A_1610 = arith.addf %bitcast3A_1534, %bitcast3A_1544 : vector<32xbf16>
        %add3A_1611 = arith.addf %bitcast3A_1554, %bitcast3A_1564 : vector<32xbf16>
        %add3A_1612 = arith.addf %add3A_1610, %add3A_1611 : vector<32xbf16>
        %add3A_1613 = arith.addf %bitcast3A_1574, %bitcast3A_1584 : vector<32xbf16>
        %add3A_1614 = arith.addf %bitcast3A_1594, %bitcast3A_1604 : vector<32xbf16>
        %add3A_1615 = arith.addf %add3A_1613, %add3A_1614 : vector<32xbf16>
        %add3A_1616 = arith.addf %add3A_1612, %add3A_1615 : vector<32xbf16>
        %add3A_1617 = arith.addf %bitcast3A_1539, %bitcast3A_1549 : vector<32xbf16>
        %add3A_1618 = arith.addf %bitcast3A_1559, %bitcast3A_1569 : vector<32xbf16>
        %add3A_1619 = arith.addf %add3A_1617, %add3A_1618 : vector<32xbf16>
        %add3A_1620 = arith.addf %bitcast3A_1579, %bitcast3A_1589 : vector<32xbf16>
        %add3A_1621 = arith.addf %bitcast3A_1599, %bitcast3A_1609 : vector<32xbf16>
        %add3A_1622 = arith.addf %add3A_1620, %add3A_1621 : vector<32xbf16>
        %add3A_1623 = arith.addf %add3A_1619, %add3A_1622 : vector<32xbf16>
        %unpack3A_1624 = tpu.unpack_subelements %add3A_1616, 0 {pack_format = #tpu.pack_format<interleaved>} : vector<32xbf16> -> vector<16xf32>
        %unpack3A_1625 = tpu.unpack_subelements %add3A_1616, 1 {pack_format = #tpu.pack_format<interleaved>} : vector<32xbf16> -> vector<16xf32>
        %unpack3A_1626 = tpu.unpack_subelements %add3A_1623, 0 {pack_format = #tpu.pack_format<interleaved>} : vector<32xbf16> -> vector<16xf32>
        %unpack3A_1627 = tpu.unpack_subelements %add3A_1623, 1 {pack_format = #tpu.pack_format<interleaved>} : vector<32xbf16> -> vector<16xf32>
        %mul3A_1628 = arith.constant 16 : i32
        %mul3A_1629 = arith.muli %scan3A_95, %mul3A_1628 : i32
        %add3A_1630 = arith.constant 12 : i32
        %add3A_1631 = arith.addi %mul3A_1629, %add3A_1630 : i32
        %swap3A_1632 = arith.index_cast %add3A_1631 : i32 to index
        %swap3A_1633 = arith.constant 0 : index
        %swap3A_1634 = tpu.vector_load %arg9[%swap3A_1632, %swap3A_1633] {strides = array<i32>} : memref<128x64xf32, #tpu.memory_space<vmem>>, vector<16xf32>,
        tpu.vector_store %arg9[%swap3A_1632, %swap3A_1633], %unpack3A_1624 {strides = array<i32>} : memref<128x64xf32, #tpu.memory_space<vmem>>, vector<16xf32>,
        %swap3A_1635 = arith.index_cast %add3A_1631 : i32 to index
        %swap3A_1636 = arith.constant 16 : index
        %swap3A_1637 = tpu.vector_load %arg9[%swap3A_1635, %swap3A_1636] {strides = array<i32>} : memref<128x64xf32, #tpu.memory_space<vmem>>, vector<16xf32>,
        tpu.vector_store %arg9[%swap3A_1635, %swap3A_1636], %unpack3A_1626 {strides = array<i32>} : memref<128x64xf32, #tpu.memory_space<vmem>>, vector<16xf32>,
        %swap3A_1638 = arith.index_cast %add3A_1631 : i32 to index
        %swap3A_1639 = arith.constant 32 : index
        %swap3A_1640 = tpu.vector_load %arg9[%swap3A_1638, %swap3A_1639] {strides = array<i32>} : memref<128x64xf32, #tpu.memory_space<vmem>>, vector<16xf32>,
        tpu.vector_store %arg9[%swap3A_1638, %swap3A_1639], %unpack3A_1625 {strides = array<i32>} : memref<128x64xf32, #tpu.memory_space<vmem>>, vector<16xf32>,
        %swap3A_1641 = arith.index_cast %add3A_1631 : i32 to index
        %swap3A_1642 = arith.constant 48 : index
        %swap3A_1643 = tpu.vector_load %arg9[%swap3A_1641, %swap3A_1642] {strides = array<i32>} : memref<128x64xf32, #tpu.memory_space<vmem>>, vector<16xf32>,
        tpu.vector_store %arg9[%swap3A_1641, %swap3A_1642], %unpack3A_1627 {strides = array<i32>} : memref<128x64xf32, #tpu.memory_space<vmem>>, vector<16xf32>,
        %slice3A_1644 = vector.extract_strided_slice %mul3A_103 {offsets = [13], sizes = [1], strides = [1]} : vector<16xi32> to vector<1xi32>
        %squeeze3A_1645 = vector.extract %slice3A_1644[0] : i32 from vector<1xi32>
        %get3A_1646 = arith.index_cast %squeeze3A_1645 : i32 to index
        %get3A_1647 = tpu.vector_load %arg5[%get3A_1646] {strides = array<i32>} : memref<32000xi32, #tpu.memory_space<vmem>>, vector<16xi32>,
        %bitcast3A_1648 = vector.bitcast %get3A_1647 : vector<16xi32> to vector<32xbf16>
        %add3A_1649 = arith.constant 16 : i32
        %add3A_1650 = arith.addi %squeeze3A_1645, %add3A_1649 : i32
        %get3A_1651 = arith.index_cast %add3A_1650 : i32 to index
        %get3A_1652 = tpu.vector_load %arg5[%get3A_1651] {strides = array<i32>} : memref<32000xi32, #tpu.memory_space<vmem>>, vector<16xi32>,
        %bitcast3A_1653 = vector.bitcast %get3A_1652 : vector<16xi32> to vector<32xbf16>
        %slice3A_1654 = vector.extract_strided_slice %mul3A_112 {offsets = [13], sizes = [1], strides = [1]} : vector<16xi32> to vector<1xi32>
        %squeeze3A_1655 = vector.extract %slice3A_1654[0] : i32 from vector<1xi32>
        %get3A_1656 = arith.index_cast %squeeze3A_1655 : i32 to index
        %get3A_1657 = tpu.vector_load %arg5[%get3A_1656] {strides = array<i32>} : memref<32000xi32, #tpu.memory_space<vmem>>, vector<16xi32>,
        %bitcast3A_1658 = vector.bitcast %get3A_1657 : vector<16xi32> to vector<32xbf16>
        %add3A_1659 = arith.constant 16 : i32
        %add3A_1660 = arith.addi %squeeze3A_1655, %add3A_1659 : i32
        %get3A_1661 = arith.index_cast %add3A_1660 : i32 to index
        %get3A_1662 = tpu.vector_load %arg5[%get3A_1661] {strides = array<i32>} : memref<32000xi32, #tpu.memory_space<vmem>>, vector<16xi32>,
        %bitcast3A_1663 = vector.bitcast %get3A_1662 : vector<16xi32> to vector<32xbf16>
        %slice3A_1664 = vector.extract_strided_slice %mul3A_121 {offsets = [13], sizes = [1], strides = [1]} : vector<16xi32> to vector<1xi32>
        %squeeze3A_1665 = vector.extract %slice3A_1664[0] : i32 from vector<1xi32>
        %get3A_1666 = arith.index_cast %squeeze3A_1665 : i32 to index
        %get3A_1667 = tpu.vector_load %arg5[%get3A_1666] {strides = array<i32>} : memref<32000xi32, #tpu.memory_space<vmem>>, vector<16xi32>,
        %bitcast3A_1668 = vector.bitcast %get3A_1667 : vector<16xi32> to vector<32xbf16>
        %add3A_1669 = arith.constant 16 : i32
        %add3A_1670 = arith.addi %squeeze3A_1665, %add3A_1669 : i32
        %get3A_1671 = arith.index_cast %add3A_1670 : i32 to index
        %get3A_1672 = tpu.vector_load %arg5[%get3A_1671] {strides = array<i32>} : memref<32000xi32, #tpu.memory_space<vmem>>, vector<16xi32>,
        %bitcast3A_1673 = vector.bitcast %get3A_1672 : vector<16xi32> to vector<32xbf16>
        %slice3A_1674 = vector.extract_strided_slice %mul3A_130 {offsets = [13], sizes = [1], strides = [1]} : vector<16xi32> to vector<1xi32>
        %squeeze3A_1675 = vector.extract %slice3A_1674[0] : i32 from vector<1xi32>
        %get3A_1676 = arith.index_cast %squeeze3A_1675 : i32 to index
        %get3A_1677 = tpu.vector_load %arg5[%get3A_1676] {strides = array<i32>} : memref<32000xi32, #tpu.memory_space<vmem>>, vector<16xi32>,
        %bitcast3A_1678 = vector.bitcast %get3A_1677 : vector<16xi32> to vector<32xbf16>
        %add3A_1679 = arith.constant 16 : i32
        %add3A_1680 = arith.addi %squeeze3A_1675, %add3A_1679 : i32
        %get3A_1681 = arith.index_cast %add3A_1680 : i32 to index
        %get3A_1682 = tpu.vector_load %arg5[%get3A_1681] {strides = array<i32>} : memref<32000xi32, #tpu.memory_space<vmem>>, vector<16xi32>,
        %bitcast3A_1683 = vector.bitcast %get3A_1682 : vector<16xi32> to vector<32xbf16>
        %slice3A_1684 = vector.extract_strided_slice %mul3A_139 {offsets = [13], sizes = [1], strides = [1]} : vector<16xi32> to vector<1xi32>
        %squeeze3A_1685 = vector.extract %slice3A_1684[0] : i32 from vector<1xi32>
        %get3A_1686 = arith.index_cast %squeeze3A_1685 : i32 to index
        %get3A_1687 = tpu.vector_load %arg5[%get3A_1686] {strides = array<i32>} : memref<32000xi32, #tpu.memory_space<vmem>>, vector<16xi32>,
        %bitcast3A_1688 = vector.bitcast %get3A_1687 : vector<16xi32> to vector<32xbf16>
        %add3A_1689 = arith.constant 16 : i32
        %add3A_1690 = arith.addi %squeeze3A_1685, %add3A_1689 : i32
        %get3A_1691 = arith.index_cast %add3A_1690 : i32 to index
        %get3A_1692 = tpu.vector_load %arg5[%get3A_1691] {strides = array<i32>} : memref<32000xi32, #tpu.memory_space<vmem>>, vector<16xi32>,
        %bitcast3A_1693 = vector.bitcast %get3A_1692 : vector<16xi32> to vector<32xbf16>
        %slice3A_1694 = vector.extract_strided_slice %mul3A_148 {offsets = [13], sizes = [1], strides = [1]} : vector<16xi32> to vector<1xi32>
        %squeeze3A_1695 = vector.extract %slice3A_1694[0] : i32 from vector<1xi32>
        %get3A_1696 = arith.index_cast %squeeze3A_1695 : i32 to index
        %get3A_1697 = tpu.vector_load %arg5[%get3A_1696] {strides = array<i32>} : memref<32000xi32, #tpu.memory_space<vmem>>, vector<16xi32>,
        %bitcast3A_1698 = vector.bitcast %get3A_1697 : vector<16xi32> to vector<32xbf16>
        %add3A_1699 = arith.constant 16 : i32
        %add3A_1700 = arith.addi %squeeze3A_1695, %add3A_1699 : i32
        %get3A_1701 = arith.index_cast %add3A_1700 : i32 to index
        %get3A_1702 = tpu.vector_load %arg5[%get3A_1701] {strides = array<i32>} : memref<32000xi32, #tpu.memory_space<vmem>>, vector<16xi32>,
        %bitcast3A_1703 = vector.bitcast %get3A_1702 : vector<16xi32> to vector<32xbf16>
        %slice3A_1704 = vector.extract_strided_slice %mul3A_157 {offsets = [13], sizes = [1], strides = [1]} : vector<16xi32> to vector<1xi32>
        %squeeze3A_1705 = vector.extract %slice3A_1704[0] : i32 from vector<1xi32>
        %get3A_1706 = arith.index_cast %squeeze3A_1705 : i32 to index
        %get3A_1707 = tpu.vector_load %arg5[%get3A_1706] {strides = array<i32>} : memref<32000xi32, #tpu.memory_space<vmem>>, vector<16xi32>,
        %bitcast3A_1708 = vector.bitcast %get3A_1707 : vector<16xi32> to vector<32xbf16>
        %add3A_1709 = arith.constant 16 : i32
        %add3A_1710 = arith.addi %squeeze3A_1705, %add3A_1709 : i32
        %get3A_1711 = arith.index_cast %add3A_1710 : i32 to index
        %get3A_1712 = tpu.vector_load %arg5[%get3A_1711] {strides = array<i32>} : memref<32000xi32, #tpu.memory_space<vmem>>, vector<16xi32>,
        %bitcast3A_1713 = vector.bitcast %get3A_1712 : vector<16xi32> to vector<32xbf16>
        %slice3A_1714 = vector.extract_strided_slice %mul3A_166 {offsets = [13], sizes = [1], strides = [1]} : vector<16xi32> to vector<1xi32>
        %squeeze3A_1715 = vector.extract %slice3A_1714[0] : i32 from vector<1xi32>
        %get3A_1716 = arith.index_cast %squeeze3A_1715 : i32 to index
        %get3A_1717 = tpu.vector_load %arg5[%get3A_1716] {strides = array<i32>} : memref<32000xi32, #tpu.memory_space<vmem>>, vector<16xi32>,
        %bitcast3A_1718 = vector.bitcast %get3A_1717 : vector<16xi32> to vector<32xbf16>
        %add3A_1719 = arith.constant 16 : i32
        %add3A_1720 = arith.addi %squeeze3A_1715, %add3A_1719 : i32
        %get3A_1721 = arith.index_cast %add3A_1720 : i32 to index
        %get3A_1722 = tpu.vector_load %arg5[%get3A_1721] {strides = array<i32>} : memref<32000xi32, #tpu.memory_space<vmem>>, vector<16xi32>,
        %bitcast3A_1723 = vector.bitcast %get3A_1722 : vector<16xi32> to vector<32xbf16>
        %add3A_1724 = arith.addf %bitcast3A_1648, %bitcast3A_1658 : vector<32xbf16>
        %add3A_1725 = arith.addf %bitcast3A_1668, %bitcast3A_1678 : vector<32xbf16>
        %add3A_1726 = arith.addf %add3A_1724, %add3A_1725 : vector<32xbf16>
        %add3A_1727 = arith.addf %bitcast3A_1688, %bitcast3A_1698 : vector<32xbf16>
        %add3A_1728 = arith.addf %bitcast3A_1708, %bitcast3A_1718 : vector<32xbf16>
        %add3A_1729 = arith.addf %add3A_1727, %add3A_1728 : vector<32xbf16>
        %add3A_1730 = arith.addf %add3A_1726, %add3A_1729 : vector<32xbf16>
        %add3A_1731 = arith.addf %bitcast3A_1653, %bitcast3A_1663 : vector<32xbf16>
        %add3A_1732 = arith.addf %bitcast3A_1673, %bitcast3A_1683 : vector<32xbf16>
        %add3A_1733 = arith.addf %add3A_1731, %add3A_1732 : vector<32xbf16>
        %add3A_1734 = arith.addf %bitcast3A_1693, %bitcast3A_1703 : vector<32xbf16>
        %add3A_1735 = arith.addf %bitcast3A_1713, %bitcast3A_1723 : vector<32xbf16>
        %add3A_1736 = arith.addf %add3A_1734, %add3A_1735 : vector<32xbf16>
        %add3A_1737 = arith.addf %add3A_1733, %add3A_1736 : vector<32xbf16>
        %unpack3A_1738 = tpu.unpack_subelements %add3A_1730, 0 {pack_format = #tpu.pack_format<interleaved>} : vector<32xbf16> -> vector<16xf32>
        %unpack3A_1739 = tpu.unpack_subelements %add3A_1730, 1 {pack_format = #tpu.pack_format<interleaved>} : vector<32xbf16> -> vector<16xf32>
        %unpack3A_1740 = tpu.unpack_subelements %add3A_1737, 0 {pack_format = #tpu.pack_format<interleaved>} : vector<32xbf16> -> vector<16xf32>
        %unpack3A_1741 = tpu.unpack_subelements %add3A_1737, 1 {pack_format = #tpu.pack_format<interleaved>} : vector<32xbf16> -> vector<16xf32>
        %mul3A_1742 = arith.constant 16 : i32
        %mul3A_1743 = arith.muli %scan3A_95, %mul3A_1742 : i32
        %add3A_1744 = arith.constant 13 : i32
        %add3A_1745 = arith.addi %mul3A_1743, %add3A_1744 : i32
        %swap3A_1746 = arith.index_cast %add3A_1745 : i32 to index
        %swap3A_1747 = arith.constant 0 : index
        %swap3A_1748 = tpu.vector_load %arg9[%swap3A_1746, %swap3A_1747] {strides = array<i32>} : memref<128x64xf32, #tpu.memory_space<vmem>>, vector<16xf32>,
        tpu.vector_store %arg9[%swap3A_1746, %swap3A_1747], %unpack3A_1738 {strides = array<i32>} : memref<128x64xf32, #tpu.memory_space<vmem>>, vector<16xf32>,
        %swap3A_1749 = arith.index_cast %add3A_1745 : i32 to index
        %swap3A_1750 = arith.constant 16 : index
        %swap3A_1751 = tpu.vector_load %arg9[%swap3A_1749, %swap3A_1750] {strides = array<i32>} : memref<128x64xf32, #tpu.memory_space<vmem>>, vector<16xf32>,
        tpu.vector_store %arg9[%swap3A_1749, %swap3A_1750], %unpack3A_1740 {strides = array<i32>} : memref<128x64xf32, #tpu.memory_space<vmem>>, vector<16xf32>,
        %swap3A_1752 = arith.index_cast %add3A_1745 : i32 to index
        %swap3A_1753 = arith.constant 32 : index
        %swap3A_1754 = tpu.vector_load %arg9[%swap3A_1752, %swap3A_1753] {strides = array<i32>} : memref<128x64xf32, #tpu.memory_space<vmem>>, vector<16xf32>,
        tpu.vector_store %arg9[%swap3A_1752, %swap3A_1753], %unpack3A_1739 {strides = array<i32>} : memref<128x64xf32, #tpu.memory_space<vmem>>, vector<16xf32>,
        %swap3A_1755 = arith.index_cast %add3A_1745 : i32 to index
        %swap3A_1756 = arith.constant 48 : index
        %swap3A_1757 = tpu.vector_load %arg9[%swap3A_1755, %swap3A_1756] {strides = array<i32>} : memref<128x64xf32, #tpu.memory_space<vmem>>, vector<16xf32>,
        tpu.vector_store %arg9[%swap3A_1755, %swap3A_1756], %unpack3A_1741 {strides = array<i32>} : memref<128x64xf32, #tpu.memory_space<vmem>>, vector<16xf32>,
        %slice3A_1758 = vector.extract_strided_slice %mul3A_103 {offsets = [14], sizes = [1], strides = [1]} : vector<16xi32> to vector<1xi32>
        %squeeze3A_1759 = vector.extract %slice3A_1758[0] : i32 from vector<1xi32>
        %get3A_1760 = arith.index_cast %squeeze3A_1759 : i32 to index
        %get3A_1761 = tpu.vector_load %arg5[%get3A_1760] {strides = array<i32>} : memref<32000xi32, #tpu.memory_space<vmem>>, vector<16xi32>,
        %bitcast3A_1762 = vector.bitcast %get3A_1761 : vector<16xi32> to vector<32xbf16>
        %add3A_1763 = arith.constant 16 : i32
        %add3A_1764 = arith.addi %squeeze3A_1759, %add3A_1763 : i32
        %get3A_1765 = arith.index_cast %add3A_1764 : i32 to index
        %get3A_1766 = tpu.vector_load %arg5[%get3A_1765] {strides = array<i32>} : memref<32000xi32, #tpu.memory_space<vmem>>, vector<16xi32>,
        %bitcast3A_1767 = vector.bitcast %get3A_1766 : vector<16xi32> to vector<32xbf16>
        %slice3A_1768 = vector.extract_strided_slice %mul3A_112 {offsets = [14], sizes = [1], strides = [1]} : vector<16xi32> to vector<1xi32>
        %squeeze3A_1769 = vector.extract %slice3A_1768[0] : i32 from vector<1xi32>
        %get3A_1770 = arith.index_cast %squeeze3A_1769 : i32 to index
        %get3A_1771 = tpu.vector_load %arg5[%get3A_1770] {strides = array<i32>} : memref<32000xi32, #tpu.memory_space<vmem>>, vector<16xi32>,
        %bitcast3A_1772 = vector.bitcast %get3A_1771 : vector<16xi32> to vector<32xbf16>
        %add3A_1773 = arith.constant 16 : i32
        %add3A_1774 = arith.addi %squeeze3A_1769, %add3A_1773 : i32
        %get3A_1775 = arith.index_cast %add3A_1774 : i32 to index
        %get3A_1776 = tpu.vector_load %arg5[%get3A_1775] {strides = array<i32>} : memref<32000xi32, #tpu.memory_space<vmem>>, vector<16xi32>,
        %bitcast3A_1777 = vector.bitcast %get3A_1776 : vector<16xi32> to vector<32xbf16>
        %slice3A_1778 = vector.extract_strided_slice %mul3A_121 {offsets = [14], sizes = [1], strides = [1]} : vector<16xi32> to vector<1xi32>
        %squeeze3A_1779 = vector.extract %slice3A_1778[0] : i32 from vector<1xi32>
        %get3A_1780 = arith.index_cast %squeeze3A_1779 : i32 to index
        %get3A_1781 = tpu.vector_load %arg5[%get3A_1780] {strides = array<i32>} : memref<32000xi32, #tpu.memory_space<vmem>>, vector<16xi32>,
        %bitcast3A_1782 = vector.bitcast %get3A_1781 : vector<16xi32> to vector<32xbf16>
        %add3A_1783 = arith.constant 16 : i32
        %add3A_1784 = arith.addi %squeeze3A_1779, %add3A_1783 : i32
        %get3A_1785 = arith.index_cast %add3A_1784 : i32 to index
        %get3A_1786 = tpu.vector_load %arg5[%get3A_1785] {strides = array<i32>} : memref<32000xi32, #tpu.memory_space<vmem>>, vector<16xi32>,
        %bitcast3A_1787 = vector.bitcast %get3A_1786 : vector<16xi32> to vector<32xbf16>
        %slice3A_1788 = vector.extract_strided_slice %mul3A_130 {offsets = [14], sizes = [1], strides = [1]} : vector<16xi32> to vector<1xi32>
        %squeeze3A_1789 = vector.extract %slice3A_1788[0] : i32 from vector<1xi32>
        %get3A_1790 = arith.index_cast %squeeze3A_1789 : i32 to index
        %get3A_1791 = tpu.vector_load %arg5[%get3A_1790] {strides = array<i32>} : memref<32000xi32, #tpu.memory_space<vmem>>, vector<16xi32>,
        %bitcast3A_1792 = vector.bitcast %get3A_1791 : vector<16xi32> to vector<32xbf16>
        %add3A_1793 = arith.constant 16 : i32
        %add3A_1794 = arith.addi %squeeze3A_1789, %add3A_1793 : i32
        %get3A_1795 = arith.index_cast %add3A_1794 : i32 to index
        %get3A_1796 = tpu.vector_load %arg5[%get3A_1795] {strides = array<i32>} : memref<32000xi32, #tpu.memory_space<vmem>>, vector<16xi32>,
        %bitcast3A_1797 = vector.bitcast %get3A_1796 : vector<16xi32> to vector<32xbf16>
        %slice3A_1798 = vector.extract_strided_slice %mul3A_139 {offsets = [14], sizes = [1], strides = [1]} : vector<16xi32> to vector<1xi32>
        %squeeze3A_1799 = vector.extract %slice3A_1798[0] : i32 from vector<1xi32>
        %get3A_1800 = arith.index_cast %squeeze3A_1799 : i32 to index
        %get3A_1801 = tpu.vector_load %arg5[%get3A_1800] {strides = array<i32>} : memref<32000xi32, #tpu.memory_space<vmem>>, vector<16xi32>,
        %bitcast3A_1802 = vector.bitcast %get3A_1801 : vector<16xi32> to vector<32xbf16>
        %add3A_1803 = arith.constant 16 : i32
        %add3A_1804 = arith.addi %squeeze3A_1799, %add3A_1803 : i32
        %get3A_1805 = arith.index_cast %add3A_1804 : i32 to index
        %get3A_1806 = tpu.vector_load %arg5[%get3A_1805] {strides = array<i32>} : memref<32000xi32, #tpu.memory_space<vmem>>, vector<16xi32>,
        %bitcast3A_1807 = vector.bitcast %get3A_1806 : vector<16xi32> to vector<32xbf16>
        %slice3A_1808 = vector.extract_strided_slice %mul3A_148 {offsets = [14], sizes = [1], strides = [1]} : vector<16xi32> to vector<1xi32>
        %squeeze3A_1809 = vector.extract %slice3A_1808[0] : i32 from vector<1xi32>
        %get3A_1810 = arith.index_cast %squeeze3A_1809 : i32 to index
        %get3A_1811 = tpu.vector_load %arg5[%get3A_1810] {strides = array<i32>} : memref<32000xi32, #tpu.memory_space<vmem>>, vector<16xi32>,
        %bitcast3A_1812 = vector.bitcast %get3A_1811 : vector<16xi32> to vector<32xbf16>
        %add3A_1813 = arith.constant 16 : i32
        %add3A_1814 = arith.addi %squeeze3A_1809, %add3A_1813 : i32
        %get3A_1815 = arith.index_cast %add3A_1814 : i32 to index
        %get3A_1816 = tpu.vector_load %arg5[%get3A_1815] {strides = array<i32>} : memref<32000xi32, #tpu.memory_space<vmem>>, vector<16xi32>,
        %bitcast3A_1817 = vector.bitcast %get3A_1816 : vector<16xi32> to vector<32xbf16>
        %slice3A_1818 = vector.extract_strided_slice %mul3A_157 {offsets = [14], sizes = [1], strides = [1]} : vector<16xi32> to vector<1xi32>
        %squeeze3A_1819 = vector.extract %slice3A_1818[0] : i32 from vector<1xi32>
        %get3A_1820 = arith.index_cast %squeeze3A_1819 : i32 to index
        %get3A_1821 = tpu.vector_load %arg5[%get3A_1820] {strides = array<i32>} : memref<32000xi32, #tpu.memory_space<vmem>>, vector<16xi32>,
        %bitcast3A_1822 = vector.bitcast %get3A_1821 : vector<16xi32> to vector<32xbf16>
        %add3A_1823 = arith.constant 16 : i32
        %add3A_1824 = arith.addi %squeeze3A_1819, %add3A_1823 : i32
        %get3A_1825 = arith.index_cast %add3A_1824 : i32 to index
        %get3A_1826 = tpu.vector_load %arg5[%get3A_1825] {strides = array<i32>} : memref<32000xi32, #tpu.memory_space<vmem>>, vector<16xi32>,
        %bitcast3A_1827 = vector.bitcast %get3A_1826 : vector<16xi32> to vector<32xbf16>
        %slice3A_1828 = vector.extract_strided_slice %mul3A_166 {offsets = [14], sizes = [1], strides = [1]} : vector<16xi32> to vector<1xi32>
        %squeeze3A_1829 = vector.extract %slice3A_1828[0] : i32 from vector<1xi32>
        %get3A_1830 = arith.index_cast %squeeze3A_1829 : i32 to index
        %get3A_1831 = tpu.vector_load %arg5[%get3A_1830] {strides = array<i32>} : memref<32000xi32, #tpu.memory_space<vmem>>, vector<16xi32>,
        %bitcast3A_1832 = vector.bitcast %get3A_1831 : vector<16xi32> to vector<32xbf16>
        %add3A_1833 = arith.constant 16 : i32
        %add3A_1834 = arith.addi %squeeze3A_1829, %add3A_1833 : i32
        %get3A_1835 = arith.index_cast %add3A_1834 : i32 to index
        %get3A_1836 = tpu.vector_load %arg5[%get3A_1835] {strides = array<i32>} : memref<32000xi32, #tpu.memory_space<vmem>>, vector<16xi32>,
        %bitcast3A_1837 = vector.bitcast %get3A_1836 : vector<16xi32> to vector<32xbf16>
        %add3A_1838 = arith.addf %bitcast3A_1762, %bitcast3A_1772 : vector<32xbf16>
        %add3A_1839 = arith.addf %bitcast3A_1782, %bitcast3A_1792 : vector<32xbf16>
        %add3A_1840 = arith.addf %add3A_1838, %add3A_1839 : vector<32xbf16>
        %add3A_1841 = arith.addf %bitcast3A_1802, %bitcast3A_1812 : vector<32xbf16>
        %add3A_1842 = arith.addf %bitcast3A_1822, %bitcast3A_1832 : vector<32xbf16>
        %add3A_1843 = arith.addf %add3A_1841, %add3A_1842 : vector<32xbf16>
        %add3A_1844 = arith.addf %add3A_1840, %add3A_1843 : vector<32xbf16>
        %add3A_1845 = arith.addf %bitcast3A_1767, %bitcast3A_1777 : vector<32xbf16>
        %add3A_1846 = arith.addf %bitcast3A_1787, %bitcast3A_1797 : vector<32xbf16>
        %add3A_1847 = arith.addf %add3A_1845, %add3A_1846 : vector<32xbf16>
        %add3A_1848 = arith.addf %bitcast3A_1807, %bitcast3A_1817 : vector<32xbf16>
        %add3A_1849 = arith.addf %bitcast3A_1827, %bitcast3A_1837 : vector<32xbf16>
        %add3A_1850 = arith.addf %add3A_1848, %add3A_1849 : vector<32xbf16>
        %add3A_1851 = arith.addf %add3A_1847, %add3A_1850 : vector<32xbf16>
        %unpack3A_1852 = tpu.unpack_subelements %add3A_1844, 0 {pack_format = #tpu.pack_format<interleaved>} : vector<32xbf16> -> vector<16xf32>
        %unpack3A_1853 = tpu.unpack_subelements %add3A_1844, 1 {pack_format = #tpu.pack_format<interleaved>} : vector<32xbf16> -> vector<16xf32>
        %unpack3A_1854 = tpu.unpack_subelements %add3A_1851, 0 {pack_format = #tpu.pack_format<interleaved>} : vector<32xbf16> -> vector<16xf32>
        %unpack3A_1855 = tpu.unpack_subelements %add3A_1851, 1 {pack_format = #tpu.pack_format<interleaved>} : vector<32xbf16> -> vector<16xf32>
        %mul3A_1856 = arith.constant 16 : i32
        %mul3A_1857 = arith.muli %scan3A_95, %mul3A_1856 : i32
        %add3A_1858 = arith.constant 14 : i32
        %add3A_1859 = arith.addi %mul3A_1857, %add3A_1858 : i32
        %swap3A_1860 = arith.index_cast %add3A_1859 : i32 to index
        %swap3A_1861 = arith.constant 0 : index
        %swap3A_1862 = tpu.vector_load %arg9[%swap3A_1860, %swap3A_1861] {strides = array<i32>} : memref<128x64xf32, #tpu.memory_space<vmem>>, vector<16xf32>,
        tpu.vector_store %arg9[%swap3A_1860, %swap3A_1861], %unpack3A_1852 {strides = array<i32>} : memref<128x64xf32, #tpu.memory_space<vmem>>, vector<16xf32>,
        %swap3A_1863 = arith.index_cast %add3A_1859 : i32 to index
        %swap3A_1864 = arith.constant 16 : index
        %swap3A_1865 = tpu.vector_load %arg9[%swap3A_1863, %swap3A_1864] {strides = array<i32>} : memref<128x64xf32, #tpu.memory_space<vmem>>, vector<16xf32>,
        tpu.vector_store %arg9[%swap3A_1863, %swap3A_1864], %unpack3A_1854 {strides = array<i32>} : memref<128x64xf32, #tpu.memory_space<vmem>>, vector<16xf32>,
        %swap3A_1866 = arith.index_cast %add3A_1859 : i32 to index
        %swap3A_1867 = arith.constant 32 : index
        %swap3A_1868 = tpu.vector_load %arg9[%swap3A_1866, %swap3A_1867] {strides = array<i32>} : memref<128x64xf32, #tpu.memory_space<vmem>>, vector<16xf32>,
        tpu.vector_store %arg9[%swap3A_1866, %swap3A_1867], %unpack3A_1853 {strides = array<i32>} : memref<128x64xf32, #tpu.memory_space<vmem>>, vector<16xf32>,
        %swap3A_1869 = arith.index_cast %add3A_1859 : i32 to index
        %swap3A_1870 = arith.constant 48 : index
        %swap3A_1871 = tpu.vector_load %arg9[%swap3A_1869, %swap3A_1870] {strides = array<i32>} : memref<128x64xf32, #tpu.memory_space<vmem>>, vector<16xf32>,
        tpu.vector_store %arg9[%swap3A_1869, %swap3A_1870], %unpack3A_1855 {strides = array<i32>} : memref<128x64xf32, #tpu.memory_space<vmem>>, vector<16xf32>,
        %slice3A_1872 = vector.extract_strided_slice %mul3A_103 {offsets = [15], sizes = [1], strides = [1]} : vector<16xi32> to vector<1xi32>
        %squeeze3A_1873 = vector.extract %slice3A_1872[0] : i32 from vector<1xi32>
        %get3A_1874 = arith.index_cast %squeeze3A_1873 : i32 to index
        %get3A_1875 = tpu.vector_load %arg5[%get3A_1874] {strides = array<i32>} : memref<32000xi32, #tpu.memory_space<vmem>>, vector<16xi32>,
        %bitcast3A_1876 = vector.bitcast %get3A_1875 : vector<16xi32> to vector<32xbf16>
        %add3A_1877 = arith.constant 16 : i32
        %add3A_1878 = arith.addi %squeeze3A_1873, %add3A_1877 : i32
        %get3A_1879 = arith.index_cast %add3A_1878 : i32 to index
        %get3A_1880 = tpu.vector_load %arg5[%get3A_1879] {strides = array<i32>} : memref<32000xi32, #tpu.memory_space<vmem>>, vector<16xi32>,
        %bitcast3A_1881 = vector.bitcast %get3A_1880 : vector<16xi32> to vector<32xbf16>
        %slice3A_1882 = vector.extract_strided_slice %mul3A_112 {offsets = [15], sizes = [1], strides = [1]} : vector<16xi32> to vector<1xi32>
        %squeeze3A_1883 = vector.extract %slice3A_1882[0] : i32 from vector<1xi32>
        %get3A_1884 = arith.index_cast %squeeze3A_1883 : i32 to index
        %get3A_1885 = tpu.vector_load %arg5[%get3A_1884] {strides = array<i32>} : memref<32000xi32, #tpu.memory_space<vmem>>, vector<16xi32>,
        %bitcast3A_1886 = vector.bitcast %get3A_1885 : vector<16xi32> to vector<32xbf16>
        %add3A_1887 = arith.constant 16 : i32
        %add3A_1888 = arith.addi %squeeze3A_1883, %add3A_1887 : i32
        %get3A_1889 = arith.index_cast %add3A_1888 : i32 to index
        %get3A_1890 = tpu.vector_load %arg5[%get3A_1889] {strides = array<i32>} : memref<32000xi32, #tpu.memory_space<vmem>>, vector<16xi32>,
        %bitcast3A_1891 = vector.bitcast %get3A_1890 : vector<16xi32> to vector<32xbf16>
        %slice3A_1892 = vector.extract_strided_slice %mul3A_121 {offsets = [15], sizes = [1], strides = [1]} : vector<16xi32> to vector<1xi32>
        %squeeze3A_1893 = vector.extract %slice3A_1892[0] : i32 from vector<1xi32>
        %get3A_1894 = arith.index_cast %squeeze3A_1893 : i32 to index
        %get3A_1895 = tpu.vector_load %arg5[%get3A_1894] {strides = array<i32>} : memref<32000xi32, #tpu.memory_space<vmem>>, vector<16xi32>,
        %bitcast3A_1896 = vector.bitcast %get3A_1895 : vector<16xi32> to vector<32xbf16>
        %add3A_1897 = arith.constant 16 : i32
        %add3A_1898 = arith.addi %squeeze3A_1893, %add3A_1897 : i32
        %get3A_1899 = arith.index_cast %add3A_1898 : i32 to index
        %get3A_1900 = tpu.vector_load %arg5[%get3A_1899] {strides = array<i32>} : memref<32000xi32, #tpu.memory_space<vmem>>, vector<16xi32>,
        %bitcast3A_1901 = vector.bitcast %get3A_1900 : vector<16xi32> to vector<32xbf16>
        %slice3A_1902 = vector.extract_strided_slice %mul3A_130 {offsets = [15], sizes = [1], strides = [1]} : vector<16xi32> to vector<1xi32>
        %squeeze3A_1903 = vector.extract %slice3A_1902[0] : i32 from vector<1xi32>
        %get3A_1904 = arith.index_cast %squeeze3A_1903 : i32 to index
        %get3A_1905 = tpu.vector_load %arg5[%get3A_1904] {strides = array<i32>} : memref<32000xi32, #tpu.memory_space<vmem>>, vector<16xi32>,
        %bitcast3A_1906 = vector.bitcast %get3A_1905 : vector<16xi32> to vector<32xbf16>
        %add3A_1907 = arith.constant 16 : i32
        %add3A_1908 = arith.addi %squeeze3A_1903, %add3A_1907 : i32
        %get3A_1909 = arith.index_cast %add3A_1908 : i32 to index
        %get3A_1910 = tpu.vector_load %arg5[%get3A_1909] {strides = array<i32>} : memref<32000xi32, #tpu.memory_space<vmem>>, vector<16xi32>,
        %bitcast3A_1911 = vector.bitcast %get3A_1910 : vector<16xi32> to vector<32xbf16>
        %slice3A_1912 = vector.extract_strided_slice %mul3A_139 {offsets = [15], sizes = [1], strides = [1]} : vector<16xi32> to vector<1xi32>
        %squeeze3A_1913 = vector.extract %slice3A_1912[0] : i32 from vector<1xi32>
        %get3A_1914 = arith.index_cast %squeeze3A_1913 : i32 to index
        %get3A_1915 = tpu.vector_load %arg5[%get3A_1914] {strides = array<i32>} : memref<32000xi32, #tpu.memory_space<vmem>>, vector<16xi32>,
        %bitcast3A_1916 = vector.bitcast %get3A_1915 : vector<16xi32> to vector<32xbf16>
        %add3A_1917 = arith.constant 16 : i32
        %add3A_1918 = arith.addi %squeeze3A_1913, %add3A_1917 : i32
        %get3A_1919 = arith.index_cast %add3A_1918 : i32 to index
        %get3A_1920 = tpu.vector_load %arg5[%get3A_1919] {strides = array<i32>} : memref<32000xi32, #tpu.memory_space<vmem>>, vector<16xi32>,
        %bitcast3A_1921 = vector.bitcast %get3A_1920 : vector<16xi32> to vector<32xbf16>
        %slice3A_1922 = vector.extract_strided_slice %mul3A_148 {offsets = [15], sizes = [1], strides = [1]} : vector<16xi32> to vector<1xi32>
        %squeeze3A_1923 = vector.extract %slice3A_1922[0] : i32 from vector<1xi32>
        %get3A_1924 = arith.index_cast %squeeze3A_1923 : i32 to index
        %get3A_1925 = tpu.vector_load %arg5[%get3A_1924] {strides = array<i32>} : memref<32000xi32, #tpu.memory_space<vmem>>, vector<16xi32>,
        %bitcast3A_1926 = vector.bitcast %get3A_1925 : vector<16xi32> to vector<32xbf16>
        %add3A_1927 = arith.constant 16 : i32
        %add3A_1928 = arith.addi %squeeze3A_1923, %add3A_1927 : i32
        %get3A_1929 = arith.index_cast %add3A_1928 : i32 to index
        %get3A_1930 = tpu.vector_load %arg5[%get3A_1929] {strides = array<i32>} : memref<32000xi32, #tpu.memory_space<vmem>>, vector<16xi32>,
        %bitcast3A_1931 = vector.bitcast %get3A_1930 : vector<16xi32> to vector<32xbf16>
        %slice3A_1932 = vector.extract_strided_slice %mul3A_157 {offsets = [15], sizes = [1], strides = [1]} : vector<16xi32> to vector<1xi32>
        %squeeze3A_1933 = vector.extract %slice3A_1932[0] : i32 from vector<1xi32>
        %get3A_1934 = arith.index_cast %squeeze3A_1933 : i32 to index
        %get3A_1935 = tpu.vector_load %arg5[%get3A_1934] {strides = array<i32>} : memref<32000xi32, #tpu.memory_space<vmem>>, vector<16xi32>,
        %bitcast3A_1936 = vector.bitcast %get3A_1935 : vector<16xi32> to vector<32xbf16>
        %add3A_1937 = arith.constant 16 : i32
        %add3A_1938 = arith.addi %squeeze3A_1933, %add3A_1937 : i32
        %get3A_1939 = arith.index_cast %add3A_1938 : i32 to index
        %get3A_1940 = tpu.vector_load %arg5[%get3A_1939] {strides = array<i32>} : memref<32000xi32, #tpu.memory_space<vmem>>, vector<16xi32>,
        %bitcast3A_1941 = vector.bitcast %get3A_1940 : vector<16xi32> to vector<32xbf16>
        %slice3A_1942 = vector.extract_strided_slice %mul3A_166 {offsets = [15], sizes = [1], strides = [1]} : vector<16xi32> to vector<1xi32>
        %squeeze3A_1943 = vector.extract %slice3A_1942[0] : i32 from vector<1xi32>
        %get3A_1944 = arith.index_cast %squeeze3A_1943 : i32 to index
        %get3A_1945 = tpu.vector_load %arg5[%get3A_1944] {strides = array<i32>} : memref<32000xi32, #tpu.memory_space<vmem>>, vector<16xi32>,
        %bitcast3A_1946 = vector.bitcast %get3A_1945 : vector<16xi32> to vector<32xbf16>
        %add3A_1947 = arith.constant 16 : i32
        %add3A_1948 = arith.addi %squeeze3A_1943, %add3A_1947 : i32
        %get3A_1949 = arith.index_cast %add3A_1948 : i32 to index
        %get3A_1950 = tpu.vector_load %arg5[%get3A_1949] {strides = array<i32>} : memref<32000xi32, #tpu.memory_space<vmem>>, vector<16xi32>,
        %bitcast3A_1951 = vector.bitcast %get3A_1950 : vector<16xi32> to vector<32xbf16>
        %add3A_1952 = arith.addf %bitcast3A_1876, %bitcast3A_1886 : vector<32xbf16>
        %add3A_1953 = arith.addf %bitcast3A_1896, %bitcast3A_1906 : vector<32xbf16>
        %add3A_1954 = arith.addf %add3A_1952, %add3A_1953 : vector<32xbf16>
        %add3A_1955 = arith.addf %bitcast3A_1916, %bitcast3A_1926 : vector<32xbf16>
        %add3A_1956 = arith.addf %bitcast3A_1936, %bitcast3A_1946 : vector<32xbf16>
        %add3A_1957 = arith.addf %add3A_1955, %add3A_1956 : vector<32xbf16>
        %add3A_1958 = arith.addf %add3A_1954, %add3A_1957 : vector<32xbf16>
        %add3A_1959 = arith.addf %bitcast3A_1881, %bitcast3A_1891 : vector<32xbf16>
        %add3A_1960 = arith.addf %bitcast3A_1901, %bitcast3A_1911 : vector<32xbf16>
        %add3A_1961 = arith.addf %add3A_1959, %add3A_1960 : vector<32xbf16>
        %add3A_1962 = arith.addf %bitcast3A_1921, %bitcast3A_1931 : vector<32xbf16>
        %add3A_1963 = arith.addf %bitcast3A_1941, %bitcast3A_1951 : vector<32xbf16>
        %add3A_1964 = arith.addf %add3A_1962, %add3A_1963 : vector<32xbf16>
        %add3A_1965 = arith.addf %add3A_1961, %add3A_1964 : vector<32xbf16>
        %unpack3A_1966 = tpu.unpack_subelements %add3A_1958, 0 {pack_format = #tpu.pack_format<interleaved>} : vector<32xbf16> -> vector<16xf32>
        %unpack3A_1967 = tpu.unpack_subelements %add3A_1958, 1 {pack_format = #tpu.pack_format<interleaved>} : vector<32xbf16> -> vector<16xf32>
        %unpack3A_1968 = tpu.unpack_subelements %add3A_1965, 0 {pack_format = #tpu.pack_format<interleaved>} : vector<32xbf16> -> vector<16xf32>
        %unpack3A_1969 = tpu.unpack_subelements %add3A_1965, 1 {pack_format = #tpu.pack_format<interleaved>} : vector<32xbf16> -> vector<16xf32>
        %mul3A_1970 = arith.constant 16 : i32
        %mul3A_1971 = arith.muli %scan3A_95, %mul3A_1970 : i32
        %add3A_1972 = arith.constant 15 : i32
        %add3A_1973 = arith.addi %mul3A_1971, %add3A_1972 : i32
        %swap3A_1974 = arith.index_cast %add3A_1973 : i32 to index
        %swap3A_1975 = arith.constant 0 : index
        %swap3A_1976 = tpu.vector_load %arg9[%swap3A_1974, %swap3A_1975] {strides = array<i32>} : memref<128x64xf32, #tpu.memory_space<vmem>>, vector<16xf32>,
        tpu.vector_store %arg9[%swap3A_1974, %swap3A_1975], %unpack3A_1966 {strides = array<i32>} : memref<128x64xf32, #tpu.memory_space<vmem>>, vector<16xf32>,
        %swap3A_1977 = arith.index_cast %add3A_1973 : i32 to index
        %swap3A_1978 = arith.constant 16 : index
        %swap3A_1979 = tpu.vector_load %arg9[%swap3A_1977, %swap3A_1978] {strides = array<i32>} : memref<128x64xf32, #tpu.memory_space<vmem>>, vector<16xf32>,
        tpu.vector_store %arg9[%swap3A_1977, %swap3A_1978], %unpack3A_1968 {strides = array<i32>} : memref<128x64xf32, #tpu.memory_space<vmem>>, vector<16xf32>,
        %swap3A_1980 = arith.index_cast %add3A_1973 : i32 to index
        %swap3A_1981 = arith.constant 32 : index
        %swap3A_1982 = tpu.vector_load %arg9[%swap3A_1980, %swap3A_1981] {strides = array<i32>} : memref<128x64xf32, #tpu.memory_space<vmem>>, vector<16xf32>,
        tpu.vector_store %arg9[%swap3A_1980, %swap3A_1981], %unpack3A_1967 {strides = array<i32>} : memref<128x64xf32, #tpu.memory_space<vmem>>, vector<16xf32>,
        %swap3A_1983 = arith.index_cast %add3A_1973 : i32 to index
        %swap3A_1984 = arith.constant 48 : index
        %swap3A_1985 = tpu.vector_load %arg9[%swap3A_1983, %swap3A_1984] {strides = array<i32>} : memref<128x64xf32, #tpu.memory_space<vmem>>, vector<16xf32>,
        tpu.vector_store %arg9[%swap3A_1983, %swap3A_1984], %unpack3A_1969 {strides = array<i32>} : memref<128x64xf32, #tpu.memory_space<vmem>>, vector<16xf32>,
      }
      %scan3A_83 = arith.constant 8 : i32
      %lt3A_84 = arith.constant 9 : i32
      %lt3A_85 = arith.cmpi slt, %scan3A_34, %lt3A_84 : i32
      %convert_element_type3A_86 = arith.extui %lt3A_85 : i1 to i32
      %cond3A_87 = arith.constant 0 : i32
      %cond3A_88 = arith.cmpi ne, %convert_element_type3A_86, %cond3A_87 : i32
      scf.if %cond3A_88 {
        %add3A_95 = arith.constant 2 : i32
        %add3A_96 = arith.addi %add3A_66, %add3A_95 : i32
        %dma_start3A_97 = arith.constant 0 : i32
        %dma_start3A_98 = tpu.memref_slice %arg3[%add3A_96, %dma_start3A_97, %mul3A_2] : memref<20x8x4096xi32, #tpu.memory_space<hbm>> -> memref<1x8x128xi32, #tpu.memory_space<hbm>>
        %dma_start3A_99 = tpu.memref_squeeze %dma_start3A_98 : memref<1x8x128xi32, #tpu.memory_space<hbm>> -> memref<8x128xi32, #tpu.memory_space<hbm>>
        %dma_start3A_100 = arith.constant 0 : i32
        %dma_start3A_101 = tpu.memref_slice %arg3[%add3A_96, %dma_start3A_100, %mul3A_2] : memref<20x8x4096xi32, #tpu.memory_space<hbm>> -> memref<1x8x128xi32, #tpu.memory_space<hbm>>
        %dma_start3A_102 = tpu.memref_squeeze %dma_start3A_101 : memref<1x8x128xi32, #tpu.memory_space<hbm>> -> memref<8x128xi32, #tpu.memory_space<hbm>>
        tpu.enqueue_dma source(%dma_start3A_102 : memref<8x128xi32, #tpu.memory_space<hbm>>) target(%arg7 : memref<8x128xi32, #tpu.memory_space<vmem>>) target_semaphore(%arg11 : memref<!tpu.dma_semaphore, #tpu.memory_space<semaphore_mem>>)
      } else {
      }
      %dma_start3A_89 = arith.constant 0 : i32
      %dma_start3A_90 = tpu.memref_slice %arg4[%add3A_66, %mul3A_2, %dma_start3A_89] : memref<20x4096x64xf32, #tpu.memory_space<hbm>> -> memref<1x128x64xf32, #tpu.memory_space<hbm>>
      %dma_start3A_91 = tpu.memref_squeeze %dma_start3A_90 : memref<1x128x64xf32, #tpu.memory_space<hbm>> -> memref<128x64xf32, #tpu.memory_space<hbm>>
      %dma_start3A_92 = arith.constant 0 : i32
      %dma_start3A_93 = tpu.memref_slice %arg4[%add3A_66, %mul3A_2, %dma_start3A_92] : memref<20x4096x64xf32, #tpu.memory_space<hbm>> -> memref<1x128x64xf32, #tpu.memory_space<hbm>>
      %dma_start3A_94 = tpu.memref_squeeze %dma_start3A_93 : memref<1x128x64xf32, #tpu.memory_space<hbm>> -> memref<128x64xf32, #tpu.memory_space<hbm>>
      tpu.enqueue_dma source(%arg9 : memref<128x64xf32, #tpu.memory_space<vmem>>) target(%dma_start3A_94 : memref<128x64xf32, #tpu.memory_space<hbm>>) target_semaphore(%arg13 : memref<!tpu.dma_semaphore, #tpu.memory_space<semaphore_mem>>)
    }
    %scan3A_20 = arith.constant 10 : i32
    %dma_wait3A = arith.constant 18 : i32
    %dma_wait3A_21 = arith.constant 0 : i32
    %dma_wait3A_22 = tpu.memref_slice %arg4[%dma_wait3A, %mul3A_2, %dma_wait3A_21] : memref<20x4096x64xf32, #tpu.memory_space<hbm>> -> memref<1x128x64xf32, #tpu.memory_space<hbm>>
    %dma_wait3A_23 = tpu.memref_squeeze %dma_wait3A_22 : memref<1x128x64xf32, #tpu.memory_space<hbm>> -> memref<128x64xf32, #tpu.memory_space<hbm>>
    %dma_wait3A_24 = arith.constant 0 : i32
    %dma_wait3A_25 = tpu.memref_slice %arg4[%dma_wait3A, %mul3A_2, %dma_wait3A_24] : memref<20x4096x64xf32, #tpu.memory_space<hbm>> -> memref<1x128x64xf32, #tpu.memory_space<hbm>>
    %dma_wait3A_26 = tpu.memref_squeeze %dma_wait3A_25 : memref<1x128x64xf32, #tpu.memory_space<hbm>> -> memref<128x64xf32, #tpu.memory_space<hbm>>
    tpu.wait_dma2 semaphore(%arg12 : memref<!tpu.dma_semaphore, #tpu.memory_space<semaphore_mem>>) src(%arg8 : memref<128x64xf32, #tpu.memory_space<vmem>>) dst(%dma_wait3A_26 : memref<128x64xf32, #tpu.memory_space<hbm>>)
    %dma_wait3A_27 = arith.constant 19 : i32
    %dma_wait3A_28 = arith.constant 0 : i32
    %dma_wait3A_29 = tpu.memref_slice %arg4[%dma_wait3A_27, %mul3A_2, %dma_wait3A_28] : memref<20x4096x64xf32, #tpu.memory_space<hbm>> -> memref<1x128x64xf32, #tpu.memory_space<hbm>>
    %dma_wait3A_30 = tpu.memref_squeeze %dma_wait3A_29 : memref<1x128x64xf32, #tpu.memory_space<hbm>> -> memref<128x64xf32, #tpu.memory_space<hbm>>
    %dma_wait3A_31 = arith.constant 0 : i32
    %dma_wait3A_32 = tpu.memref_slice %arg4[%dma_wait3A_27, %mul3A_2, %dma_wait3A_31] : memref<20x4096x64xf32, #tpu.memory_space<hbm>> -> memref<1x128x64xf32, #tpu.memory_space<hbm>>
    %dma_wait3A_33 = tpu.memref_squeeze %dma_wait3A_32 : memref<1x128x64xf32, #tpu.memory_space<hbm>> -> memref<128x64xf32, #tpu.memory_space<hbm>>
    tpu.wait_dma2 semaphore(%arg13 : memref<!tpu.dma_semaphore, #tpu.memory_space<semaphore_mem>>) src(%arg9 : memref<128x64xf32, #tpu.memory_space<vmem>>) dst(%dma_wait3A_33 : memref<128x64xf32, #tpu.memory_space<hbm>>)
    return
  }
}

</mosaic_0001>

<sc_bundles>
// kernel: kernel.3.cloned.1.call-start
scs
__scs_entry_jumppad:
0x0: {  	(pc) =	sbr.rel $0x88, $3  }
0x1: {  	(tag) =	ssettag $0x0;
	lr =	simm.s32 $0x1  }
0x2: {  	[smem:$0x3F9E] =	sst lr;
	_ =	strace $0xD0000000  }
0x3: {  	_ = 	snop  }
0x4: {  	_ = 	snop  }
0x5: {  	_ = 	snop  }
0x6: {  	_ = 	snop  }
0x7: {  	_ = 	snop  }
__scs_overlays_trampoline_lowered:
0x8: {  	[smem:$0x3FAD] =	sst s0  }
0x9: {  	[smem:$0x3FAE] =	sst s1  }
0xa: {  	[smem:$0x3FAF] =	sst s2  }
0xb: {  	[smem:$0x3FB0] =	sst s3  }
0xc: {  	[smem:$0x3FB1] =	sst s4  }
0xd: {  	[smem:$0x3FB2] =	sst s5  }
0xe: {  	[smem:$0x3FB3] =	sst s6  }
0xf: {  	[smem:$0x3FB4] =	sst s7  }
0x10: {  	[smem:$0x3FB5] =	sst s8  }
0x11: {  	[smem:$0x3FB6] =	sst s9;
	s0 =	simm.s32 @!p0 $0x0  }
0x12: {  	s1 =	sld [smem:$0x3F9C];
	s0 =	simm.s32 @p0 $0x1  }
0x13: {  	[smem:$0x3FB7] =	sst s0;
	s0 =	simm.s32 @!p1 $0x0  }
0x14: {  	s2 =	sld [smem:$0x3F9B];
	s0 =	simm.s32 @p1 $0x1  }
0x15: {  	[smem:$0x3FB8] =	sst s0;
	s0 =	simm.s32 @!p2 $0x0  }
0x16: {  	s3 =	sld [smem:$0x3FDB];
	s0 =	simm.s32 @p2 $0x1  }
0x17: {  	s4 =	simm.s32 $0x1BF5;
	[smem:$0x3FBA] =	sst s0  }
0x18: {  	s0 =	sld [smem:$0x3F9D];
	_ =	swait.ge [sflag:s4], $0x0  }
0x19: {  	s7 =	sld [smem:$0x3F9E]  }
0x1a: {  	s8 =	sadd.s32 $0xFFFFE003, lr  }
0x1b: {  	s9 =	sadd.s32 $0xFFFFFEF7, lr;
	s5 =	simm.s32 $0xFFFFFFFF;
	p2 =	slt.u32 s8, $0xFFFFF086  }
0x1c: {  	p1 =	slt.u32 s9, $0xF7A;
	s5 =	simm.s32 @!p2 $0x0  }
0x1d: {  	s5 =	simm.s32 @p1 $0x1;
	p0 =	seq.s32 s7, s2  }
0x1e: {  	s7 =	smul.u32 @!p0 $0xF7A, s2;
	p2 =	seq.s32 @!p0 s5, $0x0  }
0x1f: {  	s9 =	smul.u32 $0xF7A, s1;
	s8 =	simm.s32 @!p0 $0x1BF5;
	p2 =	por !p2, p0  }
0x20: {  	[sflag:s8] =	ssyncset.s32 @!p0 $0xFFFFF086;
	s6 =	sadd.s32 @!p0 s3, s7;
	s7 =	simm.s32 @!p0 $0x108  }
0x21: {  	s3 =	sadd.s32 s3, s9;
	s6 =	sadd.s32 @!p0 $0x88, s6;
	s7 =	simm.s32 @p2 $0x1082  }
0x22: {  	[simem:s7], [sflag:s8] =	dma.local @!p0 [hbm:s6], $0xF7A  }
0x23: {  	s9 =	sor.u32 $0xD0000000, s2;
	s6 =	simm.s32 $0x108;
	_ =	swait.ge @!p0 [sflag:s8], $0x0  }
0x24: {  	s3 =	sadd.s32 $0x88, s3;
	s6 =	simm.s32 @!p1 $0x1082;
	[sflag:s4] =	ssyncset.s32 $0xFFFFF086  }
0x25: {  	[simem:s6], [sflag:s4] =	dma.local [hbm:s3], $0xF7A  }
0x26: {  	[smem:$0x3F9E] =	sst s1;
	(tag) =	ssettag s2;
	_ =	strace s9  }
0x27: {  	s1 =	sld [smem:$0x3FAE]  }
0x28: {  	s2 =	sld [smem:$0x3FAF]  }
0x29: {  	s4 =	sld [smem:$0x3FB1]  }
0x2a: {  	p0 =	seq.s32 s5, $0x0;
	s5 =	sld [smem:$0x3FB2]  }
0x2b: {  	s6 =	sld [smem:$0x3FB3]  }
0x2c: {  	s7 =	sld [smem:$0x3FB4]  }
0x2d: {  	s3 =	simm.s32 $0x108;
	s8 =	sld [smem:$0x3FB5]  }
0x2e: {  	s3 =	simm.s32 @!p0 $0x1082;
	s9 =	sld [smem:$0x3FB6]  }
0x2f: {  	lr =	sadd.s32 s0, s3;
	s0 =	sld [smem:$0x3FAD]  }
0x30: {  	s3 =	sld [smem:$0x3FB0]  }
0x31: {  	[smem:$0x3FB9] =	sst s10  }
0x32: {  	s10 =	sld [smem:$0x3FB7];
	_ =	sdelay $0x3  }
0x33: {  	p0 =	seq.s32 s10, $0x1;
	s10 =	sld [smem:$0x3FB9];
	_ =	sdelay $0x3  }
0x34: {  	[smem:$0x3FB9] =	sst s10  }
0x35: {  	s10 =	sld [smem:$0x3FB8];
	_ =	sdelay $0x3  }
0x36: {  	p1 =	seq.s32 s10, $0x1;
	s10 =	sld [smem:$0x3FB9];
	_ =	sdelay $0x3  }
0x37: {  	[smem:$0x3FB9] =	sst s10  }
0x38: {  	s10 =	sld [smem:$0x3FBA]  }
0x39: {  	_ = 	snop;
	(pc) =	sbr.ind lr, $3  }
0x3a: {  	_ = 	snop  }
0x3b: {  	_ = 	snop  }
0x3c: {  	p2 =	seq.s32 s10, $0x1;
	s10 =	sld [smem:$0x3FB9]  }
0x3d: {  	_ =	shalt  }
0x3e: {  	_ =	shalt  }
0x3f: {  	_ =	shalt  }
0x40: {  	_ =	shalt  }
0x41: {  	_ =	shalt  }
0x42: {  	_ =	shalt  }
0x43: {  	_ =	shalt  }
0x44: {  	_ =	shalt  }
0x45: {  	_ =	shalt  }
0x46: {  	_ =	shalt  }
0x47: {  	_ =	shalt  }
0x48: {  	_ =	shalt  }
0x49: {  	_ =	shalt  }
0x4a: {  	_ =	shalt  }
0x4b: {  	_ =	shalt  }
0x4c: {  	_ =	shalt  }
0x4d: {  	_ =	shalt  }
0x4e: {  	_ =	shalt  }
0x4f: {  	_ =	shalt  }
0x50: {  	_ =	shalt  }
0x51: {  	_ =	shalt  }
0x52: {  	_ =	shalt  }
0x53: {  	_ =	shalt  }
0x54: {  	_ =	shalt  }
0x55: {  	_ =	shalt  }
0x56: {  	_ =	shalt  }
0x57: {  	_ =	shalt  }
0x58: {  	_ =	shalt  }
0x59: {  	_ =	shalt  }
0x5a: {  	_ =	shalt  }
0x5b: {  	_ =	shalt  }
0x5c: {  	_ =	shalt  }
0x5d: {  	_ =	shalt  }
0x5e: {  	_ =	shalt  }
0x5f: {  	_ =	shalt  }
0x60: {  	_ =	shalt  }
0x61: {  	_ =	shalt  }
0x62: {  	_ =	shalt  }
0x63: {  	_ =	shalt  }
0x64: {  	_ =	shalt  }
0x65: {  	_ =	shalt  }
0x66: {  	_ =	shalt  }
0x67: {  	_ =	shalt  }
0x68: {  	_ =	shalt  }
0x69: {  	_ =	shalt  }
0x6a: {  	_ =	shalt  }
0x6b: {  	_ =	shalt  }
0x6c: {  	_ =	shalt  }
0x6d: {  	_ =	shalt  }
0x6e: {  	_ =	shalt  }
0x6f: {  	_ =	shalt  }
0x70: {  	_ =	shalt  }
0x71: {  	_ =	shalt  }
0x72: {  	_ =	shalt  }
0x73: {  	_ =	shalt  }
0x74: {  	_ =	shalt  }
0x75: {  	_ =	shalt  }
0x76: {  	_ =	shalt  }
0x77: {  	_ =	shalt  }
0x78: {  	_ =	shalt  }
0x79: {  	_ =	shalt  }
0x7a: {  	_ =	shalt  }
0x7b: {  	_ =	shalt  }
0x7c: {  	_ =	shalt  }
0x7d: {  	_ =	shalt  }
0x7e: {  	_ =	shalt  }
0x7f: {  	_ =	shalt  }
0x80: {  	_ =	shalt  }
0x81: {  	_ =	shalt  }
0x82: {  	_ =	shalt  }
0x83: {  	_ =	shalt  }
0x84: {  	_ =	shalt  }
0x85: {  	_ =	shalt  }
0x86: {  	_ =	shalt  }
0x87: {  	_ =	shalt  }
.Lfunc_end0:
.L_simem_size_0:
called_computation_lowered:
.L_overlay_start_0:
0x88: {  	s2 =	sld [smem:$0x3FD9]  }
0x89: {  	s3 =	sld [smem:$0x3FFE];
	_ =	sdelay $0x1  }
0x8a: {  	s1 =	srdreg.scid  }
0x8b: {  	s0 =	sand.u32 $0x1, s1  }
0x8c: {  	s17 =	sshll.u32 s0, $0xA;
	s2 =	sadd.s32 s3, s2  }
0x8d: {  	s2 =	sadd.s32 s2, s17  }
0x8e: {  	[smem:$0x3FC5] =	sst s2  }
0x8f: {  	_ = 	snop  }
0x90: {  	s2 =	sld [smem:$0x3FC9]  }
0x91: {  	s18 =	sld [smem:$0x3FD0];
	(tm) =	ssettm $0x1  }
0x92: {  	s4 =	sld [smem:$0x3FFB];
	_ =	sdelay $0x3  }
0x93: {  	_ =	strace s4  }
0x94: {  	s4 =	sld [smem:$0x3FFC];
	_ =	sdelay $0x3  }
0x95: {  	_ =	strace s4  }
0x96: {  	s4 =	sld [smem:$0x3FFD];
	_ =	sdelay $0x3  }
0x97: {  	_ =	strace s4  }
0x98: {  	_ =	strace $0x8FFFFFFF  }
0x99: {  	s19 =	sld [smem:$0x3FDB];
	_ =	sdelay $0x1  }
0x9a: {  	s5 =	simm.s32 $_scs_section_size  }
0x9b: {  	s6 =	simm.s32 $_size__tile_overlayer_lowered;
	s7 =	simm.s32 $_tile_overlayer_lowered  }
0x9c: {  	s22 =	simm.s32 $0x1BFF;
	s21 =	sshll.u32 s7, $0x1;
	s4 =	sadd.s32 s5, s19  }
0x9d: {  	s8 =	simm.s32 $0x0;
	s20 =	sshll.u32 s6, $0x1;
	s6 =	sadd.s32 s21, s4  }
0x9e: {  	[timem:s8], [sflag:s22] =	dma.local [hbm:s6], s20  }
0x9f: {  	_ =	swait.ge [sflag:s22], s20  }
0xa0: {  	s5 =	ssub.s32 $0x0, s20;
	[sflag:s22] =	ssyncset.done $0x0  }
0xa1: {  	[sflag:s22] =	ssyncadd.s32 s5;
	_ =	sdelay $0x1  }
0xa2: {  	s23 =	simm.s32 $0x1B8B  }
0xa3: {  	_ =	swait.ge [sflag:s23], $0x1  }
0xa4: {  	[sflag:s23] =	ssyncset.done $0x0  }
0xa5: {  	s25 =	simm.s32 $0x1B8E;
	s24 =	sld [smem:$0x3FFE];
	[sflag:s23] =	ssyncadd.s32 $0xFFFFFFFF  }
0xa6: {  	s26 =	simm.s32 $execute0_lowered;
	[smem:$0x3FD2] =	sst s25  }
0xa7: {  	s6 =	sshll.u32 s26, $0x1;
	_ =	strace $0x80000046;
	[dreg:$0x1] =	wrdreg $0xFFFFFFFF  }
0xa8: {  	s28 =	simm.s32 $_size_execute0_lowered;
	s4 =	sadd.s32 s4, s6;
	[dreg:$0x0] =	wrdreg $0x0  }
0xa9: {  	s6 =	sshll.u32 s28, $0x1;
	[dreg:$0x2] =	wrdreg s4  }
0xaa: {  	[dreg:$0x3] =	wrdreg s6  }
0xab: {  	[dreg:$0x4] =	wrdreg $0xC0  }
0xac: {  	_ =	task [dreg:s8], $0x5FFFF  }
0xad: {  	[dreg:$0x1] =	wrdreg $0xFFFFFFFF  }
0xae: {  	[dreg:$0x0] =	wrdreg $0x60  }
0xaf: {  	[dreg:$0x2] =	wrdreg s18  }
0xb0: {  	[dreg:$0x3] =	wrdreg s2  }
0xb1: {  	[dreg:$0x4] =	wrdreg s24  }
0xb2: {  	[dreg:$0x5] =	wrdreg $0x9  }
0xb3: {  	_ =	task.clear_ibuf [dreg:s8], $0x6FFFF;
	_ =	strace $0x90000046  }
0xb4: {  	s29 =	simm.s32 $0x9;
	_ =	strace $0x80000048  }
0xb5: {  	_ =	swait.ge [sflag:s29], $0x1  }
0xb6: {  	[sflag:s29] =	ssyncadd.s32 $0xFFFFFFFF  }
0xb7: {  	_ =	strace $0x90000048  }
0xb8: {  	_ =	sfence  }
0xb9: {  	s30 =	sld [smem:$0x0];
	_ =	sdelay $0x2  }
0xba: {  	s31 =	sshll.u32 s1, $0xD;
	s1 =	sshrl.u32 s1, $0x2  }
0xbb: {  	s3 =	sand.u32 $0x4000, s31;
	s1 =	sadd.s32 s1, s30  }
0xbc: {  	s0 =	sor.u32 s3, s0;
	s1 =	sshll.u32 s1, $0x11  }
0xbd: {  	s0 =	sor.u32 s1, s0  }
0xbe: {  	s0 =	sadd.s32 $0x8F2B, s0  }
0xbf: {  	[sflag:s0] =	ssyncadd.remote.s32 $0x1  }
0xc0: {  	_ =	sfence.sel $0xFFFF  }
0xc1: {  	[dreg:$0x0] =	wrdreg $0xFFFFFFFF;
	(pc) =	sbr.abs _section_cstart, $3  }
0xc2: {  	[dreg:$0x1] =	wrdreg $0xFFFFFFFF  }
0xc3: {  	_ =	task.clear_ibuf [dreg:s8], $0x2FFFF;
	_ =	strace $0x9FFFFFFF  }
0xc4: {  	(tm) =	ssettm $0x7FFFFFFF  }
0xc5: {  	_ =	shalt  }
tec
execute0_lowered:
.L_overlay_start_1:
0x0: {  	(tag) =	ssettag $0x1  }
0x1: {  	s1 =	rddreg [dreg:$0x0]  }
0x2: {  	s4 =	rddreg [dreg:$0x1]  }
0x3: {  	s10 =	rddreg [dreg:$0x2];
	s3 =	srdreg.scid  }
0x4: {  	s0 =	rddreg [dreg:$0x3];
	s2 =	stileid.u32;
	s12 =	simm.s32 $0x5  }
0x5: {  	s13 =	simm.s32 $0x7D00;
	s14 =	simm.s32 $0x8100;
	s15 =	simm.s32 $0x1  }
0x6: {  	s16 =	simm.s32 $0x8500;
	s17 =	simm.s32 $0x2;
	s18 =	simm.s32 $0xC500  }
0x7: {  	s19 =	simm.s32 $0x3;
	s20 =	simm.s32 $0x4;
	s21 =	simm.s32 $0x0  }
0x8: {  	s5 =	sand.u32 $0x1, s3;
	s3 =	simm.s32 $0x0;
	s6 =	sshll.u32 s2, $0x8  }
0x9: {  	s7 =	sshll.u32 s5, $0x7;
	[smem:$0x7FF] =	sst s3;
	s8 =	ssub.s32 $0x2, s5  }
0xa: {  	s5 =	sadd.s32 $0x200, s10;
	s10 =	sadd.s32 $0x10200, s10;
	s9 =	sor.u32 s7, s6  }
0xb: {  	_ =	strace $0x80000047;
	s31 =	sshrl.u32 s8, $0x1;
	s4 =	sadd.s32 s4, s9  }
0xc: {  	s11 =	ssub.s32 s8, s31;
	s8 =	sshll.u32 s9, $0x4;
	s6 =	sadd.s32 $0x1000, s4  }
0xd: {  	s7 =	sadd.s32 $0x2000, s4;
	s9 =	sadd.s32 $0x3000, s4;
	s11 =	smax.u32 s11, $0x1  }
.LBB2_1:
0xe: {  	[tilespmem:s3], [sflag:$0x5] =	stream.linear.gather [hbm4b:s1+s3], $0x7D00, $0x38;
	[tilespmem:$0x10500] =	vst v63  }
0xf: {  	_ =	swait.ge [sflag:s12], $0x7D00  }
0x10: {  	[sflag:s12] =	ssyncset.done $0x0  }
0x11: {  	[sflag:s12] =	ssyncadd.s32 $0xFFFF8300  }
0x12: {  	[tilespmem:s13], [sflag:$0x1] =	stream.linear.gather [hbm4b:s4+s3], $0x400, $0x38;
	[tilespmem:$0x10500] =	vst v63  }
0x13: {  	s22 =	simm.s32 $0x0  }
0x14: {  	[tilespmem:s14], [sflag:$0x2] =	stream.linear.gather [hbm4b:s6+s3], $0x400, $0x38;
	[tilespmem:$0x10500] =	vst v63  }
.LBB2_2:
0x15: {  	_ =	swait.ge [sflag:s15], $0x400  }
0x16: {  	p0 =	seq.s32 s22, $0x0;
	[sflag:s15] =	ssyncset.done $0x0  }
0x17: {  	s23 =	simm.s32 @!p0 $0x3;
	[sflag:s15] =	ssyncadd.s32 $0xFFFFFC00  }
0x18: {  	_ =	swait.ge @!p0 [sflag:s23], $0x4000  }
0x19: {  	s24 =	sshll.u32 s22, $0x11;
	[sflag:s23] =	ssyncset.done @!p0 $0x0  }
0x1a: {  	s25 =	simm.s32 $0x8900;
	[sflag:s23] =	ssyncadd.s32 @!p0 $0xFFFFC000;
	s23 =	simm.s32 $0xFFFFFE00  }
.LBB2_3:
0x1b: {  	s26 =	sshra.s32 s23, $0x2  }
0x1c: {  	v0 =	vld [tilespmem:s26+$0x7D80];
	_ =	sdelay $0x1  }
0x1d: {  	v1 =	vld [tilespmem:s26+$0x7E00];
	_ =	sdelay $0x1  }
0x1e: {  	v2 =	vld [tilespmem:s26+$0x7E80]  }
0x1f: {  	v6 =	vshll.u32 v0, $0x5  }
0x20: {  	v59 =	vld [tilespmem:s26+$0x7F00];
	(v2sf) =	vpush v6, $0x0  }
0x21: {  	v7 =	vshll.u32 v1, $0x5  }
0x22: {  	v60 =	vld [tilespmem:s26+$0x7F80];
	(v2sf) =	vpush v7, $0x0  }
0x23: {  	v5 =	vshll.u32 v2, $0x5  }
0x24: {  	v61 =	vld [tilespmem:s26+$0x8000];
	(v2sf) =	vpush v5, $0x0  }
0x25: {  	v3 =	vshll.u32 v59, $0x5  }
0x26: {  	v62 =	vld [tilespmem:s26+$0x8080];
	(v2sf) =	vpush v3, $0x0  }
0x27: {  	v4 =	vshll.u32 v60, $0x5  }
0x28: {  	v8 =	vld [tilespmem:s26+$0x8100];
	(v2sf) =	vpush v4, $0x0  }
0x29: {  	v2 =	vshll.u32 v61, $0x5  }
0x2a: {  	(v2sf) =	vpush v2, $0x0  }
0x2b: {  	v1 =	vshll.u32 v62, $0x5  }
0x2c: {  	(v2sf) =	vpush v1, $0x0  }
0x2d: {  	v0 =	vshll.u32 v8, $0x5  }
0x2e: {  	(v2sf) =	vpush v0, $0x0  }
0x2f: {  	s30 =	spop (v2sf)  }
0x30: {  	v63 =	vld [tilespmem:s30+$0x0]  }
0x31: {  	v9 =	vld [tilespmem:s30+$0x10];
	s31 =	spop (v2sf)  }
0x32: {  	v10 =	vld [tilespmem:s31+$0x0]  }
0x33: {  	v11 =	vld [tilespmem:s31+$0x10];
	s28 =	spop (v2sf)  }
0x34: {  	v12 =	vld [tilespmem:s28+$0x0]  }
0x35: {  	v13 =	vld [tilespmem:s28+$0x10];
	s29 =	spop (v2sf)  }
0x36: {  	v14 =	vld [tilespmem:s29+$0x0]  }
0x37: {  	v15 =	vld [tilespmem:s29+$0x10];
	s30 =	spop (v2sf)  }
0x38: {  	v16 =	vld [tilespmem:s30+$0x0]  }
0x39: {  	v17 =	vld [tilespmem:s30+$0x10];
	s31 =	spop (v2sf)  }
0x3a: {  	v18 =	vld [tilespmem:s31+$0x0]  }
0x3b: {  	s28 =	spop (v2sf);
	v21 =	vld [tilespmem:s31+$0x10]  }
0x3c: {  	(v2sf) =	vpush v6, $0x1;
	v19 =	vld [tilespmem:s28+$0x0]  }
0x3d: {  	(v2sf) =	vpush v7, $0x1;
	s29 =	spop (v2sf);
	v23 =	vld [tilespmem:s28+$0x10]  }
0x3e: {  	(v2sf) =	vpush v5, $0x1;
	v20 =	vld [tilespmem:s29+$0x0]  }
0x3f: {  	(v2sf) =	vpush v3, $0x1;
	v24 =	vld [tilespmem:s29+$0x10]  }
0x40: {  	(v2sf) =	vpush v4, $0x1  }
0x41: {  	v8 =	vadd.bf16 v10, v63;
	v9 =	vadd.bf16 v11, v9  }
0x42: {  	v12 =	vadd.bf16 v14, v12;
	v27 =	vadd.bf16 v15, v13  }
0x43: {  	v25 =	vadd.bf16 v18, v16;
	v26 =	vadd.bf16 v20, v19  }
0x44: {  	v28 =	vadd.bf16 v21, v17;
	v10 =	vadd.bf16 v24, v23  }
0x45: {  	v8 =	vadd.bf16 v12, v8;
	v12 =	vadd.bf16 v26, v25  }
0x46: {  	v9 =	vadd.bf16 v27, v9;
	v10 =	vadd.bf16 v10, v28  }
0x47: {  	v8 =	vadd.bf16 v12, v8  }
0x48: {  	(v2sf) =	vpush v2, $0x1;
	v9 =	vadd.bf16 v10, v9  }
0x49: {  	v29 =	vunpack.i.l.bf16.f32 v8  }
0x4a: {  	(v2sf) =	vpush v1, $0x1;
	v30 =	vunpack.i.l.bf16.f32 v9;
	[tilespmem:s25+$0xFFFFFC00] =	vst v29  }
0x4b: {  	v8 =	vunpack.i.u.bf16.f32 v8;
	[tilespmem:s25+$0xFFFFFC10] =	vst v30  }
0x4c: {  	(v2sf) =	vpush v0, $0x1;
	v9 =	vunpack.i.u.bf16.f32 v9;
	[tilespmem:s25+$0xFFFFFC20] =	vst v8  }
0x4d: {  	s28 =	spop (v2sf);
	[tilespmem:s25+$0xFFFFFC30] =	vst v9  }
0x4e: {  	v8 =	vld [tilespmem:s28+$0x0]  }
0x4f: {  	s29 =	spop (v2sf);
	v9 =	vld [tilespmem:s28+$0x10]  }
0x50: {  	v10 =	vld [tilespmem:s29+$0x0]  }
0x51: {  	s30 =	spop (v2sf);
	v11 =	vld [tilespmem:s29+$0x10]  }
0x52: {  	v31 =	vld [tilespmem:s30+$0x0]  }
0x53: {  	s31 =	spop (v2sf);
	v32 =	vld [tilespmem:s30+$0x10]  }
0x54: {  	v33 =	vld [tilespmem:s31+$0x0]  }
0x55: {  	v34 =	vld [tilespmem:s31+$0x10];
	s28 =	spop (v2sf)  }
0x56: {  	v35 =	vld [tilespmem:s28+$0x0]  }
0x57: {  	v36 =	vld [tilespmem:s28+$0x10];
	s29 =	spop (v2sf)  }
0x58: {  	v37 =	vld [tilespmem:s29+$0x0]  }
0x59: {  	v38 =	vld [tilespmem:s29+$0x10];
	s30 =	spop (v2sf)  }
0x5a: {  	v39 =	vld [tilespmem:s30+$0x0]  }
0x5b: {  	s31 =	spop (v2sf);
	v22 =	vld [tilespmem:s30+$0x10]  }
0x5c: {  	(v2sf) =	vpush v6, $0x2;
	v40 =	vld [tilespmem:s31+$0x0]  }
0x5d: {  	v23 =	vld [tilespmem:s31+$0x10];
	_ =	sdelay $0x1  }
0x5e: {  	v8 =	vadd.bf16 v10, v8;
	v41 =	vadd.bf16 v33, v31  }
0x5f: {  	v9 =	vadd.bf16 v11, v9;
	v44 =	vadd.bf16 v34, v32  }
0x60: {  	v42 =	vadd.bf16 v37, v35;
	v43 =	vadd.bf16 v40, v39  }
0x61: {  	v45 =	vadd.bf16 v38, v36;
	v46 =	vadd.bf16 v23, v22  }
0x62: {  	v8 =	vadd.bf16 v41, v8;
	v47 =	vadd.bf16 v43, v42  }
0x63: {  	v9 =	vadd.bf16 v44, v9;
	v48 =	vadd.bf16 v46, v45  }
0x64: {  	v8 =	vadd.bf16 v47, v8  }
0x65: {  	v9 =	vadd.bf16 v48, v9  }
0x66: {  	v10 =	vunpack.i.l.bf16.f32 v8  }
0x67: {  	v11 =	vunpack.i.l.bf16.f32 v9;
	[tilespmem:s25+$0xFFFFFC80] =	vst v10  }
0x68: {  	v8 =	vunpack.i.u.bf16.f32 v8;
	[tilespmem:s25+$0xFFFFFC90] =	vst v11  }
0x69: {  	v9 =	vunpack.i.u.bf16.f32 v9;
	[tilespmem:s25+$0xFFFFFCA0] =	vst v8  }
0x6a: {  	s29 =	spop (v2sf);
	[tilespmem:s25+$0xFFFFFCB0] =	vst v9  }
0x6b: {  	v8 =	vld [tilespmem:s29+$0x0]  }
0x6c: {  	v9 =	vld [tilespmem:s29+$0x10];
	(v2sf) =	vpush v7, $0x2;
	_ =	sdelay $0x1  }
0x6d: {  	(v2sf) =	vpush v5, $0x2;
	_ =	sdelay $0x1  }
0x6e: {  	(v2sf) =	vpush v3, $0x2;
	_ =	sdelay $0x1  }
0x6f: {  	(v2sf) =	vpush v4, $0x2;
	_ =	sdelay $0x1  }
0x70: {  	(v2sf) =	vpush v2, $0x2;
	_ =	sdelay $0x1  }
0x71: {  	(v2sf) =	vpush v1, $0x2;
	_ =	sdelay $0x1  }
0x72: {  	(v2sf) =	vpush v0, $0x2;
	_ =	sdelay $0x2  }
0x73: {  	s30 =	spop (v2sf)  }
0x74: {  	v49 =	vld [tilespmem:s30+$0x0]  }
0x75: {  	v50 =	vld [tilespmem:s30+$0x10];
	s31 =	spop (v2sf)  }
0x76: {  	v51 =	vld [tilespmem:s31+$0x0]  }
0x77: {  	v52 =	vld [tilespmem:s31+$0x10];
	s28 =	spop (v2sf)  }
0x78: {  	v53 =	vld [tilespmem:s28+$0x0]  }
0x79: {  	v54 =	vld [tilespmem:s28+$0x10];
	s29 =	spop (v2sf)  }
0x7a: {  	v55 =	vld [tilespmem:s29+$0x0]  }
0x7b: {  	v56 =	vld [tilespmem:s29+$0x10];
	s26 =	spop (v2sf)  }
0x7c: {  	v57 =	vld [tilespmem:s26+$0x0]  }
0x7d: {  	s30 =	spop (v2sf);
	v60 =	vld [tilespmem:s26+$0x10]  }
0x7e: {  	(v2sf) =	vpush v6, $0x3;
	v58 =	vld [tilespmem:s30+$0x0]  }
0x7f: {  	(v2sf) =	vpush v7, $0x3;
	s31 =	spop (v2sf);
	v61 =	vld [tilespmem:s30+$0x10]  }
0x80: {  	(v2sf) =	vpush v5, $0x3;
	v59 =	vld [tilespmem:s31+$0x0]  }
0x81: {  	(v2sf) =	vpush v3, $0x3;
	v62 =	vld [tilespmem:s31+$0x10]  }
0x82: {  	(v2sf) =	vpush v4, $0x3  }
0x83: {  	v8 =	vadd.bf16 v49, v8;
	v9 =	vadd.bf16 v50, v9  }
0x84: {  	v12 =	vadd.bf16 v53, v51;
	v23 =	vadd.bf16 v54, v52  }
0x85: {  	v63 =	vadd.bf16 v57, v55;
	v22 =	vadd.bf16 v59, v58  }
0x86: {  	v24 =	vadd.bf16 v60, v56;
	v10 =	vadd.bf16 v62, v61  }
0x87: {  	v8 =	vadd.bf16 v12, v8;
	v12 =	vadd.bf16 v22, v63  }
0x88: {  	v9 =	vadd.bf16 v23, v9;
	v10 =	vadd.bf16 v10, v24  }
0x89: {  	v8 =	vadd.bf16 v12, v8  }
0x8a: {  	(v2sf) =	vpush v2, $0x3;
	v9 =	vadd.bf16 v10, v9  }
0x8b: {  	v25 =	vunpack.i.l.bf16.f32 v8  }
0x8c: {  	(v2sf) =	vpush v1, $0x3;
	v26 =	vunpack.i.l.bf16.f32 v9;
	[tilespmem:s25+$0xFFFFFD00] =	vst v25  }
0x8d: {  	v8 =	vunpack.i.u.bf16.f32 v8;
	[tilespmem:s25+$0xFFFFFD10] =	vst v26  }
0x8e: {  	(v2sf) =	vpush v0, $0x3;
	v9 =	vunpack.i.u.bf16.f32 v9;
	[tilespmem:s25+$0xFFFFFD20] =	vst v8  }
0x8f: {  	s29 =	spop (v2sf);
	[tilespmem:s25+$0xFFFFFD30] =	vst v9  }
0x90: {  	v8 =	vld [tilespmem:s29+$0x0]  }
0x91: {  	s30 =	spop (v2sf);
	v9 =	vld [tilespmem:s29+$0x10]  }
0x92: {  	v10 =	vld [tilespmem:s30+$0x0]  }
0x93: {  	s31 =	spop (v2sf);
	v11 =	vld [tilespmem:s30+$0x10]  }
0x94: {  	v27 =	vld [tilespmem:s31+$0x0]  }
0x95: {  	s28 =	spop (v2sf);
	v28 =	vld [tilespmem:s31+$0x10]  }
0x96: {  	v29 =	vld [tilespmem:s28+$0x0]  }
0x97: {  	v30 =	vld [tilespmem:s28+$0x10];
	s29 =	spop (v2sf)  }
0x98: {  	v31 =	vld [tilespmem:s29+$0x0]  }
0x99: {  	v32 =	vld [tilespmem:s29+$0x10];
	s26 =	spop (v2sf)  }
0x9a: {  	v33 =	vld [tilespmem:s26+$0x0]  }
0x9b: {  	s30 =	spop (v2sf);
	v36 =	vld [tilespmem:s26+$0x10]  }
0x9c: {  	(v2sf) =	vpush v6, $0x4;
	v34 =	vld [tilespmem:s30+$0x0]  }
0x9d: {  	(v2sf) =	vpush v7, $0x4;
	s31 =	spop (v2sf);
	v37 =	vld [tilespmem:s30+$0x10]  }
0x9e: {  	(v2sf) =	vpush v5, $0x4;
	v35 =	vld [tilespmem:s31+$0x0]  }
0x9f: {  	(v2sf) =	vpush v3, $0x4;
	v38 =	vld [tilespmem:s31+$0x10]  }
0xa0: {  	(v2sf) =	vpush v4, $0x4  }
0xa1: {  	v8 =	vadd.bf16 v10, v8;
	v12 =	vadd.bf16 v29, v27  }
0xa2: {  	v9 =	vadd.bf16 v11, v9;
	v41 =	vadd.bf16 v30, v28  }
0xa3: {  	v39 =	vadd.bf16 v33, v31;
	v40 =	vadd.bf16 v35, v34  }
0xa4: {  	v42 =	vadd.bf16 v36, v32;
	v10 =	vadd.bf16 v38, v37  }
0xa5: {  	v8 =	vadd.bf16 v12, v8;
	v12 =	vadd.bf16 v40, v39  }
0xa6: {  	v9 =	vadd.bf16 v41, v9;
	v10 =	vadd.bf16 v10, v42  }
0xa7: {  	v8 =	vadd.bf16 v12, v8  }
0xa8: {  	(v2sf) =	vpush v2, $0x4;
	v9 =	vadd.bf16 v10, v9  }
0xa9: {  	v43 =	vunpack.i.l.bf16.f32 v8  }
0xaa: {  	(v2sf) =	vpush v1, $0x4;
	v44 =	vunpack.i.l.bf16.f32 v9;
	[tilespmem:s25+$0xFFFFFD80] =	vst v43  }
0xab: {  	v8 =	vunpack.i.u.bf16.f32 v8;
	[tilespmem:s25+$0xFFFFFD90] =	vst v44  }
0xac: {  	(v2sf) =	vpush v0, $0x4;
	v9 =	vunpack.i.u.bf16.f32 v9;
	[tilespmem:s25+$0xFFFFFDA0] =	vst v8  }
0xad: {  	s29 =	spop (v2sf);
	[tilespmem:s25+$0xFFFFFDB0] =	vst v9  }
0xae: {  	v8 =	vld [tilespmem:s29+$0x0]  }
0xaf: {  	s30 =	spop (v2sf);
	v9 =	vld [tilespmem:s29+$0x10]  }
0xb0: {  	v10 =	vld [tilespmem:s30+$0x0]  }
0xb1: {  	s31 =	spop (v2sf);
	v11 =	vld [tilespmem:s30+$0x10]  }
0xb2: {  	v45 =	vld [tilespmem:s31+$0x0]  }
0xb3: {  	s28 =	spop (v2sf);
	v46 =	vld [tilespmem:s31+$0x10]  }
0xb4: {  	v47 =	vld [tilespmem:s28+$0x0]  }
0xb5: {  	v48 =	vld [tilespmem:s28+$0x10];
	s29 =	spop (v2sf)  }
0xb6: {  	v49 =	vld [tilespmem:s29+$0x0]  }
0xb7: {  	v50 =	vld [tilespmem:s29+$0x10];
	s26 =	spop (v2sf)  }
0xb8: {  	v51 =	vld [tilespmem:s26+$0x0]  }
0xb9: {  	s30 =	spop (v2sf);
	v54 =	vld [tilespmem:s26+$0x10]  }
0xba: {  	(v2sf) =	vpush v6, $0x5;
	v52 =	vld [tilespmem:s30+$0x0]  }
0xbb: {  	(v2sf) =	vpush v7, $0x5;
	s31 =	spop (v2sf);
	v55 =	vld [tilespmem:s30+$0x10]  }
0xbc: {  	(v2sf) =	vpush v5, $0x5;
	v53 =	vld [tilespmem:s31+$0x0]  }
0xbd: {  	(v2sf) =	vpush v3, $0x5;
	v56 =	vld [tilespmem:s31+$0x10]  }
0xbe: {  	(v2sf) =	vpush v4, $0x5  }
0xbf: {  	v8 =	vadd.bf16 v10, v8;
	v12 =	vadd.bf16 v47, v45  }
0xc0: {  	v9 =	vadd.bf16 v11, v9;
	v59 =	vadd.bf16 v48, v46  }
0xc1: {  	v57 =	vadd.bf16 v51, v49;
	v58 =	vadd.bf16 v53, v52  }
0xc2: {  	v60 =	vadd.bf16 v54, v50;
	v10 =	vadd.bf16 v56, v55  }
0xc3: {  	v8 =	vadd.bf16 v12, v8;
	v12 =	vadd.bf16 v58, v57  }
0xc4: {  	v9 =	vadd.bf16 v59, v9;
	v10 =	vadd.bf16 v10, v60  }
0xc5: {  	v8 =	vadd.bf16 v12, v8  }
0xc6: {  	(v2sf) =	vpush v2, $0x5;
	v9 =	vadd.bf16 v10, v9  }
0xc7: {  	v61 =	vunpack.i.l.bf16.f32 v8  }
0xc8: {  	(v2sf) =	vpush v1, $0x5;
	v62 =	vunpack.i.l.bf16.f32 v9;
	[tilespmem:s25+$0xFFFFFE00] =	vst v61  }
0xc9: {  	v8 =	vunpack.i.u.bf16.f32 v8;
	[tilespmem:s25+$0xFFFFFE10] =	vst v62  }
0xca: {  	(v2sf) =	vpush v0, $0x5;
	v9 =	vunpack.i.u.bf16.f32 v9;
	[tilespmem:s25+$0xFFFFFE20] =	vst v8  }
0xcb: {  	s29 =	spop (v2sf);
	[tilespmem:s25+$0xFFFFFE30] =	vst v9  }
0xcc: {  	v8 =	vld [tilespmem:s29+$0x0]  }
0xcd: {  	s30 =	spop (v2sf);
	v9 =	vld [tilespmem:s29+$0x10]  }
0xce: {  	v10 =	vld [tilespmem:s30+$0x0]  }
0xcf: {  	s31 =	spop (v2sf);
	v11 =	vld [tilespmem:s30+$0x10]  }
0xd0: {  	v63 =	vld [tilespmem:s31+$0x0]  }
0xd1: {  	s28 =	spop (v2sf);
	v24 =	vld [tilespmem:s31+$0x10]  }
0xd2: {  	v25 =	vld [tilespmem:s28+$0x0]  }
0xd3: {  	v26 =	vld [tilespmem:s28+$0x10];
	s29 =	spop (v2sf)  }
0xd4: {  	v27 =	vld [tilespmem:s29+$0x0]  }
0xd5: {  	v28 =	vld [tilespmem:s29+$0x10];
	s26 =	spop (v2sf)  }
0xd6: {  	v29 =	vld [tilespmem:s26+$0x0]  }
0xd7: {  	s30 =	spop (v2sf);
	v32 =	vld [tilespmem:s26+$0x10]  }
0xd8: {  	(v2sf) =	vpush v6, $0x6;
	v30 =	vld [tilespmem:s30+$0x0]  }
0xd9: {  	(v2sf) =	vpush v7, $0x6;
	s31 =	spop (v2sf);
	v33 =	vld [tilespmem:s30+$0x10]  }
0xda: {  	(v2sf) =	vpush v5, $0x6;
	v31 =	vld [tilespmem:s31+$0x0]  }
0xdb: {  	(v2sf) =	vpush v3, $0x6;
	v34 =	vld [tilespmem:s31+$0x10]  }
0xdc: {  	(v2sf) =	vpush v4, $0x6  }
0xdd: {  	v8 =	vadd.bf16 v10, v8;
	v12 =	vadd.bf16 v25, v63  }
0xde: {  	v9 =	vadd.bf16 v11, v9;
	v37 =	vadd.bf16 v26, v24  }
0xdf: {  	v35 =	vadd.bf16 v29, v27;
	v36 =	vadd.bf16 v31, v30  }
0xe0: {  	v38 =	vadd.bf16 v32, v28;
	v10 =	vadd.bf16 v34, v33  }
0xe1: {  	v8 =	vadd.bf16 v12, v8;
	v12 =	vadd.bf16 v36, v35  }
0xe2: {  	v9 =	vadd.bf16 v37, v9;
	v10 =	vadd.bf16 v10, v38  }
0xe3: {  	v8 =	vadd.bf16 v12, v8  }
0xe4: {  	(v2sf) =	vpush v2, $0x6;
	v9 =	vadd.bf16 v10, v9  }
0xe5: {  	v39 =	vunpack.i.l.bf16.f32 v8  }
0xe6: {  	(v2sf) =	vpush v1, $0x6;
	v40 =	vunpack.i.l.bf16.f32 v9;
	[tilespmem:s25+$0xFFFFFE80] =	vst v39  }
0xe7: {  	v8 =	vunpack.i.u.bf16.f32 v8;
	[tilespmem:s25+$0xFFFFFE90] =	vst v40  }
0xe8: {  	(v2sf) =	vpush v0, $0x6;
	v9 =	vunpack.i.u.bf16.f32 v9;
	[tilespmem:s25+$0xFFFFFEA0] =	vst v8  }
0xe9: {  	s29 =	spop (v2sf);
	[tilespmem:s25+$0xFFFFFEB0] =	vst v9  }
0xea: {  	v8 =	vld [tilespmem:s29+$0x0]  }
0xeb: {  	s30 =	spop (v2sf);
	v9 =	vld [tilespmem:s29+$0x10]  }
0xec: {  	v10 =	vld [tilespmem:s30+$0x0]  }
0xed: {  	s31 =	spop (v2sf);
	v11 =	vld [tilespmem:s30+$0x10]  }
0xee: {  	v41 =	vld [tilespmem:s31+$0x0]  }
0xef: {  	s28 =	spop (v2sf);
	v42 =	vld [tilespmem:s31+$0x10]  }
0xf0: {  	v43 =	vld [tilespmem:s28+$0x0]  }
0xf1: {  	v44 =	vld [tilespmem:s28+$0x10];
	s29 =	spop (v2sf)  }
0xf2: {  	v45 =	vld [tilespmem:s29+$0x0]  }
0xf3: {  	v46 =	vld [tilespmem:s29+$0x10];
	s26 =	spop (v2sf)  }
0xf4: {  	v47 =	vld [tilespmem:s26+$0x0]  }
0xf5: {  	s30 =	spop (v2sf);
	v50 =	vld [tilespmem:s26+$0x10]  }
0xf6: {  	(v2sf) =	vpush v6, $0x7;
	v48 =	vld [tilespmem:s30+$0x0]  }
0xf7: {  	(v2sf) =	vpush v7, $0x7;
	s31 =	spop (v2sf);
	v51 =	vld [tilespmem:s30+$0x10]  }
0xf8: {  	(v2sf) =	vpush v5, $0x7;
	v49 =	vld [tilespmem:s31+$0x0]  }
0xf9: {  	(v2sf) =	vpush v3, $0x7;
	v52 =	vld [tilespmem:s31+$0x10]  }
0xfa: {  	(v2sf) =	vpush v4, $0x7  }
0xfb: {  	v8 =	vadd.bf16 v10, v8;
	v12 =	vadd.bf16 v43, v41  }
0xfc: {  	v9 =	vadd.bf16 v11, v9;
	v55 =	vadd.bf16 v44, v42  }
0xfd: {  	v53 =	vadd.bf16 v47, v45;
	v54 =	vadd.bf16 v49, v48  }
0xfe: {  	v56 =	vadd.bf16 v50, v46;
	v10 =	vadd.bf16 v52, v51  }
0xff: {  	v8 =	vadd.bf16 v12, v8;
	v12 =	vadd.bf16 v54, v53  }
0x100: {  	v9 =	vadd.bf16 v55, v9;
	v10 =	vadd.bf16 v10, v56  }
0x101: {  	v8 =	vadd.bf16 v12, v8  }
0x102: {  	(v2sf) =	vpush v2, $0x7;
	v9 =	vadd.bf16 v10, v9  }
0x103: {  	v57 =	vunpack.i.l.bf16.f32 v8  }
0x104: {  	(v2sf) =	vpush v1, $0x7;
	v58 =	vunpack.i.l.bf16.f32 v9;
	[tilespmem:s25+$0xFFFFFF00] =	vst v57  }
0x105: {  	v8 =	vunpack.i.u.bf16.f32 v8;
	[tilespmem:s25+$0xFFFFFF10] =	vst v58  }
0x106: {  	(v2sf) =	vpush v0, $0x7;
	v9 =	vunpack.i.u.bf16.f32 v9;
	[tilespmem:s25+$0xFFFFFF20] =	vst v8  }
0x107: {  	s29 =	spop (v2sf);
	[tilespmem:s25+$0xFFFFFF30] =	vst v9  }
0x108: {  	v8 =	vld [tilespmem:s29+$0x0]  }
0x109: {  	s30 =	spop (v2sf);
	v9 =	vld [tilespmem:s29+$0x10]  }
0x10a: {  	v10 =	vld [tilespmem:s30+$0x0]  }
0x10b: {  	s31 =	spop (v2sf);
	v11 =	vld [tilespmem:s30+$0x10]  }
0x10c: {  	v59 =	vld [tilespmem:s31+$0x0]  }
0x10d: {  	s28 =	spop (v2sf);
	v60 =	vld [tilespmem:s31+$0x10]  }
0x10e: {  	v61 =	vld [tilespmem:s28+$0x0]  }
0x10f: {  	v62 =	vld [tilespmem:s28+$0x10];
	s29 =	spop (v2sf)  }
0x110: {  	v63 =	vld [tilespmem:s29+$0x0]  }
0x111: {  	v24 =	vld [tilespmem:s29+$0x10];
	s26 =	spop (v2sf)  }
0x112: {  	v25 =	vld [tilespmem:s26+$0x0]  }
0x113: {  	s30 =	spop (v2sf);
	v28 =	vld [tilespmem:s26+$0x10]  }
0x114: {  	(v2sf) =	vpush v6, $0x8;
	v26 =	vld [tilespmem:s30+$0x0]  }
0x115: {  	(v2sf) =	vpush v7, $0x8;
	s31 =	spop (v2sf);
	v29 =	vld [tilespmem:s30+$0x10]  }
0x116: {  	(v2sf) =	vpush v5, $0x8;
	v27 =	vld [tilespmem:s31+$0x0]  }
0x117: {  	(v2sf) =	vpush v3, $0x8;
	v30 =	vld [tilespmem:s31+$0x10]  }
0x118: {  	(v2sf) =	vpush v4, $0x8  }
0x119: {  	v8 =	vadd.bf16 v10, v8;
	v12 =	vadd.bf16 v61, v59  }
0x11a: {  	v9 =	vadd.bf16 v11, v9;
	v33 =	vadd.bf16 v62, v60  }
0x11b: {  	v31 =	vadd.bf16 v25, v63;
	v32 =	vadd.bf16 v27, v26  }
0x11c: {  	v34 =	vadd.bf16 v28, v24;
	v10 =	vadd.bf16 v30, v29  }
0x11d: {  	v8 =	vadd.bf16 v12, v8;
	v12 =	vadd.bf16 v32, v31  }
0x11e: {  	v9 =	vadd.bf16 v33, v9;
	v10 =	vadd.bf16 v10, v34  }
0x11f: {  	v8 =	vadd.bf16 v12, v8  }
0x120: {  	(v2sf) =	vpush v2, $0x8;
	v9 =	vadd.bf16 v10, v9  }
0x121: {  	v35 =	vunpack.i.l.bf16.f32 v8  }
0x122: {  	(v2sf) =	vpush v1, $0x8;
	v36 =	vunpack.i.l.bf16.f32 v9;
	[tilespmem:s25+$0xFFFFFF80] =	vst v35  }
0x123: {  	v8 =	vunpack.i.u.bf16.f32 v8;
	[tilespmem:s25+$0xFFFFFF90] =	vst v36  }
0x124: {  	(v2sf) =	vpush v0, $0x8;
	v9 =	vunpack.i.u.bf16.f32 v9;
	[tilespmem:s25+$0xFFFFFFA0] =	vst v8  }
0x125: {  	s29 =	spop (v2sf);
	[tilespmem:s25+$0xFFFFFFB0] =	vst v9  }
0x126: {  	v8 =	vld [tilespmem:s29+$0x0]  }
0x127: {  	s30 =	spop (v2sf);
	v9 =	vld [tilespmem:s29+$0x10]  }
0x128: {  	v10 =	vld [tilespmem:s30+$0x0]  }
0x129: {  	s31 =	spop (v2sf);
	v11 =	vld [tilespmem:s30+$0x10]  }
0x12a: {  	v37 =	vld [tilespmem:s31+$0x0]  }
0x12b: {  	s28 =	spop (v2sf);
	v38 =	vld [tilespmem:s31+$0x10]  }
0x12c: {  	v39 =	vld [tilespmem:s28+$0x0]  }
0x12d: {  	v40 =	vld [tilespmem:s28+$0x10];
	s29 =	spop (v2sf)  }
0x12e: {  	v41 =	vld [tilespmem:s29+$0x0]  }
0x12f: {  	v42 =	vld [tilespmem:s29+$0x10];
	s26 =	spop (v2sf)  }
0x130: {  	v43 =	vld [tilespmem:s26+$0x0]  }
0x131: {  	s30 =	spop (v2sf);
	v46 =	vld [tilespmem:s26+$0x10]  }
0x132: {  	(v2sf) =	vpush v6, $0x9;
	v44 =	vld [tilespmem:s30+$0x0]  }
0x133: {  	(v2sf) =	vpush v7, $0x9;
	s31 =	spop (v2sf);
	v47 =	vld [tilespmem:s30+$0x10]  }
0x134: {  	(v2sf) =	vpush v5, $0x9;
	v45 =	vld [tilespmem:s31+$0x0]  }
0x135: {  	(v2sf) =	vpush v3, $0x9;
	v48 =	vld [tilespmem:s31+$0x10]  }
0x136: {  	(v2sf) =	vpush v4, $0x9  }
0x137: {  	v8 =	vadd.bf16 v10, v8;
	v12 =	vadd.bf16 v39, v37  }
0x138: {  	v9 =	vadd.bf16 v11, v9;
	v51 =	vadd.bf16 v40, v38  }
0x139: {  	v49 =	vadd.bf16 v43, v41;
	v50 =	vadd.bf16 v45, v44  }
0x13a: {  	v52 =	vadd.bf16 v46, v42;
	v10 =	vadd.bf16 v48, v47  }
0x13b: {  	v8 =	vadd.bf16 v12, v8;
	v12 =	vadd.bf16 v50, v49  }
0x13c: {  	v9 =	vadd.bf16 v51, v9;
	v10 =	vadd.bf16 v10, v52  }
0x13d: {  	v8 =	vadd.bf16 v12, v8  }
0x13e: {  	(v2sf) =	vpush v2, $0x9;
	v9 =	vadd.bf16 v10, v9  }
0x13f: {  	v53 =	vunpack.i.l.bf16.f32 v8  }
0x140: {  	(v2sf) =	vpush v1, $0x9;
	v54 =	vunpack.i.l.bf16.f32 v9;
	[tilespmem:s25+$0x0] =	vst v53  }
0x141: {  	v8 =	vunpack.i.u.bf16.f32 v8;
	[tilespmem:s25+$0x10] =	vst v54  }
0x142: {  	(v2sf) =	vpush v0, $0x9;
	v9 =	vunpack.i.u.bf16.f32 v9;
	[tilespmem:s25+$0x20] =	vst v8  }
0x143: {  	s29 =	spop (v2sf);
	[tilespmem:s25+$0x30] =	vst v9  }
0x144: {  	v8 =	vld [tilespmem:s29+$0x0]  }
0x145: {  	s30 =	spop (v2sf);
	v9 =	vld [tilespmem:s29+$0x10]  }
0x146: {  	v10 =	vld [tilespmem:s30+$0x0]  }
0x147: {  	s31 =	spop (v2sf);
	v11 =	vld [tilespmem:s30+$0x10]  }
0x148: {  	v55 =	vld [tilespmem:s31+$0x0]  }
0x149: {  	s28 =	spop (v2sf);
	v56 =	vld [tilespmem:s31+$0x10]  }
0x14a: {  	v57 =	vld [tilespmem:s28+$0x0]  }
0x14b: {  	v58 =	vld [tilespmem:s28+$0x10];
	s29 =	spop (v2sf)  }
0x14c: {  	v59 =	vld [tilespmem:s29+$0x0]  }
0x14d: {  	v60 =	vld [tilespmem:s29+$0x10];
	s26 =	spop (v2sf)  }
0x14e: {  	v61 =	vld [tilespmem:s26+$0x0]  }
0x14f: {  	s30 =	spop (v2sf);
	v24 =	vld [tilespmem:s26+$0x10]  }
0x150: {  	(v2sf) =	vpush v6, $0xA;
	v62 =	vld [tilespmem:s30+$0x0]  }
0x151: {  	(v2sf) =	vpush v7, $0xA;
	s31 =	spop (v2sf);
	v25 =	vld [tilespmem:s30+$0x10]  }
0x152: {  	(v2sf) =	vpush v5, $0xA;
	v63 =	vld [tilespmem:s31+$0x0]  }
0x153: {  	(v2sf) =	vpush v3, $0xA;
	v26 =	vld [tilespmem:s31+$0x10]  }
0x154: {  	(v2sf) =	vpush v4, $0xA  }
0x155: {  	v8 =	vadd.bf16 v10, v8;
	v12 =	vadd.bf16 v57, v55  }
0x156: {  	v9 =	vadd.bf16 v11, v9;
	v29 =	vadd.bf16 v58, v56  }
0x157: {  	v27 =	vadd.bf16 v61, v59;
	v28 =	vadd.bf16 v63, v62  }
0x158: {  	v30 =	vadd.bf16 v24, v60;
	v10 =	vadd.bf16 v26, v25  }
0x159: {  	v8 =	vadd.bf16 v12, v8;
	v12 =	vadd.bf16 v28, v27  }
0x15a: {  	v9 =	vadd.bf16 v29, v9;
	v10 =	vadd.bf16 v10, v30  }
0x15b: {  	v8 =	vadd.bf16 v12, v8  }
0x15c: {  	(v2sf) =	vpush v2, $0xA;
	v9 =	vadd.bf16 v10, v9  }
0x15d: {  	v31 =	vunpack.i.l.bf16.f32 v8  }
0x15e: {  	(v2sf) =	vpush v1, $0xA;
	v32 =	vunpack.i.l.bf16.f32 v9;
	[tilespmem:s25+$0x80] =	vst v31  }
0x15f: {  	v8 =	vunpack.i.u.bf16.f32 v8;
	[tilespmem:s25+$0x90] =	vst v32  }
0x160: {  	(v2sf) =	vpush v0, $0xA;
	v9 =	vunpack.i.u.bf16.f32 v9;
	[tilespmem:s25+$0xA0] =	vst v8  }
0x161: {  	s29 =	spop (v2sf);
	[tilespmem:s25+$0xB0] =	vst v9  }
0x162: {  	v8 =	vld [tilespmem:s29+$0x0]  }
0x163: {  	s30 =	spop (v2sf);
	v9 =	vld [tilespmem:s29+$0x10]  }
0x164: {  	v10 =	vld [tilespmem:s30+$0x0]  }
0x165: {  	s31 =	spop (v2sf);
	v11 =	vld [tilespmem:s30+$0x10]  }
0x166: {  	v33 =	vld [tilespmem:s31+$0x0]  }
0x167: {  	s28 =	spop (v2sf);
	v34 =	vld [tilespmem:s31+$0x10]  }
0x168: {  	v35 =	vld [tilespmem:s28+$0x0]  }
0x169: {  	v36 =	vld [tilespmem:s28+$0x10];
	s29 =	spop (v2sf)  }
0x16a: {  	v37 =	vld [tilespmem:s29+$0x0]  }
0x16b: {  	v38 =	vld [tilespmem:s29+$0x10];
	s26 =	spop (v2sf)  }
0x16c: {  	v39 =	vld [tilespmem:s26+$0x0]  }
0x16d: {  	s30 =	spop (v2sf);
	v42 =	vld [tilespmem:s26+$0x10]  }
0x16e: {  	(v2sf) =	vpush v6, $0xB;
	v40 =	vld [tilespmem:s30+$0x0]  }
0x16f: {  	(v2sf) =	vpush v7, $0xB;
	s31 =	spop (v2sf);
	v43 =	vld [tilespmem:s30+$0x10]  }
0x170: {  	(v2sf) =	vpush v5, $0xB;
	v41 =	vld [tilespmem:s31+$0x0]  }
0x171: {  	(v2sf) =	vpush v3, $0xB;
	v44 =	vld [tilespmem:s31+$0x10]  }
0x172: {  	(v2sf) =	vpush v4, $0xB  }
0x173: {  	v8 =	vadd.bf16 v10, v8;
	v12 =	vadd.bf16 v35, v33  }
0x174: {  	v9 =	vadd.bf16 v11, v9;
	v47 =	vadd.bf16 v36, v34  }
0x175: {  	v45 =	vadd.bf16 v39, v37;
	v46 =	vadd.bf16 v41, v40  }
0x176: {  	v48 =	vadd.bf16 v42, v38;
	v10 =	vadd.bf16 v44, v43  }
0x177: {  	v8 =	vadd.bf16 v12, v8;
	v12 =	vadd.bf16 v46, v45  }
0x178: {  	v9 =	vadd.bf16 v47, v9;
	v10 =	vadd.bf16 v10, v48  }
0x179: {  	v8 =	vadd.bf16 v12, v8  }
0x17a: {  	(v2sf) =	vpush v2, $0xB;
	v9 =	vadd.bf16 v10, v9  }
0x17b: {  	v49 =	vunpack.i.l.bf16.f32 v8  }
0x17c: {  	(v2sf) =	vpush v1, $0xB;
	v50 =	vunpack.i.l.bf16.f32 v9;
	[tilespmem:s25+$0x100] =	vst v49  }
0x17d: {  	v8 =	vunpack.i.u.bf16.f32 v8;
	[tilespmem:s25+$0x110] =	vst v50  }
0x17e: {  	(v2sf) =	vpush v0, $0xB;
	v9 =	vunpack.i.u.bf16.f32 v9;
	[tilespmem:s25+$0x120] =	vst v8  }
0x17f: {  	s29 =	spop (v2sf);
	[tilespmem:s25+$0x130] =	vst v9  }
0x180: {  	v8 =	vld [tilespmem:s29+$0x0]  }
0x181: {  	s30 =	spop (v2sf);
	v9 =	vld [tilespmem:s29+$0x10]  }
0x182: {  	v10 =	vld [tilespmem:s30+$0x0]  }
0x183: {  	s31 =	spop (v2sf);
	v11 =	vld [tilespmem:s30+$0x10]  }
0x184: {  	v51 =	vld [tilespmem:s31+$0x0]  }
0x185: {  	s28 =	spop (v2sf);
	v52 =	vld [tilespmem:s31+$0x10]  }
0x186: {  	v53 =	vld [tilespmem:s28+$0x0]  }
0x187: {  	v54 =	vld [tilespmem:s28+$0x10];
	s29 =	spop (v2sf)  }
0x188: {  	v55 =	vld [tilespmem:s29+$0x0]  }
0x189: {  	v56 =	vld [tilespmem:s29+$0x10];
	s26 =	spop (v2sf)  }
0x18a: {  	v57 =	vld [tilespmem:s26+$0x0]  }
0x18b: {  	s30 =	spop (v2sf);
	v60 =	vld [tilespmem:s26+$0x10]  }
0x18c: {  	(v2sf) =	vpush v6, $0xC;
	v58 =	vld [tilespmem:s30+$0x0]  }
0x18d: {  	(v2sf) =	vpush v7, $0xC;
	s31 =	spop (v2sf);
	v61 =	vld [tilespmem:s30+$0x10]  }
0x18e: {  	(v2sf) =	vpush v5, $0xC;
	v59 =	vld [tilespmem:s31+$0x0]  }
0x18f: {  	(v2sf) =	vpush v3, $0xC;
	v62 =	vld [tilespmem:s31+$0x10]  }
0x190: {  	(v2sf) =	vpush v4, $0xC  }
0x191: {  	v8 =	vadd.bf16 v10, v8;
	v12 =	vadd.bf16 v53, v51  }
0x192: {  	v9 =	vadd.bf16 v11, v9;
	v23 =	vadd.bf16 v54, v52  }
0x193: {  	v63 =	vadd.bf16 v57, v55;
	v22 =	vadd.bf16 v59, v58  }
0x194: {  	v24 =	vadd.bf16 v60, v56;
	v10 =	vadd.bf16 v62, v61  }
0x195: {  	v8 =	vadd.bf16 v12, v8;
	v12 =	vadd.bf16 v22, v63  }
0x196: {  	v9 =	vadd.bf16 v23, v9;
	v10 =	vadd.bf16 v10, v24  }
0x197: {  	v8 =	vadd.bf16 v12, v8  }
0x198: {  	(v2sf) =	vpush v2, $0xC;
	v9 =	vadd.bf16 v10, v9  }
0x199: {  	v25 =	vunpack.i.l.bf16.f32 v8  }
0x19a: {  	(v2sf) =	vpush v1, $0xC;
	v26 =	vunpack.i.l.bf16.f32 v9;
	[tilespmem:s25+$0x180] =	vst v25  }
0x19b: {  	v8 =	vunpack.i.u.bf16.f32 v8;
	[tilespmem:s25+$0x190] =	vst v26  }
0x19c: {  	(v2sf) =	vpush v0, $0xC;
	v9 =	vunpack.i.u.bf16.f32 v9;
	[tilespmem:s25+$0x1A0] =	vst v8  }
0x19d: {  	s29 =	spop (v2sf);
	[tilespmem:s25+$0x1B0] =	vst v9  }
0x19e: {  	v8 =	vld [tilespmem:s29+$0x0]  }
0x19f: {  	s30 =	spop (v2sf);
	v9 =	vld [tilespmem:s29+$0x10]  }
0x1a0: {  	v10 =	vld [tilespmem:s30+$0x0]  }
0x1a1: {  	s31 =	spop (v2sf);
	v11 =	vld [tilespmem:s30+$0x10]  }
0x1a2: {  	v27 =	vld [tilespmem:s31+$0x0]  }
0x1a3: {  	s28 =	spop (v2sf);
	v28 =	vld [tilespmem:s31+$0x10]  }
0x1a4: {  	v29 =	vld [tilespmem:s28+$0x0]  }
0x1a5: {  	v30 =	vld [tilespmem:s28+$0x10];
	s29 =	spop (v2sf)  }
0x1a6: {  	v31 =	vld [tilespmem:s29+$0x0]  }
0x1a7: {  	v32 =	vld [tilespmem:s29+$0x10];
	s26 =	spop (v2sf)  }
0x1a8: {  	v33 =	vld [tilespmem:s26+$0x0]  }
0x1a9: {  	s30 =	spop (v2sf);
	v36 =	vld [tilespmem:s26+$0x10]  }
0x1aa: {  	(v2sf) =	vpush v6, $0xD;
	v34 =	vld [tilespmem:s30+$0x0]  }
0x1ab: {  	(v2sf) =	vpush v7, $0xD;
	s31 =	spop (v2sf);
	v37 =	vld [tilespmem:s30+$0x10]  }
0x1ac: {  	(v2sf) =	vpush v5, $0xD;
	v35 =	vld [tilespmem:s31+$0x0]  }
0x1ad: {  	(v2sf) =	vpush v3, $0xD;
	v38 =	vld [tilespmem:s31+$0x10]  }
0x1ae: {  	(v2sf) =	vpush v4, $0xD  }
0x1af: {  	v8 =	vadd.bf16 v10, v8;
	v12 =	vadd.bf16 v29, v27  }
0x1b0: {  	v9 =	vadd.bf16 v11, v9;
	v41 =	vadd.bf16 v30, v28  }
0x1b1: {  	v39 =	vadd.bf16 v33, v31;
	v40 =	vadd.bf16 v35, v34  }
0x1b2: {  	v42 =	vadd.bf16 v36, v32;
	v10 =	vadd.bf16 v38, v37  }
0x1b3: {  	v8 =	vadd.bf16 v12, v8;
	v12 =	vadd.bf16 v40, v39  }
0x1b4: {  	v9 =	vadd.bf16 v41, v9;
	v10 =	vadd.bf16 v10, v42  }
0x1b5: {  	v8 =	vadd.bf16 v12, v8  }
0x1b6: {  	(v2sf) =	vpush v2, $0xD;
	v9 =	vadd.bf16 v10, v9  }
0x1b7: {  	v43 =	vunpack.i.l.bf16.f32 v8  }
0x1b8: {  	(v2sf) =	vpush v1, $0xD;
	v44 =	vunpack.i.l.bf16.f32 v9;
	[tilespmem:s25+$0x200] =	vst v43  }
0x1b9: {  	v8 =	vunpack.i.u.bf16.f32 v8;
	[tilespmem:s25+$0x210] =	vst v44  }
0x1ba: {  	(v2sf) =	vpush v0, $0xD;
	v9 =	vunpack.i.u.bf16.f32 v9;
	[tilespmem:s25+$0x220] =	vst v8  }
0x1bb: {  	s29 =	spop (v2sf);
	[tilespmem:s25+$0x230] =	vst v9  }
0x1bc: {  	v8 =	vld [tilespmem:s29+$0x0]  }
0x1bd: {  	s30 =	spop (v2sf);
	v9 =	vld [tilespmem:s29+$0x10]  }
0x1be: {  	v10 =	vld [tilespmem:s30+$0x0]  }
0x1bf: {  	s31 =	spop (v2sf);
	v11 =	vld [tilespmem:s30+$0x10]  }
0x1c0: {  	v45 =	vld [tilespmem:s31+$0x0]  }
0x1c1: {  	s28 =	spop (v2sf);
	v46 =	vld [tilespmem:s31+$0x10]  }
0x1c2: {  	v47 =	vld [tilespmem:s28+$0x0]  }
0x1c3: {  	v48 =	vld [tilespmem:s28+$0x10];
	s29 =	spop (v2sf)  }
0x1c4: {  	v49 =	vld [tilespmem:s29+$0x0]  }
0x1c5: {  	v50 =	vld [tilespmem:s29+$0x10];
	s26 =	spop (v2sf)  }
0x1c6: {  	v51 =	vld [tilespmem:s26+$0x0]  }
0x1c7: {  	s30 =	spop (v2sf);
	v54 =	vld [tilespmem:s26+$0x10]  }
0x1c8: {  	(v2sf) =	vpush v6, $0xE;
	v52 =	vld [tilespmem:s30+$0x0]  }
0x1c9: {  	(v2sf) =	vpush v7, $0xE;
	s31 =	spop (v2sf);
	v55 =	vld [tilespmem:s30+$0x10]  }
0x1ca: {  	(v2sf) =	vpush v5, $0xE;
	v53 =	vld [tilespmem:s31+$0x0]  }
0x1cb: {  	(v2sf) =	vpush v3, $0xE;
	v56 =	vld [tilespmem:s31+$0x10]  }
0x1cc: {  	(v2sf) =	vpush v4, $0xE  }
0x1cd: {  	v8 =	vadd.bf16 v10, v8;
	v12 =	vadd.bf16 v47, v45  }
0x1ce: {  	v9 =	vadd.bf16 v11, v9;
	v59 =	vadd.bf16 v48, v46  }
0x1cf: {  	v57 =	vadd.bf16 v51, v49;
	v58 =	vadd.bf16 v53, v52  }
0x1d0: {  	v60 =	vadd.bf16 v54, v50;
	v10 =	vadd.bf16 v56, v55  }
0x1d1: {  	v8 =	vadd.bf16 v12, v8;
	v12 =	vadd.bf16 v58, v57  }
0x1d2: {  	v9 =	vadd.bf16 v59, v9;
	v10 =	vadd.bf16 v10, v60  }
0x1d3: {  	v8 =	vadd.bf16 v12, v8  }
0x1d4: {  	(v2sf) =	vpush v2, $0xE;
	v9 =	vadd.bf16 v10, v9  }
0x1d5: {  	v61 =	vunpack.i.l.bf16.f32 v8  }
0x1d6: {  	(v2sf) =	vpush v1, $0xE;
	v62 =	vunpack.i.l.bf16.f32 v9;
	[tilespmem:s25+$0x280] =	vst v61  }
0x1d7: {  	v8 =	vunpack.i.u.bf16.f32 v8;
	[tilespmem:s25+$0x290] =	vst v62  }
0x1d8: {  	(v2sf) =	vpush v0, $0xE;
	v9 =	vunpack.i.u.bf16.f32 v9;
	[tilespmem:s25+$0x2A0] =	vst v8  }
0x1d9: {  	s29 =	spop (v2sf);
	[tilespmem:s25+$0x2B0] =	vst v9  }
0x1da: {  	v8 =	vld [tilespmem:s29+$0x0]  }
0x1db: {  	s30 =	spop (v2sf);
	v9 =	vld [tilespmem:s29+$0x10]  }
0x1dc: {  	v10 =	vld [tilespmem:s30+$0x0]  }
0x1dd: {  	s31 =	spop (v2sf);
	v11 =	vld [tilespmem:s30+$0x10]  }
0x1de: {  	v63 =	vld [tilespmem:s31+$0x0]  }
0x1df: {  	s28 =	spop (v2sf);
	v24 =	vld [tilespmem:s31+$0x10]  }
0x1e0: {  	v25 =	vld [tilespmem:s28+$0x0]  }
0x1e1: {  	v26 =	vld [tilespmem:s28+$0x10];
	s29 =	spop (v2sf)  }
0x1e2: {  	v27 =	vld [tilespmem:s29+$0x0]  }
0x1e3: {  	v28 =	vld [tilespmem:s29+$0x10];
	s26 =	spop (v2sf)  }
0x1e4: {  	v29 =	vld [tilespmem:s26+$0x0]  }
0x1e5: {  	s30 =	spop (v2sf);
	v32 =	vld [tilespmem:s26+$0x10]  }
0x1e6: {  	(v2sf) =	vpush v6, $0xF;
	v30 =	vld [tilespmem:s30+$0x0]  }
0x1e7: {  	(v2sf) =	vpush v7, $0xF;
	s31 =	spop (v2sf);
	v33 =	vld [tilespmem:s30+$0x10]  }
0x1e8: {  	(v2sf) =	vpush v5, $0xF;
	v31 =	vld [tilespmem:s31+$0x0]  }
0x1e9: {  	(v2sf) =	vpush v3, $0xF;
	v34 =	vld [tilespmem:s31+$0x10]  }
0x1ea: {  	(v2sf) =	vpush v4, $0xF  }
0x1eb: {  	v8 =	vadd.bf16 v10, v8;
	v12 =	vadd.bf16 v25, v63  }
0x1ec: {  	v9 =	vadd.bf16 v11, v9;
	v37 =	vadd.bf16 v26, v24  }
0x1ed: {  	v35 =	vadd.bf16 v29, v27;
	v36 =	vadd.bf16 v31, v30  }
0x1ee: {  	v38 =	vadd.bf16 v32, v28;
	v6 =	vadd.bf16 v34, v33  }
0x1ef: {  	v8 =	vadd.bf16 v12, v8;
	v39 =	vadd.bf16 v36, v35  }
0x1f0: {  	v5 =	vadd.bf16 v37, v9;
	v6 =	vadd.bf16 v6, v38  }
0x1f1: {  	v3 =	vadd.bf16 v39, v8  }
0x1f2: {  	(v2sf) =	vpush v2, $0xF;
	v40 =	vadd.bf16 v6, v5  }
0x1f3: {  	v41 =	vunpack.i.l.bf16.f32 v3  }
0x1f4: {  	(v2sf) =	vpush v1, $0xF;
	v5 =	vunpack.i.l.bf16.f32 v40;
	[tilespmem:s25+$0x300] =	vst v41  }
0x1f5: {  	v42 =	vunpack.i.u.bf16.f32 v3;
	[tilespmem:s25+$0x310] =	vst v5  }
0x1f6: {  	(v2sf) =	vpush v0, $0xF;
	v43 =	vunpack.i.u.bf16.f32 v40;
	[tilespmem:s25+$0x320] =	vst v42  }
0x1f7: {  	s30 =	spop (v2sf);
	[tilespmem:s25+$0x330] =	vst v43  }
0x1f8: {  	v0 =	vld [tilespmem:s30+$0x0]  }
0x1f9: {  	s31 =	spop (v2sf);
	v1 =	vld [tilespmem:s30+$0x10]  }
0x1fa: {  	v2 =	vld [tilespmem:s31+$0x0]  }
0x1fb: {  	s29 =	spop (v2sf);
	v44 =	vld [tilespmem:s31+$0x10]  }
0x1fc: {  	v45 =	vld [tilespmem:s29+$0x0]  }
0x1fd: {  	s30 =	spop (v2sf);
	v5 =	vld [tilespmem:s29+$0x10]  }
0x1fe: {  	v46 =	vld [tilespmem:s30+$0x0]  }
0x1ff: {  	s31 =	spop (v2sf);
	v47 =	vld [tilespmem:s30+$0x10]  }
0x200: {  	v48 =	vld [tilespmem:s31+$0x0]  }
0x201: {  	s29 =	spop (v2sf);
	v49 =	vld [tilespmem:s31+$0x10]  }
0x202: {  	v50 =	vld [tilespmem:s29+$0x0]  }
0x203: {  	s30 =	spop (v2sf);
	v51 =	vld [tilespmem:s29+$0x10]  }
0x204: {  	v52 =	vld [tilespmem:s30+$0x0]  }
0x205: {  	s31 =	spop (v2sf);
	v54 =	vld [tilespmem:s30+$0x10]  }
0x206: {  	v53 =	vld [tilespmem:s31+$0x0]  }
0x207: {  	v55 =	vld [tilespmem:s31+$0x10];
	_ =	sdelay $0x1  }
0x208: {  	v0 =	vadd.bf16 v2, v0;
	v1 =	vadd.bf16 v44, v1  }
0x209: {  	v56 =	vadd.bf16 v46, v45;
	v59 =	vadd.bf16 v47, v5  }
0x20a: {  	v57 =	vadd.bf16 v50, v48;
	v58 =	vadd.bf16 v53, v52  }
0x20b: {  	v60 =	vadd.bf16 v51, v49;
	v61 =	vadd.bf16 v55, v54  }
0x20c: {  	v0 =	vadd.bf16 v56, v0;
	v62 =	vadd.bf16 v58, v57  }
0x20d: {  	v1 =	vadd.bf16 v59, v1;
	v63 =	vadd.bf16 v61, v60  }
0x20e: {  	v0 =	vadd.bf16 v62, v0  }
0x20f: {  	p1 =	sne.s32 s23, $0xFFFFFFC0;
	v1 =	vadd.bf16 v63, v1  }
.Ltmp0:
0x210: {  	v2 =	vunpack.i.l.bf16.f32 v0;
	(pc) =	sbr.rel @p1 .LBB2_3-.Ltmp0, $4  }
0x211: {  	v3 =	vunpack.i.l.bf16.f32 v1;
	[tilespmem:s25+$0x380] =	vst v2  }
0x212: {  	v0 =	vunpack.i.u.bf16.f32 v0;
	[tilespmem:s25+$0x390] =	vst v3  }
0x213: {  	v1 =	vunpack.i.u.bf16.f32 v1;
	[tilespmem:s25+$0x3A0] =	vst v0  }
0x214: {  	s23 =	sadd.s32 $0x40, s23;
	[tilespmem:s25+$0x3B0] =	vst v1;
	s25 =	sadd.s32 $0x800, s25  }
0x215: {  	p1 =	seq.s32 s22, $0x9  }
0x216: {  	s24 =	sor.u32 s8, s24;
	s23 =	sshll.u32 @!p1 s22, $0xD  }
0x217: {  	s26 =	simm.s32 @!p1 $0x0;
	s28 =	simm.s32 @!p1 $0x7D00;
	s25 =	sadd.s32 @!p1 s23, s7  }
0x218: {  	[tilespmem:s28], [sflag:$0x1] =	stream.linear.gather @!p1 [hbm4b:s25+s26], $0x400, $0x38;
	[tilespmem:$0x10500] =	vst v63  }
0x219: {  	s31 =	sadd.s32 s5, s24  }
0x21a: {  	[hbm4b:s31+s3] =	stream.linear.scatter [tilespmem:s16], [sflag:$0x3], $0x4000, $0x38;
	[tilespmem:$0x10500] =	vst v63  }
0x21b: {  	_ =	swait.ge [sflag:s17], $0x400  }
0x21c: {  	[sflag:s17] =	ssyncset.done $0x0  }
0x21d: {  	s25 =	simm.s32 @!p0 $0x4;
	[sflag:s17] =	ssyncadd.s32 $0xFFFFFC00  }
0x21e: {  	_ =	swait.ge @!p0 [sflag:s25], $0x4000  }
0x21f: {  	[sflag:s25] =	ssyncset.done @!p0 $0x0  }
0x220: {  	s26 =	simm.s32 $0xC900;
	[sflag:s25] =	ssyncadd.s32 @!p0 $0xFFFFC000;
	s25 =	simm.s32 $0xFFFFFE00  }
.LBB2_5:
0x221: {  	s28 =	sshra.s32 s25, $0x2  }
0x222: {  	v0 =	vld [tilespmem:s28+$0x8180];
	_ =	sdelay $0x1  }
0x223: {  	v1 =	vld [tilespmem:s28+$0x8200];
	_ =	sdelay $0x1  }
0x224: {  	v2 =	vld [tilespmem:s28+$0x8280]  }
0x225: {  	v6 =	vshll.u32 v0, $0x5  }
0x226: {  	v59 =	vld [tilespmem:s28+$0x8300];
	(v2sf) =	vpush v6, $0x0  }
0x227: {  	v7 =	vshll.u32 v1, $0x5  }
0x228: {  	v60 =	vld [tilespmem:s28+$0x8380];
	(v2sf) =	vpush v7, $0x0  }
0x229: {  	v5 =	vshll.u32 v2, $0x5  }
0x22a: {  	v61 =	vld [tilespmem:s28+$0x8400];
	(v2sf) =	vpush v5, $0x0  }
0x22b: {  	v3 =	vshll.u32 v59, $0x5  }
0x22c: {  	v62 =	vld [tilespmem:s28+$0x8480];
	(v2sf) =	vpush v3, $0x0  }
0x22d: {  	v4 =	vshll.u32 v60, $0x5  }
0x22e: {  	v8 =	vld [tilespmem:s28+$0x8500];
	(v2sf) =	vpush v4, $0x0  }
0x22f: {  	v2 =	vshll.u32 v61, $0x5  }
0x230: {  	(v2sf) =	vpush v2, $0x0  }
0x231: {  	v1 =	vshll.u32 v62, $0x5  }
0x232: {  	(v2sf) =	vpush v1, $0x0  }
0x233: {  	v0 =	vshll.u32 v8, $0x5  }
0x234: {  	(v2sf) =	vpush v0, $0x0  }
0x235: {  	s29 =	spop (v2sf)  }
0x236: {  	v63 =	vld [tilespmem:s29+$0x0]  }
0x237: {  	v9 =	vld [tilespmem:s29+$0x10];
	s30 =	spop (v2sf)  }
0x238: {  	v10 =	vld [tilespmem:s30+$0x0]  }
0x239: {  	v11 =	vld [tilespmem:s30+$0x10];
	s31 =	spop (v2sf)  }
0x23a: {  	v12 =	vld [tilespmem:s31+$0x0]  }
0x23b: {  	v13 =	vld [tilespmem:s31+$0x10];
	s29 =	spop (v2sf)  }
0x23c: {  	v14 =	vld [tilespmem:s29+$0x0]  }
0x23d: {  	v15 =	vld [tilespmem:s29+$0x10];
	s30 =	spop (v2sf)  }
0x23e: {  	v16 =	vld [tilespmem:s30+$0x0]  }
0x23f: {  	v17 =	vld [tilespmem:s30+$0x10];
	s31 =	spop (v2sf)  }
0x240: {  	v18 =	vld [tilespmem:s31+$0x0]  }
0x241: {  	s29 =	spop (v2sf);
	v21 =	vld [tilespmem:s31+$0x10]  }
0x242: {  	(v2sf) =	vpush v6, $0x1;
	v19 =	vld [tilespmem:s29+$0x0]  }
0x243: {  	(v2sf) =	vpush v7, $0x1;
	s30 =	spop (v2sf);
	v23 =	vld [tilespmem:s29+$0x10]  }
0x244: {  	(v2sf) =	vpush v5, $0x1;
	v20 =	vld [tilespmem:s30+$0x0]  }
0x245: {  	(v2sf) =	vpush v3, $0x1;
	v24 =	vld [tilespmem:s30+$0x10]  }
0x246: {  	(v2sf) =	vpush v4, $0x1  }
0x247: {  	v8 =	vadd.bf16 v10, v63;
	v9 =	vadd.bf16 v11, v9  }
0x248: {  	v12 =	vadd.bf16 v14, v12;
	v27 =	vadd.bf16 v15, v13  }
0x249: {  	v25 =	vadd.bf16 v18, v16;
	v26 =	vadd.bf16 v20, v19  }
0x24a: {  	v28 =	vadd.bf16 v21, v17;
	v10 =	vadd.bf16 v24, v23  }
0x24b: {  	v8 =	vadd.bf16 v12, v8;
	v12 =	vadd.bf16 v26, v25  }
0x24c: {  	v9 =	vadd.bf16 v27, v9;
	v10 =	vadd.bf16 v10, v28  }
0x24d: {  	v8 =	vadd.bf16 v12, v8  }
0x24e: {  	(v2sf) =	vpush v2, $0x1;
	v9 =	vadd.bf16 v10, v9  }
0x24f: {  	v29 =	vunpack.i.l.bf16.f32 v8  }
0x250: {  	(v2sf) =	vpush v1, $0x1;
	v30 =	vunpack.i.l.bf16.f32 v9;
	[tilespmem:s26+$0xFFFFFC00] =	vst v29  }
0x251: {  	v8 =	vunpack.i.u.bf16.f32 v8;
	[tilespmem:s26+$0xFFFFFC10] =	vst v30  }
0x252: {  	(v2sf) =	vpush v0, $0x1;
	v9 =	vunpack.i.u.bf16.f32 v9;
	[tilespmem:s26+$0xFFFFFC20] =	vst v8  }
0x253: {  	s30 =	spop (v2sf);
	[tilespmem:s26+$0xFFFFFC30] =	vst v9  }
0x254: {  	v8 =	vld [tilespmem:s30+$0x0]  }
0x255: {  	s31 =	spop (v2sf);
	v9 =	vld [tilespmem:s30+$0x10]  }
0x256: {  	v10 =	vld [tilespmem:s31+$0x0]  }
0x257: {  	s29 =	spop (v2sf);
	v11 =	vld [tilespmem:s31+$0x10]  }
0x258: {  	v31 =	vld [tilespmem:s29+$0x0]  }
0x259: {  	v32 =	vld [tilespmem:s29+$0x10];
	s30 =	spop (v2sf)  }
0x25a: {  	v33 =	vld [tilespmem:s30+$0x0]  }
0x25b: {  	v34 =	vld [tilespmem:s30+$0x10];
	s31 =	spop (v2sf)  }
0x25c: {  	v35 =	vld [tilespmem:s31+$0x0]  }
0x25d: {  	v36 =	vld [tilespmem:s31+$0x10];
	s29 =	spop (v2sf)  }
0x25e: {  	v37 =	vld [tilespmem:s29+$0x0]  }
0x25f: {  	v38 =	vld [tilespmem:s29+$0x10];
	s30 =	spop (v2sf)  }
0x260: {  	v39 =	vld [tilespmem:s30+$0x0]  }
0x261: {  	s31 =	spop (v2sf);
	v22 =	vld [tilespmem:s30+$0x10]  }
0x262: {  	(v2sf) =	vpush v6, $0x2;
	v40 =	vld [tilespmem:s31+$0x0]  }
0x263: {  	v23 =	vld [tilespmem:s31+$0x10];
	_ =	sdelay $0x1  }
0x264: {  	v8 =	vadd.bf16 v10, v8;
	v9 =	vadd.bf16 v11, v9  }
0x265: {  	v41 =	vadd.bf16 v33, v31;
	v44 =	vadd.bf16 v34, v32  }
0x266: {  	v42 =	vadd.bf16 v37, v35;
	v43 =	vadd.bf16 v40, v39  }
0x267: {  	v45 =	vadd.bf16 v38, v36;
	v46 =	vadd.bf16 v23, v22  }
0x268: {  	v8 =	vadd.bf16 v41, v8;
	v47 =	vadd.bf16 v43, v42  }
0x269: {  	v9 =	vadd.bf16 v44, v9;
	v48 =	vadd.bf16 v46, v45  }
0x26a: {  	v8 =	vadd.bf16 v47, v8  }
0x26b: {  	v9 =	vadd.bf16 v48, v9  }
0x26c: {  	v10 =	vunpack.i.l.bf16.f32 v8  }
0x26d: {  	v11 =	vunpack.i.l.bf16.f32 v9;
	[tilespmem:s26+$0xFFFFFC80] =	vst v10  }
0x26e: {  	v8 =	vunpack.i.u.bf16.f32 v8;
	[tilespmem:s26+$0xFFFFFC90] =	vst v11  }
0x26f: {  	v9 =	vunpack.i.u.bf16.f32 v9;
	[tilespmem:s26+$0xFFFFFCA0] =	vst v8  }
0x270: {  	s29 =	spop (v2sf);
	[tilespmem:s26+$0xFFFFFCB0] =	vst v9  }
0x271: {  	v8 =	vld [tilespmem:s29+$0x0]  }
0x272: {  	v9 =	vld [tilespmem:s29+$0x10];
	(v2sf) =	vpush v7, $0x2;
	_ =	sdelay $0x1  }
0x273: {  	(v2sf) =	vpush v5, $0x2;
	_ =	sdelay $0x1  }
0x274: {  	(v2sf) =	vpush v3, $0x2;
	_ =	sdelay $0x1  }
0x275: {  	(v2sf) =	vpush v4, $0x2;
	_ =	sdelay $0x1  }
0x276: {  	(v2sf) =	vpush v2, $0x2;
	_ =	sdelay $0x1  }
0x277: {  	(v2sf) =	vpush v1, $0x2;
	_ =	sdelay $0x1  }
0x278: {  	(v2sf) =	vpush v0, $0x2;
	_ =	sdelay $0x2  }
0x279: {  	s30 =	spop (v2sf)  }
0x27a: {  	v49 =	vld [tilespmem:s30+$0x0]  }
0x27b: {  	v50 =	vld [tilespmem:s30+$0x10];
	s31 =	spop (v2sf)  }
0x27c: {  	v51 =	vld [tilespmem:s31+$0x0]  }
0x27d: {  	v52 =	vld [tilespmem:s31+$0x10];
	s29 =	spop (v2sf)  }
0x27e: {  	v53 =	vld [tilespmem:s29+$0x0]  }
0x27f: {  	v54 =	vld [tilespmem:s29+$0x10];
	s30 =	spop (v2sf)  }
0x280: {  	v55 =	vld [tilespmem:s30+$0x0]  }
0x281: {  	v56 =	vld [tilespmem:s30+$0x10];
	s28 =	spop (v2sf)  }
0x282: {  	v57 =	vld [tilespmem:s28+$0x0]  }
0x283: {  	s29 =	spop (v2sf);
	v60 =	vld [tilespmem:s28+$0x10]  }
0x284: {  	(v2sf) =	vpush v6, $0x3;
	v58 =	vld [tilespmem:s29+$0x0]  }
0x285: {  	(v2sf) =	vpush v7, $0x3;
	s31 =	spop (v2sf);
	v61 =	vld [tilespmem:s29+$0x10]  }
0x286: {  	(v2sf) =	vpush v5, $0x3;
	v59 =	vld [tilespmem:s31+$0x0]  }
0x287: {  	(v2sf) =	vpush v3, $0x3;
	v62 =	vld [tilespmem:s31+$0x10]  }
0x288: {  	(v2sf) =	vpush v4, $0x3  }
0x289: {  	v8 =	vadd.bf16 v49, v8;
	v9 =	vadd.bf16 v50, v9  }
0x28a: {  	v12 =	vadd.bf16 v53, v51;
	v23 =	vadd.bf16 v54, v52  }
0x28b: {  	v63 =	vadd.bf16 v57, v55;
	v22 =	vadd.bf16 v59, v58  }
0x28c: {  	v24 =	vadd.bf16 v60, v56;
	v10 =	vadd.bf16 v62, v61  }
0x28d: {  	v8 =	vadd.bf16 v12, v8;
	v12 =	vadd.bf16 v22, v63  }
0x28e: {  	v9 =	vadd.bf16 v23, v9;
	v10 =	vadd.bf16 v10, v24  }
0x28f: {  	v8 =	vadd.bf16 v12, v8  }
0x290: {  	(v2sf) =	vpush v2, $0x3;
	v9 =	vadd.bf16 v10, v9  }
0x291: {  	v25 =	vunpack.i.l.bf16.f32 v8  }
0x292: {  	(v2sf) =	vpush v1, $0x3;
	v26 =	vunpack.i.l.bf16.f32 v9;
	[tilespmem:s26+$0xFFFFFD00] =	vst v25  }
0x293: {  	v8 =	vunpack.i.u.bf16.f32 v8;
	[tilespmem:s26+$0xFFFFFD10] =	vst v26  }
0x294: {  	(v2sf) =	vpush v0, $0x3;
	v9 =	vunpack.i.u.bf16.f32 v9;
	[tilespmem:s26+$0xFFFFFD20] =	vst v8  }
0x295: {  	s29 =	spop (v2sf);
	[tilespmem:s26+$0xFFFFFD30] =	vst v9  }
0x296: {  	v8 =	vld [tilespmem:s29+$0x0]  }
0x297: {  	s30 =	spop (v2sf);
	v9 =	vld [tilespmem:s29+$0x10]  }
0x298: {  	v10 =	vld [tilespmem:s30+$0x0]  }
0x299: {  	s31 =	spop (v2sf);
	v11 =	vld [tilespmem:s30+$0x10]  }
0x29a: {  	v27 =	vld [tilespmem:s31+$0x0]  }
0x29b: {  	v28 =	vld [tilespmem:s31+$0x10];
	s29 =	spop (v2sf)  }
0x29c: {  	v29 =	vld [tilespmem:s29+$0x0]  }
0x29d: {  	v30 =	vld [tilespmem:s29+$0x10];
	s30 =	spop (v2sf)  }
0x29e: {  	v31 =	vld [tilespmem:s30+$0x0]  }
0x29f: {  	v32 =	vld [tilespmem:s30+$0x10];
	s28 =	spop (v2sf)  }
0x2a0: {  	v33 =	vld [tilespmem:s28+$0x0]  }
0x2a1: {  	s29 =	spop (v2sf);
	v36 =	vld [tilespmem:s28+$0x10]  }
0x2a2: {  	(v2sf) =	vpush v6, $0x4;
	v34 =	vld [tilespmem:s29+$0x0]  }
0x2a3: {  	(v2sf) =	vpush v7, $0x4;
	s31 =	spop (v2sf);
	v37 =	vld [tilespmem:s29+$0x10]  }
0x2a4: {  	(v2sf) =	vpush v5, $0x4;
	v35 =	vld [tilespmem:s31+$0x0]  }
0x2a5: {  	(v2sf) =	vpush v3, $0x4;
	v38 =	vld [tilespmem:s31+$0x10]  }
0x2a6: {  	(v2sf) =	vpush v4, $0x4  }
0x2a7: {  	v8 =	vadd.bf16 v10, v8;
	v9 =	vadd.bf16 v11, v9  }
0x2a8: {  	v12 =	vadd.bf16 v29, v27;
	v41 =	vadd.bf16 v30, v28  }
0x2a9: {  	v39 =	vadd.bf16 v33, v31;
	v40 =	vadd.bf16 v35, v34  }
0x2aa: {  	v42 =	vadd.bf16 v36, v32;
	v10 =	vadd.bf16 v38, v37  }
0x2ab: {  	v8 =	vadd.bf16 v12, v8;
	v12 =	vadd.bf16 v40, v39  }
0x2ac: {  	v9 =	vadd.bf16 v41, v9;
	v10 =	vadd.bf16 v10, v42  }
0x2ad: {  	v8 =	vadd.bf16 v12, v8  }
0x2ae: {  	(v2sf) =	vpush v2, $0x4;
	v9 =	vadd.bf16 v10, v9  }
0x2af: {  	v43 =	vunpack.i.l.bf16.f32 v8  }
0x2b0: {  	(v2sf) =	vpush v1, $0x4;
	v44 =	vunpack.i.l.bf16.f32 v9;
	[tilespmem:s26+$0xFFFFFD80] =	vst v43  }
0x2b1: {  	v8 =	vunpack.i.u.bf16.f32 v8;
	[tilespmem:s26+$0xFFFFFD90] =	vst v44  }
0x2b2: {  	(v2sf) =	vpush v0, $0x4;
	v9 =	vunpack.i.u.bf16.f32 v9;
	[tilespmem:s26+$0xFFFFFDA0] =	vst v8  }
0x2b3: {  	s29 =	spop (v2sf);
	[tilespmem:s26+$0xFFFFFDB0] =	vst v9  }
0x2b4: {  	v8 =	vld [tilespmem:s29+$0x0]  }
0x2b5: {  	s30 =	spop (v2sf);
	v9 =	vld [tilespmem:s29+$0x10]  }
0x2b6: {  	v10 =	vld [tilespmem:s30+$0x0]  }
0x2b7: {  	s31 =	spop (v2sf);
	v11 =	vld [tilespmem:s30+$0x10]  }
0x2b8: {  	v45 =	vld [tilespmem:s31+$0x0]  }
0x2b9: {  	v46 =	vld [tilespmem:s31+$0x10];
	s29 =	spop (v2sf)  }
0x2ba: {  	v47 =	vld [tilespmem:s29+$0x0]  }
0x2bb: {  	v48 =	vld [tilespmem:s29+$0x10];
	s30 =	spop (v2sf)  }
0x2bc: {  	v49 =	vld [tilespmem:s30+$0x0]  }
0x2bd: {  	v50 =	vld [tilespmem:s30+$0x10];
	s28 =	spop (v2sf)  }
0x2be: {  	v51 =	vld [tilespmem:s28+$0x0]  }
0x2bf: {  	s29 =	spop (v2sf);
	v54 =	vld [tilespmem:s28+$0x10]  }
0x2c0: {  	(v2sf) =	vpush v6, $0x5;
	v52 =	vld [tilespmem:s29+$0x0]  }
0x2c1: {  	(v2sf) =	vpush v7, $0x5;
	s31 =	spop (v2sf);
	v55 =	vld [tilespmem:s29+$0x10]  }
0x2c2: {  	(v2sf) =	vpush v5, $0x5;
	v53 =	vld [tilespmem:s31+$0x0]  }
0x2c3: {  	(v2sf) =	vpush v3, $0x5;
	v56 =	vld [tilespmem:s31+$0x10]  }
0x2c4: {  	(v2sf) =	vpush v4, $0x5  }
0x2c5: {  	v8 =	vadd.bf16 v10, v8;
	v9 =	vadd.bf16 v11, v9  }
0x2c6: {  	v12 =	vadd.bf16 v47, v45;
	v59 =	vadd.bf16 v48, v46  }
0x2c7: {  	v57 =	vadd.bf16 v51, v49;
	v58 =	vadd.bf16 v53, v52  }
0x2c8: {  	v60 =	vadd.bf16 v54, v50;
	v10 =	vadd.bf16 v56, v55  }
0x2c9: {  	v8 =	vadd.bf16 v12, v8;
	v12 =	vadd.bf16 v58, v57  }
0x2ca: {  	v9 =	vadd.bf16 v59, v9;
	v10 =	vadd.bf16 v10, v60  }
0x2cb: {  	v8 =	vadd.bf16 v12, v8  }
0x2cc: {  	(v2sf) =	vpush v2, $0x5;
	v9 =	vadd.bf16 v10, v9  }
0x2cd: {  	v61 =	vunpack.i.l.bf16.f32 v8  }
0x2ce: {  	(v2sf) =	vpush v1, $0x5;
	v62 =	vunpack.i.l.bf16.f32 v9;
	[tilespmem:s26+$0xFFFFFE00] =	vst v61  }
0x2cf: {  	v8 =	vunpack.i.u.bf16.f32 v8;
	[tilespmem:s26+$0xFFFFFE10] =	vst v62  }
0x2d0: {  	(v2sf) =	vpush v0, $0x5;
	v9 =	vunpack.i.u.bf16.f32 v9;
	[tilespmem:s26+$0xFFFFFE20] =	vst v8  }
0x2d1: {  	s29 =	spop (v2sf);
	[tilespmem:s26+$0xFFFFFE30] =	vst v9  }
0x2d2: {  	v8 =	vld [tilespmem:s29+$0x0]  }
0x2d3: {  	s30 =	spop (v2sf);
	v9 =	vld [tilespmem:s29+$0x10]  }
0x2d4: {  	v10 =	vld [tilespmem:s30+$0x0]  }
0x2d5: {  	s31 =	spop (v2sf);
	v11 =	vld [tilespmem:s30+$0x10]  }
0x2d6: {  	v63 =	vld [tilespmem:s31+$0x0]  }
0x2d7: {  	v24 =	vld [tilespmem:s31+$0x10];
	s29 =	spop (v2sf)  }
0x2d8: {  	v25 =	vld [tilespmem:s29+$0x0]  }
0x2d9: {  	v26 =	vld [tilespmem:s29+$0x10];
	s30 =	spop (v2sf)  }
0x2da: {  	v27 =	vld [tilespmem:s30+$0x0]  }
0x2db: {  	v28 =	vld [tilespmem:s30+$0x10];
	s28 =	spop (v2sf)  }
0x2dc: {  	v29 =	vld [tilespmem:s28+$0x0]  }
0x2dd: {  	s29 =	spop (v2sf);
	v32 =	vld [tilespmem:s28+$0x10]  }
0x2de: {  	(v2sf) =	vpush v6, $0x6;
	v30 =	vld [tilespmem:s29+$0x0]  }
0x2df: {  	(v2sf) =	vpush v7, $0x6;
	s31 =	spop (v2sf);
	v33 =	vld [tilespmem:s29+$0x10]  }
0x2e0: {  	(v2sf) =	vpush v5, $0x6;
	v31 =	vld [tilespmem:s31+$0x0]  }
0x2e1: {  	(v2sf) =	vpush v3, $0x6;
	v34 =	vld [tilespmem:s31+$0x10]  }
0x2e2: {  	(v2sf) =	vpush v4, $0x6  }
0x2e3: {  	v8 =	vadd.bf16 v10, v8;
	v9 =	vadd.bf16 v11, v9  }
0x2e4: {  	v12 =	vadd.bf16 v25, v63;
	v37 =	vadd.bf16 v26, v24  }
0x2e5: {  	v35 =	vadd.bf16 v29, v27;
	v36 =	vadd.bf16 v31, v30  }
0x2e6: {  	v38 =	vadd.bf16 v32, v28;
	v10 =	vadd.bf16 v34, v33  }
0x2e7: {  	v8 =	vadd.bf16 v12, v8;
	v12 =	vadd.bf16 v36, v35  }
0x2e8: {  	v9 =	vadd.bf16 v37, v9;
	v10 =	vadd.bf16 v10, v38  }
0x2e9: {  	v8 =	vadd.bf16 v12, v8  }
0x2ea: {  	(v2sf) =	vpush v2, $0x6;
	v9 =	vadd.bf16 v10, v9  }
0x2eb: {  	v39 =	vunpack.i.l.bf16.f32 v8  }
0x2ec: {  	(v2sf) =	vpush v1, $0x6;
	v40 =	vunpack.i.l.bf16.f32 v9;
	[tilespmem:s26+$0xFFFFFE80] =	vst v39  }
0x2ed: {  	v8 =	vunpack.i.u.bf16.f32 v8;
	[tilespmem:s26+$0xFFFFFE90] =	vst v40  }
0x2ee: {  	(v2sf) =	vpush v0, $0x6;
	v9 =	vunpack.i.u.bf16.f32 v9;
	[tilespmem:s26+$0xFFFFFEA0] =	vst v8  }
0x2ef: {  	s29 =	spop (v2sf);
	[tilespmem:s26+$0xFFFFFEB0] =	vst v9  }
0x2f0: {  	v8 =	vld [tilespmem:s29+$0x0]  }
0x2f1: {  	s30 =	spop (v2sf);
	v9 =	vld [tilespmem:s29+$0x10]  }
0x2f2: {  	v10 =	vld [tilespmem:s30+$0x0]  }
0x2f3: {  	s31 =	spop (v2sf);
	v11 =	vld [tilespmem:s30+$0x10]  }
0x2f4: {  	v41 =	vld [tilespmem:s31+$0x0]  }
0x2f5: {  	v42 =	vld [tilespmem:s31+$0x10];
	s29 =	spop (v2sf)  }
0x2f6: {  	v43 =	vld [tilespmem:s29+$0x0]  }
0x2f7: {  	v44 =	vld [tilespmem:s29+$0x10];
	s30 =	spop (v2sf)  }
0x2f8: {  	v45 =	vld [tilespmem:s30+$0x0]  }
0x2f9: {  	v46 =	vld [tilespmem:s30+$0x10];
	s28 =	spop (v2sf)  }
0x2fa: {  	v47 =	vld [tilespmem:s28+$0x0]  }
0x2fb: {  	s29 =	spop (v2sf);
	v50 =	vld [tilespmem:s28+$0x10]  }
0x2fc: {  	(v2sf) =	vpush v6, $0x7;
	v48 =	vld [tilespmem:s29+$0x0]  }
0x2fd: {  	(v2sf) =	vpush v7, $0x7;
	s31 =	spop (v2sf);
	v51 =	vld [tilespmem:s29+$0x10]  }
0x2fe: {  	(v2sf) =	vpush v5, $0x7;
	v49 =	vld [tilespmem:s31+$0x0]  }
0x2ff: {  	(v2sf) =	vpush v3, $0x7;
	v52 =	vld [tilespmem:s31+$0x10]  }
0x300: {  	(v2sf) =	vpush v4, $0x7  }
0x301: {  	v8 =	vadd.bf16 v10, v8;
	v9 =	vadd.bf16 v11, v9  }
0x302: {  	v12 =	vadd.bf16 v43, v41;
	v55 =	vadd.bf16 v44, v42  }
0x303: {  	v53 =	vadd.bf16 v47, v45;
	v54 =	vadd.bf16 v49, v48  }
0x304: {  	v56 =	vadd.bf16 v50, v46;
	v10 =	vadd.bf16 v52, v51  }
0x305: {  	v8 =	vadd.bf16 v12, v8;
	v12 =	vadd.bf16 v54, v53  }
0x306: {  	v9 =	vadd.bf16 v55, v9;
	v10 =	vadd.bf16 v10, v56  }
0x307: {  	v8 =	vadd.bf16 v12, v8  }
0x308: {  	(v2sf) =	vpush v2, $0x7;
	v9 =	vadd.bf16 v10, v9  }
0x309: {  	v57 =	vunpack.i.l.bf16.f32 v8  }
0x30a: {  	(v2sf) =	vpush v1, $0x7;
	v58 =	vunpack.i.l.bf16.f32 v9;
	[tilespmem:s26+$0xFFFFFF00] =	vst v57  }
0x30b: {  	v8 =	vunpack.i.u.bf16.f32 v8;
	[tilespmem:s26+$0xFFFFFF10] =	vst v58  }
0x30c: {  	(v2sf) =	vpush v0, $0x7;
	v9 =	vunpack.i.u.bf16.f32 v9;
	[tilespmem:s26+$0xFFFFFF20] =	vst v8  }
0x30d: {  	s29 =	spop (v2sf);
	[tilespmem:s26+$0xFFFFFF30] =	vst v9  }
0x30e: {  	v8 =	vld [tilespmem:s29+$0x0]  }
0x30f: {  	s30 =	spop (v2sf);
	v9 =	vld [tilespmem:s29+$0x10]  }
0x310: {  	v10 =	vld [tilespmem:s30+$0x0]  }
0x311: {  	s31 =	spop (v2sf);
	v11 =	vld [tilespmem:s30+$0x10]  }
0x312: {  	v59 =	vld [tilespmem:s31+$0x0]  }
0x313: {  	v60 =	vld [tilespmem:s31+$0x10];
	s29 =	spop (v2sf)  }
0x314: {  	v61 =	vld [tilespmem:s29+$0x0]  }
0x315: {  	v62 =	vld [tilespmem:s29+$0x10];
	s30 =	spop (v2sf)  }
0x316: {  	v63 =	vld [tilespmem:s30+$0x0]  }
0x317: {  	v24 =	vld [tilespmem:s30+$0x10];
	s28 =	spop (v2sf)  }
0x318: {  	v25 =	vld [tilespmem:s28+$0x0]  }
0x319: {  	s29 =	spop (v2sf);
	v28 =	vld [tilespmem:s28+$0x10]  }
0x31a: {  	(v2sf) =	vpush v6, $0x8;
	v26 =	vld [tilespmem:s29+$0x0]  }
0x31b: {  	(v2sf) =	vpush v7, $0x8;
	s31 =	spop (v2sf);
	v29 =	vld [tilespmem:s29+$0x10]  }
0x31c: {  	(v2sf) =	vpush v5, $0x8;
	v27 =	vld [tilespmem:s31+$0x0]  }
0x31d: {  	(v2sf) =	vpush v3, $0x8;
	v30 =	vld [tilespmem:s31+$0x10]  }
0x31e: {  	(v2sf) =	vpush v4, $0x8  }
0x31f: {  	v8 =	vadd.bf16 v10, v8;
	v9 =	vadd.bf16 v11, v9  }
0x320: {  	v12 =	vadd.bf16 v61, v59;
	v33 =	vadd.bf16 v62, v60  }
0x321: {  	v31 =	vadd.bf16 v25, v63;
	v32 =	vadd.bf16 v27, v26  }
0x322: {  	v34 =	vadd.bf16 v28, v24;
	v10 =	vadd.bf16 v30, v29  }
0x323: {  	v8 =	vadd.bf16 v12, v8;
	v12 =	vadd.bf16 v32, v31  }
0x324: {  	v9 =	vadd.bf16 v33, v9;
	v10 =	vadd.bf16 v10, v34  }
0x325: {  	v8 =	vadd.bf16 v12, v8  }
0x326: {  	(v2sf) =	vpush v2, $0x8;
	v9 =	vadd.bf16 v10, v9  }
0x327: {  	v35 =	vunpack.i.l.bf16.f32 v8  }
0x328: {  	(v2sf) =	vpush v1, $0x8;
	v36 =	vunpack.i.l.bf16.f32 v9;
	[tilespmem:s26+$0xFFFFFF80] =	vst v35  }
0x329: {  	v8 =	vunpack.i.u.bf16.f32 v8;
	[tilespmem:s26+$0xFFFFFF90] =	vst v36  }
0x32a: {  	(v2sf) =	vpush v0, $0x8;
	v9 =	vunpack.i.u.bf16.f32 v9;
	[tilespmem:s26+$0xFFFFFFA0] =	vst v8  }
0x32b: {  	s29 =	spop (v2sf);
	[tilespmem:s26+$0xFFFFFFB0] =	vst v9  }
0x32c: {  	v8 =	vld [tilespmem:s29+$0x0]  }
0x32d: {  	s30 =	spop (v2sf);
	v9 =	vld [tilespmem:s29+$0x10]  }
0x32e: {  	v10 =	vld [tilespmem:s30+$0x0]  }
0x32f: {  	s31 =	spop (v2sf);
	v11 =	vld [tilespmem:s30+$0x10]  }
0x330: {  	v37 =	vld [tilespmem:s31+$0x0]  }
0x331: {  	v38 =	vld [tilespmem:s31+$0x10];
	s29 =	spop (v2sf)  }
0x332: {  	v39 =	vld [tilespmem:s29+$0x0]  }
0x333: {  	v40 =	vld [tilespmem:s29+$0x10];
	s30 =	spop (v2sf)  }
0x334: {  	v41 =	vld [tilespmem:s30+$0x0]  }
0x335: {  	v42 =	vld [tilespmem:s30+$0x10];
	s28 =	spop (v2sf)  }
0x336: {  	v43 =	vld [tilespmem:s28+$0x0]  }
0x337: {  	s29 =	spop (v2sf);
	v46 =	vld [tilespmem:s28+$0x10]  }
0x338: {  	(v2sf) =	vpush v6, $0x9;
	v44 =	vld [tilespmem:s29+$0x0]  }
0x339: {  	(v2sf) =	vpush v7, $0x9;
	s31 =	spop (v2sf);
	v47 =	vld [tilespmem:s29+$0x10]  }
0x33a: {  	(v2sf) =	vpush v5, $0x9;
	v45 =	vld [tilespmem:s31+$0x0]  }
0x33b: {  	(v2sf) =	vpush v3, $0x9;
	v48 =	vld [tilespmem:s31+$0x10]  }
0x33c: {  	(v2sf) =	vpush v4, $0x9  }
0x33d: {  	v8 =	vadd.bf16 v10, v8;
	v9 =	vadd.bf16 v11, v9  }
0x33e: {  	v12 =	vadd.bf16 v39, v37;
	v51 =	vadd.bf16 v40, v38  }
0x33f: {  	v49 =	vadd.bf16 v43, v41;
	v50 =	vadd.bf16 v45, v44  }
0x340: {  	v52 =	vadd.bf16 v46, v42;
	v10 =	vadd.bf16 v48, v47  }
0x341: {  	v8 =	vadd.bf16 v12, v8;
	v12 =	vadd.bf16 v50, v49  }
0x342: {  	v9 =	vadd.bf16 v51, v9;
	v10 =	vadd.bf16 v10, v52  }
0x343: {  	v8 =	vadd.bf16 v12, v8  }
0x344: {  	(v2sf) =	vpush v2, $0x9;
	v9 =	vadd.bf16 v10, v9  }
0x345: {  	v53 =	vunpack.i.l.bf16.f32 v8  }
0x346: {  	(v2sf) =	vpush v1, $0x9;
	v54 =	vunpack.i.l.bf16.f32 v9;
	[tilespmem:s26+$0x0] =	vst v53  }
0x347: {  	v8 =	vunpack.i.u.bf16.f32 v8;
	[tilespmem:s26+$0x10] =	vst v54  }
0x348: {  	(v2sf) =	vpush v0, $0x9;
	v9 =	vunpack.i.u.bf16.f32 v9;
	[tilespmem:s26+$0x20] =	vst v8  }
0x349: {  	s29 =	spop (v2sf);
	[tilespmem:s26+$0x30] =	vst v9  }
0x34a: {  	v8 =	vld [tilespmem:s29+$0x0]  }
0x34b: {  	s30 =	spop (v2sf);
	v9 =	vld [tilespmem:s29+$0x10]  }
0x34c: {  	v10 =	vld [tilespmem:s30+$0x0]  }
0x34d: {  	s31 =	spop (v2sf);
	v11 =	vld [tilespmem:s30+$0x10]  }
0x34e: {  	v55 =	vld [tilespmem:s31+$0x0]  }
0x34f: {  	v56 =	vld [tilespmem:s31+$0x10];
	s29 =	spop (v2sf)  }
0x350: {  	v57 =	vld [tilespmem:s29+$0x0]  }
0x351: {  	v58 =	vld [tilespmem:s29+$0x10];
	s30 =	spop (v2sf)  }
0x352: {  	v59 =	vld [tilespmem:s30+$0x0]  }
0x353: {  	v60 =	vld [tilespmem:s30+$0x10];
	s28 =	spop (v2sf)  }
0x354: {  	v61 =	vld [tilespmem:s28+$0x0]  }
0x355: {  	s29 =	spop (v2sf);
	v24 =	vld [tilespmem:s28+$0x10]  }
0x356: {  	(v2sf) =	vpush v6, $0xA;
	v62 =	vld [tilespmem:s29+$0x0]  }
0x357: {  	(v2sf) =	vpush v7, $0xA;
	s31 =	spop (v2sf);
	v25 =	vld [tilespmem:s29+$0x10]  }
0x358: {  	(v2sf) =	vpush v5, $0xA;
	v63 =	vld [tilespmem:s31+$0x0]  }
0x359: {  	(v2sf) =	vpush v3, $0xA;
	v26 =	vld [tilespmem:s31+$0x10]  }
0x35a: {  	(v2sf) =	vpush v4, $0xA  }
0x35b: {  	v8 =	vadd.bf16 v10, v8;
	v9 =	vadd.bf16 v11, v9  }
0x35c: {  	v12 =	vadd.bf16 v57, v55;
	v29 =	vadd.bf16 v58, v56  }
0x35d: {  	v27 =	vadd.bf16 v61, v59;
	v28 =	vadd.bf16 v63, v62  }
0x35e: {  	v30 =	vadd.bf16 v24, v60;
	v10 =	vadd.bf16 v26, v25  }
0x35f: {  	v8 =	vadd.bf16 v12, v8;
	v12 =	vadd.bf16 v28, v27  }
0x360: {  	v9 =	vadd.bf16 v29, v9;
	v10 =	vadd.bf16 v10, v30  }
0x361: {  	v8 =	vadd.bf16 v12, v8  }
0x362: {  	(v2sf) =	vpush v2, $0xA;
	v9 =	vadd.bf16 v10, v9  }
0x363: {  	v31 =	vunpack.i.l.bf16.f32 v8  }
0x364: {  	(v2sf) =	vpush v1, $0xA;
	v32 =	vunpack.i.l.bf16.f32 v9;
	[tilespmem:s26+$0x80] =	vst v31  }
0x365: {  	v8 =	vunpack.i.u.bf16.f32 v8;
	[tilespmem:s26+$0x90] =	vst v32  }
0x366: {  	(v2sf) =	vpush v0, $0xA;
	v9 =	vunpack.i.u.bf16.f32 v9;
	[tilespmem:s26+$0xA0] =	vst v8  }
0x367: {  	s29 =	spop (v2sf);
	[tilespmem:s26+$0xB0] =	vst v9  }
0x368: {  	v8 =	vld [tilespmem:s29+$0x0]  }
0x369: {  	s30 =	spop (v2sf);
	v9 =	vld [tilespmem:s29+$0x10]  }
0x36a: {  	v10 =	vld [tilespmem:s30+$0x0]  }
0x36b: {  	s31 =	spop (v2sf);
	v11 =	vld [tilespmem:s30+$0x10]  }
0x36c: {  	v33 =	vld [tilespmem:s31+$0x0]  }
0x36d: {  	v34 =	vld [tilespmem:s31+$0x10];
	s29 =	spop (v2sf)  }
0x36e: {  	v35 =	vld [tilespmem:s29+$0x0]  }
0x36f: {  	v36 =	vld [tilespmem:s29+$0x10];
	s30 =	spop (v2sf)  }
0x370: {  	v37 =	vld [tilespmem:s30+$0x0]  }
0x371: {  	v38 =	vld [tilespmem:s30+$0x10];
	s28 =	spop (v2sf)  }
0x372: {  	v39 =	vld [tilespmem:s28+$0x0]  }
0x373: {  	s29 =	spop (v2sf);
	v42 =	vld [tilespmem:s28+$0x10]  }
0x374: {  	(v2sf) =	vpush v6, $0xB;
	v40 =	vld [tilespmem:s29+$0x0]  }
0x375: {  	(v2sf) =	vpush v7, $0xB;
	s31 =	spop (v2sf);
	v43 =	vld [tilespmem:s29+$0x10]  }
0x376: {  	(v2sf) =	vpush v5, $0xB;
	v41 =	vld [tilespmem:s31+$0x0]  }
0x377: {  	(v2sf) =	vpush v3, $0xB;
	v44 =	vld [tilespmem:s31+$0x10]  }
0x378: {  	(v2sf) =	vpush v4, $0xB  }
0x379: {  	v8 =	vadd.bf16 v10, v8;
	v9 =	vadd.bf16 v11, v9  }
0x37a: {  	v12 =	vadd.bf16 v35, v33;
	v47 =	vadd.bf16 v36, v34  }
0x37b: {  	v45 =	vadd.bf16 v39, v37;
	v46 =	vadd.bf16 v41, v40  }
0x37c: {  	v48 =	vadd.bf16 v42, v38;
	v10 =	vadd.bf16 v44, v43  }
0x37d: {  	v8 =	vadd.bf16 v12, v8;
	v12 =	vadd.bf16 v46, v45  }
0x37e: {  	v9 =	vadd.bf16 v47, v9;
	v10 =	vadd.bf16 v10, v48  }
0x37f: {  	v8 =	vadd.bf16 v12, v8  }
0x380: {  	(v2sf) =	vpush v2, $0xB;
	v9 =	vadd.bf16 v10, v9  }
0x381: {  	v49 =	vunpack.i.l.bf16.f32 v8  }
0x382: {  	(v2sf) =	vpush v1, $0xB;
	v50 =	vunpack.i.l.bf16.f32 v9;
	[tilespmem:s26+$0x100] =	vst v49  }
0x383: {  	v8 =	vunpack.i.u.bf16.f32 v8;
	[tilespmem:s26+$0x110] =	vst v50  }
0x384: {  	(v2sf) =	vpush v0, $0xB;
	v9 =	vunpack.i.u.bf16.f32 v9;
	[tilespmem:s26+$0x120] =	vst v8  }
0x385: {  	s29 =	spop (v2sf);
	[tilespmem:s26+$0x130] =	vst v9  }
0x386: {  	v8 =	vld [tilespmem:s29+$0x0]  }
0x387: {  	s30 =	spop (v2sf);
	v9 =	vld [tilespmem:s29+$0x10]  }
0x388: {  	v10 =	vld [tilespmem:s30+$0x0]  }
0x389: {  	s31 =	spop (v2sf);
	v11 =	vld [tilespmem:s30+$0x10]  }
0x38a: {  	v51 =	vld [tilespmem:s31+$0x0]  }
0x38b: {  	v52 =	vld [tilespmem:s31+$0x10];
	s29 =	spop (v2sf)  }
0x38c: {  	v53 =	vld [tilespmem:s29+$0x0]  }
0x38d: {  	v54 =	vld [tilespmem:s29+$0x10];
	s30 =	spop (v2sf)  }
0x38e: {  	v55 =	vld [tilespmem:s30+$0x0]  }
0x38f: {  	v56 =	vld [tilespmem:s30+$0x10];
	s28 =	spop (v2sf)  }
0x390: {  	v57 =	vld [tilespmem:s28+$0x0]  }
0x391: {  	s29 =	spop (v2sf);
	v60 =	vld [tilespmem:s28+$0x10]  }
0x392: {  	(v2sf) =	vpush v6, $0xC;
	v58 =	vld [tilespmem:s29+$0x0]  }
0x393: {  	(v2sf) =	vpush v7, $0xC;
	s31 =	spop (v2sf);
	v61 =	vld [tilespmem:s29+$0x10]  }
0x394: {  	(v2sf) =	vpush v5, $0xC;
	v59 =	vld [tilespmem:s31+$0x0]  }
0x395: {  	(v2sf) =	vpush v3, $0xC;
	v62 =	vld [tilespmem:s31+$0x10]  }
0x396: {  	(v2sf) =	vpush v4, $0xC  }
0x397: {  	v8 =	vadd.bf16 v10, v8;
	v9 =	vadd.bf16 v11, v9  }
0x398: {  	v12 =	vadd.bf16 v53, v51;
	v23 =	vadd.bf16 v54, v52  }
0x399: {  	v63 =	vadd.bf16 v57, v55;
	v22 =	vadd.bf16 v59, v58  }
0x39a: {  	v24 =	vadd.bf16 v60, v56;
	v10 =	vadd.bf16 v62, v61  }
0x39b: {  	v8 =	vadd.bf16 v12, v8;
	v12 =	vadd.bf16 v22, v63  }
0x39c: {  	v9 =	vadd.bf16 v23, v9;
	v10 =	vadd.bf16 v10, v24  }
0x39d: {  	v8 =	vadd.bf16 v12, v8  }
0x39e: {  	(v2sf) =	vpush v2, $0xC;
	v9 =	vadd.bf16 v10, v9  }
0x39f: {  	v25 =	vunpack.i.l.bf16.f32 v8  }
0x3a0: {  	(v2sf) =	vpush v1, $0xC;
	v26 =	vunpack.i.l.bf16.f32 v9;
	[tilespmem:s26+$0x180] =	vst v25  }
0x3a1: {  	v8 =	vunpack.i.u.bf16.f32 v8;
	[tilespmem:s26+$0x190] =	vst v26  }
0x3a2: {  	(v2sf) =	vpush v0, $0xC;
	v9 =	vunpack.i.u.bf16.f32 v9;
	[tilespmem:s26+$0x1A0] =	vst v8  }
0x3a3: {  	s29 =	spop (v2sf);
	[tilespmem:s26+$0x1B0] =	vst v9  }
0x3a4: {  	v8 =	vld [tilespmem:s29+$0x0]  }
0x3a5: {  	s30 =	spop (v2sf);
	v9 =	vld [tilespmem:s29+$0x10]  }
0x3a6: {  	v10 =	vld [tilespmem:s30+$0x0]  }
0x3a7: {  	s31 =	spop (v2sf);
	v11 =	vld [tilespmem:s30+$0x10]  }
0x3a8: {  	v27 =	vld [tilespmem:s31+$0x0]  }
0x3a9: {  	v28 =	vld [tilespmem:s31+$0x10];
	s29 =	spop (v2sf)  }
0x3aa: {  	v29 =	vld [tilespmem:s29+$0x0]  }
0x3ab: {  	v30 =	vld [tilespmem:s29+$0x10];
	s30 =	spop (v2sf)  }
0x3ac: {  	v31 =	vld [tilespmem:s30+$0x0]  }
0x3ad: {  	v32 =	vld [tilespmem:s30+$0x10];
	s28 =	spop (v2sf)  }
0x3ae: {  	v33 =	vld [tilespmem:s28+$0x0]  }
0x3af: {  	s29 =	spop (v2sf);
	v36 =	vld [tilespmem:s28+$0x10]  }
0x3b0: {  	(v2sf) =	vpush v6, $0xD;
	v34 =	vld [tilespmem:s29+$0x0]  }
0x3b1: {  	(v2sf) =	vpush v7, $0xD;
	s31 =	spop (v2sf);
	v37 =	vld [tilespmem:s29+$0x10]  }
0x3b2: {  	(v2sf) =	vpush v5, $0xD;
	v35 =	vld [tilespmem:s31+$0x0]  }
0x3b3: {  	(v2sf) =	vpush v3, $0xD;
	v38 =	vld [tilespmem:s31+$0x10]  }
0x3b4: {  	(v2sf) =	vpush v4, $0xD  }
0x3b5: {  	v8 =	vadd.bf16 v10, v8;
	v9 =	vadd.bf16 v11, v9  }
0x3b6: {  	v12 =	vadd.bf16 v29, v27;
	v41 =	vadd.bf16 v30, v28  }
0x3b7: {  	v39 =	vadd.bf16 v33, v31;
	v40 =	vadd.bf16 v35, v34  }
0x3b8: {  	v42 =	vadd.bf16 v36, v32;
	v10 =	vadd.bf16 v38, v37  }
0x3b9: {  	v8 =	vadd.bf16 v12, v8;
	v12 =	vadd.bf16 v40, v39  }
0x3ba: {  	v9 =	vadd.bf16 v41, v9;
	v10 =	vadd.bf16 v10, v42  }
0x3bb: {  	v8 =	vadd.bf16 v12, v8  }
0x3bc: {  	(v2sf) =	vpush v2, $0xD;
	v9 =	vadd.bf16 v10, v9  }
0x3bd: {  	v43 =	vunpack.i.l.bf16.f32 v8  }
0x3be: {  	(v2sf) =	vpush v1, $0xD;
	v44 =	vunpack.i.l.bf16.f32 v9;
	[tilespmem:s26+$0x200] =	vst v43  }
0x3bf: {  	v8 =	vunpack.i.u.bf16.f32 v8;
	[tilespmem:s26+$0x210] =	vst v44  }
0x3c0: {  	(v2sf) =	vpush v0, $0xD;
	v9 =	vunpack.i.u.bf16.f32 v9;
	[tilespmem:s26+$0x220] =	vst v8  }
0x3c1: {  	s29 =	spop (v2sf);
	[tilespmem:s26+$0x230] =	vst v9  }
0x3c2: {  	v8 =	vld [tilespmem:s29+$0x0]  }
0x3c3: {  	s30 =	spop (v2sf);
	v9 =	vld [tilespmem:s29+$0x10]  }
0x3c4: {  	v10 =	vld [tilespmem:s30+$0x0]  }
0x3c5: {  	s31 =	spop (v2sf);
	v11 =	vld [tilespmem:s30+$0x10]  }
0x3c6: {  	v45 =	vld [tilespmem:s31+$0x0]  }
0x3c7: {  	v46 =	vld [tilespmem:s31+$0x10];
	s29 =	spop (v2sf)  }
0x3c8: {  	v47 =	vld [tilespmem:s29+$0x0]  }
0x3c9: {  	v48 =	vld [tilespmem:s29+$0x10];
	s30 =	spop (v2sf)  }
0x3ca: {  	v49 =	vld [tilespmem:s30+$0x0]  }
0x3cb: {  	v50 =	vld [tilespmem:s30+$0x10];
	s28 =	spop (v2sf)  }
0x3cc: {  	v51 =	vld [tilespmem:s28+$0x0]  }
0x3cd: {  	s29 =	spop (v2sf);
	v54 =	vld [tilespmem:s28+$0x10]  }
0x3ce: {  	(v2sf) =	vpush v6, $0xE;
	v52 =	vld [tilespmem:s29+$0x0]  }
0x3cf: {  	(v2sf) =	vpush v7, $0xE;
	s31 =	spop (v2sf);
	v55 =	vld [tilespmem:s29+$0x10]  }
0x3d0: {  	(v2sf) =	vpush v5, $0xE;
	v53 =	vld [tilespmem:s31+$0x0]  }
0x3d1: {  	(v2sf) =	vpush v3, $0xE;
	v56 =	vld [tilespmem:s31+$0x10]  }
0x3d2: {  	(v2sf) =	vpush v4, $0xE  }
0x3d3: {  	v8 =	vadd.bf16 v10, v8;
	v9 =	vadd.bf16 v11, v9  }
0x3d4: {  	v12 =	vadd.bf16 v47, v45;
	v59 =	vadd.bf16 v48, v46  }
0x3d5: {  	v57 =	vadd.bf16 v51, v49;
	v58 =	vadd.bf16 v53, v52  }
0x3d6: {  	v60 =	vadd.bf16 v54, v50;
	v10 =	vadd.bf16 v56, v55  }
0x3d7: {  	v8 =	vadd.bf16 v12, v8;
	v12 =	vadd.bf16 v58, v57  }
0x3d8: {  	v9 =	vadd.bf16 v59, v9;
	v10 =	vadd.bf16 v10, v60  }
0x3d9: {  	v8 =	vadd.bf16 v12, v8  }
0x3da: {  	(v2sf) =	vpush v2, $0xE;
	v9 =	vadd.bf16 v10, v9  }
0x3db: {  	v61 =	vunpack.i.l.bf16.f32 v8  }
0x3dc: {  	(v2sf) =	vpush v1, $0xE;
	v62 =	vunpack.i.l.bf16.f32 v9;
	[tilespmem:s26+$0x280] =	vst v61  }
0x3dd: {  	v8 =	vunpack.i.u.bf16.f32 v8;
	[tilespmem:s26+$0x290] =	vst v62  }
0x3de: {  	(v2sf) =	vpush v0, $0xE;
	v9 =	vunpack.i.u.bf16.f32 v9;
	[tilespmem:s26+$0x2A0] =	vst v8  }
0x3df: {  	s29 =	spop (v2sf);
	[tilespmem:s26+$0x2B0] =	vst v9  }
0x3e0: {  	v8 =	vld [tilespmem:s29+$0x0]  }
0x3e1: {  	s30 =	spop (v2sf);
	v9 =	vld [tilespmem:s29+$0x10]  }
0x3e2: {  	v10 =	vld [tilespmem:s30+$0x0]  }
0x3e3: {  	s31 =	spop (v2sf);
	v11 =	vld [tilespmem:s30+$0x10]  }
0x3e4: {  	v63 =	vld [tilespmem:s31+$0x0]  }
0x3e5: {  	v24 =	vld [tilespmem:s31+$0x10];
	s29 =	spop (v2sf)  }
0x3e6: {  	v25 =	vld [tilespmem:s29+$0x0]  }
0x3e7: {  	v26 =	vld [tilespmem:s29+$0x10];
	s30 =	spop (v2sf)  }
0x3e8: {  	v27 =	vld [tilespmem:s30+$0x0]  }
0x3e9: {  	v28 =	vld [tilespmem:s30+$0x10];
	s28 =	spop (v2sf)  }
0x3ea: {  	v29 =	vld [tilespmem:s28+$0x0]  }
0x3eb: {  	s29 =	spop (v2sf);
	v32 =	vld [tilespmem:s28+$0x10]  }
0x3ec: {  	(v2sf) =	vpush v6, $0xF;
	v30 =	vld [tilespmem:s29+$0x0]  }
0x3ed: {  	(v2sf) =	vpush v7, $0xF;
	s31 =	spop (v2sf);
	v33 =	vld [tilespmem:s29+$0x10]  }
0x3ee: {  	(v2sf) =	vpush v5, $0xF;
	v31 =	vld [tilespmem:s31+$0x0]  }
0x3ef: {  	(v2sf) =	vpush v3, $0xF;
	v34 =	vld [tilespmem:s31+$0x10]  }
0x3f0: {  	(v2sf) =	vpush v4, $0xF  }
0x3f1: {  	v8 =	vadd.bf16 v10, v8;
	v9 =	vadd.bf16 v11, v9  }
0x3f2: {  	v12 =	vadd.bf16 v25, v63;
	v37 =	vadd.bf16 v26, v24  }
0x3f3: {  	v35 =	vadd.bf16 v29, v27;
	v36 =	vadd.bf16 v31, v30  }
0x3f4: {  	v38 =	vadd.bf16 v32, v28;
	v6 =	vadd.bf16 v34, v33  }
0x3f5: {  	v8 =	vadd.bf16 v12, v8;
	v39 =	vadd.bf16 v36, v35  }
0x3f6: {  	v5 =	vadd.bf16 v37, v9;
	v6 =	vadd.bf16 v6, v38  }
0x3f7: {  	v3 =	vadd.bf16 v39, v8  }
0x3f8: {  	(v2sf) =	vpush v2, $0xF;
	v40 =	vadd.bf16 v6, v5  }
0x3f9: {  	v41 =	vunpack.i.l.bf16.f32 v3  }
0x3fa: {  	(v2sf) =	vpush v1, $0xF;
	v5 =	vunpack.i.l.bf16.f32 v40;
	[tilespmem:s26+$0x300] =	vst v41  }
0x3fb: {  	v42 =	vunpack.i.u.bf16.f32 v3;
	[tilespmem:s26+$0x310] =	vst v5  }
0x3fc: {  	(v2sf) =	vpush v0, $0xF;
	v43 =	vunpack.i.u.bf16.f32 v40;
	[tilespmem:s26+$0x320] =	vst v42  }
0x3fd: {  	s30 =	spop (v2sf);
	[tilespmem:s26+$0x330] =	vst v43  }
0x3fe: {  	v0 =	vld [tilespmem:s30+$0x0]  }
0x3ff: {  	s31 =	spop (v2sf);
	v1 =	vld [tilespmem:s30+$0x10]  }
0x400: {  	v2 =	vld [tilespmem:s31+$0x0]  }
0x401: {  	s30 =	spop (v2sf);
	v44 =	vld [tilespmem:s31+$0x10]  }
0x402: {  	v45 =	vld [tilespmem:s30+$0x0]  }
0x403: {  	s31 =	spop (v2sf);
	v5 =	vld [tilespmem:s30+$0x10]  }
0x404: {  	v46 =	vld [tilespmem:s31+$0x0]  }
0x405: {  	s30 =	spop (v2sf);
	v47 =	vld [tilespmem:s31+$0x10]  }
0x406: {  	v48 =	vld [tilespmem:s30+$0x0]  }
0x407: {  	s31 =	spop (v2sf);
	v49 =	vld [tilespmem:s30+$0x10]  }
0x408: {  	v50 =	vld [tilespmem:s31+$0x0]  }
0x409: {  	s30 =	spop (v2sf);
	v51 =	vld [tilespmem:s31+$0x10]  }
0x40a: {  	v52 =	vld [tilespmem:s30+$0x0]  }
0x40b: {  	s31 =	spop (v2sf);
	v54 =	vld [tilespmem:s30+$0x10]  }
0x40c: {  	v53 =	vld [tilespmem:s31+$0x0]  }
0x40d: {  	v55 =	vld [tilespmem:s31+$0x10];
	_ =	sdelay $0x1  }
0x40e: {  	v0 =	vadd.bf16 v2, v0;
	v1 =	vadd.bf16 v44, v1  }
0x40f: {  	v56 =	vadd.bf16 v46, v45;
	v59 =	vadd.bf16 v47, v5  }
0x410: {  	v57 =	vadd.bf16 v50, v48;
	v58 =	vadd.bf16 v53, v52  }
0x411: {  	v60 =	vadd.bf16 v51, v49;
	v61 =	vadd.bf16 v55, v54  }
0x412: {  	v0 =	vadd.bf16 v56, v0;
	v62 =	vadd.bf16 v58, v57  }
0x413: {  	v1 =	vadd.bf16 v59, v1;
	v63 =	vadd.bf16 v61, v60  }
0x414: {  	v0 =	vadd.bf16 v62, v0  }
0x415: {  	p0 =	sne.s32 s25, $0xFFFFFFC0;
	v1 =	vadd.bf16 v63, v1  }
.Ltmp1:
0x416: {  	v2 =	vunpack.i.l.bf16.f32 v0;
	(pc) =	sbr.rel @p0 .LBB2_5-.Ltmp1, $4  }
0x417: {  	v3 =	vunpack.i.l.bf16.f32 v1;
	[tilespmem:s26+$0x380] =	vst v2  }
0x418: {  	v0 =	vunpack.i.u.bf16.f32 v0;
	[tilespmem:s26+$0x390] =	vst v3  }
0x419: {  	v1 =	vunpack.i.u.bf16.f32 v1;
	[tilespmem:s26+$0x3A0] =	vst v0  }
0x41a: {  	s25 =	sadd.s32 $0x40, s25;
	[tilespmem:s26+$0x3B0] =	vst v1;
	s26 =	sadd.s32 $0x800, s26  }
0x41b: {  	s22 =	sadd.s32 $0x1, s22  }
0x41c: {  	p0 =	sne.s32 s22, $0xA  }
.Ltmp2:
0x41d: {  	_ = 	snop;
	(pc) =	sbr.rel @p0 .LBB2_2-.Ltmp2, $4  }
0x41e: {  	s23 =	sadd.s32 @!p1 s23, s9;
	s25 =	simm.s32 @!p1 $0x0;
	s26 =	simm.s32 @!p1 $0x8100  }
0x41f: {  	[tilespmem:s26], [sflag:$0x2] =	stream.linear.gather @!p1 [hbm4b:s23+s25], $0x400, $0x38;
	[tilespmem:$0x10500] =	vst v63  }
0x420: {  	s31 =	sadd.s32 s24, s10  }
0x421: {  	[hbm4b:s31+s3] =	stream.linear.scatter [tilespmem:s18], [sflag:$0x4], $0x4000, $0x38;
	[tilespmem:$0x10500] =	vst v63  }
0x422: {  	s21 =	sadd.s32 $0x1, s21  }
0x423: {  	_ =	swait.ge [sflag:s19], $0x4000;
	p0 =	sne.s32 s21, s11  }
.Ltmp3:
0x424: {  	[sflag:s19] =	ssyncset.done $0x0;
	(pc) =	sbr.rel @p0 .LBB2_1-.Ltmp3, $4  }
0x425: {  	[sflag:s19] =	ssyncadd.s32 $0xFFFFC000  }
0x426: {  	_ =	swait.ge [sflag:s20], $0x4000  }
0x427: {  	[sflag:s20] =	ssyncset.done $0x0  }
0x428: {  	[sflag:s20] =	ssyncadd.s32 $0xFFFFC000  }
0x429: {  	_ =	sfence.sel $0x180000  }
0x42a: {  	[bflag:$0x0] =	sbarrier.arrive $0xFFFF  }
0x42b: {  	p0 =	sne.s32 s2, $0x0;
	_ =	strace $0x90000047  }
0x42c: {  	s0 =	sadd.s32 @!p0 $0x100000, s0;
	[bflag:$0x2] =	sbarrier.arrive $0xFFFF  }
0x42d: {  	[sflag:s0] =	ssyncadd.tile.s32 @!p0 $0x1;
	_ =	shalt  }
.Lfunc_end2:
_tile_overlayer_lowered:
.L_overlay_start_2:
0x42e: {  	(tag) =	ssettag $0x2  }
0x42f: {  	s0 =	rddreg [dreg:$0x0];
	s2 =	stileid.u32  }
0x430: {  	s1 =	rddreg [dreg:$0x1];
	p0 =	sne.s32 s2, $0x0  }
0x431: {  	s3 =	rddreg [dreg:$0x2];
	[bflag:$0x3] =	sbarrier.arrive $0xFFFF;
	s2 =	simm.s32 @!p0 $0x1C05  }
0x432: {  	[timem:s3], [sflag:s2] =	dma.local @!p0 [hbm:s0], s1  }
0x433: {  	s0 =	simm.s32 @!p0 $0x5  }
0x434: {  	_ =	swait.ge @!p0 [sflag:s0], s1  }
0x435: {  	s1 =	ssub.s32 @!p0 $0x0, s1;
	[sflag:s0] =	ssyncset.done @!p0 $0x0  }
0x436: {  	[sflag:s0] =	ssyncadd.s32 @!p0 s1  }
0x437: {  	[bflag:$0x3] =	sbarrier.arrive $0xFFFF  }
0x438: {  	_ =	shalt  }

</sc_bundles>
